<compile_context>
chip_gen: v7x
topology: tpu7x:2x2x1
jax: 0.10.2.dev20260603
libtpu: 0.0.44.dev20260713+nightly
codegen_flags: <defaults>
</compile_context>

<pallas_src>
import functools

import jax
import jax.numpy as jnp
from jax import lax
from jax.experimental import pallas as pl
from jax.experimental.pallas import tpu as pltpu
from jax.experimental.pallas import tpu_sc as plsc

EMB = 64
CPITCH = EMB + 1
OPITCH = EMB + 2
MAXLEN = 512
EPS = 1e-5

NC = 2
NS = 16
NW = NC * NS
L = 16

T = 128


def _rsqrt(v):
    i = lax.bitcast_convert_type(v, jnp.int32)
    i = jnp.int32(0x5F3759DF) - lax.shift_right_arithmetic(i, 1)
    y = lax.bitcast_convert_type(i, jnp.float32)
    vh = v * 0.5
    for _ in range(3):
        y = y * (1.5 - vh * y * y)
    return y


def _make_sc_kernel(n_tokens):
    per_w = n_tokens // NW
    n_chunks = per_w // T
    assert per_w * NW == n_tokens and n_chunks * T == per_w
    assert n_chunks % 2 == 0

    mesh = plsc.VectorSubcoreMesh(core_axis_name="c", subcore_axis_name="s")

    @functools.partial(
        pl.kernel,
        out_type=jax.ShapeDtypeStruct((n_tokens, EMB), jnp.float32),
        mesh=mesh,
        compiler_params=pltpu.CompilerParams(
            needs_layout_passes=False, use_tc_tiling_on_sc=False),
        scratch_types=[
            pltpu.VMEM((per_w,), jnp.int32),
            pltpu.VMEM((T,), jnp.int32),
            pltpu.VMEM((T,), jnp.int32),
            pltpu.VMEM((T,), jnp.int32),
            pltpu.VMEM((T,), jnp.int32),
            pltpu.VMEM((T, EMB), jnp.float32),
            pltpu.VMEM((T, EMB), jnp.float32),
            pltpu.VMEM((2 * MAXLEN, CPITCH), jnp.float32),
            pltpu.VMEM((T, OPITCH), jnp.float32),
            pltpu.VMEM((T, OPITCH), jnp.float32),
            pltpu.VMEM((2 * EMB,), jnp.float32),
            pltpu.VMEM((EMB,), jnp.float32),
            pltpu.VMEM((EMB,), jnp.float32),
            pltpu.VMEM((EMB * L,), jnp.float32),
            pltpu.SemaphoreType.DMA,
            pltpu.SemaphoreType.DMA,
            pltpu.SemaphoreType.DMA,
            pltpu.SemaphoreType.DMA,
        ],
    )
    def sc_kernel(ids_hbm, pos_hbm, tt_hbm, word_hbm, postab_hbm,
                  segtab_hbm, gamma_hbm, beta_hbm, out_hbm,
                  widx_v, pidx0, pidx1, ttv0, ttv1, rows0, rows1,
                  comb_p, outp0, outp1, segbuf, gbuf, bbuf, xbuf,
                  semr0, semr1, semo0, semo1):
        wid = lax.axis_index("s") * NC + lax.axis_index("c")
        iota = lax.iota(jnp.int32, L)

        rows = (rows0, rows1)
        pidx = (pidx0, pidx1)
        ttv = (ttv0, ttv1)
        outp = (outp0, outp1)
        semr = (semr0, semr1)
        semo = (semo0, semo1)

        wbase = wid * per_w

        pltpu.sync_copy(ids_hbm.at[pl.ds(wbase, per_w)], widx_v)
        pltpu.sync_copy(postab_hbm,
                        comb_p.at[pl.ds(0, MAXLEN), pl.ds(0, EMB)])
        pltpu.sync_copy(segtab_hbm, segbuf)
        pltpu.sync_copy(gamma_hbm, gbuf)
        pltpu.sync_copy(beta_hbm, bbuf)

        seg0 = [segbuf[pl.ds(j * L, L)] for j in range(EMB // L)]
        seg1 = [segbuf[pl.ds(EMB + j * L, L)] for j in range(EMB // L)]
        jvecs = [iota + j * L for j in range(EMB // L)]
        rots = [(iota + k) & 15 for k in range(L)]
        diags = [rots[d % L] + (d // L) * L for d in range(EMB)]

        def build_body(p, _):
            p0 = jnp.full((L,), 0, jnp.int32) + p
            p1 = p0 + MAXLEN
            for j in range(EMB // L):
                row = plsc.load_gather(comb_p, [p0, jvecs[j]])
                plsc.store_scatter(comb_p, [p0, jvecs[j]], row + seg0[j])
                plsc.store_scatter(comb_p, [p1, jvecs[j]], row + seg1[j])
            return 0

        lax.fori_loop(0, MAXLEN, build_body, 0)

        def fire_rows(c, par):
            base = wbase + c * T
            pltpu.async_copy(word_hbm.at[widx_v.at[pl.ds(c * T, T)]],
                             rows[par], semr[par])
            pltpu.async_copy(pos_hbm.at[pl.ds(base, T)], pidx[par],
                             semr[par])
            pltpu.async_copy(tt_hbm.at[pl.ds(base, T)], ttv[par],
                             semr[par])

        def wait_rows(par):
            pltpu.make_async_copy(word_hbm.at[pl.ds(0, T)], rows[par],
                                  semr[par]).wait()
            pltpu.make_async_copy(pos_hbm.at[pl.ds(0, T)], pidx[par],
                                  semr[par]).wait()
            pltpu.make_async_copy(tt_hbm.at[pl.ds(0, T)], ttv[par],
                                  semr[par]).wait()

        def fire_out(c, par):
            base = wbase + c * T
            pltpu.async_copy(outp[par].at[pl.ds(0, T), pl.ds(0, EMB)],
                             out_hbm.at[pl.ds(base, T)], semo[par])

        def wait_out(par):
            pltpu.make_async_copy(outp[par].at[pl.ds(0, T), pl.ds(0, EMB)],
                                  out_hbm.at[pl.ds(0, T)], semo[par]).wait()

        def compute(c, par):
            rows_c = rows[par]
            out_p = outp[par]
            pidx_v = pidx[par]
            ttv_v = ttv[par]

            def group_body(g, _):
                tokvec = iota + g * L
                pv = pidx_v[pl.ds(g * L, L)]
                tv = ttv_v[pl.ds(g * L, L)]
                cvec = tv * MAXLEN + pv

                s0 = jnp.zeros((L,), jnp.float32)
                s1 = jnp.zeros((L,), jnp.float32)
                q0 = jnp.zeros((L,), jnp.float32)
                q1 = jnp.zeros((L,), jnp.float32)
                for d in range(EMB):
                    w = plsc.load_gather(rows_c, [tokvec, diags[d]])
                    cb = plsc.load_gather(comb_p, [cvec, diags[d]])
                    x = w + cb
                    if d & 1:
                        s1 = s1 + x
                        q1 = q1 + x * x
                    else:
                        s0 = s0 + x
                        q0 = q0 + x * x
                    xbuf[pl.ds(d * L, L)] = x

                ssum = s0 + s1
                ssq = q0 + q1
                mu = ssum * (1.0 / EMB)
                var = ssq * (1.0 / EMB) - mu * mu
                r = _rsqrt(var + EPS)
                cc_ = -mu * r

                for d in range(EMB):
                    x = xbuf[pl.ds(d * L, L)]
                    plsc.store_scatter(out_p, [tokvec, diags[d]],
                                       x * r + cc_)
                return 0

            lax.fori_loop(0, T // L, group_body, 0)

            gvecs = [gbuf[pl.ds(j * L, L)] for j in range(EMB // L)]
            bvecs = [bbuf[pl.ds(j * L, L)] for j in range(EMB // L)]

            def sweep_body(t4, _):
                for k in range(4):
                    t = t4 * 4 + k
                    for j in range(EMB // L):
                        x = out_p[t, pl.ds(j * L, L)]
                        out_p[t, pl.ds(j * L, L)] = x * gvecs[j] + bvecs[j]
                return 0

            lax.fori_loop(0, T // 4, sweep_body, 0)

        fire_rows(0, 0)

        def pair_body(pp, _):
            for par in (0, 1):
                c = pp * 2 + par

                @pl.when(c + 1 < n_chunks)
                def _():
                    fire_rows(c + 1, par ^ 1)

                wait_rows(par)

                @pl.when(pp > 0)
                def _():
                    wait_out(par)

                compute(c, par)
                fire_out(c, par)
            return 0

        lax.fori_loop(0, n_chunks // 2, pair_body, 0)
        wait_out(0)
        wait_out(1)

    return sc_kernel


def kernel(input_ids, pos_ids, token_type_ids, word_table, pos_table,
           seg_table, gamma, beta):
    B, S = input_ids.shape
    n = B * S
    ids = input_ids.reshape(n).astype(jnp.int32)
    pos = pos_ids.reshape(n).astype(jnp.int32)
    tt = token_type_ids.reshape(n).astype(jnp.int32)
    out = _make_sc_kernel(n)(
        ids, pos, tt, word_table, pos_table, seg_table.reshape(-1),
        gamma, beta)
    return out.reshape(B, S, EMB)

# --- scband reference (transcript-rebuilt; emitter-appended) ---
"""Pipeline reference for scband-embeddings-29755533427631 (READ-ONLY COPY).

The authoritative reference and input builder live on the scoring server;
editing this copy changes nothing except your own understanding.
"""

import jax, jax.numpy as jnp
import numpy as np

VOCAB = 1000000
EMB = 64
MAXLEN = 512
B = 1024
S = 200
EPS = 1e-5


def position_encoding_init(n_position, d_pos_vec):
    position_enc = np.array([
        [pos / np.power(10000, 2 * (j // 2) / d_pos_vec) for j in range(d_pos_vec)]
        if pos != 0 else np.zeros(d_pos_vec)
        for pos in range(n_position)
    ])
    position_enc[1:, 0::2] = np.sin(position_enc[1:, 0::2])
    position_enc[1:, 1::2] = np.cos(position_enc[1:, 1::2])
    return jnp.asarray(position_enc, dtype=jnp.float32)


def setup_inputs(seed: int = 0) -> dict:
    key = jax.random.key(seed)
    k1, k2, k3, k4 = jax.random.split(key, 4)
    input_ids = jax.random.randint(k1, (B, S), 0, VOCAB, dtype=jnp.int64 if jax.config.jax_enable_x64 else jnp.int32)
    pos_ids = jax.random.randint(k2, (B, S), 0, MAXLEN, dtype=jnp.int64 if jax.config.jax_enable_x64 else jnp.int32)
    token_type_ids = jax.random.randint(k3, (B, S), 0, 2, dtype=jnp.int64 if jax.config.jax_enable_x64 else jnp.int32)
    # nn.Embedding default init N(0,1); padding_idx=3 row zeroed
    word_table = jax.random.normal(k4, (VOCAB, EMB), dtype=jnp.float32)
    word_table = word_table.at[3].set(0.0)
    pos_table = position_encoding_init(MAXLEN, EMB)  # overwritten by position_encoding_init in torch code
    seg_table = jax.random.normal(jax.random.fold_in(key, 5), (2, EMB), dtype=jnp.float32)
    gamma = jnp.ones((EMB,), dtype=jnp.float32)
    beta = jnp.zeros((EMB,), dtype=jnp.float32)
    return {
        "input_ids": input_ids,
        "pos_ids": pos_ids,
        "token_type_ids": token_type_ids,
        "word_table": word_table,
        "pos_table": pos_table,
        "seg_table": seg_table,
        "gamma": gamma,
        "beta": beta,
    }


def reference(input_ids, pos_ids, token_type_ids, word_table, pos_table, seg_table, gamma, beta):
    word_embs = jnp.take(word_table, input_ids, axis=0)
    pos_enc = jnp.take(pos_table, pos_ids, axis=0)
    seg_emb = jnp.take(seg_table, token_type_ids, axis=0)
    x = word_embs + pos_enc + seg_emb
    mu = jnp.mean(x, axis=-1, keepdims=True)
    var = jnp.mean(jnp.square(x - mu), axis=-1, keepdims=True)
    normed = (x - mu) / jnp.sqrt(var + EPS)
    out = normed * gamma + beta
    # dropout is identity in eval mode
    return out

if __name__ == "__main__":
    import jax
    _d = setup_inputs()
    print(jax.jit(kernel)(*tuple(_d.values())))

</pallas_src>

<mosaic_0001>
#map = affine_map<(d0, d1) -> (0)>
#map1 = affine_map<(d0, d1) -> (0, 0)>
module attributes {stable_mosaic.version = 14 : i64} {
  func.func @sc_kernel(%arg0: i32, %arg1: i32, %arg2: memref<204800xi32, #tpu.memory_space<hbm>>, %arg3: memref<204800xi32, #tpu.memory_space<hbm>>, %arg4: memref<204800xi32, #tpu.memory_space<hbm>>, %arg5: memref<1000000x64xf32, #tpu.memory_space<hbm>>, %arg6: memref<512x64xf32, #tpu.memory_space<hbm>>, %arg7: memref<128xf32, #tpu.memory_space<hbm>>, %arg8: memref<64xf32, #tpu.memory_space<hbm>>, %arg9: memref<64xf32, #tpu.memory_space<hbm>>, %arg10: memref<204800x64xf32, #tpu.memory_space<hbm>>, %arg11: memref<6400xi32, #tpu.memory_space<vmem>>, %arg12: memref<128xi32, #tpu.memory_space<vmem>>, %arg13: memref<128xi32, #tpu.memory_space<vmem>>, %arg14: memref<128xi32, #tpu.memory_space<vmem>>, %arg15: memref<128xi32, #tpu.memory_space<vmem>>, %arg16: memref<128x64xf32, #tpu.memory_space<vmem>>, %arg17: memref<128x64xf32, #tpu.memory_space<vmem>>, %arg18: memref<1024x65xf32, #tpu.memory_space<vmem>>, %arg19: memref<128x66xf32, #tpu.memory_space<vmem>>, %arg20: memref<128x66xf32, #tpu.memory_space<vmem>>, %arg21: memref<128xf32, #tpu.memory_space<vmem>>, %arg22: memref<64xf32, #tpu.memory_space<vmem>>, %arg23: memref<64xf32, #tpu.memory_space<vmem>>, %arg24: memref<1024xf32, #tpu.memory_space<vmem>>, %arg25: memref<!tpu.dma_semaphore, #tpu.memory_space<semaphore_mem>>, %arg26: memref<!tpu.dma_semaphore, #tpu.memory_space<semaphore_mem>>, %arg27: memref<!tpu.dma_semaphore, #tpu.memory_space<semaphore_mem>>, %arg28: memref<!tpu.dma_semaphore, #tpu.memory_space<semaphore_mem>>) attributes {dimension_semantics = [#tpu.dimension_semantics<core_parallel>, #tpu.dimension_semantics<subcore_parallel>], iteration_bounds = array<i64: 2, 16>, scalar_prefetch = 0 : i64, scratch_operands = 18 : i64, tpu.core_type = #tpu.core_type<sc_vector_subcore>, window_params = [{transform_indices = #map}, {transform_indices = #map}, {transform_indices = #map}, {transform_indices = #map1}, {transform_indices = #map1}, {transform_indices = #map}, {transform_indices = #map}, {transform_indices = #map}, {transform_indices = #map1}]} {
    %mul3A = arith.constant 2 : i32
    %mul3A_0 = arith.muli %arg1, %mul3A : i32
    %add3A = arith.addi %mul3A_0, %arg0 : i32
    %iota3A = tpu.iota {dimensions = array<i32: 0>} : vector<16xi32>
    %mul3A_1 = arith.constant 6400 : i32
    %mul3A_2 = arith.muli %add3A, %mul3A_1 : i32
    "tpu.region"() ({
      %run_scoped3A = tpu.sem_alloc : memref<!tpu.dma_semaphore, #tpu.memory_space<semaphore_mem>>
      %dma_start3A_363 = tpu.memref_slice %arg2[%mul3A_2] : memref<204800xi32, #tpu.memory_space<hbm>> -> memref<6400xi32, #tpu.memory_space<hbm>>
      %dma_start3A_364 = tpu.memref_slice %arg2[%mul3A_2] : memref<204800xi32, #tpu.memory_space<hbm>> -> memref<6400xi32, #tpu.memory_space<hbm>>
      tpu.enqueue_dma source(%dma_start3A_364 : memref<6400xi32, #tpu.memory_space<hbm>>) target(%arg11 : memref<6400xi32, #tpu.memory_space<vmem>>) target_semaphore(%run_scoped3A : memref<!tpu.dma_semaphore, #tpu.memory_space<semaphore_mem>>)
      %dma_wait3A_365 = tpu.memref_slice %arg2[%mul3A_2] : memref<204800xi32, #tpu.memory_space<hbm>> -> memref<6400xi32, #tpu.memory_space<hbm>>
      %dma_wait3A_366 = tpu.memref_slice %arg2[%mul3A_2] : memref<204800xi32, #tpu.memory_space<hbm>> -> memref<6400xi32, #tpu.memory_space<hbm>>
      tpu.wait_dma2 semaphore(%run_scoped3A : memref<!tpu.dma_semaphore, #tpu.memory_space<semaphore_mem>>) src(%dma_wait3A_366 : memref<6400xi32, #tpu.memory_space<hbm>>) dst(%arg11 : memref<6400xi32, #tpu.memory_space<vmem>>)
      tpu.yield
    }) : () -> ()
    "tpu.region"() ({
      %run_scoped3A = tpu.sem_alloc : memref<!tpu.dma_semaphore, #tpu.memory_space<semaphore_mem>>
      %dma_start3A_363 = arith.constant 0 : i32
      %dma_start3A_364 = arith.constant 0 : i32
      %dma_start3A_365 = tpu.memref_slice %arg18[%dma_start3A_363, %dma_start3A_364] : memref<1024x65xf32, #tpu.memory_space<vmem>> -> memref<512x64xf32, #tpu.memory_space<vmem>>
      %dma_start3A_366 = arith.constant 0 : i32
      %dma_start3A_367 = arith.constant 0 : i32
      %dma_start3A_368 = tpu.memref_slice %arg18[%dma_start3A_366, %dma_start3A_367] : memref<1024x65xf32, #tpu.memory_space<vmem>> -> memref<512x64xf32, #tpu.memory_space<vmem>>
      tpu.enqueue_dma source(%arg6 : memref<512x64xf32, #tpu.memory_space<hbm>>) target(%dma_start3A_368 : memref<512x64xf32, #tpu.memory_space<vmem>>) target_semaphore(%run_scoped3A : memref<!tpu.dma_semaphore, #tpu.memory_space<semaphore_mem>>)
      %dma_wait3A_369 = arith.constant 0 : i32
      %dma_wait3A_370 = arith.constant 0 : i32
      %dma_wait3A_371 = tpu.memref_slice %arg18[%dma_wait3A_369, %dma_wait3A_370] : memref<1024x65xf32, #tpu.memory_space<vmem>> -> memref<512x64xf32, #tpu.memory_space<vmem>>
      %dma_wait3A_372 = arith.constant 0 : i32
      %dma_wait3A_373 = arith.constant 0 : i32
      %dma_wait3A_374 = tpu.memref_slice %arg18[%dma_wait3A_372, %dma_wait3A_373] : memref<1024x65xf32, #tpu.memory_space<vmem>> -> memref<512x64xf32, #tpu.memory_space<vmem>>
      tpu.wait_dma2 semaphore(%run_scoped3A : memref<!tpu.dma_semaphore, #tpu.memory_space<semaphore_mem>>) src(%arg6 : memref<512x64xf32, #tpu.memory_space<hbm>>) dst(%dma_wait3A_374 : memref<512x64xf32, #tpu.memory_space<vmem>>)
      tpu.yield
    }) : () -> ()
    "tpu.region"() ({
      %run_scoped3A = tpu.sem_alloc : memref<!tpu.dma_semaphore, #tpu.memory_space<semaphore_mem>>
      tpu.enqueue_dma source(%arg7 : memref<128xf32, #tpu.memory_space<hbm>>) target(%arg21 : memref<128xf32, #tpu.memory_space<vmem>>) target_semaphore(%run_scoped3A : memref<!tpu.dma_semaphore, #tpu.memory_space<semaphore_mem>>)
      tpu.wait_dma2 semaphore(%run_scoped3A : memref<!tpu.dma_semaphore, #tpu.memory_space<semaphore_mem>>) src(%arg7 : memref<128xf32, #tpu.memory_space<hbm>>) dst(%arg21 : memref<128xf32, #tpu.memory_space<vmem>>)
      tpu.yield
    }) : () -> ()
    "tpu.region"() ({
      %run_scoped3A = tpu.sem_alloc : memref<!tpu.dma_semaphore, #tpu.memory_space<semaphore_mem>>
      tpu.enqueue_dma source(%arg8 : memref<64xf32, #tpu.memory_space<hbm>>) target(%arg22 : memref<64xf32, #tpu.memory_space<vmem>>) target_semaphore(%run_scoped3A : memref<!tpu.dma_semaphore, #tpu.memory_space<semaphore_mem>>)
      tpu.wait_dma2 semaphore(%run_scoped3A : memref<!tpu.dma_semaphore, #tpu.memory_space<semaphore_mem>>) src(%arg8 : memref<64xf32, #tpu.memory_space<hbm>>) dst(%arg22 : memref<64xf32, #tpu.memory_space<vmem>>)
      tpu.yield
    }) : () -> ()
    "tpu.region"() ({
      %run_scoped3A = tpu.sem_alloc : memref<!tpu.dma_semaphore, #tpu.memory_space<semaphore_mem>>
      tpu.enqueue_dma source(%arg9 : memref<64xf32, #tpu.memory_space<hbm>>) target(%arg23 : memref<64xf32, #tpu.memory_space<vmem>>) target_semaphore(%run_scoped3A : memref<!tpu.dma_semaphore, #tpu.memory_space<semaphore_mem>>)
      tpu.wait_dma2 semaphore(%run_scoped3A : memref<!tpu.dma_semaphore, #tpu.memory_space<semaphore_mem>>) src(%arg9 : memref<64xf32, #tpu.memory_space<hbm>>) dst(%arg23 : memref<64xf32, #tpu.memory_space<vmem>>)
      tpu.yield
    }) : () -> ()
    %get3A = arith.constant 0 : index
    %get3A_3 = tpu.vector_load %arg21[%get3A] {strides = array<i32>} : memref<128xf32, #tpu.memory_space<vmem>>, vector<16xf32>,
    %get3A_4 = arith.constant 16 : index
    %get3A_5 = tpu.vector_load %arg21[%get3A_4] {strides = array<i32>} : memref<128xf32, #tpu.memory_space<vmem>>, vector<16xf32>,
    %get3A_6 = arith.constant 32 : index
    %get3A_7 = tpu.vector_load %arg21[%get3A_6] {strides = array<i32>} : memref<128xf32, #tpu.memory_space<vmem>>, vector<16xf32>,
    %get3A_8 = arith.constant 48 : index
    %get3A_9 = tpu.vector_load %arg21[%get3A_8] {strides = array<i32>} : memref<128xf32, #tpu.memory_space<vmem>>, vector<16xf32>,
    %get3A_10 = arith.constant 64 : index
    %get3A_11 = tpu.vector_load %arg21[%get3A_10] {strides = array<i32>} : memref<128xf32, #tpu.memory_space<vmem>>, vector<16xf32>,
    %get3A_12 = arith.constant 80 : index
    %get3A_13 = tpu.vector_load %arg21[%get3A_12] {strides = array<i32>} : memref<128xf32, #tpu.memory_space<vmem>>, vector<16xf32>,
    %get3A_14 = arith.constant 96 : index
    %get3A_15 = tpu.vector_load %arg21[%get3A_14] {strides = array<i32>} : memref<128xf32, #tpu.memory_space<vmem>>, vector<16xf32>,
    %get3A_16 = arith.constant 112 : index
    %get3A_17 = tpu.vector_load %arg21[%get3A_16] {strides = array<i32>} : memref<128xf32, #tpu.memory_space<vmem>>, vector<16xf32>,
    %add3A_18 = arith.constant 0 : i32
    %add3A_19 = vector.broadcast %add3A_18 : i32 to vector<16xi32>
    %add3A_20 = arith.addi %iota3A, %add3A_19 : vector<16xi32>
    %add3A_21 = arith.constant 16 : i32
    %add3A_22 = vector.broadcast %add3A_21 : i32 to vector<16xi32>
    %add3A_23 = arith.addi %iota3A, %add3A_22 : vector<16xi32>
    %add3A_24 = arith.constant 32 : i32
    %add3A_25 = vector.broadcast %add3A_24 : i32 to vector<16xi32>
    %add3A_26 = arith.addi %iota3A, %add3A_25 : vector<16xi32>
    %add3A_27 = arith.constant 48 : i32
    %add3A_28 = vector.broadcast %add3A_27 : i32 to vector<16xi32>
    %add3A_29 = arith.addi %iota3A, %add3A_28 : vector<16xi32>
    %add3A_30 = arith.constant 0 : i32
    %add3A_31 = vector.broadcast %add3A_30 : i32 to vector<16xi32>
    %add3A_32 = arith.addi %iota3A, %add3A_31 : vector<16xi32>
    %and3A = arith.constant 15 : i32
    %and3A_33 = vector.broadcast %and3A : i32 to vector<16xi32>
    %and3A_34 = arith.andi %add3A_32, %and3A_33 : vector<16xi32>
    %add3A_35 = arith.constant 1 : i32
    %add3A_36 = vector.broadcast %add3A_35 : i32 to vector<16xi32>
    %add3A_37 = arith.addi %iota3A, %add3A_36 : vector<16xi32>
    %and3A_38 = arith.constant 15 : i32
    %and3A_39 = vector.broadcast %and3A_38 : i32 to vector<16xi32>
    %and3A_40 = arith.andi %add3A_37, %and3A_39 : vector<16xi32>
    %add3A_41 = arith.constant 2 : i32
    %add3A_42 = vector.broadcast %add3A_41 : i32 to vector<16xi32>
    %add3A_43 = arith.addi %iota3A, %add3A_42 : vector<16xi32>
    %and3A_44 = arith.constant 15 : i32
    %and3A_45 = vector.broadcast %and3A_44 : i32 to vector<16xi32>
    %and3A_46 = arith.andi %add3A_43, %and3A_45 : vector<16xi32>
    %add3A_47 = arith.constant 3 : i32
    %add3A_48 = vector.broadcast %add3A_47 : i32 to vector<16xi32>
    %add3A_49 = arith.addi %iota3A, %add3A_48 : vector<16xi32>
    %and3A_50 = arith.constant 15 : i32
    %and3A_51 = vector.broadcast %and3A_50 : i32 to vector<16xi32>
    %and3A_52 = arith.andi %add3A_49, %and3A_51 : vector<16xi32>
    %add3A_53 = arith.constant 4 : i32
    %add3A_54 = vector.broadcast %add3A_53 : i32 to vector<16xi32>
    %add3A_55 = arith.addi %iota3A, %add3A_54 : vector<16xi32>
    %and3A_56 = arith.constant 15 : i32
    %and3A_57 = vector.broadcast %and3A_56 : i32 to vector<16xi32>
    %and3A_58 = arith.andi %add3A_55, %and3A_57 : vector<16xi32>
    %add3A_59 = arith.constant 5 : i32
    %add3A_60 = vector.broadcast %add3A_59 : i32 to vector<16xi32>
    %add3A_61 = arith.addi %iota3A, %add3A_60 : vector<16xi32>
    %and3A_62 = arith.constant 15 : i32
    %and3A_63 = vector.broadcast %and3A_62 : i32 to vector<16xi32>
    %and3A_64 = arith.andi %add3A_61, %and3A_63 : vector<16xi32>
    %add3A_65 = arith.constant 6 : i32
    %add3A_66 = vector.broadcast %add3A_65 : i32 to vector<16xi32>
    %add3A_67 = arith.addi %iota3A, %add3A_66 : vector<16xi32>
    %and3A_68 = arith.constant 15 : i32
    %and3A_69 = vector.broadcast %and3A_68 : i32 to vector<16xi32>
    %and3A_70 = arith.andi %add3A_67, %and3A_69 : vector<16xi32>
    %add3A_71 = arith.constant 7 : i32
    %add3A_72 = vector.broadcast %add3A_71 : i32 to vector<16xi32>
    %add3A_73 = arith.addi %iota3A, %add3A_72 : vector<16xi32>
    %and3A_74 = arith.constant 15 : i32
    %and3A_75 = vector.broadcast %and3A_74 : i32 to vector<16xi32>
    %and3A_76 = arith.andi %add3A_73, %and3A_75 : vector<16xi32>
    %add3A_77 = arith.constant 8 : i32
    %add3A_78 = vector.broadcast %add3A_77 : i32 to vector<16xi32>
    %add3A_79 = arith.addi %iota3A, %add3A_78 : vector<16xi32>
    %and3A_80 = arith.constant 15 : i32
    %and3A_81 = vector.broadcast %and3A_80 : i32 to vector<16xi32>
    %and3A_82 = arith.andi %add3A_79, %and3A_81 : vector<16xi32>
    %add3A_83 = arith.constant 9 : i32
    %add3A_84 = vector.broadcast %add3A_83 : i32 to vector<16xi32>
    %add3A_85 = arith.addi %iota3A, %add3A_84 : vector<16xi32>
    %and3A_86 = arith.constant 15 : i32
    %and3A_87 = vector.broadcast %and3A_86 : i32 to vector<16xi32>
    %and3A_88 = arith.andi %add3A_85, %and3A_87 : vector<16xi32>
    %add3A_89 = arith.constant 10 : i32
    %add3A_90 = vector.broadcast %add3A_89 : i32 to vector<16xi32>
    %add3A_91 = arith.addi %iota3A, %add3A_90 : vector<16xi32>
    %and3A_92 = arith.constant 15 : i32
    %and3A_93 = vector.broadcast %and3A_92 : i32 to vector<16xi32>
    %and3A_94 = arith.andi %add3A_91, %and3A_93 : vector<16xi32>
    %add3A_95 = arith.constant 11 : i32
    %add3A_96 = vector.broadcast %add3A_95 : i32 to vector<16xi32>
    %add3A_97 = arith.addi %iota3A, %add3A_96 : vector<16xi32>
    %and3A_98 = arith.constant 15 : i32
    %and3A_99 = vector.broadcast %and3A_98 : i32 to vector<16xi32>
    %and3A_100 = arith.andi %add3A_97, %and3A_99 : vector<16xi32>
    %add3A_101 = arith.constant 12 : i32
    %add3A_102 = vector.broadcast %add3A_101 : i32 to vector<16xi32>
    %add3A_103 = arith.addi %iota3A, %add3A_102 : vector<16xi32>
    %and3A_104 = arith.constant 15 : i32
    %and3A_105 = vector.broadcast %and3A_104 : i32 to vector<16xi32>
    %and3A_106 = arith.andi %add3A_103, %and3A_105 : vector<16xi32>
    %add3A_107 = arith.constant 13 : i32
    %add3A_108 = vector.broadcast %add3A_107 : i32 to vector<16xi32>
    %add3A_109 = arith.addi %iota3A, %add3A_108 : vector<16xi32>
    %and3A_110 = arith.constant 15 : i32
    %and3A_111 = vector.broadcast %and3A_110 : i32 to vector<16xi32>
    %and3A_112 = arith.andi %add3A_109, %and3A_111 : vector<16xi32>
    %add3A_113 = arith.constant 14 : i32
    %add3A_114 = vector.broadcast %add3A_113 : i32 to vector<16xi32>
    %add3A_115 = arith.addi %iota3A, %add3A_114 : vector<16xi32>
    %and3A_116 = arith.constant 15 : i32
    %and3A_117 = vector.broadcast %and3A_116 : i32 to vector<16xi32>
    %and3A_118 = arith.andi %add3A_115, %and3A_117 : vector<16xi32>
    %add3A_119 = arith.constant 15 : i32
    %add3A_120 = vector.broadcast %add3A_119 : i32 to vector<16xi32>
    %add3A_121 = arith.addi %iota3A, %add3A_120 : vector<16xi32>
    %and3A_122 = arith.constant 15 : i32
    %and3A_123 = vector.broadcast %and3A_122 : i32 to vector<16xi32>
    %and3A_124 = arith.andi %add3A_121, %and3A_123 : vector<16xi32>
    %add3A_125 = arith.constant 0 : i32
    %add3A_126 = vector.broadcast %add3A_125 : i32 to vector<16xi32>
    %add3A_127 = arith.addi %and3A_34, %add3A_126 : vector<16xi32>
    %add3A_128 = arith.constant 0 : i32
    %add3A_129 = vector.broadcast %add3A_128 : i32 to vector<16xi32>
    %add3A_130 = arith.addi %and3A_40, %add3A_129 : vector<16xi32>
    %add3A_131 = arith.constant 0 : i32
    %add3A_132 = vector.broadcast %add3A_131 : i32 to vector<16xi32>
    %add3A_133 = arith.addi %and3A_46, %add3A_132 : vector<16xi32>
    %add3A_134 = arith.constant 0 : i32
    %add3A_135 = vector.broadcast %add3A_134 : i32 to vector<16xi32>
    %add3A_136 = arith.addi %and3A_52, %add3A_135 : vector<16xi32>
    %add3A_137 = arith.constant 0 : i32
    %add3A_138 = vector.broadcast %add3A_137 : i32 to vector<16xi32>
    %add3A_139 = arith.addi %and3A_58, %add3A_138 : vector<16xi32>
    %add3A_140 = arith.constant 0 : i32
    %add3A_141 = vector.broadcast %add3A_140 : i32 to vector<16xi32>
    %add3A_142 = arith.addi %and3A_64, %add3A_141 : vector<16xi32>
    %add3A_143 = arith.constant 0 : i32
    %add3A_144 = vector.broadcast %add3A_143 : i32 to vector<16xi32>
    %add3A_145 = arith.addi %and3A_70, %add3A_144 : vector<16xi32>
    %add3A_146 = arith.constant 0 : i32
    %add3A_147 = vector.broadcast %add3A_146 : i32 to vector<16xi32>
    %add3A_148 = arith.addi %and3A_76, %add3A_147 : vector<16xi32>
    %add3A_149 = arith.constant 0 : i32
    %add3A_150 = vector.broadcast %add3A_149 : i32 to vector<16xi32>
    %add3A_151 = arith.addi %and3A_82, %add3A_150 : vector<16xi32>
    %add3A_152 = arith.constant 0 : i32
    %add3A_153 = vector.broadcast %add3A_152 : i32 to vector<16xi32>
    %add3A_154 = arith.addi %and3A_88, %add3A_153 : vector<16xi32>
    %add3A_155 = arith.constant 0 : i32
    %add3A_156 = vector.broadcast %add3A_155 : i32 to vector<16xi32>
    %add3A_157 = arith.addi %and3A_94, %add3A_156 : vector<16xi32>
    %add3A_158 = arith.constant 0 : i32
    %add3A_159 = vector.broadcast %add3A_158 : i32 to vector<16xi32>
    %add3A_160 = arith.addi %and3A_100, %add3A_159 : vector<16xi32>
    %add3A_161 = arith.constant 0 : i32
    %add3A_162 = vector.broadcast %add3A_161 : i32 to vector<16xi32>
    %add3A_163 = arith.addi %and3A_106, %add3A_162 : vector<16xi32>
    %add3A_164 = arith.constant 0 : i32
    %add3A_165 = vector.broadcast %add3A_164 : i32 to vector<16xi32>
    %add3A_166 = arith.addi %and3A_112, %add3A_165 : vector<16xi32>
    %add3A_167 = arith.constant 0 : i32
    %add3A_168 = vector.broadcast %add3A_167 : i32 to vector<16xi32>
    %add3A_169 = arith.addi %and3A_118, %add3A_168 : vector<16xi32>
    %add3A_170 = arith.constant 0 : i32
    %add3A_171 = vector.broadcast %add3A_170 : i32 to vector<16xi32>
    %add3A_172 = arith.addi %and3A_124, %add3A_171 : vector<16xi32>
    %add3A_173 = arith.constant 16 : i32
    %add3A_174 = vector.broadcast %add3A_173 : i32 to vector<16xi32>
    %add3A_175 = arith.addi %and3A_34, %add3A_174 : vector<16xi32>
    %add3A_176 = arith.constant 16 : i32
    %add3A_177 = vector.broadcast %add3A_176 : i32 to vector<16xi32>
    %add3A_178 = arith.addi %and3A_40, %add3A_177 : vector<16xi32>
    %add3A_179 = arith.constant 16 : i32
    %add3A_180 = vector.broadcast %add3A_179 : i32 to vector<16xi32>
    %add3A_181 = arith.addi %and3A_46, %add3A_180 : vector<16xi32>
    %add3A_182 = arith.constant 16 : i32
    %add3A_183 = vector.broadcast %add3A_182 : i32 to vector<16xi32>
    %add3A_184 = arith.addi %and3A_52, %add3A_183 : vector<16xi32>
    %add3A_185 = arith.constant 16 : i32
    %add3A_186 = vector.broadcast %add3A_185 : i32 to vector<16xi32>
    %add3A_187 = arith.addi %and3A_58, %add3A_186 : vector<16xi32>
    %add3A_188 = arith.constant 16 : i32
    %add3A_189 = vector.broadcast %add3A_188 : i32 to vector<16xi32>
    %add3A_190 = arith.addi %and3A_64, %add3A_189 : vector<16xi32>
    %add3A_191 = arith.constant 16 : i32
    %add3A_192 = vector.broadcast %add3A_191 : i32 to vector<16xi32>
    %add3A_193 = arith.addi %and3A_70, %add3A_192 : vector<16xi32>
    %add3A_194 = arith.constant 16 : i32
    %add3A_195 = vector.broadcast %add3A_194 : i32 to vector<16xi32>
    %add3A_196 = arith.addi %and3A_76, %add3A_195 : vector<16xi32>
    %add3A_197 = arith.constant 16 : i32
    %add3A_198 = vector.broadcast %add3A_197 : i32 to vector<16xi32>
    %add3A_199 = arith.addi %and3A_82, %add3A_198 : vector<16xi32>
    %add3A_200 = arith.constant 16 : i32
    %add3A_201 = vector.broadcast %add3A_200 : i32 to vector<16xi32>
    %add3A_202 = arith.addi %and3A_88, %add3A_201 : vector<16xi32>
    %add3A_203 = arith.constant 16 : i32
    %add3A_204 = vector.broadcast %add3A_203 : i32 to vector<16xi32>
    %add3A_205 = arith.addi %and3A_94, %add3A_204 : vector<16xi32>
    %add3A_206 = arith.constant 16 : i32
    %add3A_207 = vector.broadcast %add3A_206 : i32 to vector<16xi32>
    %add3A_208 = arith.addi %and3A_100, %add3A_207 : vector<16xi32>
    %add3A_209 = arith.constant 16 : i32
    %add3A_210 = vector.broadcast %add3A_209 : i32 to vector<16xi32>
    %add3A_211 = arith.addi %and3A_106, %add3A_210 : vector<16xi32>
    %add3A_212 = arith.constant 16 : i32
    %add3A_213 = vector.broadcast %add3A_212 : i32 to vector<16xi32>
    %add3A_214 = arith.addi %and3A_112, %add3A_213 : vector<16xi32>
    %add3A_215 = arith.constant 16 : i32
    %add3A_216 = vector.broadcast %add3A_215 : i32 to vector<16xi32>
    %add3A_217 = arith.addi %and3A_118, %add3A_216 : vector<16xi32>
    %add3A_218 = arith.constant 16 : i32
    %add3A_219 = vector.broadcast %add3A_218 : i32 to vector<16xi32>
    %add3A_220 = arith.addi %and3A_124, %add3A_219 : vector<16xi32>
    %add3A_221 = arith.constant 32 : i32
    %add3A_222 = vector.broadcast %add3A_221 : i32 to vector<16xi32>
    %add3A_223 = arith.addi %and3A_34, %add3A_222 : vector<16xi32>
    %add3A_224 = arith.constant 32 : i32
    %add3A_225 = vector.broadcast %add3A_224 : i32 to vector<16xi32>
    %add3A_226 = arith.addi %and3A_40, %add3A_225 : vector<16xi32>
    %add3A_227 = arith.constant 32 : i32
    %add3A_228 = vector.broadcast %add3A_227 : i32 to vector<16xi32>
    %add3A_229 = arith.addi %and3A_46, %add3A_228 : vector<16xi32>
    %add3A_230 = arith.constant 32 : i32
    %add3A_231 = vector.broadcast %add3A_230 : i32 to vector<16xi32>
    %add3A_232 = arith.addi %and3A_52, %add3A_231 : vector<16xi32>
    %add3A_233 = arith.constant 32 : i32
    %add3A_234 = vector.broadcast %add3A_233 : i32 to vector<16xi32>
    %add3A_235 = arith.addi %and3A_58, %add3A_234 : vector<16xi32>
    %add3A_236 = arith.constant 32 : i32
    %add3A_237 = vector.broadcast %add3A_236 : i32 to vector<16xi32>
    %add3A_238 = arith.addi %and3A_64, %add3A_237 : vector<16xi32>
    %add3A_239 = arith.constant 32 : i32
    %add3A_240 = vector.broadcast %add3A_239 : i32 to vector<16xi32>
    %add3A_241 = arith.addi %and3A_70, %add3A_240 : vector<16xi32>
    %add3A_242 = arith.constant 32 : i32
    %add3A_243 = vector.broadcast %add3A_242 : i32 to vector<16xi32>
    %add3A_244 = arith.addi %and3A_76, %add3A_243 : vector<16xi32>
    %add3A_245 = arith.constant 32 : i32
    %add3A_246 = vector.broadcast %add3A_245 : i32 to vector<16xi32>
    %add3A_247 = arith.addi %and3A_82, %add3A_246 : vector<16xi32>
    %add3A_248 = arith.constant 32 : i32
    %add3A_249 = vector.broadcast %add3A_248 : i32 to vector<16xi32>
    %add3A_250 = arith.addi %and3A_88, %add3A_249 : vector<16xi32>
    %add3A_251 = arith.constant 32 : i32
    %add3A_252 = vector.broadcast %add3A_251 : i32 to vector<16xi32>
    %add3A_253 = arith.addi %and3A_94, %add3A_252 : vector<16xi32>
    %add3A_254 = arith.constant 32 : i32
    %add3A_255 = vector.broadcast %add3A_254 : i32 to vector<16xi32>
    %add3A_256 = arith.addi %and3A_100, %add3A_255 : vector<16xi32>
    %add3A_257 = arith.constant 32 : i32
    %add3A_258 = vector.broadcast %add3A_257 : i32 to vector<16xi32>
    %add3A_259 = arith.addi %and3A_106, %add3A_258 : vector<16xi32>
    %add3A_260 = arith.constant 32 : i32
    %add3A_261 = vector.broadcast %add3A_260 : i32 to vector<16xi32>
    %add3A_262 = arith.addi %and3A_112, %add3A_261 : vector<16xi32>
    %add3A_263 = arith.constant 32 : i32
    %add3A_264 = vector.broadcast %add3A_263 : i32 to vector<16xi32>
    %add3A_265 = arith.addi %and3A_118, %add3A_264 : vector<16xi32>
    %add3A_266 = arith.constant 32 : i32
    %add3A_267 = vector.broadcast %add3A_266 : i32 to vector<16xi32>
    %add3A_268 = arith.addi %and3A_124, %add3A_267 : vector<16xi32>
    %add3A_269 = arith.constant 48 : i32
    %add3A_270 = vector.broadcast %add3A_269 : i32 to vector<16xi32>
    %add3A_271 = arith.addi %and3A_34, %add3A_270 : vector<16xi32>
    %add3A_272 = arith.constant 48 : i32
    %add3A_273 = vector.broadcast %add3A_272 : i32 to vector<16xi32>
    %add3A_274 = arith.addi %and3A_40, %add3A_273 : vector<16xi32>
    %add3A_275 = arith.constant 48 : i32
    %add3A_276 = vector.broadcast %add3A_275 : i32 to vector<16xi32>
    %add3A_277 = arith.addi %and3A_46, %add3A_276 : vector<16xi32>
    %add3A_278 = arith.constant 48 : i32
    %add3A_279 = vector.broadcast %add3A_278 : i32 to vector<16xi32>
    %add3A_280 = arith.addi %and3A_52, %add3A_279 : vector<16xi32>
    %add3A_281 = arith.constant 48 : i32
    %add3A_282 = vector.broadcast %add3A_281 : i32 to vector<16xi32>
    %add3A_283 = arith.addi %and3A_58, %add3A_282 : vector<16xi32>
    %add3A_284 = arith.constant 48 : i32
    %add3A_285 = vector.broadcast %add3A_284 : i32 to vector<16xi32>
    %add3A_286 = arith.addi %and3A_64, %add3A_285 : vector<16xi32>
    %add3A_287 = arith.constant 48 : i32
    %add3A_288 = vector.broadcast %add3A_287 : i32 to vector<16xi32>
    %add3A_289 = arith.addi %and3A_70, %add3A_288 : vector<16xi32>
    %add3A_290 = arith.constant 48 : i32
    %add3A_291 = vector.broadcast %add3A_290 : i32 to vector<16xi32>
    %add3A_292 = arith.addi %and3A_76, %add3A_291 : vector<16xi32>
    %add3A_293 = arith.constant 48 : i32
    %add3A_294 = vector.broadcast %add3A_293 : i32 to vector<16xi32>
    %add3A_295 = arith.addi %and3A_82, %add3A_294 : vector<16xi32>
    %add3A_296 = arith.constant 48 : i32
    %add3A_297 = vector.broadcast %add3A_296 : i32 to vector<16xi32>
    %add3A_298 = arith.addi %and3A_88, %add3A_297 : vector<16xi32>
    %add3A_299 = arith.constant 48 : i32
    %add3A_300 = vector.broadcast %add3A_299 : i32 to vector<16xi32>
    %add3A_301 = arith.addi %and3A_94, %add3A_300 : vector<16xi32>
    %add3A_302 = arith.constant 48 : i32
    %add3A_303 = vector.broadcast %add3A_302 : i32 to vector<16xi32>
    %add3A_304 = arith.addi %and3A_100, %add3A_303 : vector<16xi32>
    %add3A_305 = arith.constant 48 : i32
    %add3A_306 = vector.broadcast %add3A_305 : i32 to vector<16xi32>
    %add3A_307 = arith.addi %and3A_106, %add3A_306 : vector<16xi32>
    %add3A_308 = arith.constant 48 : i32
    %add3A_309 = vector.broadcast %add3A_308 : i32 to vector<16xi32>
    %add3A_310 = arith.addi %and3A_112, %add3A_309 : vector<16xi32>
    %add3A_311 = arith.constant 48 : i32
    %add3A_312 = vector.broadcast %add3A_311 : i32 to vector<16xi32>
    %add3A_313 = arith.addi %and3A_118, %add3A_312 : vector<16xi32>
    %add3A_314 = arith.constant 48 : i32
    %add3A_315 = vector.broadcast %add3A_314 : i32 to vector<16xi32>
    %add3A_316 = arith.addi %and3A_124, %add3A_315 : vector<16xi32>
    %scan3A = arith.constant 0 : i32
    %scan3A_317 = arith.constant 0 : i32
    %scan3A_318 = arith.constant 512 : i32
    %scan3A_319 = arith.addi %scan3A_317, %scan3A_318 : i32
    %scan3A_320 = arith.constant 1 : i32
    %scan3A_321 = scf.for %scan3A_363 = %scan3A_317 to %scan3A_319 step %scan3A_320 iter_args(%scan3A_364 = %scan3A) -> (i32)  : i32 {
      %broadcast_in_dim3A = arith.constant 0 : i32
      %broadcast_in_dim3A_365 = vector.broadcast %broadcast_in_dim3A : i32 to vector<16xi32>
      %add3A_366 = vector.broadcast %scan3A_363 : i32 to vector<16xi32>
      %add3A_367 = arith.addi %broadcast_in_dim3A_365, %add3A_366 : vector<16xi32>
      %add3A_368 = arith.constant 512 : i32
      %add3A_369 = vector.broadcast %add3A_368 : i32 to vector<16xi32>
      %add3A_370 = arith.addi %add3A_367, %add3A_369 : vector<16xi32>
      %gather3A = tpu.vector_load_idx %arg18[%add3A_367, %add3A_20] : memref<1024x65xf32, #tpu.memory_space<vmem>>[vector<16xi32>, vector<16xi32>], vector<16xf32>,
      %add3A_371 = arith.addf %gather3A, %get3A_3 : vector<16xf32>
      tpu.vector_store_idx %arg18[%add3A_367, %add3A_20], %add3A_371 : memref<1024x65xf32, #tpu.memory_space<vmem>>[vector<16xi32>, vector<16xi32>], vector<16xf32>,
      %add3A_372 = arith.addf %gather3A, %get3A_11 : vector<16xf32>
      tpu.vector_store_idx %arg18[%add3A_370, %add3A_20], %add3A_372 : memref<1024x65xf32, #tpu.memory_space<vmem>>[vector<16xi32>, vector<16xi32>], vector<16xf32>,
      %gather3A_373 = tpu.vector_load_idx %arg18[%add3A_367, %add3A_23] : memref<1024x65xf32, #tpu.memory_space<vmem>>[vector<16xi32>, vector<16xi32>], vector<16xf32>,
      %add3A_374 = arith.addf %gather3A_373, %get3A_5 : vector<16xf32>
      tpu.vector_store_idx %arg18[%add3A_367, %add3A_23], %add3A_374 : memref<1024x65xf32, #tpu.memory_space<vmem>>[vector<16xi32>, vector<16xi32>], vector<16xf32>,
      %add3A_375 = arith.addf %gather3A_373, %get3A_13 : vector<16xf32>
      tpu.vector_store_idx %arg18[%add3A_370, %add3A_23], %add3A_375 : memref<1024x65xf32, #tpu.memory_space<vmem>>[vector<16xi32>, vector<16xi32>], vector<16xf32>,
      %gather3A_376 = tpu.vector_load_idx %arg18[%add3A_367, %add3A_26] : memref<1024x65xf32, #tpu.memory_space<vmem>>[vector<16xi32>, vector<16xi32>], vector<16xf32>,
      %add3A_377 = arith.addf %gather3A_376, %get3A_7 : vector<16xf32>
      tpu.vector_store_idx %arg18[%add3A_367, %add3A_26], %add3A_377 : memref<1024x65xf32, #tpu.memory_space<vmem>>[vector<16xi32>, vector<16xi32>], vector<16xf32>,
      %add3A_378 = arith.addf %gather3A_376, %get3A_15 : vector<16xf32>
      tpu.vector_store_idx %arg18[%add3A_370, %add3A_26], %add3A_378 : memref<1024x65xf32, #tpu.memory_space<vmem>>[vector<16xi32>, vector<16xi32>], vector<16xf32>,
      %gather3A_379 = tpu.vector_load_idx %arg18[%add3A_367, %add3A_29] : memref<1024x65xf32, #tpu.memory_space<vmem>>[vector<16xi32>, vector<16xi32>], vector<16xf32>,
      %add3A_380 = arith.addf %gather3A_379, %get3A_9 : vector<16xf32>
      tpu.vector_store_idx %arg18[%add3A_367, %add3A_29], %add3A_380 : memref<1024x65xf32, #tpu.memory_space<vmem>>[vector<16xi32>, vector<16xi32>], vector<16xf32>,
      %add3A_381 = arith.addf %gather3A_379, %get3A_17 : vector<16xf32>
      tpu.vector_store_idx %arg18[%add3A_370, %add3A_29], %add3A_381 : memref<1024x65xf32, #tpu.memory_space<vmem>>[vector<16xi32>, vector<16xi32>], vector<16xf32>,
      %scan3A_382 = arith.constant 0 : i32
      scf.yield %scan3A_382 : i32
    }
    %scan3A_322 = arith.constant 512 : i32
    %add3A_323 = arith.constant 0 : i32
    %add3A_324 = arith.addi %mul3A_2, %add3A_323 : i32
    %dma_start3A = arith.constant 0 : i32
    %dma_start3A_325 = tpu.memref_slice %arg11[%dma_start3A] : memref<6400xi32, #tpu.memory_space<vmem>> -> memref<128xi32, #tpu.memory_space<vmem>>
    %dma_start3A_326 = arith.constant 0 : i32
    %dma_start3A_327 = arith.constant 0 : i32
    %dma_start3A_328 = tpu.memref_slice %arg5[%dma_start3A_326, %dma_start3A_327] : memref<1000000x64xf32, #tpu.memory_space<hbm>> -> memref<1000000x64xf32, #tpu.memory_space<hbm>>
    tpu.enqueue_indirect_dma source(%dma_start3A_328 : memref<1000000x64xf32, #tpu.memory_space<hbm>>) target(%arg16 : memref<128x64xf32, #tpu.memory_space<vmem>>) offsets(%dma_start3A_325 : memref<128xi32, #tpu.memory_space<vmem>>) semaphore(%arg25 : memref<!tpu.dma_semaphore, #tpu.memory_space<semaphore_mem>>)
    %dma_start3A_329 = tpu.memref_slice %arg3[%add3A_324] : memref<204800xi32, #tpu.memory_space<hbm>> -> memref<128xi32, #tpu.memory_space<hbm>>
    %dma_start3A_330 = tpu.memref_slice %arg3[%add3A_324] : memref<204800xi32, #tpu.memory_space<hbm>> -> memref<128xi32, #tpu.memory_space<hbm>>
    tpu.enqueue_dma source(%dma_start3A_330 : memref<128xi32, #tpu.memory_space<hbm>>) target(%arg12 : memref<128xi32, #tpu.memory_space<vmem>>) target_semaphore(%arg25 : memref<!tpu.dma_semaphore, #tpu.memory_space<semaphore_mem>>)
    %dma_start3A_331 = tpu.memref_slice %arg4[%add3A_324] : memref<204800xi32, #tpu.memory_space<hbm>> -> memref<128xi32, #tpu.memory_space<hbm>>
    %dma_start3A_332 = tpu.memref_slice %arg4[%add3A_324] : memref<204800xi32, #tpu.memory_space<hbm>> -> memref<128xi32, #tpu.memory_space<hbm>>
    tpu.enqueue_dma source(%dma_start3A_332 : memref<128xi32, #tpu.memory_space<hbm>>) target(%arg14 : memref<128xi32, #tpu.memory_space<vmem>>) target_semaphore(%arg25 : memref<!tpu.dma_semaphore, #tpu.memory_space<semaphore_mem>>)
    %scan3A_333 = arith.constant 0 : i32
    %scan3A_334 = arith.constant 0 : i32
    %scan3A_335 = arith.constant 25 : i32
    %scan3A_336 = arith.addi %scan3A_334, %scan3A_335 : i32
    %scan3A_337 = arith.constant 1 : i32
    %scan3A_338 = scf.for %scan3A_363 = %scan3A_334 to %scan3A_336 step %scan3A_337 iter_args(%scan3A_364 = %scan3A_333) -> (i32)  : i32 {
      %mul3A_365 = arith.constant 2 : i32
      %mul3A_366 = arith.muli %scan3A_363, %mul3A_365 : i32
      %add3A_367 = arith.constant 0 : i32
      %add3A_368 = arith.addi %mul3A_366, %add3A_367 : i32
      %add3A_369 = arith.constant 1 : i32
      %add3A_370 = arith.addi %add3A_368, %add3A_369 : i32
      %lt3A = arith.constant 50 : i32
      %lt3A_371 = arith.cmpi slt, %add3A_370, %lt3A : i32
      %convert_element_type3A = arith.extui %lt3A_371 : i1 to i32
      %cond3A = arith.constant 0 : i32
      %cond3A_372 = arith.cmpi ne, %convert_element_type3A, %cond3A : i32
      scf.if %cond3A_372 {
        %add3A_508 = arith.constant 1 : i32
        %add3A_509 = arith.addi %add3A_368, %add3A_508 : i32
        %mul3A_510 = arith.constant 128 : i32
        %mul3A_511 = arith.muli %add3A_509, %mul3A_510 : i32
        %add3A_512 = arith.addi %mul3A_2, %mul3A_511 : i32
        %mul3A_513 = arith.constant 128 : i32
        %mul3A_514 = arith.muli %add3A_509, %mul3A_513 : i32
        %dma_start3A_515 = tpu.memref_slice %arg11[%mul3A_514] : memref<6400xi32, #tpu.memory_space<vmem>> -> memref<128xi32, #tpu.memory_space<vmem>>
        %dma_start3A_516 = arith.constant 0 : i32
        %dma_start3A_517 = arith.constant 0 : i32
        %dma_start3A_518 = tpu.memref_slice %arg5[%dma_start3A_516, %dma_start3A_517] : memref<1000000x64xf32, #tpu.memory_space<hbm>> -> memref<1000000x64xf32, #tpu.memory_space<hbm>>
        tpu.enqueue_indirect_dma source(%dma_start3A_518 : memref<1000000x64xf32, #tpu.memory_space<hbm>>) target(%arg17 : memref<128x64xf32, #tpu.memory_space<vmem>>) offsets(%dma_start3A_515 : memref<128xi32, #tpu.memory_space<vmem>>) semaphore(%arg26 : memref<!tpu.dma_semaphore, #tpu.memory_space<semaphore_mem>>)
        %dma_start3A_519 = tpu.memref_slice %arg3[%add3A_512] : memref<204800xi32, #tpu.memory_space<hbm>> -> memref<128xi32, #tpu.memory_space<hbm>>
        %dma_start3A_520 = tpu.memref_slice %arg3[%add3A_512] : memref<204800xi32, #tpu.memory_space<hbm>> -> memref<128xi32, #tpu.memory_space<hbm>>
        tpu.enqueue_dma source(%dma_start3A_520 : memref<128xi32, #tpu.memory_space<hbm>>) target(%arg13 : memref<128xi32, #tpu.memory_space<vmem>>) target_semaphore(%arg26 : memref<!tpu.dma_semaphore, #tpu.memory_space<semaphore_mem>>)
        %dma_start3A_521 = tpu.memref_slice %arg4[%add3A_512] : memref<204800xi32, #tpu.memory_space<hbm>> -> memref<128xi32, #tpu.memory_space<hbm>>
        %dma_start3A_522 = tpu.memref_slice %arg4[%add3A_512] : memref<204800xi32, #tpu.memory_space<hbm>> -> memref<128xi32, #tpu.memory_space<hbm>>
        tpu.enqueue_dma source(%dma_start3A_522 : memref<128xi32, #tpu.memory_space<hbm>>) target(%arg15 : memref<128xi32, #tpu.memory_space<vmem>>) target_semaphore(%arg26 : memref<!tpu.dma_semaphore, #tpu.memory_space<semaphore_mem>>)
      } else {
      }
      %dma_wait3A_373 = arith.constant 0 : i32
      %dma_wait3A_374 = arith.constant 0 : i32
      %dma_wait3A_375 = tpu.memref_slice %arg5[%dma_wait3A_373, %dma_wait3A_374] : memref<1000000x64xf32, #tpu.memory_space<hbm>> -> memref<128x64xf32, #tpu.memory_space<hbm>>
      %dma_wait3A_376 = arith.constant 0 : i32
      %dma_wait3A_377 = arith.constant 0 : i32
      %dma_wait3A_378 = tpu.memref_slice %arg5[%dma_wait3A_376, %dma_wait3A_377] : memref<1000000x64xf32, #tpu.memory_space<hbm>> -> memref<128x64xf32, #tpu.memory_space<hbm>>
      tpu.wait_dma2 semaphore(%arg25 : memref<!tpu.dma_semaphore, #tpu.memory_space<semaphore_mem>>) src(%dma_wait3A_378 : memref<128x64xf32, #tpu.memory_space<hbm>>) dst(%arg16 : memref<128x64xf32, #tpu.memory_space<vmem>>)
      %dma_wait3A_379 = arith.constant 0 : i32
      %dma_wait3A_380 = tpu.memref_slice %arg3[%dma_wait3A_379] : memref<204800xi32, #tpu.memory_space<hbm>> -> memref<128xi32, #tpu.memory_space<hbm>>
      %dma_wait3A_381 = arith.constant 0 : i32
      %dma_wait3A_382 = tpu.memref_slice %arg3[%dma_wait3A_381] : memref<204800xi32, #tpu.memory_space<hbm>> -> memref<128xi32, #tpu.memory_space<hbm>>
      tpu.wait_dma2 semaphore(%arg25 : memref<!tpu.dma_semaphore, #tpu.memory_space<semaphore_mem>>) src(%dma_wait3A_382 : memref<128xi32, #tpu.memory_space<hbm>>) dst(%arg12 : memref<128xi32, #tpu.memory_space<vmem>>)
      %dma_wait3A_383 = arith.constant 0 : i32
      %dma_wait3A_384 = tpu.memref_slice %arg4[%dma_wait3A_383] : memref<204800xi32, #tpu.memory_space<hbm>> -> memref<128xi32, #tpu.memory_space<hbm>>
      %dma_wait3A_385 = arith.constant 0 : i32
      %dma_wait3A_386 = tpu.memref_slice %arg4[%dma_wait3A_385] : memref<204800xi32, #tpu.memory_space<hbm>> -> memref<128xi32, #tpu.memory_space<hbm>>
      tpu.wait_dma2 semaphore(%arg25 : memref<!tpu.dma_semaphore, #tpu.memory_space<semaphore_mem>>) src(%dma_wait3A_386 : memref<128xi32, #tpu.memory_space<hbm>>) dst(%arg14 : memref<128xi32, #tpu.memory_space<vmem>>)
      %gt3A = arith.constant 0 : i32
      %gt3A_387 = arith.cmpi sgt, %scan3A_363, %gt3A : i32
      %convert_element_type3A_388 = arith.extui %gt3A_387 : i1 to i32
      %cond3A_389 = arith.constant 0 : i32
      %cond3A_390 = arith.cmpi ne, %convert_element_type3A_388, %cond3A_389 : i32
      scf.if %cond3A_390 {
        %dma_wait3A_508 = arith.constant 0 : i32
        %dma_wait3A_509 = arith.constant 0 : i32
        %dma_wait3A_510 = tpu.memref_slice %arg19[%dma_wait3A_508, %dma_wait3A_509] : memref<128x66xf32, #tpu.memory_space<vmem>> -> memref<128x64xf32, #tpu.memory_space<vmem>>
        %dma_wait3A_511 = arith.constant 0 : i32
        %dma_wait3A_512 = arith.constant 0 : i32
        %dma_wait3A_513 = tpu.memref_slice %arg10[%dma_wait3A_511, %dma_wait3A_512] : memref<204800x64xf32, #tpu.memory_space<hbm>> -> memref<128x64xf32, #tpu.memory_space<hbm>>
        %dma_wait3A_514 = arith.constant 0 : i32
        %dma_wait3A_515 = arith.constant 0 : i32
        %dma_wait3A_516 = tpu.memref_slice %arg10[%dma_wait3A_514, %dma_wait3A_515] : memref<204800x64xf32, #tpu.memory_space<hbm>> -> memref<128x64xf32, #tpu.memory_space<hbm>>
        %dma_wait3A_517 = arith.constant 0 : i32
        %dma_wait3A_518 = arith.constant 0 : i32
        %dma_wait3A_519 = tpu.memref_slice %arg19[%dma_wait3A_517, %dma_wait3A_518] : memref<128x66xf32, #tpu.memory_space<vmem>> -> memref<128x64xf32, #tpu.memory_space<vmem>>
        tpu.wait_dma2 semaphore(%arg27 : memref<!tpu.dma_semaphore, #tpu.memory_space<semaphore_mem>>) src(%dma_wait3A_519 : memref<128x64xf32, #tpu.memory_space<vmem>>) dst(%dma_wait3A_516 : memref<128x64xf32, #tpu.memory_space<hbm>>)
      } else {
      }
      %scan3A_391 = arith.constant 0 : i32
      %scan3A_392 = arith.constant 0 : i32
      %scan3A_393 = arith.constant 8 : i32
      %scan3A_394 = arith.addi %scan3A_392, %scan3A_393 : i32
      %scan3A_395 = arith.constant 1 : i32
      %scan3A_396 = scf.for %scan3A_508 = %scan3A_392 to %scan3A_394 step %scan3A_395 iter_args(%scan3A_509 = %scan3A_391) -> (i32)  : i32 {
        %mul3A_510 = arith.constant 16 : i32
        %mul3A_511 = arith.muli %scan3A_508, %mul3A_510 : i32
        %add3A_512 = vector.broadcast %mul3A_511 : i32 to vector<16xi32>
        %add3A_513 = arith.addi %iota3A, %add3A_512 : vector<16xi32>
        %mul3A_514 = arith.constant 16 : i32
        %mul3A_515 = arith.muli %scan3A_508, %mul3A_514 : i32
        %get3A_516 = arith.index_cast %mul3A_515 : i32 to index
        %get3A_517 = tpu.vector_load %arg12[%get3A_516] {strides = array<i32>} : memref<128xi32, #tpu.memory_space<vmem>>, vector<16xi32>,
        %mul3A_518 = arith.constant 16 : i32
        %mul3A_519 = arith.muli %scan3A_508, %mul3A_518 : i32
        %get3A_520 = arith.index_cast %mul3A_519 : i32 to index
        %get3A_521 = tpu.vector_load %arg14[%get3A_520] {strides = array<i32>} : memref<128xi32, #tpu.memory_space<vmem>>, vector<16xi32>,
        %mul3A_522 = arith.constant 512 : i32
        %mul3A_523 = vector.broadcast %mul3A_522 : i32 to vector<16xi32>
        %mul3A_524 = arith.muli %get3A_521, %mul3A_523 : vector<16xi32>
        %add3A_525 = arith.addi %mul3A_524, %get3A_517 : vector<16xi32>
        %broadcast_in_dim3A = arith.constant 0.000000e+00 : f32
        %broadcast_in_dim3A_526 = vector.broadcast %broadcast_in_dim3A : f32 to vector<16xf32>
        %broadcast_in_dim3A_527 = arith.constant 0.000000e+00 : f32
        %broadcast_in_dim3A_528 = vector.broadcast %broadcast_in_dim3A_527 : f32 to vector<16xf32>
        %broadcast_in_dim3A_529 = arith.constant 0.000000e+00 : f32
        %broadcast_in_dim3A_530 = vector.broadcast %broadcast_in_dim3A_529 : f32 to vector<16xf32>
        %broadcast_in_dim3A_531 = arith.constant 0.000000e+00 : f32
        %broadcast_in_dim3A_532 = vector.broadcast %broadcast_in_dim3A_531 : f32 to vector<16xf32>
        %gather3A = tpu.vector_load_idx %arg16[%add3A_513, %add3A_127] : memref<128x64xf32, #tpu.memory_space<vmem>>[vector<16xi32>, vector<16xi32>], vector<16xf32>,
        %gather3A_533 = tpu.vector_load_idx %arg18[%add3A_525, %add3A_127] : memref<1024x65xf32, #tpu.memory_space<vmem>>[vector<16xi32>, vector<16xi32>], vector<16xf32>,
        %add3A_534 = arith.addf %gather3A, %gather3A_533 : vector<16xf32>
        %add3A_535 = arith.addf %broadcast_in_dim3A_526, %add3A_534 : vector<16xf32>
        %mul3A_536 = arith.mulf %add3A_534, %add3A_534 : vector<16xf32>
        %add3A_537 = arith.addf %broadcast_in_dim3A_530, %mul3A_536 : vector<16xf32>
        %swap3A = arith.constant 0 : index
        %swap3A_538 = tpu.vector_load %arg24[%swap3A] {strides = array<i32>} : memref<1024xf32, #tpu.memory_space<vmem>>, vector<16xf32>,
        tpu.vector_store %arg24[%swap3A], %add3A_534 {strides = array<i32>} : memref<1024xf32, #tpu.memory_space<vmem>>, vector<16xf32>,
        %gather3A_539 = tpu.vector_load_idx %arg16[%add3A_513, %add3A_130] : memref<128x64xf32, #tpu.memory_space<vmem>>[vector<16xi32>, vector<16xi32>], vector<16xf32>,
        %gather3A_540 = tpu.vector_load_idx %arg18[%add3A_525, %add3A_130] : memref<1024x65xf32, #tpu.memory_space<vmem>>[vector<16xi32>, vector<16xi32>], vector<16xf32>,
        %add3A_541 = arith.addf %gather3A_539, %gather3A_540 : vector<16xf32>
        %add3A_542 = arith.addf %broadcast_in_dim3A_528, %add3A_541 : vector<16xf32>
        %mul3A_543 = arith.mulf %add3A_541, %add3A_541 : vector<16xf32>
        %add3A_544 = arith.addf %broadcast_in_dim3A_532, %mul3A_543 : vector<16xf32>
        %swap3A_545 = arith.constant 16 : index
        %swap3A_546 = tpu.vector_load %arg24[%swap3A_545] {strides = array<i32>} : memref<1024xf32, #tpu.memory_space<vmem>>, vector<16xf32>,
        tpu.vector_store %arg24[%swap3A_545], %add3A_541 {strides = array<i32>} : memref<1024xf32, #tpu.memory_space<vmem>>, vector<16xf32>,
        %gather3A_547 = tpu.vector_load_idx %arg16[%add3A_513, %add3A_133] : memref<128x64xf32, #tpu.memory_space<vmem>>[vector<16xi32>, vector<16xi32>], vector<16xf32>,
        %gather3A_548 = tpu.vector_load_idx %arg18[%add3A_525, %add3A_133] : memref<1024x65xf32, #tpu.memory_space<vmem>>[vector<16xi32>, vector<16xi32>], vector<16xf32>,
        %add3A_549 = arith.addf %gather3A_547, %gather3A_548 : vector<16xf32>
        %add3A_550 = arith.addf %add3A_535, %add3A_549 : vector<16xf32>
        %mul3A_551 = arith.mulf %add3A_549, %add3A_549 : vector<16xf32>
        %add3A_552 = arith.addf %add3A_537, %mul3A_551 : vector<16xf32>
        %swap3A_553 = arith.constant 32 : index
        %swap3A_554 = tpu.vector_load %arg24[%swap3A_553] {strides = array<i32>} : memref<1024xf32, #tpu.memory_space<vmem>>, vector<16xf32>,
        tpu.vector_store %arg24[%swap3A_553], %add3A_549 {strides = array<i32>} : memref<1024xf32, #tpu.memory_space<vmem>>, vector<16xf32>,
        %gather3A_555 = tpu.vector_load_idx %arg16[%add3A_513, %add3A_136] : memref<128x64xf32, #tpu.memory_space<vmem>>[vector<16xi32>, vector<16xi32>], vector<16xf32>,
        %gather3A_556 = tpu.vector_load_idx %arg18[%add3A_525, %add3A_136] : memref<1024x65xf32, #tpu.memory_space<vmem>>[vector<16xi32>, vector<16xi32>], vector<16xf32>,
        %add3A_557 = arith.addf %gather3A_555, %gather3A_556 : vector<16xf32>
        %add3A_558 = arith.addf %add3A_542, %add3A_557 : vector<16xf32>
        %mul3A_559 = arith.mulf %add3A_557, %add3A_557 : vector<16xf32>
        %add3A_560 = arith.addf %add3A_544, %mul3A_559 : vector<16xf32>
        %swap3A_561 = arith.constant 48 : index
        %swap3A_562 = tpu.vector_load %arg24[%swap3A_561] {strides = array<i32>} : memref<1024xf32, #tpu.memory_space<vmem>>, vector<16xf32>,
        tpu.vector_store %arg24[%swap3A_561], %add3A_557 {strides = array<i32>} : memref<1024xf32, #tpu.memory_space<vmem>>, vector<16xf32>,
        %gather3A_563 = tpu.vector_load_idx %arg16[%add3A_513, %add3A_139] : memref<128x64xf32, #tpu.memory_space<vmem>>[vector<16xi32>, vector<16xi32>], vector<16xf32>,
        %gather3A_564 = tpu.vector_load_idx %arg18[%add3A_525, %add3A_139] : memref<1024x65xf32, #tpu.memory_space<vmem>>[vector<16xi32>, vector<16xi32>], vector<16xf32>,
        %add3A_565 = arith.addf %gather3A_563, %gather3A_564 : vector<16xf32>
        %add3A_566 = arith.addf %add3A_550, %add3A_565 : vector<16xf32>
        %mul3A_567 = arith.mulf %add3A_565, %add3A_565 : vector<16xf32>
        %add3A_568 = arith.addf %add3A_552, %mul3A_567 : vector<16xf32>
        %swap3A_569 = arith.constant 64 : index
        %swap3A_570 = tpu.vector_load %arg24[%swap3A_569] {strides = array<i32>} : memref<1024xf32, #tpu.memory_space<vmem>>, vector<16xf32>,
        tpu.vector_store %arg24[%swap3A_569], %add3A_565 {strides = array<i32>} : memref<1024xf32, #tpu.memory_space<vmem>>, vector<16xf32>,
        %gather3A_571 = tpu.vector_load_idx %arg16[%add3A_513, %add3A_142] : memref<128x64xf32, #tpu.memory_space<vmem>>[vector<16xi32>, vector<16xi32>], vector<16xf32>,
        %gather3A_572 = tpu.vector_load_idx %arg18[%add3A_525, %add3A_142] : memref<1024x65xf32, #tpu.memory_space<vmem>>[vector<16xi32>, vector<16xi32>], vector<16xf32>,
        %add3A_573 = arith.addf %gather3A_571, %gather3A_572 : vector<16xf32>
        %add3A_574 = arith.addf %add3A_558, %add3A_573 : vector<16xf32>
        %mul3A_575 = arith.mulf %add3A_573, %add3A_573 : vector<16xf32>
        %add3A_576 = arith.addf %add3A_560, %mul3A_575 : vector<16xf32>
        %swap3A_577 = arith.constant 80 : index
        %swap3A_578 = tpu.vector_load %arg24[%swap3A_577] {strides = array<i32>} : memref<1024xf32, #tpu.memory_space<vmem>>, vector<16xf32>,
        tpu.vector_store %arg24[%swap3A_577], %add3A_573 {strides = array<i32>} : memref<1024xf32, #tpu.memory_space<vmem>>, vector<16xf32>,
        %gather3A_579 = tpu.vector_load_idx %arg16[%add3A_513, %add3A_145] : memref<128x64xf32, #tpu.memory_space<vmem>>[vector<16xi32>, vector<16xi32>], vector<16xf32>,
        %gather3A_580 = tpu.vector_load_idx %arg18[%add3A_525, %add3A_145] : memref<1024x65xf32, #tpu.memory_space<vmem>>[vector<16xi32>, vector<16xi32>], vector<16xf32>,
        %add3A_581 = arith.addf %gather3A_579, %gather3A_580 : vector<16xf32>
        %add3A_582 = arith.addf %add3A_566, %add3A_581 : vector<16xf32>
        %mul3A_583 = arith.mulf %add3A_581, %add3A_581 : vector<16xf32>
        %add3A_584 = arith.addf %add3A_568, %mul3A_583 : vector<16xf32>
        %swap3A_585 = arith.constant 96 : index
        %swap3A_586 = tpu.vector_load %arg24[%swap3A_585] {strides = array<i32>} : memref<1024xf32, #tpu.memory_space<vmem>>, vector<16xf32>,
        tpu.vector_store %arg24[%swap3A_585], %add3A_581 {strides = array<i32>} : memref<1024xf32, #tpu.memory_space<vmem>>, vector<16xf32>,
        %gather3A_587 = tpu.vector_load_idx %arg16[%add3A_513, %add3A_148] : memref<128x64xf32, #tpu.memory_space<vmem>>[vector<16xi32>, vector<16xi32>], vector<16xf32>,
        %gather3A_588 = tpu.vector_load_idx %arg18[%add3A_525, %add3A_148] : memref<1024x65xf32, #tpu.memory_space<vmem>>[vector<16xi32>, vector<16xi32>], vector<16xf32>,
        %add3A_589 = arith.addf %gather3A_587, %gather3A_588 : vector<16xf32>
        %add3A_590 = arith.addf %add3A_574, %add3A_589 : vector<16xf32>
        %mul3A_591 = arith.mulf %add3A_589, %add3A_589 : vector<16xf32>
        %add3A_592 = arith.addf %add3A_576, %mul3A_591 : vector<16xf32>
        %swap3A_593 = arith.constant 112 : index
        %swap3A_594 = tpu.vector_load %arg24[%swap3A_593] {strides = array<i32>} : memref<1024xf32, #tpu.memory_space<vmem>>, vector<16xf32>,
        tpu.vector_store %arg24[%swap3A_593], %add3A_589 {strides = array<i32>} : memref<1024xf32, #tpu.memory_space<vmem>>, vector<16xf32>,
        %gather3A_595 = tpu.vector_load_idx %arg16[%add3A_513, %add3A_151] : memref<128x64xf32, #tpu.memory_space<vmem>>[vector<16xi32>, vector<16xi32>], vector<16xf32>,
        %gather3A_596 = tpu.vector_load_idx %arg18[%add3A_525, %add3A_151] : memref<1024x65xf32, #tpu.memory_space<vmem>>[vector<16xi32>, vector<16xi32>], vector<16xf32>,
        %add3A_597 = arith.addf %gather3A_595, %gather3A_596 : vector<16xf32>
        %add3A_598 = arith.addf %add3A_582, %add3A_597 : vector<16xf32>
        %mul3A_599 = arith.mulf %add3A_597, %add3A_597 : vector<16xf32>
        %add3A_600 = arith.addf %add3A_584, %mul3A_599 : vector<16xf32>
        %swap3A_601 = arith.constant 128 : index
        %swap3A_602 = tpu.vector_load %arg24[%swap3A_601] {strides = array<i32>} : memref<1024xf32, #tpu.memory_space<vmem>>, vector<16xf32>,
        tpu.vector_store %arg24[%swap3A_601], %add3A_597 {strides = array<i32>} : memref<1024xf32, #tpu.memory_space<vmem>>, vector<16xf32>,
        %gather3A_603 = tpu.vector_load_idx %arg16[%add3A_513, %add3A_154] : memref<128x64xf32, #tpu.memory_space<vmem>>[vector<16xi32>, vector<16xi32>], vector<16xf32>,
        %gather3A_604 = tpu.vector_load_idx %arg18[%add3A_525, %add3A_154] : memref<1024x65xf32, #tpu.memory_space<vmem>>[vector<16xi32>, vector<16xi32>], vector<16xf32>,
        %add3A_605 = arith.addf %gather3A_603, %gather3A_604 : vector<16xf32>
        %add3A_606 = arith.addf %add3A_590, %add3A_605 : vector<16xf32>
        %mul3A_607 = arith.mulf %add3A_605, %add3A_605 : vector<16xf32>
        %add3A_608 = arith.addf %add3A_592, %mul3A_607 : vector<16xf32>
        %swap3A_609 = arith.constant 144 : index
        %swap3A_610 = tpu.vector_load %arg24[%swap3A_609] {strides = array<i32>} : memref<1024xf32, #tpu.memory_space<vmem>>, vector<16xf32>,
        tpu.vector_store %arg24[%swap3A_609], %add3A_605 {strides = array<i32>} : memref<1024xf32, #tpu.memory_space<vmem>>, vector<16xf32>,
        %gather3A_611 = tpu.vector_load_idx %arg16[%add3A_513, %add3A_157] : memref<128x64xf32, #tpu.memory_space<vmem>>[vector<16xi32>, vector<16xi32>], vector<16xf32>,
        %gather3A_612 = tpu.vector_load_idx %arg18[%add3A_525, %add3A_157] : memref<1024x65xf32, #tpu.memory_space<vmem>>[vector<16xi32>, vector<16xi32>], vector<16xf32>,
        %add3A_613 = arith.addf %gather3A_611, %gather3A_612 : vector<16xf32>
        %add3A_614 = arith.addf %add3A_598, %add3A_613 : vector<16xf32>
        %mul3A_615 = arith.mulf %add3A_613, %add3A_613 : vector<16xf32>
        %add3A_616 = arith.addf %add3A_600, %mul3A_615 : vector<16xf32>
        %swap3A_617 = arith.constant 160 : index
        %swap3A_618 = tpu.vector_load %arg24[%swap3A_617] {strides = array<i32>} : memref<1024xf32, #tpu.memory_space<vmem>>, vector<16xf32>,
        tpu.vector_store %arg24[%swap3A_617], %add3A_613 {strides = array<i32>} : memref<1024xf32, #tpu.memory_space<vmem>>, vector<16xf32>,
        %gather3A_619 = tpu.vector_load_idx %arg16[%add3A_513, %add3A_160] : memref<128x64xf32, #tpu.memory_space<vmem>>[vector<16xi32>, vector<16xi32>], vector<16xf32>,
        %gather3A_620 = tpu.vector_load_idx %arg18[%add3A_525, %add3A_160] : memref<1024x65xf32, #tpu.memory_space<vmem>>[vector<16xi32>, vector<16xi32>], vector<16xf32>,
        %add3A_621 = arith.addf %gather3A_619, %gather3A_620 : vector<16xf32>
        %add3A_622 = arith.addf %add3A_606, %add3A_621 : vector<16xf32>
        %mul3A_623 = arith.mulf %add3A_621, %add3A_621 : vector<16xf32>
        %add3A_624 = arith.addf %add3A_608, %mul3A_623 : vector<16xf32>
        %swap3A_625 = arith.constant 176 : index
        %swap3A_626 = tpu.vector_load %arg24[%swap3A_625] {strides = array<i32>} : memref<1024xf32, #tpu.memory_space<vmem>>, vector<16xf32>,
        tpu.vector_store %arg24[%swap3A_625], %add3A_621 {strides = array<i32>} : memref<1024xf32, #tpu.memory_space<vmem>>, vector<16xf32>,
        %gather3A_627 = tpu.vector_load_idx %arg16[%add3A_513, %add3A_163] : memref<128x64xf32, #tpu.memory_space<vmem>>[vector<16xi32>, vector<16xi32>], vector<16xf32>,
        %gather3A_628 = tpu.vector_load_idx %arg18[%add3A_525, %add3A_163] : memref<1024x65xf32, #tpu.memory_space<vmem>>[vector<16xi32>, vector<16xi32>], vector<16xf32>,
        %add3A_629 = arith.addf %gather3A_627, %gather3A_628 : vector<16xf32>
        %add3A_630 = arith.addf %add3A_614, %add3A_629 : vector<16xf32>
        %mul3A_631 = arith.mulf %add3A_629, %add3A_629 : vector<16xf32>
        %add3A_632 = arith.addf %add3A_616, %mul3A_631 : vector<16xf32>
        %swap3A_633 = arith.constant 192 : index
        %swap3A_634 = tpu.vector_load %arg24[%swap3A_633] {strides = array<i32>} : memref<1024xf32, #tpu.memory_space<vmem>>, vector<16xf32>,
        tpu.vector_store %arg24[%swap3A_633], %add3A_629 {strides = array<i32>} : memref<1024xf32, #tpu.memory_space<vmem>>, vector<16xf32>,
        %gather3A_635 = tpu.vector_load_idx %arg16[%add3A_513, %add3A_166] : memref<128x64xf32, #tpu.memory_space<vmem>>[vector<16xi32>, vector<16xi32>], vector<16xf32>,
        %gather3A_636 = tpu.vector_load_idx %arg18[%add3A_525, %add3A_166] : memref<1024x65xf32, #tpu.memory_space<vmem>>[vector<16xi32>, vector<16xi32>], vector<16xf32>,
        %add3A_637 = arith.addf %gather3A_635, %gather3A_636 : vector<16xf32>
        %add3A_638 = arith.addf %add3A_622, %add3A_637 : vector<16xf32>
        %mul3A_639 = arith.mulf %add3A_637, %add3A_637 : vector<16xf32>
        %add3A_640 = arith.addf %add3A_624, %mul3A_639 : vector<16xf32>
        %swap3A_641 = arith.constant 208 : index
        %swap3A_642 = tpu.vector_load %arg24[%swap3A_641] {strides = array<i32>} : memref<1024xf32, #tpu.memory_space<vmem>>, vector<16xf32>,
        tpu.vector_store %arg24[%swap3A_641], %add3A_637 {strides = array<i32>} : memref<1024xf32, #tpu.memory_space<vmem>>, vector<16xf32>,
        %gather3A_643 = tpu.vector_load_idx %arg16[%add3A_513, %add3A_169] : memref<128x64xf32, #tpu.memory_space<vmem>>[vector<16xi32>, vector<16xi32>], vector<16xf32>,
        %gather3A_644 = tpu.vector_load_idx %arg18[%add3A_525, %add3A_169] : memref<1024x65xf32, #tpu.memory_space<vmem>>[vector<16xi32>, vector<16xi32>], vector<16xf32>,
        %add3A_645 = arith.addf %gather3A_643, %gather3A_644 : vector<16xf32>
        %add3A_646 = arith.addf %add3A_630, %add3A_645 : vector<16xf32>
        %mul3A_647 = arith.mulf %add3A_645, %add3A_645 : vector<16xf32>
        %add3A_648 = arith.addf %add3A_632, %mul3A_647 : vector<16xf32>
        %swap3A_649 = arith.constant 224 : index
        %swap3A_650 = tpu.vector_load %arg24[%swap3A_649] {strides = array<i32>} : memref<1024xf32, #tpu.memory_space<vmem>>, vector<16xf32>,
        tpu.vector_store %arg24[%swap3A_649], %add3A_645 {strides = array<i32>} : memref<1024xf32, #tpu.memory_space<vmem>>, vector<16xf32>,
        %gather3A_651 = tpu.vector_load_idx %arg16[%add3A_513, %add3A_172] : memref<128x64xf32, #tpu.memory_space<vmem>>[vector<16xi32>, vector<16xi32>], vector<16xf32>,
        %gather3A_652 = tpu.vector_load_idx %arg18[%add3A_525, %add3A_172] : memref<1024x65xf32, #tpu.memory_space<vmem>>[vector<16xi32>, vector<16xi32>], vector<16xf32>,
        %add3A_653 = arith.addf %gather3A_651, %gather3A_652 : vector<16xf32>
        %add3A_654 = arith.addf %add3A_638, %add3A_653 : vector<16xf32>
        %mul3A_655 = arith.mulf %add3A_653, %add3A_653 : vector<16xf32>
        %add3A_656 = arith.addf %add3A_640, %mul3A_655 : vector<16xf32>
        %swap3A_657 = arith.constant 240 : index
        %swap3A_658 = tpu.vector_load %arg24[%swap3A_657] {strides = array<i32>} : memref<1024xf32, #tpu.memory_space<vmem>>, vector<16xf32>,
        tpu.vector_store %arg24[%swap3A_657], %add3A_653 {strides = array<i32>} : memref<1024xf32, #tpu.memory_space<vmem>>, vector<16xf32>,
        %gather3A_659 = tpu.vector_load_idx %arg16[%add3A_513, %add3A_175] : memref<128x64xf32, #tpu.memory_space<vmem>>[vector<16xi32>, vector<16xi32>], vector<16xf32>,
        %gather3A_660 = tpu.vector_load_idx %arg18[%add3A_525, %add3A_175] : memref<1024x65xf32, #tpu.memory_space<vmem>>[vector<16xi32>, vector<16xi32>], vector<16xf32>,
        %add3A_661 = arith.addf %gather3A_659, %gather3A_660 : vector<16xf32>
        %add3A_662 = arith.addf %add3A_646, %add3A_661 : vector<16xf32>
        %mul3A_663 = arith.mulf %add3A_661, %add3A_661 : vector<16xf32>
        %add3A_664 = arith.addf %add3A_648, %mul3A_663 : vector<16xf32>
        %swap3A_665 = arith.constant 256 : index
        %swap3A_666 = tpu.vector_load %arg24[%swap3A_665] {strides = array<i32>} : memref<1024xf32, #tpu.memory_space<vmem>>, vector<16xf32>,
        tpu.vector_store %arg24[%swap3A_665], %add3A_661 {strides = array<i32>} : memref<1024xf32, #tpu.memory_space<vmem>>, vector<16xf32>,
        %gather3A_667 = tpu.vector_load_idx %arg16[%add3A_513, %add3A_178] : memref<128x64xf32, #tpu.memory_space<vmem>>[vector<16xi32>, vector<16xi32>], vector<16xf32>,
        %gather3A_668 = tpu.vector_load_idx %arg18[%add3A_525, %add3A_178] : memref<1024x65xf32, #tpu.memory_space<vmem>>[vector<16xi32>, vector<16xi32>], vector<16xf32>,
        %add3A_669 = arith.addf %gather3A_667, %gather3A_668 : vector<16xf32>
        %add3A_670 = arith.addf %add3A_654, %add3A_669 : vector<16xf32>
        %mul3A_671 = arith.mulf %add3A_669, %add3A_669 : vector<16xf32>
        %add3A_672 = arith.addf %add3A_656, %mul3A_671 : vector<16xf32>
        %swap3A_673 = arith.constant 272 : index
        %swap3A_674 = tpu.vector_load %arg24[%swap3A_673] {strides = array<i32>} : memref<1024xf32, #tpu.memory_space<vmem>>, vector<16xf32>,
        tpu.vector_store %arg24[%swap3A_673], %add3A_669 {strides = array<i32>} : memref<1024xf32, #tpu.memory_space<vmem>>, vector<16xf32>,
        %gather3A_675 = tpu.vector_load_idx %arg16[%add3A_513, %add3A_181] : memref<128x64xf32, #tpu.memory_space<vmem>>[vector<16xi32>, vector<16xi32>], vector<16xf32>,
        %gather3A_676 = tpu.vector_load_idx %arg18[%add3A_525, %add3A_181] : memref<1024x65xf32, #tpu.memory_space<vmem>>[vector<16xi32>, vector<16xi32>], vector<16xf32>,
        %add3A_677 = arith.addf %gather3A_675, %gather3A_676 : vector<16xf32>
        %add3A_678 = arith.addf %add3A_662, %add3A_677 : vector<16xf32>
        %mul3A_679 = arith.mulf %add3A_677, %add3A_677 : vector<16xf32>
        %add3A_680 = arith.addf %add3A_664, %mul3A_679 : vector<16xf32>
        %swap3A_681 = arith.constant 288 : index
        %swap3A_682 = tpu.vector_load %arg24[%swap3A_681] {strides = array<i32>} : memref<1024xf32, #tpu.memory_space<vmem>>, vector<16xf32>,
        tpu.vector_store %arg24[%swap3A_681], %add3A_677 {strides = array<i32>} : memref<1024xf32, #tpu.memory_space<vmem>>, vector<16xf32>,
        %gather3A_683 = tpu.vector_load_idx %arg16[%add3A_513, %add3A_184] : memref<128x64xf32, #tpu.memory_space<vmem>>[vector<16xi32>, vector<16xi32>], vector<16xf32>,
        %gather3A_684 = tpu.vector_load_idx %arg18[%add3A_525, %add3A_184] : memref<1024x65xf32, #tpu.memory_space<vmem>>[vector<16xi32>, vector<16xi32>], vector<16xf32>,
        %add3A_685 = arith.addf %gather3A_683, %gather3A_684 : vector<16xf32>
        %add3A_686 = arith.addf %add3A_670, %add3A_685 : vector<16xf32>
        %mul3A_687 = arith.mulf %add3A_685, %add3A_685 : vector<16xf32>
        %add3A_688 = arith.addf %add3A_672, %mul3A_687 : vector<16xf32>
        %swap3A_689 = arith.constant 304 : index
        %swap3A_690 = tpu.vector_load %arg24[%swap3A_689] {strides = array<i32>} : memref<1024xf32, #tpu.memory_space<vmem>>, vector<16xf32>,
        tpu.vector_store %arg24[%swap3A_689], %add3A_685 {strides = array<i32>} : memref<1024xf32, #tpu.memory_space<vmem>>, vector<16xf32>,
        %gather3A_691 = tpu.vector_load_idx %arg16[%add3A_513, %add3A_187] : memref<128x64xf32, #tpu.memory_space<vmem>>[vector<16xi32>, vector<16xi32>], vector<16xf32>,
        %gather3A_692 = tpu.vector_load_idx %arg18[%add3A_525, %add3A_187] : memref<1024x65xf32, #tpu.memory_space<vmem>>[vector<16xi32>, vector<16xi32>], vector<16xf32>,
        %add3A_693 = arith.addf %gather3A_691, %gather3A_692 : vector<16xf32>
        %add3A_694 = arith.addf %add3A_678, %add3A_693 : vector<16xf32>
        %mul3A_695 = arith.mulf %add3A_693, %add3A_693 : vector<16xf32>
        %add3A_696 = arith.addf %add3A_680, %mul3A_695 : vector<16xf32>
        %swap3A_697 = arith.constant 320 : index
        %swap3A_698 = tpu.vector_load %arg24[%swap3A_697] {strides = array<i32>} : memref<1024xf32, #tpu.memory_space<vmem>>, vector<16xf32>,
        tpu.vector_store %arg24[%swap3A_697], %add3A_693 {strides = array<i32>} : memref<1024xf32, #tpu.memory_space<vmem>>, vector<16xf32>,
        %gather3A_699 = tpu.vector_load_idx %arg16[%add3A_513, %add3A_190] : memref<128x64xf32, #tpu.memory_space<vmem>>[vector<16xi32>, vector<16xi32>], vector<16xf32>,
        %gather3A_700 = tpu.vector_load_idx %arg18[%add3A_525, %add3A_190] : memref<1024x65xf32, #tpu.memory_space<vmem>>[vector<16xi32>, vector<16xi32>], vector<16xf32>,
        %add3A_701 = arith.addf %gather3A_699, %gather3A_700 : vector<16xf32>
        %add3A_702 = arith.addf %add3A_686, %add3A_701 : vector<16xf32>
        %mul3A_703 = arith.mulf %add3A_701, %add3A_701 : vector<16xf32>
        %add3A_704 = arith.addf %add3A_688, %mul3A_703 : vector<16xf32>
        %swap3A_705 = arith.constant 336 : index
        %swap3A_706 = tpu.vector_load %arg24[%swap3A_705] {strides = array<i32>} : memref<1024xf32, #tpu.memory_space<vmem>>, vector<16xf32>,
        tpu.vector_store %arg24[%swap3A_705], %add3A_701 {strides = array<i32>} : memref<1024xf32, #tpu.memory_space<vmem>>, vector<16xf32>,
        %gather3A_707 = tpu.vector_load_idx %arg16[%add3A_513, %add3A_193] : memref<128x64xf32, #tpu.memory_space<vmem>>[vector<16xi32>, vector<16xi32>], vector<16xf32>,
        %gather3A_708 = tpu.vector_load_idx %arg18[%add3A_525, %add3A_193] : memref<1024x65xf32, #tpu.memory_space<vmem>>[vector<16xi32>, vector<16xi32>], vector<16xf32>,
        %add3A_709 = arith.addf %gather3A_707, %gather3A_708 : vector<16xf32>
        %add3A_710 = arith.addf %add3A_694, %add3A_709 : vector<16xf32>
        %mul3A_711 = arith.mulf %add3A_709, %add3A_709 : vector<16xf32>
        %add3A_712 = arith.addf %add3A_696, %mul3A_711 : vector<16xf32>
        %swap3A_713 = arith.constant 352 : index
        %swap3A_714 = tpu.vector_load %arg24[%swap3A_713] {strides = array<i32>} : memref<1024xf32, #tpu.memory_space<vmem>>, vector<16xf32>,
        tpu.vector_store %arg24[%swap3A_713], %add3A_709 {strides = array<i32>} : memref<1024xf32, #tpu.memory_space<vmem>>, vector<16xf32>,
        %gather3A_715 = tpu.vector_load_idx %arg16[%add3A_513, %add3A_196] : memref<128x64xf32, #tpu.memory_space<vmem>>[vector<16xi32>, vector<16xi32>], vector<16xf32>,
        %gather3A_716 = tpu.vector_load_idx %arg18[%add3A_525, %add3A_196] : memref<1024x65xf32, #tpu.memory_space<vmem>>[vector<16xi32>, vector<16xi32>], vector<16xf32>,
        %add3A_717 = arith.addf %gather3A_715, %gather3A_716 : vector<16xf32>
        %add3A_718 = arith.addf %add3A_702, %add3A_717 : vector<16xf32>
        %mul3A_719 = arith.mulf %add3A_717, %add3A_717 : vector<16xf32>
        %add3A_720 = arith.addf %add3A_704, %mul3A_719 : vector<16xf32>
        %swap3A_721 = arith.constant 368 : index
        %swap3A_722 = tpu.vector_load %arg24[%swap3A_721] {strides = array<i32>} : memref<1024xf32, #tpu.memory_space<vmem>>, vector<16xf32>,
        tpu.vector_store %arg24[%swap3A_721], %add3A_717 {strides = array<i32>} : memref<1024xf32, #tpu.memory_space<vmem>>, vector<16xf32>,
        %gather3A_723 = tpu.vector_load_idx %arg16[%add3A_513, %add3A_199] : memref<128x64xf32, #tpu.memory_space<vmem>>[vector<16xi32>, vector<16xi32>], vector<16xf32>,
        %gather3A_724 = tpu.vector_load_idx %arg18[%add3A_525, %add3A_199] : memref<1024x65xf32, #tpu.memory_space<vmem>>[vector<16xi32>, vector<16xi32>], vector<16xf32>,
        %add3A_725 = arith.addf %gather3A_723, %gather3A_724 : vector<16xf32>
        %add3A_726 = arith.addf %add3A_710, %add3A_725 : vector<16xf32>
        %mul3A_727 = arith.mulf %add3A_725, %add3A_725 : vector<16xf32>
        %add3A_728 = arith.addf %add3A_712, %mul3A_727 : vector<16xf32>
        %swap3A_729 = arith.constant 384 : index
        %swap3A_730 = tpu.vector_load %arg24[%swap3A_729] {strides = array<i32>} : memref<1024xf32, #tpu.memory_space<vmem>>, vector<16xf32>,
        tpu.vector_store %arg24[%swap3A_729], %add3A_725 {strides = array<i32>} : memref<1024xf32, #tpu.memory_space<vmem>>, vector<16xf32>,
        %gather3A_731 = tpu.vector_load_idx %arg16[%add3A_513, %add3A_202] : memref<128x64xf32, #tpu.memory_space<vmem>>[vector<16xi32>, vector<16xi32>], vector<16xf32>,
        %gather3A_732 = tpu.vector_load_idx %arg18[%add3A_525, %add3A_202] : memref<1024x65xf32, #tpu.memory_space<vmem>>[vector<16xi32>, vector<16xi32>], vector<16xf32>,
        %add3A_733 = arith.addf %gather3A_731, %gather3A_732 : vector<16xf32>
        %add3A_734 = arith.addf %add3A_718, %add3A_733 : vector<16xf32>
        %mul3A_735 = arith.mulf %add3A_733, %add3A_733 : vector<16xf32>
        %add3A_736 = arith.addf %add3A_720, %mul3A_735 : vector<16xf32>
        %swap3A_737 = arith.constant 400 : index
        %swap3A_738 = tpu.vector_load %arg24[%swap3A_737] {strides = array<i32>} : memref<1024xf32, #tpu.memory_space<vmem>>, vector<16xf32>,
        tpu.vector_store %arg24[%swap3A_737], %add3A_733 {strides = array<i32>} : memref<1024xf32, #tpu.memory_space<vmem>>, vector<16xf32>,
        %gather3A_739 = tpu.vector_load_idx %arg16[%add3A_513, %add3A_205] : memref<128x64xf32, #tpu.memory_space<vmem>>[vector<16xi32>, vector<16xi32>], vector<16xf32>,
        %gather3A_740 = tpu.vector_load_idx %arg18[%add3A_525, %add3A_205] : memref<1024x65xf32, #tpu.memory_space<vmem>>[vector<16xi32>, vector<16xi32>], vector<16xf32>,
        %add3A_741 = arith.addf %gather3A_739, %gather3A_740 : vector<16xf32>
        %add3A_742 = arith.addf %add3A_726, %add3A_741 : vector<16xf32>
        %mul3A_743 = arith.mulf %add3A_741, %add3A_741 : vector<16xf32>
        %add3A_744 = arith.addf %add3A_728, %mul3A_743 : vector<16xf32>
        %swap3A_745 = arith.constant 416 : index
        %swap3A_746 = tpu.vector_load %arg24[%swap3A_745] {strides = array<i32>} : memref<1024xf32, #tpu.memory_space<vmem>>, vector<16xf32>,
        tpu.vector_store %arg24[%swap3A_745], %add3A_741 {strides = array<i32>} : memref<1024xf32, #tpu.memory_space<vmem>>, vector<16xf32>,
        %gather3A_747 = tpu.vector_load_idx %arg16[%add3A_513, %add3A_208] : memref<128x64xf32, #tpu.memory_space<vmem>>[vector<16xi32>, vector<16xi32>], vector<16xf32>,
        %gather3A_748 = tpu.vector_load_idx %arg18[%add3A_525, %add3A_208] : memref<1024x65xf32, #tpu.memory_space<vmem>>[vector<16xi32>, vector<16xi32>], vector<16xf32>,
        %add3A_749 = arith.addf %gather3A_747, %gather3A_748 : vector<16xf32>
        %add3A_750 = arith.addf %add3A_734, %add3A_749 : vector<16xf32>
        %mul3A_751 = arith.mulf %add3A_749, %add3A_749 : vector<16xf32>
        %add3A_752 = arith.addf %add3A_736, %mul3A_751 : vector<16xf32>
        %swap3A_753 = arith.constant 432 : index
        %swap3A_754 = tpu.vector_load %arg24[%swap3A_753] {strides = array<i32>} : memref<1024xf32, #tpu.memory_space<vmem>>, vector<16xf32>,
        tpu.vector_store %arg24[%swap3A_753], %add3A_749 {strides = array<i32>} : memref<1024xf32, #tpu.memory_space<vmem>>, vector<16xf32>,
        %gather3A_755 = tpu.vector_load_idx %arg16[%add3A_513, %add3A_211] : memref<128x64xf32, #tpu.memory_space<vmem>>[vector<16xi32>, vector<16xi32>], vector<16xf32>,
        %gather3A_756 = tpu.vector_load_idx %arg18[%add3A_525, %add3A_211] : memref<1024x65xf32, #tpu.memory_space<vmem>>[vector<16xi32>, vector<16xi32>], vector<16xf32>,
        %add3A_757 = arith.addf %gather3A_755, %gather3A_756 : vector<16xf32>
        %add3A_758 = arith.addf %add3A_742, %add3A_757 : vector<16xf32>
        %mul3A_759 = arith.mulf %add3A_757, %add3A_757 : vector<16xf32>
        %add3A_760 = arith.addf %add3A_744, %mul3A_759 : vector<16xf32>
        %swap3A_761 = arith.constant 448 : index
        %swap3A_762 = tpu.vector_load %arg24[%swap3A_761] {strides = array<i32>} : memref<1024xf32, #tpu.memory_space<vmem>>, vector<16xf32>,
        tpu.vector_store %arg24[%swap3A_761], %add3A_757 {strides = array<i32>} : memref<1024xf32, #tpu.memory_space<vmem>>, vector<16xf32>,
        %gather3A_763 = tpu.vector_load_idx %arg16[%add3A_513, %add3A_214] : memref<128x64xf32, #tpu.memory_space<vmem>>[vector<16xi32>, vector<16xi32>], vector<16xf32>,
        %gather3A_764 = tpu.vector_load_idx %arg18[%add3A_525, %add3A_214] : memref<1024x65xf32, #tpu.memory_space<vmem>>[vector<16xi32>, vector<16xi32>], vector<16xf32>,
        %add3A_765 = arith.addf %gather3A_763, %gather3A_764 : vector<16xf32>
        %add3A_766 = arith.addf %add3A_750, %add3A_765 : vector<16xf32>
        %mul3A_767 = arith.mulf %add3A_765, %add3A_765 : vector<16xf32>
        %add3A_768 = arith.addf %add3A_752, %mul3A_767 : vector<16xf32>
        %swap3A_769 = arith.constant 464 : index
        %swap3A_770 = tpu.vector_load %arg24[%swap3A_769] {strides = array<i32>} : memref<1024xf32, #tpu.memory_space<vmem>>, vector<16xf32>,
        tpu.vector_store %arg24[%swap3A_769], %add3A_765 {strides = array<i32>} : memref<1024xf32, #tpu.memory_space<vmem>>, vector<16xf32>,
        %gather3A_771 = tpu.vector_load_idx %arg16[%add3A_513, %add3A_217] : memref<128x64xf32, #tpu.memory_space<vmem>>[vector<16xi32>, vector<16xi32>], vector<16xf32>,
        %gather3A_772 = tpu.vector_load_idx %arg18[%add3A_525, %add3A_217] : memref<1024x65xf32, #tpu.memory_space<vmem>>[vector<16xi32>, vector<16xi32>], vector<16xf32>,
        %add3A_773 = arith.addf %gather3A_771, %gather3A_772 : vector<16xf32>
        %add3A_774 = arith.addf %add3A_758, %add3A_773 : vector<16xf32>
        %mul3A_775 = arith.mulf %add3A_773, %add3A_773 : vector<16xf32>
        %add3A_776 = arith.addf %add3A_760, %mul3A_775 : vector<16xf32>
        %swap3A_777 = arith.constant 480 : index
        %swap3A_778 = tpu.vector_load %arg24[%swap3A_777] {strides = array<i32>} : memref<1024xf32, #tpu.memory_space<vmem>>, vector<16xf32>,
        tpu.vector_store %arg24[%swap3A_777], %add3A_773 {strides = array<i32>} : memref<1024xf32, #tpu.memory_space<vmem>>, vector<16xf32>,
        %gather3A_779 = tpu.vector_load_idx %arg16[%add3A_513, %add3A_220] : memref<128x64xf32, #tpu.memory_space<vmem>>[vector<16xi32>, vector<16xi32>], vector<16xf32>,
        %gather3A_780 = tpu.vector_load_idx %arg18[%add3A_525, %add3A_220] : memref<1024x65xf32, #tpu.memory_space<vmem>>[vector<16xi32>, vector<16xi32>], vector<16xf32>,
        %add3A_781 = arith.addf %gather3A_779, %gather3A_780 : vector<16xf32>
        %add3A_782 = arith.addf %add3A_766, %add3A_781 : vector<16xf32>
        %mul3A_783 = arith.mulf %add3A_781, %add3A_781 : vector<16xf32>
        %add3A_784 = arith.addf %add3A_768, %mul3A_783 : vector<16xf32>
        %swap3A_785 = arith.constant 496 : index
        %swap3A_786 = tpu.vector_load %arg24[%swap3A_785] {strides = array<i32>} : memref<1024xf32, #tpu.memory_space<vmem>>, vector<16xf32>,
        tpu.vector_store %arg24[%swap3A_785], %add3A_781 {strides = array<i32>} : memref<1024xf32, #tpu.memory_space<vmem>>, vector<16xf32>,
        %gather3A_787 = tpu.vector_load_idx %arg16[%add3A_513, %add3A_223] : memref<128x64xf32, #tpu.memory_space<vmem>>[vector<16xi32>, vector<16xi32>], vector<16xf32>,
        %gather3A_788 = tpu.vector_load_idx %arg18[%add3A_525, %add3A_223] : memref<1024x65xf32, #tpu.memory_space<vmem>>[vector<16xi32>, vector<16xi32>], vector<16xf32>,
        %add3A_789 = arith.addf %gather3A_787, %gather3A_788 : vector<16xf32>
        %add3A_790 = arith.addf %add3A_774, %add3A_789 : vector<16xf32>
        %mul3A_791 = arith.mulf %add3A_789, %add3A_789 : vector<16xf32>
        %add3A_792 = arith.addf %add3A_776, %mul3A_791 : vector<16xf32>
        %swap3A_793 = arith.constant 512 : index
        %swap3A_794 = tpu.vector_load %arg24[%swap3A_793] {strides = array<i32>} : memref<1024xf32, #tpu.memory_space<vmem>>, vector<16xf32>,
        tpu.vector_store %arg24[%swap3A_793], %add3A_789 {strides = array<i32>} : memref<1024xf32, #tpu.memory_space<vmem>>, vector<16xf32>,
        %gather3A_795 = tpu.vector_load_idx %arg16[%add3A_513, %add3A_226] : memref<128x64xf32, #tpu.memory_space<vmem>>[vector<16xi32>, vector<16xi32>], vector<16xf32>,
        %gather3A_796 = tpu.vector_load_idx %arg18[%add3A_525, %add3A_226] : memref<1024x65xf32, #tpu.memory_space<vmem>>[vector<16xi32>, vector<16xi32>], vector<16xf32>,
        %add3A_797 = arith.addf %gather3A_795, %gather3A_796 : vector<16xf32>
        %add3A_798 = arith.addf %add3A_782, %add3A_797 : vector<16xf32>
        %mul3A_799 = arith.mulf %add3A_797, %add3A_797 : vector<16xf32>
        %add3A_800 = arith.addf %add3A_784, %mul3A_799 : vector<16xf32>
        %swap3A_801 = arith.constant 528 : index
        %swap3A_802 = tpu.vector_load %arg24[%swap3A_801] {strides = array<i32>} : memref<1024xf32, #tpu.memory_space<vmem>>, vector<16xf32>,
        tpu.vector_store %arg24[%swap3A_801], %add3A_797 {strides = array<i32>} : memref<1024xf32, #tpu.memory_space<vmem>>, vector<16xf32>,
        %gather3A_803 = tpu.vector_load_idx %arg16[%add3A_513, %add3A_229] : memref<128x64xf32, #tpu.memory_space<vmem>>[vector<16xi32>, vector<16xi32>], vector<16xf32>,
        %gather3A_804 = tpu.vector_load_idx %arg18[%add3A_525, %add3A_229] : memref<1024x65xf32, #tpu.memory_space<vmem>>[vector<16xi32>, vector<16xi32>], vector<16xf32>,
        %add3A_805 = arith.addf %gather3A_803, %gather3A_804 : vector<16xf32>
        %add3A_806 = arith.addf %add3A_790, %add3A_805 : vector<16xf32>
        %mul3A_807 = arith.mulf %add3A_805, %add3A_805 : vector<16xf32>
        %add3A_808 = arith.addf %add3A_792, %mul3A_807 : vector<16xf32>
        %swap3A_809 = arith.constant 544 : index
        %swap3A_810 = tpu.vector_load %arg24[%swap3A_809] {strides = array<i32>} : memref<1024xf32, #tpu.memory_space<vmem>>, vector<16xf32>,
        tpu.vector_store %arg24[%swap3A_809], %add3A_805 {strides = array<i32>} : memref<1024xf32, #tpu.memory_space<vmem>>, vector<16xf32>,
        %gather3A_811 = tpu.vector_load_idx %arg16[%add3A_513, %add3A_232] : memref<128x64xf32, #tpu.memory_space<vmem>>[vector<16xi32>, vector<16xi32>], vector<16xf32>,
        %gather3A_812 = tpu.vector_load_idx %arg18[%add3A_525, %add3A_232] : memref<1024x65xf32, #tpu.memory_space<vmem>>[vector<16xi32>, vector<16xi32>], vector<16xf32>,
        %add3A_813 = arith.addf %gather3A_811, %gather3A_812 : vector<16xf32>
        %add3A_814 = arith.addf %add3A_798, %add3A_813 : vector<16xf32>
        %mul3A_815 = arith.mulf %add3A_813, %add3A_813 : vector<16xf32>
        %add3A_816 = arith.addf %add3A_800, %mul3A_815 : vector<16xf32>
        %swap3A_817 = arith.constant 560 : index
        %swap3A_818 = tpu.vector_load %arg24[%swap3A_817] {strides = array<i32>} : memref<1024xf32, #tpu.memory_space<vmem>>, vector<16xf32>,
        tpu.vector_store %arg24[%swap3A_817], %add3A_813 {strides = array<i32>} : memref<1024xf32, #tpu.memory_space<vmem>>, vector<16xf32>,
        %gather3A_819 = tpu.vector_load_idx %arg16[%add3A_513, %add3A_235] : memref<128x64xf32, #tpu.memory_space<vmem>>[vector<16xi32>, vector<16xi32>], vector<16xf32>,
        %gather3A_820 = tpu.vector_load_idx %arg18[%add3A_525, %add3A_235] : memref<1024x65xf32, #tpu.memory_space<vmem>>[vector<16xi32>, vector<16xi32>], vector<16xf32>,
        %add3A_821 = arith.addf %gather3A_819, %gather3A_820 : vector<16xf32>
        %add3A_822 = arith.addf %add3A_806, %add3A_821 : vector<16xf32>
        %mul3A_823 = arith.mulf %add3A_821, %add3A_821 : vector<16xf32>
        %add3A_824 = arith.addf %add3A_808, %mul3A_823 : vector<16xf32>
        %swap3A_825 = arith.constant 576 : index
        %swap3A_826 = tpu.vector_load %arg24[%swap3A_825] {strides = array<i32>} : memref<1024xf32, #tpu.memory_space<vmem>>, vector<16xf32>,
        tpu.vector_store %arg24[%swap3A_825], %add3A_821 {strides = array<i32>} : memref<1024xf32, #tpu.memory_space<vmem>>, vector<16xf32>,
        %gather3A_827 = tpu.vector_load_idx %arg16[%add3A_513, %add3A_238] : memref<128x64xf32, #tpu.memory_space<vmem>>[vector<16xi32>, vector<16xi32>], vector<16xf32>,
        %gather3A_828 = tpu.vector_load_idx %arg18[%add3A_525, %add3A_238] : memref<1024x65xf32, #tpu.memory_space<vmem>>[vector<16xi32>, vector<16xi32>], vector<16xf32>,
        %add3A_829 = arith.addf %gather3A_827, %gather3A_828 : vector<16xf32>
        %add3A_830 = arith.addf %add3A_814, %add3A_829 : vector<16xf32>
        %mul3A_831 = arith.mulf %add3A_829, %add3A_829 : vector<16xf32>
        %add3A_832 = arith.addf %add3A_816, %mul3A_831 : vector<16xf32>
        %swap3A_833 = arith.constant 592 : index
        %swap3A_834 = tpu.vector_load %arg24[%swap3A_833] {strides = array<i32>} : memref<1024xf32, #tpu.memory_space<vmem>>, vector<16xf32>,
        tpu.vector_store %arg24[%swap3A_833], %add3A_829 {strides = array<i32>} : memref<1024xf32, #tpu.memory_space<vmem>>, vector<16xf32>,
        %gather3A_835 = tpu.vector_load_idx %arg16[%add3A_513, %add3A_241] : memref<128x64xf32, #tpu.memory_space<vmem>>[vector<16xi32>, vector<16xi32>], vector<16xf32>,
        %gather3A_836 = tpu.vector_load_idx %arg18[%add3A_525, %add3A_241] : memref<1024x65xf32, #tpu.memory_space<vmem>>[vector<16xi32>, vector<16xi32>], vector<16xf32>,
        %add3A_837 = arith.addf %gather3A_835, %gather3A_836 : vector<16xf32>
        %add3A_838 = arith.addf %add3A_822, %add3A_837 : vector<16xf32>
        %mul3A_839 = arith.mulf %add3A_837, %add3A_837 : vector<16xf32>
        %add3A_840 = arith.addf %add3A_824, %mul3A_839 : vector<16xf32>
        %swap3A_841 = arith.constant 608 : index
        %swap3A_842 = tpu.vector_load %arg24[%swap3A_841] {strides = array<i32>} : memref<1024xf32, #tpu.memory_space<vmem>>, vector<16xf32>,
        tpu.vector_store %arg24[%swap3A_841], %add3A_837 {strides = array<i32>} : memref<1024xf32, #tpu.memory_space<vmem>>, vector<16xf32>,
        %gather3A_843 = tpu.vector_load_idx %arg16[%add3A_513, %add3A_244] : memref<128x64xf32, #tpu.memory_space<vmem>>[vector<16xi32>, vector<16xi32>], vector<16xf32>,
        %gather3A_844 = tpu.vector_load_idx %arg18[%add3A_525, %add3A_244] : memref<1024x65xf32, #tpu.memory_space<vmem>>[vector<16xi32>, vector<16xi32>], vector<16xf32>,
        %add3A_845 = arith.addf %gather3A_843, %gather3A_844 : vector<16xf32>
        %add3A_846 = arith.addf %add3A_830, %add3A_845 : vector<16xf32>
        %mul3A_847 = arith.mulf %add3A_845, %add3A_845 : vector<16xf32>
        %add3A_848 = arith.addf %add3A_832, %mul3A_847 : vector<16xf32>
        %swap3A_849 = arith.constant 624 : index
        %swap3A_850 = tpu.vector_load %arg24[%swap3A_849] {strides = array<i32>} : memref<1024xf32, #tpu.memory_space<vmem>>, vector<16xf32>,
        tpu.vector_store %arg24[%swap3A_849], %add3A_845 {strides = array<i32>} : memref<1024xf32, #tpu.memory_space<vmem>>, vector<16xf32>,
        %gather3A_851 = tpu.vector_load_idx %arg16[%add3A_513, %add3A_247] : memref<128x64xf32, #tpu.memory_space<vmem>>[vector<16xi32>, vector<16xi32>], vector<16xf32>,
        %gather3A_852 = tpu.vector_load_idx %arg18[%add3A_525, %add3A_247] : memref<1024x65xf32, #tpu.memory_space<vmem>>[vector<16xi32>, vector<16xi32>], vector<16xf32>,
        %add3A_853 = arith.addf %gather3A_851, %gather3A_852 : vector<16xf32>
        %add3A_854 = arith.addf %add3A_838, %add3A_853 : vector<16xf32>
        %mul3A_855 = arith.mulf %add3A_853, %add3A_853 : vector<16xf32>
        %add3A_856 = arith.addf %add3A_840, %mul3A_855 : vector<16xf32>
        %swap3A_857 = arith.constant 640 : index
        %swap3A_858 = tpu.vector_load %arg24[%swap3A_857] {strides = array<i32>} : memref<1024xf32, #tpu.memory_space<vmem>>, vector<16xf32>,
        tpu.vector_store %arg24[%swap3A_857], %add3A_853 {strides = array<i32>} : memref<1024xf32, #tpu.memory_space<vmem>>, vector<16xf32>,
        %gather3A_859 = tpu.vector_load_idx %arg16[%add3A_513, %add3A_250] : memref<128x64xf32, #tpu.memory_space<vmem>>[vector<16xi32>, vector<16xi32>], vector<16xf32>,
        %gather3A_860 = tpu.vector_load_idx %arg18[%add3A_525, %add3A_250] : memref<1024x65xf32, #tpu.memory_space<vmem>>[vector<16xi32>, vector<16xi32>], vector<16xf32>,
        %add3A_861 = arith.addf %gather3A_859, %gather3A_860 : vector<16xf32>
        %add3A_862 = arith.addf %add3A_846, %add3A_861 : vector<16xf32>
        %mul3A_863 = arith.mulf %add3A_861, %add3A_861 : vector<16xf32>
        %add3A_864 = arith.addf %add3A_848, %mul3A_863 : vector<16xf32>
        %swap3A_865 = arith.constant 656 : index
        %swap3A_866 = tpu.vector_load %arg24[%swap3A_865] {strides = array<i32>} : memref<1024xf32, #tpu.memory_space<vmem>>, vector<16xf32>,
        tpu.vector_store %arg24[%swap3A_865], %add3A_861 {strides = array<i32>} : memref<1024xf32, #tpu.memory_space<vmem>>, vector<16xf32>,
        %gather3A_867 = tpu.vector_load_idx %arg16[%add3A_513, %add3A_253] : memref<128x64xf32, #tpu.memory_space<vmem>>[vector<16xi32>, vector<16xi32>], vector<16xf32>,
        %gather3A_868 = tpu.vector_load_idx %arg18[%add3A_525, %add3A_253] : memref<1024x65xf32, #tpu.memory_space<vmem>>[vector<16xi32>, vector<16xi32>], vector<16xf32>,
        %add3A_869 = arith.addf %gather3A_867, %gather3A_868 : vector<16xf32>
        %add3A_870 = arith.addf %add3A_854, %add3A_869 : vector<16xf32>
        %mul3A_871 = arith.mulf %add3A_869, %add3A_869 : vector<16xf32>
        %add3A_872 = arith.addf %add3A_856, %mul3A_871 : vector<16xf32>
        %swap3A_873 = arith.constant 672 : index
        %swap3A_874 = tpu.vector_load %arg24[%swap3A_873] {strides = array<i32>} : memref<1024xf32, #tpu.memory_space<vmem>>, vector<16xf32>,
        tpu.vector_store %arg24[%swap3A_873], %add3A_869 {strides = array<i32>} : memref<1024xf32, #tpu.memory_space<vmem>>, vector<16xf32>,
        %gather3A_875 = tpu.vector_load_idx %arg16[%add3A_513, %add3A_256] : memref<128x64xf32, #tpu.memory_space<vmem>>[vector<16xi32>, vector<16xi32>], vector<16xf32>,
        %gather3A_876 = tpu.vector_load_idx %arg18[%add3A_525, %add3A_256] : memref<1024x65xf32, #tpu.memory_space<vmem>>[vector<16xi32>, vector<16xi32>], vector<16xf32>,
        %add3A_877 = arith.addf %gather3A_875, %gather3A_876 : vector<16xf32>
        %add3A_878 = arith.addf %add3A_862, %add3A_877 : vector<16xf32>
        %mul3A_879 = arith.mulf %add3A_877, %add3A_877 : vector<16xf32>
        %add3A_880 = arith.addf %add3A_864, %mul3A_879 : vector<16xf32>
        %swap3A_881 = arith.constant 688 : index
        %swap3A_882 = tpu.vector_load %arg24[%swap3A_881] {strides = array<i32>} : memref<1024xf32, #tpu.memory_space<vmem>>, vector<16xf32>,
        tpu.vector_store %arg24[%swap3A_881], %add3A_877 {strides = array<i32>} : memref<1024xf32, #tpu.memory_space<vmem>>, vector<16xf32>,
        %gather3A_883 = tpu.vector_load_idx %arg16[%add3A_513, %add3A_259] : memref<128x64xf32, #tpu.memory_space<vmem>>[vector<16xi32>, vector<16xi32>], vector<16xf32>,
        %gather3A_884 = tpu.vector_load_idx %arg18[%add3A_525, %add3A_259] : memref<1024x65xf32, #tpu.memory_space<vmem>>[vector<16xi32>, vector<16xi32>], vector<16xf32>,
        %add3A_885 = arith.addf %gather3A_883, %gather3A_884 : vector<16xf32>
        %add3A_886 = arith.addf %add3A_870, %add3A_885 : vector<16xf32>
        %mul3A_887 = arith.mulf %add3A_885, %add3A_885 : vector<16xf32>
        %add3A_888 = arith.addf %add3A_872, %mul3A_887 : vector<16xf32>
        %swap3A_889 = arith.constant 704 : index
        %swap3A_890 = tpu.vector_load %arg24[%swap3A_889] {strides = array<i32>} : memref<1024xf32, #tpu.memory_space<vmem>>, vector<16xf32>,
        tpu.vector_store %arg24[%swap3A_889], %add3A_885 {strides = array<i32>} : memref<1024xf32, #tpu.memory_space<vmem>>, vector<16xf32>,
        %gather3A_891 = tpu.vector_load_idx %arg16[%add3A_513, %add3A_262] : memref<128x64xf32, #tpu.memory_space<vmem>>[vector<16xi32>, vector<16xi32>], vector<16xf32>,
        %gather3A_892 = tpu.vector_load_idx %arg18[%add3A_525, %add3A_262] : memref<1024x65xf32, #tpu.memory_space<vmem>>[vector<16xi32>, vector<16xi32>], vector<16xf32>,
        %add3A_893 = arith.addf %gather3A_891, %gather3A_892 : vector<16xf32>
        %add3A_894 = arith.addf %add3A_878, %add3A_893 : vector<16xf32>
        %mul3A_895 = arith.mulf %add3A_893, %add3A_893 : vector<16xf32>
        %add3A_896 = arith.addf %add3A_880, %mul3A_895 : vector<16xf32>
        %swap3A_897 = arith.constant 720 : index
        %swap3A_898 = tpu.vector_load %arg24[%swap3A_897] {strides = array<i32>} : memref<1024xf32, #tpu.memory_space<vmem>>, vector<16xf32>,
        tpu.vector_store %arg24[%swap3A_897], %add3A_893 {strides = array<i32>} : memref<1024xf32, #tpu.memory_space<vmem>>, vector<16xf32>,
        %gather3A_899 = tpu.vector_load_idx %arg16[%add3A_513, %add3A_265] : memref<128x64xf32, #tpu.memory_space<vmem>>[vector<16xi32>, vector<16xi32>], vector<16xf32>,
        %gather3A_900 = tpu.vector_load_idx %arg18[%add3A_525, %add3A_265] : memref<1024x65xf32, #tpu.memory_space<vmem>>[vector<16xi32>, vector<16xi32>], vector<16xf32>,
        %add3A_901 = arith.addf %gather3A_899, %gather3A_900 : vector<16xf32>
        %add3A_902 = arith.addf %add3A_886, %add3A_901 : vector<16xf32>
        %mul3A_903 = arith.mulf %add3A_901, %add3A_901 : vector<16xf32>
        %add3A_904 = arith.addf %add3A_888, %mul3A_903 : vector<16xf32>
        %swap3A_905 = arith.constant 736 : index
        %swap3A_906 = tpu.vector_load %arg24[%swap3A_905] {strides = array<i32>} : memref<1024xf32, #tpu.memory_space<vmem>>, vector<16xf32>,
        tpu.vector_store %arg24[%swap3A_905], %add3A_901 {strides = array<i32>} : memref<1024xf32, #tpu.memory_space<vmem>>, vector<16xf32>,
        %gather3A_907 = tpu.vector_load_idx %arg16[%add3A_513, %add3A_268] : memref<128x64xf32, #tpu.memory_space<vmem>>[vector<16xi32>, vector<16xi32>], vector<16xf32>,
        %gather3A_908 = tpu.vector_load_idx %arg18[%add3A_525, %add3A_268] : memref<1024x65xf32, #tpu.memory_space<vmem>>[vector<16xi32>, vector<16xi32>], vector<16xf32>,
        %add3A_909 = arith.addf %gather3A_907, %gather3A_908 : vector<16xf32>
        %add3A_910 = arith.addf %add3A_894, %add3A_909 : vector<16xf32>
        %mul3A_911 = arith.mulf %add3A_909, %add3A_909 : vector<16xf32>
        %add3A_912 = arith.addf %add3A_896, %mul3A_911 : vector<16xf32>
        %swap3A_913 = arith.constant 752 : index
        %swap3A_914 = tpu.vector_load %arg24[%swap3A_913] {strides = array<i32>} : memref<1024xf32, #tpu.memory_space<vmem>>, vector<16xf32>,
        tpu.vector_store %arg24[%swap3A_913], %add3A_909 {strides = array<i32>} : memref<1024xf32, #tpu.memory_space<vmem>>, vector<16xf32>,
        %gather3A_915 = tpu.vector_load_idx %arg16[%add3A_513, %add3A_271] : memref<128x64xf32, #tpu.memory_space<vmem>>[vector<16xi32>, vector<16xi32>], vector<16xf32>,
        %gather3A_916 = tpu.vector_load_idx %arg18[%add3A_525, %add3A_271] : memref<1024x65xf32, #tpu.memory_space<vmem>>[vector<16xi32>, vector<16xi32>], vector<16xf32>,
        %add3A_917 = arith.addf %gather3A_915, %gather3A_916 : vector<16xf32>
        %add3A_918 = arith.addf %add3A_902, %add3A_917 : vector<16xf32>
        %mul3A_919 = arith.mulf %add3A_917, %add3A_917 : vector<16xf32>
        %add3A_920 = arith.addf %add3A_904, %mul3A_919 : vector<16xf32>
        %swap3A_921 = arith.constant 768 : index
        %swap3A_922 = tpu.vector_load %arg24[%swap3A_921] {strides = array<i32>} : memref<1024xf32, #tpu.memory_space<vmem>>, vector<16xf32>,
        tpu.vector_store %arg24[%swap3A_921], %add3A_917 {strides = array<i32>} : memref<1024xf32, #tpu.memory_space<vmem>>, vector<16xf32>,
        %gather3A_923 = tpu.vector_load_idx %arg16[%add3A_513, %add3A_274] : memref<128x64xf32, #tpu.memory_space<vmem>>[vector<16xi32>, vector<16xi32>], vector<16xf32>,
        %gather3A_924 = tpu.vector_load_idx %arg18[%add3A_525, %add3A_274] : memref<1024x65xf32, #tpu.memory_space<vmem>>[vector<16xi32>, vector<16xi32>], vector<16xf32>,
        %add3A_925 = arith.addf %gather3A_923, %gather3A_924 : vector<16xf32>
        %add3A_926 = arith.addf %add3A_910, %add3A_925 : vector<16xf32>
        %mul3A_927 = arith.mulf %add3A_925, %add3A_925 : vector<16xf32>
        %add3A_928 = arith.addf %add3A_912, %mul3A_927 : vector<16xf32>
        %swap3A_929 = arith.constant 784 : index
        %swap3A_930 = tpu.vector_load %arg24[%swap3A_929] {strides = array<i32>} : memref<1024xf32, #tpu.memory_space<vmem>>, vector<16xf32>,
        tpu.vector_store %arg24[%swap3A_929], %add3A_925 {strides = array<i32>} : memref<1024xf32, #tpu.memory_space<vmem>>, vector<16xf32>,
        %gather3A_931 = tpu.vector_load_idx %arg16[%add3A_513, %add3A_277] : memref<128x64xf32, #tpu.memory_space<vmem>>[vector<16xi32>, vector<16xi32>], vector<16xf32>,
        %gather3A_932 = tpu.vector_load_idx %arg18[%add3A_525, %add3A_277] : memref<1024x65xf32, #tpu.memory_space<vmem>>[vector<16xi32>, vector<16xi32>], vector<16xf32>,
        %add3A_933 = arith.addf %gather3A_931, %gather3A_932 : vector<16xf32>
        %add3A_934 = arith.addf %add3A_918, %add3A_933 : vector<16xf32>
        %mul3A_935 = arith.mulf %add3A_933, %add3A_933 : vector<16xf32>
        %add3A_936 = arith.addf %add3A_920, %mul3A_935 : vector<16xf32>
        %swap3A_937 = arith.constant 800 : index
        %swap3A_938 = tpu.vector_load %arg24[%swap3A_937] {strides = array<i32>} : memref<1024xf32, #tpu.memory_space<vmem>>, vector<16xf32>,
        tpu.vector_store %arg24[%swap3A_937], %add3A_933 {strides = array<i32>} : memref<1024xf32, #tpu.memory_space<vmem>>, vector<16xf32>,
        %gather3A_939 = tpu.vector_load_idx %arg16[%add3A_513, %add3A_280] : memref<128x64xf32, #tpu.memory_space<vmem>>[vector<16xi32>, vector<16xi32>], vector<16xf32>,
        %gather3A_940 = tpu.vector_load_idx %arg18[%add3A_525, %add3A_280] : memref<1024x65xf32, #tpu.memory_space<vmem>>[vector<16xi32>, vector<16xi32>], vector<16xf32>,
        %add3A_941 = arith.addf %gather3A_939, %gather3A_940 : vector<16xf32>
        %add3A_942 = arith.addf %add3A_926, %add3A_941 : vector<16xf32>
        %mul3A_943 = arith.mulf %add3A_941, %add3A_941 : vector<16xf32>
        %add3A_944 = arith.addf %add3A_928, %mul3A_943 : vector<16xf32>
        %swap3A_945 = arith.constant 816 : index
        %swap3A_946 = tpu.vector_load %arg24[%swap3A_945] {strides = array<i32>} : memref<1024xf32, #tpu.memory_space<vmem>>, vector<16xf32>,
        tpu.vector_store %arg24[%swap3A_945], %add3A_941 {strides = array<i32>} : memref<1024xf32, #tpu.memory_space<vmem>>, vector<16xf32>,
        %gather3A_947 = tpu.vector_load_idx %arg16[%add3A_513, %add3A_283] : memref<128x64xf32, #tpu.memory_space<vmem>>[vector<16xi32>, vector<16xi32>], vector<16xf32>,
        %gather3A_948 = tpu.vector_load_idx %arg18[%add3A_525, %add3A_283] : memref<1024x65xf32, #tpu.memory_space<vmem>>[vector<16xi32>, vector<16xi32>], vector<16xf32>,
        %add3A_949 = arith.addf %gather3A_947, %gather3A_948 : vector<16xf32>
        %add3A_950 = arith.addf %add3A_934, %add3A_949 : vector<16xf32>
        %mul3A_951 = arith.mulf %add3A_949, %add3A_949 : vector<16xf32>
        %add3A_952 = arith.addf %add3A_936, %mul3A_951 : vector<16xf32>
        %swap3A_953 = arith.constant 832 : index
        %swap3A_954 = tpu.vector_load %arg24[%swap3A_953] {strides = array<i32>} : memref<1024xf32, #tpu.memory_space<vmem>>, vector<16xf32>,
        tpu.vector_store %arg24[%swap3A_953], %add3A_949 {strides = array<i32>} : memref<1024xf32, #tpu.memory_space<vmem>>, vector<16xf32>,
        %gather3A_955 = tpu.vector_load_idx %arg16[%add3A_513, %add3A_286] : memref<128x64xf32, #tpu.memory_space<vmem>>[vector<16xi32>, vector<16xi32>], vector<16xf32>,
        %gather3A_956 = tpu.vector_load_idx %arg18[%add3A_525, %add3A_286] : memref<1024x65xf32, #tpu.memory_space<vmem>>[vector<16xi32>, vector<16xi32>], vector<16xf32>,
        %add3A_957 = arith.addf %gather3A_955, %gather3A_956 : vector<16xf32>
        %add3A_958 = arith.addf %add3A_942, %add3A_957 : vector<16xf32>
        %mul3A_959 = arith.mulf %add3A_957, %add3A_957 : vector<16xf32>
        %add3A_960 = arith.addf %add3A_944, %mul3A_959 : vector<16xf32>
        %swap3A_961 = arith.constant 848 : index
        %swap3A_962 = tpu.vector_load %arg24[%swap3A_961] {strides = array<i32>} : memref<1024xf32, #tpu.memory_space<vmem>>, vector<16xf32>,
        tpu.vector_store %arg24[%swap3A_961], %add3A_957 {strides = array<i32>} : memref<1024xf32, #tpu.memory_space<vmem>>, vector<16xf32>,
        %gather3A_963 = tpu.vector_load_idx %arg16[%add3A_513, %add3A_289] : memref<128x64xf32, #tpu.memory_space<vmem>>[vector<16xi32>, vector<16xi32>], vector<16xf32>,
        %gather3A_964 = tpu.vector_load_idx %arg18[%add3A_525, %add3A_289] : memref<1024x65xf32, #tpu.memory_space<vmem>>[vector<16xi32>, vector<16xi32>], vector<16xf32>,
        %add3A_965 = arith.addf %gather3A_963, %gather3A_964 : vector<16xf32>
        %add3A_966 = arith.addf %add3A_950, %add3A_965 : vector<16xf32>
        %mul3A_967 = arith.mulf %add3A_965, %add3A_965 : vector<16xf32>
        %add3A_968 = arith.addf %add3A_952, %mul3A_967 : vector<16xf32>
        %swap3A_969 = arith.constant 864 : index
        %swap3A_970 = tpu.vector_load %arg24[%swap3A_969] {strides = array<i32>} : memref<1024xf32, #tpu.memory_space<vmem>>, vector<16xf32>,
        tpu.vector_store %arg24[%swap3A_969], %add3A_965 {strides = array<i32>} : memref<1024xf32, #tpu.memory_space<vmem>>, vector<16xf32>,
        %gather3A_971 = tpu.vector_load_idx %arg16[%add3A_513, %add3A_292] : memref<128x64xf32, #tpu.memory_space<vmem>>[vector<16xi32>, vector<16xi32>], vector<16xf32>,
        %gather3A_972 = tpu.vector_load_idx %arg18[%add3A_525, %add3A_292] : memref<1024x65xf32, #tpu.memory_space<vmem>>[vector<16xi32>, vector<16xi32>], vector<16xf32>,
        %add3A_973 = arith.addf %gather3A_971, %gather3A_972 : vector<16xf32>
        %add3A_974 = arith.addf %add3A_958, %add3A_973 : vector<16xf32>
        %mul3A_975 = arith.mulf %add3A_973, %add3A_973 : vector<16xf32>
        %add3A_976 = arith.addf %add3A_960, %mul3A_975 : vector<16xf32>
        %swap3A_977 = arith.constant 880 : index
        %swap3A_978 = tpu.vector_load %arg24[%swap3A_977] {strides = array<i32>} : memref<1024xf32, #tpu.memory_space<vmem>>, vector<16xf32>,
        tpu.vector_store %arg24[%swap3A_977], %add3A_973 {strides = array<i32>} : memref<1024xf32, #tpu.memory_space<vmem>>, vector<16xf32>,
        %gather3A_979 = tpu.vector_load_idx %arg16[%add3A_513, %add3A_295] : memref<128x64xf32, #tpu.memory_space<vmem>>[vector<16xi32>, vector<16xi32>], vector<16xf32>,
        %gather3A_980 = tpu.vector_load_idx %arg18[%add3A_525, %add3A_295] : memref<1024x65xf32, #tpu.memory_space<vmem>>[vector<16xi32>, vector<16xi32>], vector<16xf32>,
        %add3A_981 = arith.addf %gather3A_979, %gather3A_980 : vector<16xf32>
        %add3A_982 = arith.addf %add3A_966, %add3A_981 : vector<16xf32>
        %mul3A_983 = arith.mulf %add3A_981, %add3A_981 : vector<16xf32>
        %add3A_984 = arith.addf %add3A_968, %mul3A_983 : vector<16xf32>
        %swap3A_985 = arith.constant 896 : index
        %swap3A_986 = tpu.vector_load %arg24[%swap3A_985] {strides = array<i32>} : memref<1024xf32, #tpu.memory_space<vmem>>, vector<16xf32>,
        tpu.vector_store %arg24[%swap3A_985], %add3A_981 {strides = array<i32>} : memref<1024xf32, #tpu.memory_space<vmem>>, vector<16xf32>,
        %gather3A_987 = tpu.vector_load_idx %arg16[%add3A_513, %add3A_298] : memref<128x64xf32, #tpu.memory_space<vmem>>[vector<16xi32>, vector<16xi32>], vector<16xf32>,
        %gather3A_988 = tpu.vector_load_idx %arg18[%add3A_525, %add3A_298] : memref<1024x65xf32, #tpu.memory_space<vmem>>[vector<16xi32>, vector<16xi32>], vector<16xf32>,
        %add3A_989 = arith.addf %gather3A_987, %gather3A_988 : vector<16xf32>
        %add3A_990 = arith.addf %add3A_974, %add3A_989 : vector<16xf32>
        %mul3A_991 = arith.mulf %add3A_989, %add3A_989 : vector<16xf32>
        %add3A_992 = arith.addf %add3A_976, %mul3A_991 : vector<16xf32>
        %swap3A_993 = arith.constant 912 : index
        %swap3A_994 = tpu.vector_load %arg24[%swap3A_993] {strides = array<i32>} : memref<1024xf32, #tpu.memory_space<vmem>>, vector<16xf32>,
        tpu.vector_store %arg24[%swap3A_993], %add3A_989 {strides = array<i32>} : memref<1024xf32, #tpu.memory_space<vmem>>, vector<16xf32>,
        %gather3A_995 = tpu.vector_load_idx %arg16[%add3A_513, %add3A_301] : memref<128x64xf32, #tpu.memory_space<vmem>>[vector<16xi32>, vector<16xi32>], vector<16xf32>,
        %gather3A_996 = tpu.vector_load_idx %arg18[%add3A_525, %add3A_301] : memref<1024x65xf32, #tpu.memory_space<vmem>>[vector<16xi32>, vector<16xi32>], vector<16xf32>,
        %add3A_997 = arith.addf %gather3A_995, %gather3A_996 : vector<16xf32>
        %add3A_998 = arith.addf %add3A_982, %add3A_997 : vector<16xf32>
        %mul3A_999 = arith.mulf %add3A_997, %add3A_997 : vector<16xf32>
        %add3A_1000 = arith.addf %add3A_984, %mul3A_999 : vector<16xf32>
        %swap3A_1001 = arith.constant 928 : index
        %swap3A_1002 = tpu.vector_load %arg24[%swap3A_1001] {strides = array<i32>} : memref<1024xf32, #tpu.memory_space<vmem>>, vector<16xf32>,
        tpu.vector_store %arg24[%swap3A_1001], %add3A_997 {strides = array<i32>} : memref<1024xf32, #tpu.memory_space<vmem>>, vector<16xf32>,
        %gather3A_1003 = tpu.vector_load_idx %arg16[%add3A_513, %add3A_304] : memref<128x64xf32, #tpu.memory_space<vmem>>[vector<16xi32>, vector<16xi32>], vector<16xf32>,
        %gather3A_1004 = tpu.vector_load_idx %arg18[%add3A_525, %add3A_304] : memref<1024x65xf32, #tpu.memory_space<vmem>>[vector<16xi32>, vector<16xi32>], vector<16xf32>,
        %add3A_1005 = arith.addf %gather3A_1003, %gather3A_1004 : vector<16xf32>
        %add3A_1006 = arith.addf %add3A_990, %add3A_1005 : vector<16xf32>
        %mul3A_1007 = arith.mulf %add3A_1005, %add3A_1005 : vector<16xf32>
        %add3A_1008 = arith.addf %add3A_992, %mul3A_1007 : vector<16xf32>
        %swap3A_1009 = arith.constant 944 : index
        %swap3A_1010 = tpu.vector_load %arg24[%swap3A_1009] {strides = array<i32>} : memref<1024xf32, #tpu.memory_space<vmem>>, vector<16xf32>,
        tpu.vector_store %arg24[%swap3A_1009], %add3A_1005 {strides = array<i32>} : memref<1024xf32, #tpu.memory_space<vmem>>, vector<16xf32>,
        %gather3A_1011 = tpu.vector_load_idx %arg16[%add3A_513, %add3A_307] : memref<128x64xf32, #tpu.memory_space<vmem>>[vector<16xi32>, vector<16xi32>], vector<16xf32>,
        %gather3A_1012 = tpu.vector_load_idx %arg18[%add3A_525, %add3A_307] : memref<1024x65xf32, #tpu.memory_space<vmem>>[vector<16xi32>, vector<16xi32>], vector<16xf32>,
        %add3A_1013 = arith.addf %gather3A_1011, %gather3A_1012 : vector<16xf32>
        %add3A_1014 = arith.addf %add3A_998, %add3A_1013 : vector<16xf32>
        %mul3A_1015 = arith.mulf %add3A_1013, %add3A_1013 : vector<16xf32>
        %add3A_1016 = arith.addf %add3A_1000, %mul3A_1015 : vector<16xf32>
        %swap3A_1017 = arith.constant 960 : index
        %swap3A_1018 = tpu.vector_load %arg24[%swap3A_1017] {strides = array<i32>} : memref<1024xf32, #tpu.memory_space<vmem>>, vector<16xf32>,
        tpu.vector_store %arg24[%swap3A_1017], %add3A_1013 {strides = array<i32>} : memref<1024xf32, #tpu.memory_space<vmem>>, vector<16xf32>,
        %gather3A_1019 = tpu.vector_load_idx %arg16[%add3A_513, %add3A_310] : memref<128x64xf32, #tpu.memory_space<vmem>>[vector<16xi32>, vector<16xi32>], vector<16xf32>,
        %gather3A_1020 = tpu.vector_load_idx %arg18[%add3A_525, %add3A_310] : memref<1024x65xf32, #tpu.memory_space<vmem>>[vector<16xi32>, vector<16xi32>], vector<16xf32>,
        %add3A_1021 = arith.addf %gather3A_1019, %gather3A_1020 : vector<16xf32>
        %add3A_1022 = arith.addf %add3A_1006, %add3A_1021 : vector<16xf32>
        %mul3A_1023 = arith.mulf %add3A_1021, %add3A_1021 : vector<16xf32>
        %add3A_1024 = arith.addf %add3A_1008, %mul3A_1023 : vector<16xf32>
        %swap3A_1025 = arith.constant 976 : index
        %swap3A_1026 = tpu.vector_load %arg24[%swap3A_1025] {strides = array<i32>} : memref<1024xf32, #tpu.memory_space<vmem>>, vector<16xf32>,
        tpu.vector_store %arg24[%swap3A_1025], %add3A_1021 {strides = array<i32>} : memref<1024xf32, #tpu.memory_space<vmem>>, vector<16xf32>,
        %gather3A_1027 = tpu.vector_load_idx %arg16[%add3A_513, %add3A_313] : memref<128x64xf32, #tpu.memory_space<vmem>>[vector<16xi32>, vector<16xi32>], vector<16xf32>,
        %gather3A_1028 = tpu.vector_load_idx %arg18[%add3A_525, %add3A_313] : memref<1024x65xf32, #tpu.memory_space<vmem>>[vector<16xi32>, vector<16xi32>], vector<16xf32>,
        %add3A_1029 = arith.addf %gather3A_1027, %gather3A_1028 : vector<16xf32>
        %add3A_1030 = arith.addf %add3A_1014, %add3A_1029 : vector<16xf32>
        %mul3A_1031 = arith.mulf %add3A_1029, %add3A_1029 : vector<16xf32>
        %add3A_1032 = arith.addf %add3A_1016, %mul3A_1031 : vector<16xf32>
        %swap3A_1033 = arith.constant 992 : index
        %swap3A_1034 = tpu.vector_load %arg24[%swap3A_1033] {strides = array<i32>} : memref<1024xf32, #tpu.memory_space<vmem>>, vector<16xf32>,
        tpu.vector_store %arg24[%swap3A_1033], %add3A_1029 {strides = array<i32>} : memref<1024xf32, #tpu.memory_space<vmem>>, vector<16xf32>,
        %gather3A_1035 = tpu.vector_load_idx %arg16[%add3A_513, %add3A_316] : memref<128x64xf32, #tpu.memory_space<vmem>>[vector<16xi32>, vector<16xi32>], vector<16xf32>,
        %gather3A_1036 = tpu.vector_load_idx %arg18[%add3A_525, %add3A_316] : memref<1024x65xf32, #tpu.memory_space<vmem>>[vector<16xi32>, vector<16xi32>], vector<16xf32>,
        %add3A_1037 = arith.addf %gather3A_1035, %gather3A_1036 : vector<16xf32>
        %add3A_1038 = arith.addf %add3A_1022, %add3A_1037 : vector<16xf32>
        %mul3A_1039 = arith.mulf %add3A_1037, %add3A_1037 : vector<16xf32>
        %add3A_1040 = arith.addf %add3A_1024, %mul3A_1039 : vector<16xf32>
        %swap3A_1041 = arith.constant 1008 : index
        %swap3A_1042 = tpu.vector_load %arg24[%swap3A_1041] {strides = array<i32>} : memref<1024xf32, #tpu.memory_space<vmem>>, vector<16xf32>,
        tpu.vector_store %arg24[%swap3A_1041], %add3A_1037 {strides = array<i32>} : memref<1024xf32, #tpu.memory_space<vmem>>, vector<16xf32>,
        %add3A_1043 = arith.addf %add3A_1030, %add3A_1038 : vector<16xf32>
        %add3A_1044 = arith.addf %add3A_1032, %add3A_1040 : vector<16xf32>
        %mul3A_1045 = arith.constant 1.562500e-02 : f32
        %mul3A_1046 = vector.broadcast %mul3A_1045 : f32 to vector<16xf32>
        %mul3A_1047 = arith.mulf %add3A_1043, %mul3A_1046 : vector<16xf32>
        %mul3A_1048 = arith.constant 1.562500e-02 : f32
        %mul3A_1049 = vector.broadcast %mul3A_1048 : f32 to vector<16xf32>
        %mul3A_1050 = arith.mulf %add3A_1044, %mul3A_1049 : vector<16xf32>
        %mul3A_1051 = arith.mulf %mul3A_1047, %mul3A_1047 : vector<16xf32>
        %sub3A = arith.subf %mul3A_1050, %mul3A_1051 : vector<16xf32>
        %add3A_1052 = arith.constant 9.99999974E-6 : f32
        %add3A_1053 = vector.broadcast %add3A_1052 : f32 to vector<16xf32>
        %add3A_1054 = arith.addf %sub3A, %add3A_1053 : vector<16xf32>
        %bitcast_convert_type3A = tpu.bitcast %add3A_1054 : vector<16xf32> -> vector<16xi32>
        %shift_right_arithmetic3A = arith.constant 1 : i32
        %shift_right_arithmetic3A_1055 = vector.broadcast %shift_right_arithmetic3A : i32 to vector<16xi32>
        %shift_right_arithmetic3A_1056 = arith.shrsi %bitcast_convert_type3A, %shift_right_arithmetic3A_1055 : vector<16xi32>
        %sub3A_1057 = arith.constant 1597463007 : i32
        %sub3A_1058 = vector.broadcast %sub3A_1057 : i32 to vector<16xi32>
        %sub3A_1059 = arith.subi %sub3A_1058, %shift_right_arithmetic3A_1056 : vector<16xi32>
        %bitcast_convert_type3A_1060 = tpu.bitcast %sub3A_1059 : vector<16xi32> -> vector<16xf32>
        %mul3A_1061 = arith.constant 5.000000e-01 : f32
        %mul3A_1062 = vector.broadcast %mul3A_1061 : f32 to vector<16xf32>
        %mul3A_1063 = arith.mulf %add3A_1054, %mul3A_1062 : vector<16xf32>
        %mul3A_1064 = arith.mulf %mul3A_1063, %bitcast_convert_type3A_1060 : vector<16xf32>
        %mul3A_1065 = arith.mulf %mul3A_1064, %bitcast_convert_type3A_1060 : vector<16xf32>
        %sub3A_1066 = arith.constant 1.500000e+00 : f32
        %sub3A_1067 = vector.broadcast %sub3A_1066 : f32 to vector<16xf32>
        %sub3A_1068 = arith.subf %sub3A_1067, %mul3A_1065 : vector<16xf32>
        %mul3A_1069 = arith.mulf %bitcast_convert_type3A_1060, %sub3A_1068 : vector<16xf32>
        %mul3A_1070 = arith.mulf %mul3A_1063, %mul3A_1069 : vector<16xf32>
        %mul3A_1071 = arith.mulf %mul3A_1070, %mul3A_1069 : vector<16xf32>
        %sub3A_1072 = arith.constant 1.500000e+00 : f32
        %sub3A_1073 = vector.broadcast %sub3A_1072 : f32 to vector<16xf32>
        %sub3A_1074 = arith.subf %sub3A_1073, %mul3A_1071 : vector<16xf32>
        %mul3A_1075 = arith.mulf %mul3A_1069, %sub3A_1074 : vector<16xf32>
        %mul3A_1076 = arith.mulf %mul3A_1063, %mul3A_1075 : vector<16xf32>
        %mul3A_1077 = arith.mulf %mul3A_1076, %mul3A_1075 : vector<16xf32>
        %sub3A_1078 = arith.constant 1.500000e+00 : f32
        %sub3A_1079 = vector.broadcast %sub3A_1078 : f32 to vector<16xf32>
        %sub3A_1080 = arith.subf %sub3A_1079, %mul3A_1077 : vector<16xf32>
        %mul3A_1081 = arith.mulf %mul3A_1075, %sub3A_1080 : vector<16xf32>
        %neg3A = arith.constant 0.000000e+00 : f32
        %neg3A_1082 = vector.broadcast %neg3A : f32 to vector<16xf32>
        %neg3A_1083 = arith.subf %neg3A_1082, %mul3A_1047 : vector<16xf32>
        %mul3A_1084 = arith.mulf %neg3A_1083, %mul3A_1081 : vector<16xf32>
        %get3A_1085 = arith.constant 0 : index
        %get3A_1086 = tpu.vector_load %arg24[%get3A_1085] {strides = array<i32>} : memref<1024xf32, #tpu.memory_space<vmem>>, vector<16xf32>,
        %mul3A_1087 = arith.mulf %get3A_1086, %mul3A_1081 : vector<16xf32>
        %add3A_1088 = arith.addf %mul3A_1087, %mul3A_1084 : vector<16xf32>
        tpu.vector_store_idx %arg19[%add3A_513, %add3A_127], %add3A_1088 : memref<128x66xf32, #tpu.memory_space<vmem>>[vector<16xi32>, vector<16xi32>], vector<16xf32>,
        %get3A_1089 = arith.constant 16 : index
        %get3A_1090 = tpu.vector_load %arg24[%get3A_1089] {strides = array<i32>} : memref<1024xf32, #tpu.memory_space<vmem>>, vector<16xf32>,
        %mul3A_1091 = arith.mulf %get3A_1090, %mul3A_1081 : vector<16xf32>
        %add3A_1092 = arith.addf %mul3A_1091, %mul3A_1084 : vector<16xf32>
        tpu.vector_store_idx %arg19[%add3A_513, %add3A_130], %add3A_1092 : memref<128x66xf32, #tpu.memory_space<vmem>>[vector<16xi32>, vector<16xi32>], vector<16xf32>,
        %get3A_1093 = arith.constant 32 : index
        %get3A_1094 = tpu.vector_load %arg24[%get3A_1093] {strides = array<i32>} : memref<1024xf32, #tpu.memory_space<vmem>>, vector<16xf32>,
        %mul3A_1095 = arith.mulf %get3A_1094, %mul3A_1081 : vector<16xf32>
        %add3A_1096 = arith.addf %mul3A_1095, %mul3A_1084 : vector<16xf32>
        tpu.vector_store_idx %arg19[%add3A_513, %add3A_133], %add3A_1096 : memref<128x66xf32, #tpu.memory_space<vmem>>[vector<16xi32>, vector<16xi32>], vector<16xf32>,
        %get3A_1097 = arith.constant 48 : index
        %get3A_1098 = tpu.vector_load %arg24[%get3A_1097] {strides = array<i32>} : memref<1024xf32, #tpu.memory_space<vmem>>, vector<16xf32>,
        %mul3A_1099 = arith.mulf %get3A_1098, %mul3A_1081 : vector<16xf32>
        %add3A_1100 = arith.addf %mul3A_1099, %mul3A_1084 : vector<16xf32>
        tpu.vector_store_idx %arg19[%add3A_513, %add3A_136], %add3A_1100 : memref<128x66xf32, #tpu.memory_space<vmem>>[vector<16xi32>, vector<16xi32>], vector<16xf32>,
        %get3A_1101 = arith.constant 64 : index
        %get3A_1102 = tpu.vector_load %arg24[%get3A_1101] {strides = array<i32>} : memref<1024xf32, #tpu.memory_space<vmem>>, vector<16xf32>,
        %mul3A_1103 = arith.mulf %get3A_1102, %mul3A_1081 : vector<16xf32>
        %add3A_1104 = arith.addf %mul3A_1103, %mul3A_1084 : vector<16xf32>
        tpu.vector_store_idx %arg19[%add3A_513, %add3A_139], %add3A_1104 : memref<128x66xf32, #tpu.memory_space<vmem>>[vector<16xi32>, vector<16xi32>], vector<16xf32>,
        %get3A_1105 = arith.constant 80 : index
        %get3A_1106 = tpu.vector_load %arg24[%get3A_1105] {strides = array<i32>} : memref<1024xf32, #tpu.memory_space<vmem>>, vector<16xf32>,
        %mul3A_1107 = arith.mulf %get3A_1106, %mul3A_1081 : vector<16xf32>
        %add3A_1108 = arith.addf %mul3A_1107, %mul3A_1084 : vector<16xf32>
        tpu.vector_store_idx %arg19[%add3A_513, %add3A_142], %add3A_1108 : memref<128x66xf32, #tpu.memory_space<vmem>>[vector<16xi32>, vector<16xi32>], vector<16xf32>,
        %get3A_1109 = arith.constant 96 : index
        %get3A_1110 = tpu.vector_load %arg24[%get3A_1109] {strides = array<i32>} : memref<1024xf32, #tpu.memory_space<vmem>>, vector<16xf32>,
        %mul3A_1111 = arith.mulf %get3A_1110, %mul3A_1081 : vector<16xf32>
        %add3A_1112 = arith.addf %mul3A_1111, %mul3A_1084 : vector<16xf32>
        tpu.vector_store_idx %arg19[%add3A_513, %add3A_145], %add3A_1112 : memref<128x66xf32, #tpu.memory_space<vmem>>[vector<16xi32>, vector<16xi32>], vector<16xf32>,
        %get3A_1113 = arith.constant 112 : index
        %get3A_1114 = tpu.vector_load %arg24[%get3A_1113] {strides = array<i32>} : memref<1024xf32, #tpu.memory_space<vmem>>, vector<16xf32>,
        %mul3A_1115 = arith.mulf %get3A_1114, %mul3A_1081 : vector<16xf32>
        %add3A_1116 = arith.addf %mul3A_1115, %mul3A_1084 : vector<16xf32>
        tpu.vector_store_idx %arg19[%add3A_513, %add3A_148], %add3A_1116 : memref<128x66xf32, #tpu.memory_space<vmem>>[vector<16xi32>, vector<16xi32>], vector<16xf32>,
        %get3A_1117 = arith.constant 128 : index
        %get3A_1118 = tpu.vector_load %arg24[%get3A_1117] {strides = array<i32>} : memref<1024xf32, #tpu.memory_space<vmem>>, vector<16xf32>,
        %mul3A_1119 = arith.mulf %get3A_1118, %mul3A_1081 : vector<16xf32>
        %add3A_1120 = arith.addf %mul3A_1119, %mul3A_1084 : vector<16xf32>
        tpu.vector_store_idx %arg19[%add3A_513, %add3A_151], %add3A_1120 : memref<128x66xf32, #tpu.memory_space<vmem>>[vector<16xi32>, vector<16xi32>], vector<16xf32>,
        %get3A_1121 = arith.constant 144 : index
        %get3A_1122 = tpu.vector_load %arg24[%get3A_1121] {strides = array<i32>} : memref<1024xf32, #tpu.memory_space<vmem>>, vector<16xf32>,
        %mul3A_1123 = arith.mulf %get3A_1122, %mul3A_1081 : vector<16xf32>
        %add3A_1124 = arith.addf %mul3A_1123, %mul3A_1084 : vector<16xf32>
        tpu.vector_store_idx %arg19[%add3A_513, %add3A_154], %add3A_1124 : memref<128x66xf32, #tpu.memory_space<vmem>>[vector<16xi32>, vector<16xi32>], vector<16xf32>,
        %get3A_1125 = arith.constant 160 : index
        %get3A_1126 = tpu.vector_load %arg24[%get3A_1125] {strides = array<i32>} : memref<1024xf32, #tpu.memory_space<vmem>>, vector<16xf32>,
        %mul3A_1127 = arith.mulf %get3A_1126, %mul3A_1081 : vector<16xf32>
        %add3A_1128 = arith.addf %mul3A_1127, %mul3A_1084 : vector<16xf32>
        tpu.vector_store_idx %arg19[%add3A_513, %add3A_157], %add3A_1128 : memref<128x66xf32, #tpu.memory_space<vmem>>[vector<16xi32>, vector<16xi32>], vector<16xf32>,
        %get3A_1129 = arith.constant 176 : index
        %get3A_1130 = tpu.vector_load %arg24[%get3A_1129] {strides = array<i32>} : memref<1024xf32, #tpu.memory_space<vmem>>, vector<16xf32>,
        %mul3A_1131 = arith.mulf %get3A_1130, %mul3A_1081 : vector<16xf32>
        %add3A_1132 = arith.addf %mul3A_1131, %mul3A_1084 : vector<16xf32>
        tpu.vector_store_idx %arg19[%add3A_513, %add3A_160], %add3A_1132 : memref<128x66xf32, #tpu.memory_space<vmem>>[vector<16xi32>, vector<16xi32>], vector<16xf32>,
        %get3A_1133 = arith.constant 192 : index
        %get3A_1134 = tpu.vector_load %arg24[%get3A_1133] {strides = array<i32>} : memref<1024xf32, #tpu.memory_space<vmem>>, vector<16xf32>,
        %mul3A_1135 = arith.mulf %get3A_1134, %mul3A_1081 : vector<16xf32>
        %add3A_1136 = arith.addf %mul3A_1135, %mul3A_1084 : vector<16xf32>
        tpu.vector_store_idx %arg19[%add3A_513, %add3A_163], %add3A_1136 : memref<128x66xf32, #tpu.memory_space<vmem>>[vector<16xi32>, vector<16xi32>], vector<16xf32>,
        %get3A_1137 = arith.constant 208 : index
        %get3A_1138 = tpu.vector_load %arg24[%get3A_1137] {strides = array<i32>} : memref<1024xf32, #tpu.memory_space<vmem>>, vector<16xf32>,
        %mul3A_1139 = arith.mulf %get3A_1138, %mul3A_1081 : vector<16xf32>
        %add3A_1140 = arith.addf %mul3A_1139, %mul3A_1084 : vector<16xf32>
        tpu.vector_store_idx %arg19[%add3A_513, %add3A_166], %add3A_1140 : memref<128x66xf32, #tpu.memory_space<vmem>>[vector<16xi32>, vector<16xi32>], vector<16xf32>,
        %get3A_1141 = arith.constant 224 : index
        %get3A_1142 = tpu.vector_load %arg24[%get3A_1141] {strides = array<i32>} : memref<1024xf32, #tpu.memory_space<vmem>>, vector<16xf32>,
        %mul3A_1143 = arith.mulf %get3A_1142, %mul3A_1081 : vector<16xf32>
        %add3A_1144 = arith.addf %mul3A_1143, %mul3A_1084 : vector<16xf32>
        tpu.vector_store_idx %arg19[%add3A_513, %add3A_169], %add3A_1144 : memref<128x66xf32, #tpu.memory_space<vmem>>[vector<16xi32>, vector<16xi32>], vector<16xf32>,
        %get3A_1145 = arith.constant 240 : index
        %get3A_1146 = tpu.vector_load %arg24[%get3A_1145] {strides = array<i32>} : memref<1024xf32, #tpu.memory_space<vmem>>, vector<16xf32>,
        %mul3A_1147 = arith.mulf %get3A_1146, %mul3A_1081 : vector<16xf32>
        %add3A_1148 = arith.addf %mul3A_1147, %mul3A_1084 : vector<16xf32>
        tpu.vector_store_idx %arg19[%add3A_513, %add3A_172], %add3A_1148 : memref<128x66xf32, #tpu.memory_space<vmem>>[vector<16xi32>, vector<16xi32>], vector<16xf32>,
        %get3A_1149 = arith.constant 256 : index
        %get3A_1150 = tpu.vector_load %arg24[%get3A_1149] {strides = array<i32>} : memref<1024xf32, #tpu.memory_space<vmem>>, vector<16xf32>,
        %mul3A_1151 = arith.mulf %get3A_1150, %mul3A_1081 : vector<16xf32>
        %add3A_1152 = arith.addf %mul3A_1151, %mul3A_1084 : vector<16xf32>
        tpu.vector_store_idx %arg19[%add3A_513, %add3A_175], %add3A_1152 : memref<128x66xf32, #tpu.memory_space<vmem>>[vector<16xi32>, vector<16xi32>], vector<16xf32>,
        %get3A_1153 = arith.constant 272 : index
        %get3A_1154 = tpu.vector_load %arg24[%get3A_1153] {strides = array<i32>} : memref<1024xf32, #tpu.memory_space<vmem>>, vector<16xf32>,
        %mul3A_1155 = arith.mulf %get3A_1154, %mul3A_1081 : vector<16xf32>
        %add3A_1156 = arith.addf %mul3A_1155, %mul3A_1084 : vector<16xf32>
        tpu.vector_store_idx %arg19[%add3A_513, %add3A_178], %add3A_1156 : memref<128x66xf32, #tpu.memory_space<vmem>>[vector<16xi32>, vector<16xi32>], vector<16xf32>,
        %get3A_1157 = arith.constant 288 : index
        %get3A_1158 = tpu.vector_load %arg24[%get3A_1157] {strides = array<i32>} : memref<1024xf32, #tpu.memory_space<vmem>>, vector<16xf32>,
        %mul3A_1159 = arith.mulf %get3A_1158, %mul3A_1081 : vector<16xf32>
        %add3A_1160 = arith.addf %mul3A_1159, %mul3A_1084 : vector<16xf32>
        tpu.vector_store_idx %arg19[%add3A_513, %add3A_181], %add3A_1160 : memref<128x66xf32, #tpu.memory_space<vmem>>[vector<16xi32>, vector<16xi32>], vector<16xf32>,
        %get3A_1161 = arith.constant 304 : index
        %get3A_1162 = tpu.vector_load %arg24[%get3A_1161] {strides = array<i32>} : memref<1024xf32, #tpu.memory_space<vmem>>, vector<16xf32>,
        %mul3A_1163 = arith.mulf %get3A_1162, %mul3A_1081 : vector<16xf32>
        %add3A_1164 = arith.addf %mul3A_1163, %mul3A_1084 : vector<16xf32>
        tpu.vector_store_idx %arg19[%add3A_513, %add3A_184], %add3A_1164 : memref<128x66xf32, #tpu.memory_space<vmem>>[vector<16xi32>, vector<16xi32>], vector<16xf32>,
        %get3A_1165 = arith.constant 320 : index
        %get3A_1166 = tpu.vector_load %arg24[%get3A_1165] {strides = array<i32>} : memref<1024xf32, #tpu.memory_space<vmem>>, vector<16xf32>,
        %mul3A_1167 = arith.mulf %get3A_1166, %mul3A_1081 : vector<16xf32>
        %add3A_1168 = arith.addf %mul3A_1167, %mul3A_1084 : vector<16xf32>
        tpu.vector_store_idx %arg19[%add3A_513, %add3A_187], %add3A_1168 : memref<128x66xf32, #tpu.memory_space<vmem>>[vector<16xi32>, vector<16xi32>], vector<16xf32>,
        %get3A_1169 = arith.constant 336 : index
        %get3A_1170 = tpu.vector_load %arg24[%get3A_1169] {strides = array<i32>} : memref<1024xf32, #tpu.memory_space<vmem>>, vector<16xf32>,
        %mul3A_1171 = arith.mulf %get3A_1170, %mul3A_1081 : vector<16xf32>
        %add3A_1172 = arith.addf %mul3A_1171, %mul3A_1084 : vector<16xf32>
        tpu.vector_store_idx %arg19[%add3A_513, %add3A_190], %add3A_1172 : memref<128x66xf32, #tpu.memory_space<vmem>>[vector<16xi32>, vector<16xi32>], vector<16xf32>,
        %get3A_1173 = arith.constant 352 : index
        %get3A_1174 = tpu.vector_load %arg24[%get3A_1173] {strides = array<i32>} : memref<1024xf32, #tpu.memory_space<vmem>>, vector<16xf32>,
        %mul3A_1175 = arith.mulf %get3A_1174, %mul3A_1081 : vector<16xf32>
        %add3A_1176 = arith.addf %mul3A_1175, %mul3A_1084 : vector<16xf32>
        tpu.vector_store_idx %arg19[%add3A_513, %add3A_193], %add3A_1176 : memref<128x66xf32, #tpu.memory_space<vmem>>[vector<16xi32>, vector<16xi32>], vector<16xf32>,
        %get3A_1177 = arith.constant 368 : index
        %get3A_1178 = tpu.vector_load %arg24[%get3A_1177] {strides = array<i32>} : memref<1024xf32, #tpu.memory_space<vmem>>, vector<16xf32>,
        %mul3A_1179 = arith.mulf %get3A_1178, %mul3A_1081 : vector<16xf32>
        %add3A_1180 = arith.addf %mul3A_1179, %mul3A_1084 : vector<16xf32>
        tpu.vector_store_idx %arg19[%add3A_513, %add3A_196], %add3A_1180 : memref<128x66xf32, #tpu.memory_space<vmem>>[vector<16xi32>, vector<16xi32>], vector<16xf32>,
        %get3A_1181 = arith.constant 384 : index
        %get3A_1182 = tpu.vector_load %arg24[%get3A_1181] {strides = array<i32>} : memref<1024xf32, #tpu.memory_space<vmem>>, vector<16xf32>,
        %mul3A_1183 = arith.mulf %get3A_1182, %mul3A_1081 : vector<16xf32>
        %add3A_1184 = arith.addf %mul3A_1183, %mul3A_1084 : vector<16xf32>
        tpu.vector_store_idx %arg19[%add3A_513, %add3A_199], %add3A_1184 : memref<128x66xf32, #tpu.memory_space<vmem>>[vector<16xi32>, vector<16xi32>], vector<16xf32>,
        %get3A_1185 = arith.constant 400 : index
        %get3A_1186 = tpu.vector_load %arg24[%get3A_1185] {strides = array<i32>} : memref<1024xf32, #tpu.memory_space<vmem>>, vector<16xf32>,
        %mul3A_1187 = arith.mulf %get3A_1186, %mul3A_1081 : vector<16xf32>
        %add3A_1188 = arith.addf %mul3A_1187, %mul3A_1084 : vector<16xf32>
        tpu.vector_store_idx %arg19[%add3A_513, %add3A_202], %add3A_1188 : memref<128x66xf32, #tpu.memory_space<vmem>>[vector<16xi32>, vector<16xi32>], vector<16xf32>,
        %get3A_1189 = arith.constant 416 : index
        %get3A_1190 = tpu.vector_load %arg24[%get3A_1189] {strides = array<i32>} : memref<1024xf32, #tpu.memory_space<vmem>>, vector<16xf32>,
        %mul3A_1191 = arith.mulf %get3A_1190, %mul3A_1081 : vector<16xf32>
        %add3A_1192 = arith.addf %mul3A_1191, %mul3A_1084 : vector<16xf32>
        tpu.vector_store_idx %arg19[%add3A_513, %add3A_205], %add3A_1192 : memref<128x66xf32, #tpu.memory_space<vmem>>[vector<16xi32>, vector<16xi32>], vector<16xf32>,
        %get3A_1193 = arith.constant 432 : index
        %get3A_1194 = tpu.vector_load %arg24[%get3A_1193] {strides = array<i32>} : memref<1024xf32, #tpu.memory_space<vmem>>, vector<16xf32>,
        %mul3A_1195 = arith.mulf %get3A_1194, %mul3A_1081 : vector<16xf32>
        %add3A_1196 = arith.addf %mul3A_1195, %mul3A_1084 : vector<16xf32>
        tpu.vector_store_idx %arg19[%add3A_513, %add3A_208], %add3A_1196 : memref<128x66xf32, #tpu.memory_space<vmem>>[vector<16xi32>, vector<16xi32>], vector<16xf32>,
        %get3A_1197 = arith.constant 448 : index
        %get3A_1198 = tpu.vector_load %arg24[%get3A_1197] {strides = array<i32>} : memref<1024xf32, #tpu.memory_space<vmem>>, vector<16xf32>,
        %mul3A_1199 = arith.mulf %get3A_1198, %mul3A_1081 : vector<16xf32>
        %add3A_1200 = arith.addf %mul3A_1199, %mul3A_1084 : vector<16xf32>
        tpu.vector_store_idx %arg19[%add3A_513, %add3A_211], %add3A_1200 : memref<128x66xf32, #tpu.memory_space<vmem>>[vector<16xi32>, vector<16xi32>], vector<16xf32>,
        %get3A_1201 = arith.constant 464 : index
        %get3A_1202 = tpu.vector_load %arg24[%get3A_1201] {strides = array<i32>} : memref<1024xf32, #tpu.memory_space<vmem>>, vector<16xf32>,
        %mul3A_1203 = arith.mulf %get3A_1202, %mul3A_1081 : vector<16xf32>
        %add3A_1204 = arith.addf %mul3A_1203, %mul3A_1084 : vector<16xf32>
        tpu.vector_store_idx %arg19[%add3A_513, %add3A_214], %add3A_1204 : memref<128x66xf32, #tpu.memory_space<vmem>>[vector<16xi32>, vector<16xi32>], vector<16xf32>,
        %get3A_1205 = arith.constant 480 : index
        %get3A_1206 = tpu.vector_load %arg24[%get3A_1205] {strides = array<i32>} : memref<1024xf32, #tpu.memory_space<vmem>>, vector<16xf32>,
        %mul3A_1207 = arith.mulf %get3A_1206, %mul3A_1081 : vector<16xf32>
        %add3A_1208 = arith.addf %mul3A_1207, %mul3A_1084 : vector<16xf32>
        tpu.vector_store_idx %arg19[%add3A_513, %add3A_217], %add3A_1208 : memref<128x66xf32, #tpu.memory_space<vmem>>[vector<16xi32>, vector<16xi32>], vector<16xf32>,
        %get3A_1209 = arith.constant 496 : index
        %get3A_1210 = tpu.vector_load %arg24[%get3A_1209] {strides = array<i32>} : memref<1024xf32, #tpu.memory_space<vmem>>, vector<16xf32>,
        %mul3A_1211 = arith.mulf %get3A_1210, %mul3A_1081 : vector<16xf32>
        %add3A_1212 = arith.addf %mul3A_1211, %mul3A_1084 : vector<16xf32>
        tpu.vector_store_idx %arg19[%add3A_513, %add3A_220], %add3A_1212 : memref<128x66xf32, #tpu.memory_space<vmem>>[vector<16xi32>, vector<16xi32>], vector<16xf32>,
        %get3A_1213 = arith.constant 512 : index
        %get3A_1214 = tpu.vector_load %arg24[%get3A_1213] {strides = array<i32>} : memref<1024xf32, #tpu.memory_space<vmem>>, vector<16xf32>,
        %mul3A_1215 = arith.mulf %get3A_1214, %mul3A_1081 : vector<16xf32>
        %add3A_1216 = arith.addf %mul3A_1215, %mul3A_1084 : vector<16xf32>
        tpu.vector_store_idx %arg19[%add3A_513, %add3A_223], %add3A_1216 : memref<128x66xf32, #tpu.memory_space<vmem>>[vector<16xi32>, vector<16xi32>], vector<16xf32>,
        %get3A_1217 = arith.constant 528 : index
        %get3A_1218 = tpu.vector_load %arg24[%get3A_1217] {strides = array<i32>} : memref<1024xf32, #tpu.memory_space<vmem>>, vector<16xf32>,
        %mul3A_1219 = arith.mulf %get3A_1218, %mul3A_1081 : vector<16xf32>
        %add3A_1220 = arith.addf %mul3A_1219, %mul3A_1084 : vector<16xf32>
        tpu.vector_store_idx %arg19[%add3A_513, %add3A_226], %add3A_1220 : memref<128x66xf32, #tpu.memory_space<vmem>>[vector<16xi32>, vector<16xi32>], vector<16xf32>,
        %get3A_1221 = arith.constant 544 : index
        %get3A_1222 = tpu.vector_load %arg24[%get3A_1221] {strides = array<i32>} : memref<1024xf32, #tpu.memory_space<vmem>>, vector<16xf32>,
        %mul3A_1223 = arith.mulf %get3A_1222, %mul3A_1081 : vector<16xf32>
        %add3A_1224 = arith.addf %mul3A_1223, %mul3A_1084 : vector<16xf32>
        tpu.vector_store_idx %arg19[%add3A_513, %add3A_229], %add3A_1224 : memref<128x66xf32, #tpu.memory_space<vmem>>[vector<16xi32>, vector<16xi32>], vector<16xf32>,
        %get3A_1225 = arith.constant 560 : index
        %get3A_1226 = tpu.vector_load %arg24[%get3A_1225] {strides = array<i32>} : memref<1024xf32, #tpu.memory_space<vmem>>, vector<16xf32>,
        %mul3A_1227 = arith.mulf %get3A_1226, %mul3A_1081 : vector<16xf32>
        %add3A_1228 = arith.addf %mul3A_1227, %mul3A_1084 : vector<16xf32>
        tpu.vector_store_idx %arg19[%add3A_513, %add3A_232], %add3A_1228 : memref<128x66xf32, #tpu.memory_space<vmem>>[vector<16xi32>, vector<16xi32>], vector<16xf32>,
        %get3A_1229 = arith.constant 576 : index
        %get3A_1230 = tpu.vector_load %arg24[%get3A_1229] {strides = array<i32>} : memref<1024xf32, #tpu.memory_space<vmem>>, vector<16xf32>,
        %mul3A_1231 = arith.mulf %get3A_1230, %mul3A_1081 : vector<16xf32>
        %add3A_1232 = arith.addf %mul3A_1231, %mul3A_1084 : vector<16xf32>
        tpu.vector_store_idx %arg19[%add3A_513, %add3A_235], %add3A_1232 : memref<128x66xf32, #tpu.memory_space<vmem>>[vector<16xi32>, vector<16xi32>], vector<16xf32>,
        %get3A_1233 = arith.constant 592 : index
        %get3A_1234 = tpu.vector_load %arg24[%get3A_1233] {strides = array<i32>} : memref<1024xf32, #tpu.memory_space<vmem>>, vector<16xf32>,
        %mul3A_1235 = arith.mulf %get3A_1234, %mul3A_1081 : vector<16xf32>
        %add3A_1236 = arith.addf %mul3A_1235, %mul3A_1084 : vector<16xf32>
        tpu.vector_store_idx %arg19[%add3A_513, %add3A_238], %add3A_1236 : memref<128x66xf32, #tpu.memory_space<vmem>>[vector<16xi32>, vector<16xi32>], vector<16xf32>,
        %get3A_1237 = arith.constant 608 : index
        %get3A_1238 = tpu.vector_load %arg24[%get3A_1237] {strides = array<i32>} : memref<1024xf32, #tpu.memory_space<vmem>>, vector<16xf32>,
        %mul3A_1239 = arith.mulf %get3A_1238, %mul3A_1081 : vector<16xf32>
        %add3A_1240 = arith.addf %mul3A_1239, %mul3A_1084 : vector<16xf32>
        tpu.vector_store_idx %arg19[%add3A_513, %add3A_241], %add3A_1240 : memref<128x66xf32, #tpu.memory_space<vmem>>[vector<16xi32>, vector<16xi32>], vector<16xf32>,
        %get3A_1241 = arith.constant 624 : index
        %get3A_1242 = tpu.vector_load %arg24[%get3A_1241] {strides = array<i32>} : memref<1024xf32, #tpu.memory_space<vmem>>, vector<16xf32>,
        %mul3A_1243 = arith.mulf %get3A_1242, %mul3A_1081 : vector<16xf32>
        %add3A_1244 = arith.addf %mul3A_1243, %mul3A_1084 : vector<16xf32>
        tpu.vector_store_idx %arg19[%add3A_513, %add3A_244], %add3A_1244 : memref<128x66xf32, #tpu.memory_space<vmem>>[vector<16xi32>, vector<16xi32>], vector<16xf32>,
        %get3A_1245 = arith.constant 640 : index
        %get3A_1246 = tpu.vector_load %arg24[%get3A_1245] {strides = array<i32>} : memref<1024xf32, #tpu.memory_space<vmem>>, vector<16xf32>,
        %mul3A_1247 = arith.mulf %get3A_1246, %mul3A_1081 : vector<16xf32>
        %add3A_1248 = arith.addf %mul3A_1247, %mul3A_1084 : vector<16xf32>
        tpu.vector_store_idx %arg19[%add3A_513, %add3A_247], %add3A_1248 : memref<128x66xf32, #tpu.memory_space<vmem>>[vector<16xi32>, vector<16xi32>], vector<16xf32>,
        %get3A_1249 = arith.constant 656 : index
        %get3A_1250 = tpu.vector_load %arg24[%get3A_1249] {strides = array<i32>} : memref<1024xf32, #tpu.memory_space<vmem>>, vector<16xf32>,
        %mul3A_1251 = arith.mulf %get3A_1250, %mul3A_1081 : vector<16xf32>
        %add3A_1252 = arith.addf %mul3A_1251, %mul3A_1084 : vector<16xf32>
        tpu.vector_store_idx %arg19[%add3A_513, %add3A_250], %add3A_1252 : memref<128x66xf32, #tpu.memory_space<vmem>>[vector<16xi32>, vector<16xi32>], vector<16xf32>,
        %get3A_1253 = arith.constant 672 : index
        %get3A_1254 = tpu.vector_load %arg24[%get3A_1253] {strides = array<i32>} : memref<1024xf32, #tpu.memory_space<vmem>>, vector<16xf32>,
        %mul3A_1255 = arith.mulf %get3A_1254, %mul3A_1081 : vector<16xf32>
        %add3A_1256 = arith.addf %mul3A_1255, %mul3A_1084 : vector<16xf32>
        tpu.vector_store_idx %arg19[%add3A_513, %add3A_253], %add3A_1256 : memref<128x66xf32, #tpu.memory_space<vmem>>[vector<16xi32>, vector<16xi32>], vector<16xf32>,
        %get3A_1257 = arith.constant 688 : index
        %get3A_1258 = tpu.vector_load %arg24[%get3A_1257] {strides = array<i32>} : memref<1024xf32, #tpu.memory_space<vmem>>, vector<16xf32>,
        %mul3A_1259 = arith.mulf %get3A_1258, %mul3A_1081 : vector<16xf32>
        %add3A_1260 = arith.addf %mul3A_1259, %mul3A_1084 : vector<16xf32>
        tpu.vector_store_idx %arg19[%add3A_513, %add3A_256], %add3A_1260 : memref<128x66xf32, #tpu.memory_space<vmem>>[vector<16xi32>, vector<16xi32>], vector<16xf32>,
        %get3A_1261 = arith.constant 704 : index
        %get3A_1262 = tpu.vector_load %arg24[%get3A_1261] {strides = array<i32>} : memref<1024xf32, #tpu.memory_space<vmem>>, vector<16xf32>,
        %mul3A_1263 = arith.mulf %get3A_1262, %mul3A_1081 : vector<16xf32>
        %add3A_1264 = arith.addf %mul3A_1263, %mul3A_1084 : vector<16xf32>
        tpu.vector_store_idx %arg19[%add3A_513, %add3A_259], %add3A_1264 : memref<128x66xf32, #tpu.memory_space<vmem>>[vector<16xi32>, vector<16xi32>], vector<16xf32>,
        %get3A_1265 = arith.constant 720 : index
        %get3A_1266 = tpu.vector_load %arg24[%get3A_1265] {strides = array<i32>} : memref<1024xf32, #tpu.memory_space<vmem>>, vector<16xf32>,
        %mul3A_1267 = arith.mulf %get3A_1266, %mul3A_1081 : vector<16xf32>
        %add3A_1268 = arith.addf %mul3A_1267, %mul3A_1084 : vector<16xf32>
        tpu.vector_store_idx %arg19[%add3A_513, %add3A_262], %add3A_1268 : memref<128x66xf32, #tpu.memory_space<vmem>>[vector<16xi32>, vector<16xi32>], vector<16xf32>,
        %get3A_1269 = arith.constant 736 : index
        %get3A_1270 = tpu.vector_load %arg24[%get3A_1269] {strides = array<i32>} : memref<1024xf32, #tpu.memory_space<vmem>>, vector<16xf32>,
        %mul3A_1271 = arith.mulf %get3A_1270, %mul3A_1081 : vector<16xf32>
        %add3A_1272 = arith.addf %mul3A_1271, %mul3A_1084 : vector<16xf32>
        tpu.vector_store_idx %arg19[%add3A_513, %add3A_265], %add3A_1272 : memref<128x66xf32, #tpu.memory_space<vmem>>[vector<16xi32>, vector<16xi32>], vector<16xf32>,
        %get3A_1273 = arith.constant 752 : index
        %get3A_1274 = tpu.vector_load %arg24[%get3A_1273] {strides = array<i32>} : memref<1024xf32, #tpu.memory_space<vmem>>, vector<16xf32>,
        %mul3A_1275 = arith.mulf %get3A_1274, %mul3A_1081 : vector<16xf32>
        %add3A_1276 = arith.addf %mul3A_1275, %mul3A_1084 : vector<16xf32>
        tpu.vector_store_idx %arg19[%add3A_513, %add3A_268], %add3A_1276 : memref<128x66xf32, #tpu.memory_space<vmem>>[vector<16xi32>, vector<16xi32>], vector<16xf32>,
        %get3A_1277 = arith.constant 768 : index
        %get3A_1278 = tpu.vector_load %arg24[%get3A_1277] {strides = array<i32>} : memref<1024xf32, #tpu.memory_space<vmem>>, vector<16xf32>,
        %mul3A_1279 = arith.mulf %get3A_1278, %mul3A_1081 : vector<16xf32>
        %add3A_1280 = arith.addf %mul3A_1279, %mul3A_1084 : vector<16xf32>
        tpu.vector_store_idx %arg19[%add3A_513, %add3A_271], %add3A_1280 : memref<128x66xf32, #tpu.memory_space<vmem>>[vector<16xi32>, vector<16xi32>], vector<16xf32>,
        %get3A_1281 = arith.constant 784 : index
        %get3A_1282 = tpu.vector_load %arg24[%get3A_1281] {strides = array<i32>} : memref<1024xf32, #tpu.memory_space<vmem>>, vector<16xf32>,
        %mul3A_1283 = arith.mulf %get3A_1282, %mul3A_1081 : vector<16xf32>
        %add3A_1284 = arith.addf %mul3A_1283, %mul3A_1084 : vector<16xf32>
        tpu.vector_store_idx %arg19[%add3A_513, %add3A_274], %add3A_1284 : memref<128x66xf32, #tpu.memory_space<vmem>>[vector<16xi32>, vector<16xi32>], vector<16xf32>,
        %get3A_1285 = arith.constant 800 : index
        %get3A_1286 = tpu.vector_load %arg24[%get3A_1285] {strides = array<i32>} : memref<1024xf32, #tpu.memory_space<vmem>>, vector<16xf32>,
        %mul3A_1287 = arith.mulf %get3A_1286, %mul3A_1081 : vector<16xf32>
        %add3A_1288 = arith.addf %mul3A_1287, %mul3A_1084 : vector<16xf32>
        tpu.vector_store_idx %arg19[%add3A_513, %add3A_277], %add3A_1288 : memref<128x66xf32, #tpu.memory_space<vmem>>[vector<16xi32>, vector<16xi32>], vector<16xf32>,
        %get3A_1289 = arith.constant 816 : index
        %get3A_1290 = tpu.vector_load %arg24[%get3A_1289] {strides = array<i32>} : memref<1024xf32, #tpu.memory_space<vmem>>, vector<16xf32>,
        %mul3A_1291 = arith.mulf %get3A_1290, %mul3A_1081 : vector<16xf32>
        %add3A_1292 = arith.addf %mul3A_1291, %mul3A_1084 : vector<16xf32>
        tpu.vector_store_idx %arg19[%add3A_513, %add3A_280], %add3A_1292 : memref<128x66xf32, #tpu.memory_space<vmem>>[vector<16xi32>, vector<16xi32>], vector<16xf32>,
        %get3A_1293 = arith.constant 832 : index
        %get3A_1294 = tpu.vector_load %arg24[%get3A_1293] {strides = array<i32>} : memref<1024xf32, #tpu.memory_space<vmem>>, vector<16xf32>,
        %mul3A_1295 = arith.mulf %get3A_1294, %mul3A_1081 : vector<16xf32>
        %add3A_1296 = arith.addf %mul3A_1295, %mul3A_1084 : vector<16xf32>
        tpu.vector_store_idx %arg19[%add3A_513, %add3A_283], %add3A_1296 : memref<128x66xf32, #tpu.memory_space<vmem>>[vector<16xi32>, vector<16xi32>], vector<16xf32>,
        %get3A_1297 = arith.constant 848 : index
        %get3A_1298 = tpu.vector_load %arg24[%get3A_1297] {strides = array<i32>} : memref<1024xf32, #tpu.memory_space<vmem>>, vector<16xf32>,
        %mul3A_1299 = arith.mulf %get3A_1298, %mul3A_1081 : vector<16xf32>
        %add3A_1300 = arith.addf %mul3A_1299, %mul3A_1084 : vector<16xf32>
        tpu.vector_store_idx %arg19[%add3A_513, %add3A_286], %add3A_1300 : memref<128x66xf32, #tpu.memory_space<vmem>>[vector<16xi32>, vector<16xi32>], vector<16xf32>,
        %get3A_1301 = arith.constant 864 : index
        %get3A_1302 = tpu.vector_load %arg24[%get3A_1301] {strides = array<i32>} : memref<1024xf32, #tpu.memory_space<vmem>>, vector<16xf32>,
        %mul3A_1303 = arith.mulf %get3A_1302, %mul3A_1081 : vector<16xf32>
        %add3A_1304 = arith.addf %mul3A_1303, %mul3A_1084 : vector<16xf32>
        tpu.vector_store_idx %arg19[%add3A_513, %add3A_289], %add3A_1304 : memref<128x66xf32, #tpu.memory_space<vmem>>[vector<16xi32>, vector<16xi32>], vector<16xf32>,
        %get3A_1305 = arith.constant 880 : index
        %get3A_1306 = tpu.vector_load %arg24[%get3A_1305] {strides = array<i32>} : memref<1024xf32, #tpu.memory_space<vmem>>, vector<16xf32>,
        %mul3A_1307 = arith.mulf %get3A_1306, %mul3A_1081 : vector<16xf32>
        %add3A_1308 = arith.addf %mul3A_1307, %mul3A_1084 : vector<16xf32>
        tpu.vector_store_idx %arg19[%add3A_513, %add3A_292], %add3A_1308 : memref<128x66xf32, #tpu.memory_space<vmem>>[vector<16xi32>, vector<16xi32>], vector<16xf32>,
        %get3A_1309 = arith.constant 896 : index
        %get3A_1310 = tpu.vector_load %arg24[%get3A_1309] {strides = array<i32>} : memref<1024xf32, #tpu.memory_space<vmem>>, vector<16xf32>,
        %mul3A_1311 = arith.mulf %get3A_1310, %mul3A_1081 : vector<16xf32>
        %add3A_1312 = arith.addf %mul3A_1311, %mul3A_1084 : vector<16xf32>
        tpu.vector_store_idx %arg19[%add3A_513, %add3A_295], %add3A_1312 : memref<128x66xf32, #tpu.memory_space<vmem>>[vector<16xi32>, vector<16xi32>], vector<16xf32>,
        %get3A_1313 = arith.constant 912 : index
        %get3A_1314 = tpu.vector_load %arg24[%get3A_1313] {strides = array<i32>} : memref<1024xf32, #tpu.memory_space<vmem>>, vector<16xf32>,
        %mul3A_1315 = arith.mulf %get3A_1314, %mul3A_1081 : vector<16xf32>
        %add3A_1316 = arith.addf %mul3A_1315, %mul3A_1084 : vector<16xf32>
        tpu.vector_store_idx %arg19[%add3A_513, %add3A_298], %add3A_1316 : memref<128x66xf32, #tpu.memory_space<vmem>>[vector<16xi32>, vector<16xi32>], vector<16xf32>,
        %get3A_1317 = arith.constant 928 : index
        %get3A_1318 = tpu.vector_load %arg24[%get3A_1317] {strides = array<i32>} : memref<1024xf32, #tpu.memory_space<vmem>>, vector<16xf32>,
        %mul3A_1319 = arith.mulf %get3A_1318, %mul3A_1081 : vector<16xf32>
        %add3A_1320 = arith.addf %mul3A_1319, %mul3A_1084 : vector<16xf32>
        tpu.vector_store_idx %arg19[%add3A_513, %add3A_301], %add3A_1320 : memref<128x66xf32, #tpu.memory_space<vmem>>[vector<16xi32>, vector<16xi32>], vector<16xf32>,
        %get3A_1321 = arith.constant 944 : index
        %get3A_1322 = tpu.vector_load %arg24[%get3A_1321] {strides = array<i32>} : memref<1024xf32, #tpu.memory_space<vmem>>, vector<16xf32>,
        %mul3A_1323 = arith.mulf %get3A_1322, %mul3A_1081 : vector<16xf32>
        %add3A_1324 = arith.addf %mul3A_1323, %mul3A_1084 : vector<16xf32>
        tpu.vector_store_idx %arg19[%add3A_513, %add3A_304], %add3A_1324 : memref<128x66xf32, #tpu.memory_space<vmem>>[vector<16xi32>, vector<16xi32>], vector<16xf32>,
        %get3A_1325 = arith.constant 960 : index
        %get3A_1326 = tpu.vector_load %arg24[%get3A_1325] {strides = array<i32>} : memref<1024xf32, #tpu.memory_space<vmem>>, vector<16xf32>,
        %mul3A_1327 = arith.mulf %get3A_1326, %mul3A_1081 : vector<16xf32>
        %add3A_1328 = arith.addf %mul3A_1327, %mul3A_1084 : vector<16xf32>
        tpu.vector_store_idx %arg19[%add3A_513, %add3A_307], %add3A_1328 : memref<128x66xf32, #tpu.memory_space<vmem>>[vector<16xi32>, vector<16xi32>], vector<16xf32>,
        %get3A_1329 = arith.constant 976 : index
        %get3A_1330 = tpu.vector_load %arg24[%get3A_1329] {strides = array<i32>} : memref<1024xf32, #tpu.memory_space<vmem>>, vector<16xf32>,
        %mul3A_1331 = arith.mulf %get3A_1330, %mul3A_1081 : vector<16xf32>
        %add3A_1332 = arith.addf %mul3A_1331, %mul3A_1084 : vector<16xf32>
        tpu.vector_store_idx %arg19[%add3A_513, %add3A_310], %add3A_1332 : memref<128x66xf32, #tpu.memory_space<vmem>>[vector<16xi32>, vector<16xi32>], vector<16xf32>,
        %get3A_1333 = arith.constant 992 : index
        %get3A_1334 = tpu.vector_load %arg24[%get3A_1333] {strides = array<i32>} : memref<1024xf32, #tpu.memory_space<vmem>>, vector<16xf32>,
        %mul3A_1335 = arith.mulf %get3A_1334, %mul3A_1081 : vector<16xf32>
        %add3A_1336 = arith.addf %mul3A_1335, %mul3A_1084 : vector<16xf32>
        tpu.vector_store_idx %arg19[%add3A_513, %add3A_313], %add3A_1336 : memref<128x66xf32, #tpu.memory_space<vmem>>[vector<16xi32>, vector<16xi32>], vector<16xf32>,
        %get3A_1337 = arith.constant 1008 : index
        %get3A_1338 = tpu.vector_load %arg24[%get3A_1337] {strides = array<i32>} : memref<1024xf32, #tpu.memory_space<vmem>>, vector<16xf32>,
        %mul3A_1339 = arith.mulf %get3A_1338, %mul3A_1081 : vector<16xf32>
        %add3A_1340 = arith.addf %mul3A_1339, %mul3A_1084 : vector<16xf32>
        tpu.vector_store_idx %arg19[%add3A_513, %add3A_316], %add3A_1340 : memref<128x66xf32, #tpu.memory_space<vmem>>[vector<16xi32>, vector<16xi32>], vector<16xf32>,
        %scan3A_1341 = arith.constant 0 : i32
        scf.yield %scan3A_1341 : i32
      }
      %scan3A_397 = arith.constant 8 : i32
      %get3A_398 = arith.constant 0 : index
      %get3A_399 = tpu.vector_load %arg22[%get3A_398] {strides = array<i32>} : memref<64xf32, #tpu.memory_space<vmem>>, vector<16xf32>,
      %get3A_400 = arith.constant 16 : index
      %get3A_401 = tpu.vector_load %arg22[%get3A_400] {strides = array<i32>} : memref<64xf32, #tpu.memory_space<vmem>>, vector<16xf32>,
      %get3A_402 = arith.constant 32 : index
      %get3A_403 = tpu.vector_load %arg22[%get3A_402] {strides = array<i32>} : memref<64xf32, #tpu.memory_space<vmem>>, vector<16xf32>,
      %get3A_404 = arith.constant 48 : index
      %get3A_405 = tpu.vector_load %arg22[%get3A_404] {strides = array<i32>} : memref<64xf32, #tpu.memory_space<vmem>>, vector<16xf32>,
      %get3A_406 = arith.constant 0 : index
      %get3A_407 = tpu.vector_load %arg23[%get3A_406] {strides = array<i32>} : memref<64xf32, #tpu.memory_space<vmem>>, vector<16xf32>,
      %get3A_408 = arith.constant 16 : index
      %get3A_409 = tpu.vector_load %arg23[%get3A_408] {strides = array<i32>} : memref<64xf32, #tpu.memory_space<vmem>>, vector<16xf32>,
      %get3A_410 = arith.constant 32 : index
      %get3A_411 = tpu.vector_load %arg23[%get3A_410] {strides = array<i32>} : memref<64xf32, #tpu.memory_space<vmem>>, vector<16xf32>,
      %get3A_412 = arith.constant 48 : index
      %get3A_413 = tpu.vector_load %arg23[%get3A_412] {strides = array<i32>} : memref<64xf32, #tpu.memory_space<vmem>>, vector<16xf32>,
      %scan3A_414 = arith.constant 0 : i32
      %scan3A_415 = arith.constant 0 : i32
      %scan3A_416 = arith.constant 32 : i32
      %scan3A_417 = arith.addi %scan3A_415, %scan3A_416 : i32
      %scan3A_418 = arith.constant 1 : i32
      %scan3A_419 = scf.for %scan3A_508 = %scan3A_415 to %scan3A_417 step %scan3A_418 iter_args(%scan3A_509 = %scan3A_414) -> (i32)  : i32 {
        %mul3A_510 = arith.constant 4 : i32
        %mul3A_511 = arith.muli %scan3A_508, %mul3A_510 : i32
        %add3A_512 = arith.constant 0 : i32
        %add3A_513 = arith.addi %mul3A_511, %add3A_512 : i32
        %get3A_514 = arith.index_cast %add3A_513 : i32 to index
        %get3A_515 = arith.constant 0 : index
        %get3A_516 = tpu.vector_load %arg19[%get3A_514, %get3A_515] {strides = array<i32>} : memref<128x66xf32, #tpu.memory_space<vmem>>, vector<16xf32>,
        %mul3A_517 = arith.mulf %get3A_516, %get3A_399 : vector<16xf32>
        %add3A_518 = arith.addf %mul3A_517, %get3A_407 : vector<16xf32>
        %swap3A = arith.index_cast %add3A_513 : i32 to index
        %swap3A_519 = arith.constant 0 : index
        %swap3A_520 = tpu.vector_load %arg19[%swap3A, %swap3A_519] {strides = array<i32>} : memref<128x66xf32, #tpu.memory_space<vmem>>, vector<16xf32>,
        tpu.vector_store %arg19[%swap3A, %swap3A_519], %add3A_518 {strides = array<i32>} : memref<128x66xf32, #tpu.memory_space<vmem>>, vector<16xf32>,
        %get3A_521 = arith.index_cast %add3A_513 : i32 to index
        %get3A_522 = arith.constant 16 : index
        %get3A_523 = tpu.vector_load %arg19[%get3A_521, %get3A_522] {strides = array<i32>} : memref<128x66xf32, #tpu.memory_space<vmem>>, vector<16xf32>,
        %mul3A_524 = arith.mulf %get3A_523, %get3A_401 : vector<16xf32>
        %add3A_525 = arith.addf %mul3A_524, %get3A_409 : vector<16xf32>
        %swap3A_526 = arith.index_cast %add3A_513 : i32 to index
        %swap3A_527 = arith.constant 16 : index
        %swap3A_528 = tpu.vector_load %arg19[%swap3A_526, %swap3A_527] {strides = array<i32>} : memref<128x66xf32, #tpu.memory_space<vmem>>, vector<16xf32>,
        tpu.vector_store %arg19[%swap3A_526, %swap3A_527], %add3A_525 {strides = array<i32>} : memref<128x66xf32, #tpu.memory_space<vmem>>, vector<16xf32>,
        %get3A_529 = arith.index_cast %add3A_513 : i32 to index
        %get3A_530 = arith.constant 32 : index
        %get3A_531 = tpu.vector_load %arg19[%get3A_529, %get3A_530] {strides = array<i32>} : memref<128x66xf32, #tpu.memory_space<vmem>>, vector<16xf32>,
        %mul3A_532 = arith.mulf %get3A_531, %get3A_403 : vector<16xf32>
        %add3A_533 = arith.addf %mul3A_532, %get3A_411 : vector<16xf32>
        %swap3A_534 = arith.index_cast %add3A_513 : i32 to index
        %swap3A_535 = arith.constant 32 : index
        %swap3A_536 = tpu.vector_load %arg19[%swap3A_534, %swap3A_535] {strides = array<i32>} : memref<128x66xf32, #tpu.memory_space<vmem>>, vector<16xf32>,
        tpu.vector_store %arg19[%swap3A_534, %swap3A_535], %add3A_533 {strides = array<i32>} : memref<128x66xf32, #tpu.memory_space<vmem>>, vector<16xf32>,
        %get3A_537 = arith.index_cast %add3A_513 : i32 to index
        %get3A_538 = arith.constant 48 : index
        %get3A_539 = tpu.vector_load %arg19[%get3A_537, %get3A_538] {strides = array<i32>} : memref<128x66xf32, #tpu.memory_space<vmem>>, vector<16xf32>,
        %mul3A_540 = arith.mulf %get3A_539, %get3A_405 : vector<16xf32>
        %add3A_541 = arith.addf %mul3A_540, %get3A_413 : vector<16xf32>
        %swap3A_542 = arith.index_cast %add3A_513 : i32 to index
        %swap3A_543 = arith.constant 48 : index
        %swap3A_544 = tpu.vector_load %arg19[%swap3A_542, %swap3A_543] {strides = array<i32>} : memref<128x66xf32, #tpu.memory_space<vmem>>, vector<16xf32>,
        tpu.vector_store %arg19[%swap3A_542, %swap3A_543], %add3A_541 {strides = array<i32>} : memref<128x66xf32, #tpu.memory_space<vmem>>, vector<16xf32>,
        %mul3A_545 = arith.constant 4 : i32
        %mul3A_546 = arith.muli %scan3A_508, %mul3A_545 : i32
        %add3A_547 = arith.constant 1 : i32
        %add3A_548 = arith.addi %mul3A_546, %add3A_547 : i32
        %get3A_549 = arith.index_cast %add3A_548 : i32 to index
        %get3A_550 = arith.constant 0 : index
        %get3A_551 = tpu.vector_load %arg19[%get3A_549, %get3A_550] {strides = array<i32>} : memref<128x66xf32, #tpu.memory_space<vmem>>, vector<16xf32>,
        %mul3A_552 = arith.mulf %get3A_551, %get3A_399 : vector<16xf32>
        %add3A_553 = arith.addf %mul3A_552, %get3A_407 : vector<16xf32>
        %swap3A_554 = arith.index_cast %add3A_548 : i32 to index
        %swap3A_555 = arith.constant 0 : index
        %swap3A_556 = tpu.vector_load %arg19[%swap3A_554, %swap3A_555] {strides = array<i32>} : memref<128x66xf32, #tpu.memory_space<vmem>>, vector<16xf32>,
        tpu.vector_store %arg19[%swap3A_554, %swap3A_555], %add3A_553 {strides = array<i32>} : memref<128x66xf32, #tpu.memory_space<vmem>>, vector<16xf32>,
        %get3A_557 = arith.index_cast %add3A_548 : i32 to index
        %get3A_558 = arith.constant 16 : index
        %get3A_559 = tpu.vector_load %arg19[%get3A_557, %get3A_558] {strides = array<i32>} : memref<128x66xf32, #tpu.memory_space<vmem>>, vector<16xf32>,
        %mul3A_560 = arith.mulf %get3A_559, %get3A_401 : vector<16xf32>
        %add3A_561 = arith.addf %mul3A_560, %get3A_409 : vector<16xf32>
        %swap3A_562 = arith.index_cast %add3A_548 : i32 to index
        %swap3A_563 = arith.constant 16 : index
        %swap3A_564 = tpu.vector_load %arg19[%swap3A_562, %swap3A_563] {strides = array<i32>} : memref<128x66xf32, #tpu.memory_space<vmem>>, vector<16xf32>,
        tpu.vector_store %arg19[%swap3A_562, %swap3A_563], %add3A_561 {strides = array<i32>} : memref<128x66xf32, #tpu.memory_space<vmem>>, vector<16xf32>,
        %get3A_565 = arith.index_cast %add3A_548 : i32 to index
        %get3A_566 = arith.constant 32 : index
        %get3A_567 = tpu.vector_load %arg19[%get3A_565, %get3A_566] {strides = array<i32>} : memref<128x66xf32, #tpu.memory_space<vmem>>, vector<16xf32>,
        %mul3A_568 = arith.mulf %get3A_567, %get3A_403 : vector<16xf32>
        %add3A_569 = arith.addf %mul3A_568, %get3A_411 : vector<16xf32>
        %swap3A_570 = arith.index_cast %add3A_548 : i32 to index
        %swap3A_571 = arith.constant 32 : index
        %swap3A_572 = tpu.vector_load %arg19[%swap3A_570, %swap3A_571] {strides = array<i32>} : memref<128x66xf32, #tpu.memory_space<vmem>>, vector<16xf32>,
        tpu.vector_store %arg19[%swap3A_570, %swap3A_571], %add3A_569 {strides = array<i32>} : memref<128x66xf32, #tpu.memory_space<vmem>>, vector<16xf32>,
        %get3A_573 = arith.index_cast %add3A_548 : i32 to index
        %get3A_574 = arith.constant 48 : index
        %get3A_575 = tpu.vector_load %arg19[%get3A_573, %get3A_574] {strides = array<i32>} : memref<128x66xf32, #tpu.memory_space<vmem>>, vector<16xf32>,
        %mul3A_576 = arith.mulf %get3A_575, %get3A_405 : vector<16xf32>
        %add3A_577 = arith.addf %mul3A_576, %get3A_413 : vector<16xf32>
        %swap3A_578 = arith.index_cast %add3A_548 : i32 to index
        %swap3A_579 = arith.constant 48 : index
        %swap3A_580 = tpu.vector_load %arg19[%swap3A_578, %swap3A_579] {strides = array<i32>} : memref<128x66xf32, #tpu.memory_space<vmem>>, vector<16xf32>,
        tpu.vector_store %arg19[%swap3A_578, %swap3A_579], %add3A_577 {strides = array<i32>} : memref<128x66xf32, #tpu.memory_space<vmem>>, vector<16xf32>,
        %mul3A_581 = arith.constant 4 : i32
        %mul3A_582 = arith.muli %scan3A_508, %mul3A_581 : i32
        %add3A_583 = arith.constant 2 : i32
        %add3A_584 = arith.addi %mul3A_582, %add3A_583 : i32
        %get3A_585 = arith.index_cast %add3A_584 : i32 to index
        %get3A_586 = arith.constant 0 : index
        %get3A_587 = tpu.vector_load %arg19[%get3A_585, %get3A_586] {strides = array<i32>} : memref<128x66xf32, #tpu.memory_space<vmem>>, vector<16xf32>,
        %mul3A_588 = arith.mulf %get3A_587, %get3A_399 : vector<16xf32>
        %add3A_589 = arith.addf %mul3A_588, %get3A_407 : vector<16xf32>
        %swap3A_590 = arith.index_cast %add3A_584 : i32 to index
        %swap3A_591 = arith.constant 0 : index
        %swap3A_592 = tpu.vector_load %arg19[%swap3A_590, %swap3A_591] {strides = array<i32>} : memref<128x66xf32, #tpu.memory_space<vmem>>, vector<16xf32>,
        tpu.vector_store %arg19[%swap3A_590, %swap3A_591], %add3A_589 {strides = array<i32>} : memref<128x66xf32, #tpu.memory_space<vmem>>, vector<16xf32>,
        %get3A_593 = arith.index_cast %add3A_584 : i32 to index
        %get3A_594 = arith.constant 16 : index
        %get3A_595 = tpu.vector_load %arg19[%get3A_593, %get3A_594] {strides = array<i32>} : memref<128x66xf32, #tpu.memory_space<vmem>>, vector<16xf32>,
        %mul3A_596 = arith.mulf %get3A_595, %get3A_401 : vector<16xf32>
        %add3A_597 = arith.addf %mul3A_596, %get3A_409 : vector<16xf32>
        %swap3A_598 = arith.index_cast %add3A_584 : i32 to index
        %swap3A_599 = arith.constant 16 : index
        %swap3A_600 = tpu.vector_load %arg19[%swap3A_598, %swap3A_599] {strides = array<i32>} : memref<128x66xf32, #tpu.memory_space<vmem>>, vector<16xf32>,
        tpu.vector_store %arg19[%swap3A_598, %swap3A_599], %add3A_597 {strides = array<i32>} : memref<128x66xf32, #tpu.memory_space<vmem>>, vector<16xf32>,
        %get3A_601 = arith.index_cast %add3A_584 : i32 to index
        %get3A_602 = arith.constant 32 : index
        %get3A_603 = tpu.vector_load %arg19[%get3A_601, %get3A_602] {strides = array<i32>} : memref<128x66xf32, #tpu.memory_space<vmem>>, vector<16xf32>,
        %mul3A_604 = arith.mulf %get3A_603, %get3A_403 : vector<16xf32>
        %add3A_605 = arith.addf %mul3A_604, %get3A_411 : vector<16xf32>
        %swap3A_606 = arith.index_cast %add3A_584 : i32 to index
        %swap3A_607 = arith.constant 32 : index
        %swap3A_608 = tpu.vector_load %arg19[%swap3A_606, %swap3A_607] {strides = array<i32>} : memref<128x66xf32, #tpu.memory_space<vmem>>, vector<16xf32>,
        tpu.vector_store %arg19[%swap3A_606, %swap3A_607], %add3A_605 {strides = array<i32>} : memref<128x66xf32, #tpu.memory_space<vmem>>, vector<16xf32>,
        %get3A_609 = arith.index_cast %add3A_584 : i32 to index
        %get3A_610 = arith.constant 48 : index
        %get3A_611 = tpu.vector_load %arg19[%get3A_609, %get3A_610] {strides = array<i32>} : memref<128x66xf32, #tpu.memory_space<vmem>>, vector<16xf32>,
        %mul3A_612 = arith.mulf %get3A_611, %get3A_405 : vector<16xf32>
        %add3A_613 = arith.addf %mul3A_612, %get3A_413 : vector<16xf32>
        %swap3A_614 = arith.index_cast %add3A_584 : i32 to index
        %swap3A_615 = arith.constant 48 : index
        %swap3A_616 = tpu.vector_load %arg19[%swap3A_614, %swap3A_615] {strides = array<i32>} : memref<128x66xf32, #tpu.memory_space<vmem>>, vector<16xf32>,
        tpu.vector_store %arg19[%swap3A_614, %swap3A_615], %add3A_613 {strides = array<i32>} : memref<128x66xf32, #tpu.memory_space<vmem>>, vector<16xf32>,
        %mul3A_617 = arith.constant 4 : i32
        %mul3A_618 = arith.muli %scan3A_508, %mul3A_617 : i32
        %add3A_619 = arith.constant 3 : i32
        %add3A_620 = arith.addi %mul3A_618, %add3A_619 : i32
        %get3A_621 = arith.index_cast %add3A_620 : i32 to index
        %get3A_622 = arith.constant 0 : index
        %get3A_623 = tpu.vector_load %arg19[%get3A_621, %get3A_622] {strides = array<i32>} : memref<128x66xf32, #tpu.memory_space<vmem>>, vector<16xf32>,
        %mul3A_624 = arith.mulf %get3A_623, %get3A_399 : vector<16xf32>
        %add3A_625 = arith.addf %mul3A_624, %get3A_407 : vector<16xf32>
        %swap3A_626 = arith.index_cast %add3A_620 : i32 to index
        %swap3A_627 = arith.constant 0 : index
        %swap3A_628 = tpu.vector_load %arg19[%swap3A_626, %swap3A_627] {strides = array<i32>} : memref<128x66xf32, #tpu.memory_space<vmem>>, vector<16xf32>,
        tpu.vector_store %arg19[%swap3A_626, %swap3A_627], %add3A_625 {strides = array<i32>} : memref<128x66xf32, #tpu.memory_space<vmem>>, vector<16xf32>,
        %get3A_629 = arith.index_cast %add3A_620 : i32 to index
        %get3A_630 = arith.constant 16 : index
        %get3A_631 = tpu.vector_load %arg19[%get3A_629, %get3A_630] {strides = array<i32>} : memref<128x66xf32, #tpu.memory_space<vmem>>, vector<16xf32>,
        %mul3A_632 = arith.mulf %get3A_631, %get3A_401 : vector<16xf32>
        %add3A_633 = arith.addf %mul3A_632, %get3A_409 : vector<16xf32>
        %swap3A_634 = arith.index_cast %add3A_620 : i32 to index
        %swap3A_635 = arith.constant 16 : index
        %swap3A_636 = tpu.vector_load %arg19[%swap3A_634, %swap3A_635] {strides = array<i32>} : memref<128x66xf32, #tpu.memory_space<vmem>>, vector<16xf32>,
        tpu.vector_store %arg19[%swap3A_634, %swap3A_635], %add3A_633 {strides = array<i32>} : memref<128x66xf32, #tpu.memory_space<vmem>>, vector<16xf32>,
        %get3A_637 = arith.index_cast %add3A_620 : i32 to index
        %get3A_638 = arith.constant 32 : index
        %get3A_639 = tpu.vector_load %arg19[%get3A_637, %get3A_638] {strides = array<i32>} : memref<128x66xf32, #tpu.memory_space<vmem>>, vector<16xf32>,
        %mul3A_640 = arith.mulf %get3A_639, %get3A_403 : vector<16xf32>
        %add3A_641 = arith.addf %mul3A_640, %get3A_411 : vector<16xf32>
        %swap3A_642 = arith.index_cast %add3A_620 : i32 to index
        %swap3A_643 = arith.constant 32 : index
        %swap3A_644 = tpu.vector_load %arg19[%swap3A_642, %swap3A_643] {strides = array<i32>} : memref<128x66xf32, #tpu.memory_space<vmem>>, vector<16xf32>,
        tpu.vector_store %arg19[%swap3A_642, %swap3A_643], %add3A_641 {strides = array<i32>} : memref<128x66xf32, #tpu.memory_space<vmem>>, vector<16xf32>,
        %get3A_645 = arith.index_cast %add3A_620 : i32 to index
        %get3A_646 = arith.constant 48 : index
        %get3A_647 = tpu.vector_load %arg19[%get3A_645, %get3A_646] {strides = array<i32>} : memref<128x66xf32, #tpu.memory_space<vmem>>, vector<16xf32>,
        %mul3A_648 = arith.mulf %get3A_647, %get3A_405 : vector<16xf32>
        %add3A_649 = arith.addf %mul3A_648, %get3A_413 : vector<16xf32>
        %swap3A_650 = arith.index_cast %add3A_620 : i32 to index
        %swap3A_651 = arith.constant 48 : index
        %swap3A_652 = tpu.vector_load %arg19[%swap3A_650, %swap3A_651] {strides = array<i32>} : memref<128x66xf32, #tpu.memory_space<vmem>>, vector<16xf32>,
        tpu.vector_store %arg19[%swap3A_650, %swap3A_651], %add3A_649 {strides = array<i32>} : memref<128x66xf32, #tpu.memory_space<vmem>>, vector<16xf32>,
        %scan3A_653 = arith.constant 0 : i32
        scf.yield %scan3A_653 : i32
      }
      %scan3A_420 = arith.constant 32 : i32
      %mul3A_421 = arith.constant 128 : i32
      %mul3A_422 = arith.muli %add3A_368, %mul3A_421 : i32
      %add3A_423 = arith.addi %mul3A_2, %mul3A_422 : i32
      %dma_start3A_424 = arith.constant 0 : i32
      %dma_start3A_425 = arith.constant 0 : i32
      %dma_start3A_426 = tpu.memref_slice %arg19[%dma_start3A_424, %dma_start3A_425] : memref<128x66xf32, #tpu.memory_space<vmem>> -> memref<128x64xf32, #tpu.memory_space<vmem>>
      %dma_start3A_427 = arith.constant 0 : i32
      %dma_start3A_428 = tpu.memref_slice %arg10[%add3A_423, %dma_start3A_427] : memref<204800x64xf32, #tpu.memory_space<hbm>> -> memref<128x64xf32, #tpu.memory_space<hbm>>
      %dma_start3A_429 = arith.constant 0 : i32
      %dma_start3A_430 = tpu.memref_slice %arg10[%add3A_423, %dma_start3A_429] : memref<204800x64xf32, #tpu.memory_space<hbm>> -> memref<128x64xf32, #tpu.memory_space<hbm>>
      %dma_start3A_431 = arith.constant 0 : i32
      %dma_start3A_432 = arith.constant 0 : i32
      %dma_start3A_433 = tpu.memref_slice %arg19[%dma_start3A_431, %dma_start3A_432] : memref<128x66xf32, #tpu.memory_space<vmem>> -> memref<128x64xf32, #tpu.memory_space<vmem>>
      tpu.enqueue_dma source(%dma_start3A_433 : memref<128x64xf32, #tpu.memory_space<vmem>>) target(%dma_start3A_430 : memref<128x64xf32, #tpu.memory_space<hbm>>) target_semaphore(%arg27 : memref<!tpu.dma_semaphore, #tpu.memory_space<semaphore_mem>>)
      %mul3A_434 = arith.constant 2 : i32
      %mul3A_435 = arith.muli %scan3A_363, %mul3A_434 : i32
      %add3A_436 = arith.constant 1 : i32
      %add3A_437 = arith.addi %mul3A_435, %add3A_436 : i32
      %add3A_438 = arith.constant 1 : i32
      %add3A_439 = arith.addi %add3A_437, %add3A_438 : i32
      %lt3A_440 = arith.constant 50 : i32
      %lt3A_441 = arith.cmpi slt, %add3A_439, %lt3A_440 : i32
      %convert_element_type3A_442 = arith.extui %lt3A_441 : i1 to i32
      %cond3A_443 = arith.constant 0 : i32
      %cond3A_444 = arith.cmpi ne, %convert_element_type3A_442, %cond3A_443 : i32
      scf.if %cond3A_444 {
        %add3A_508 = arith.constant 1 : i32
        %add3A_509 = arith.addi %add3A_437, %add3A_508 : i32
        %mul3A_510 = arith.constant 128 : i32
        %mul3A_511 = arith.muli %add3A_509, %mul3A_510 : i32
        %add3A_512 = arith.addi %mul3A_2, %mul3A_511 : i32
        %mul3A_513 = arith.constant 128 : i32
        %mul3A_514 = arith.muli %add3A_509, %mul3A_513 : i32
        %dma_start3A_515 = tpu.memref_slice %arg11[%mul3A_514] : memref<6400xi32, #tpu.memory_space<vmem>> -> memref<128xi32, #tpu.memory_space<vmem>>
        %dma_start3A_516 = arith.constant 0 : i32
        %dma_start3A_517 = arith.constant 0 : i32
        %dma_start3A_518 = tpu.memref_slice %arg5[%dma_start3A_516, %dma_start3A_517] : memref<1000000x64xf32, #tpu.memory_space<hbm>> -> memref<1000000x64xf32, #tpu.memory_space<hbm>>
        tpu.enqueue_indirect_dma source(%dma_start3A_518 : memref<1000000x64xf32, #tpu.memory_space<hbm>>) target(%arg16 : memref<128x64xf32, #tpu.memory_space<vmem>>) offsets(%dma_start3A_515 : memref<128xi32, #tpu.memory_space<vmem>>) semaphore(%arg25 : memref<!tpu.dma_semaphore, #tpu.memory_space<semaphore_mem>>)
        %dma_start3A_519 = tpu.memref_slice %arg3[%add3A_512] : memref<204800xi32, #tpu.memory_space<hbm>> -> memref<128xi32, #tpu.memory_space<hbm>>
        %dma_start3A_520 = tpu.memref_slice %arg3[%add3A_512] : memref<204800xi32, #tpu.memory_space<hbm>> -> memref<128xi32, #tpu.memory_space<hbm>>
        tpu.enqueue_dma source(%dma_start3A_520 : memref<128xi32, #tpu.memory_space<hbm>>) target(%arg12 : memref<128xi32, #tpu.memory_space<vmem>>) target_semaphore(%arg25 : memref<!tpu.dma_semaphore, #tpu.memory_space<semaphore_mem>>)
        %dma_start3A_521 = tpu.memref_slice %arg4[%add3A_512] : memref<204800xi32, #tpu.memory_space<hbm>> -> memref<128xi32, #tpu.memory_space<hbm>>
        %dma_start3A_522 = tpu.memref_slice %arg4[%add3A_512] : memref<204800xi32, #tpu.memory_space<hbm>> -> memref<128xi32, #tpu.memory_space<hbm>>
        tpu.enqueue_dma source(%dma_start3A_522 : memref<128xi32, #tpu.memory_space<hbm>>) target(%arg14 : memref<128xi32, #tpu.memory_space<vmem>>) target_semaphore(%arg25 : memref<!tpu.dma_semaphore, #tpu.memory_space<semaphore_mem>>)
      } else {
      }
      %dma_wait3A_445 = arith.constant 0 : i32
      %dma_wait3A_446 = arith.constant 0 : i32
      %dma_wait3A_447 = tpu.memref_slice %arg5[%dma_wait3A_445, %dma_wait3A_446] : memref<1000000x64xf32, #tpu.memory_space<hbm>> -> memref<128x64xf32, #tpu.memory_space<hbm>>
      %dma_wait3A_448 = arith.constant 0 : i32
      %dma_wait3A_449 = arith.constant 0 : i32
      %dma_wait3A_450 = tpu.memref_slice %arg5[%dma_wait3A_448, %dma_wait3A_449] : memref<1000000x64xf32, #tpu.memory_space<hbm>> -> memref<128x64xf32, #tpu.memory_space<hbm>>
      tpu.wait_dma2 semaphore(%arg26 : memref<!tpu.dma_semaphore, #tpu.memory_space<semaphore_mem>>) src(%dma_wait3A_450 : memref<128x64xf32, #tpu.memory_space<hbm>>) dst(%arg17 : memref<128x64xf32, #tpu.memory_space<vmem>>)
      %dma_wait3A_451 = arith.constant 0 : i32
      %dma_wait3A_452 = tpu.memref_slice %arg3[%dma_wait3A_451] : memref<204800xi32, #tpu.memory_space<hbm>> -> memref<128xi32, #tpu.memory_space<hbm>>
      %dma_wait3A_453 = arith.constant 0 : i32
      %dma_wait3A_454 = tpu.memref_slice %arg3[%dma_wait3A_453] : memref<204800xi32, #tpu.memory_space<hbm>> -> memref<128xi32, #tpu.memory_space<hbm>>
      tpu.wait_dma2 semaphore(%arg26 : memref<!tpu.dma_semaphore, #tpu.memory_space<semaphore_mem>>) src(%dma_wait3A_454 : memref<128xi32, #tpu.memory_space<hbm>>) dst(%arg13 : memref<128xi32, #tpu.memory_space<vmem>>)
      %dma_wait3A_455 = arith.constant 0 : i32
      %dma_wait3A_456 = tpu.memref_slice %arg4[%dma_wait3A_455] : memref<204800xi32, #tpu.memory_space<hbm>> -> memref<128xi32, #tpu.memory_space<hbm>>
      %dma_wait3A_457 = arith.constant 0 : i32
      %dma_wait3A_458 = tpu.memref_slice %arg4[%dma_wait3A_457] : memref<204800xi32, #tpu.memory_space<hbm>> -> memref<128xi32, #tpu.memory_space<hbm>>
      tpu.wait_dma2 semaphore(%arg26 : memref<!tpu.dma_semaphore, #tpu.memory_space<semaphore_mem>>) src(%dma_wait3A_458 : memref<128xi32, #tpu.memory_space<hbm>>) dst(%arg15 : memref<128xi32, #tpu.memory_space<vmem>>)
      %gt3A_459 = arith.constant 0 : i32
      %gt3A_460 = arith.cmpi sgt, %scan3A_363, %gt3A_459 : i32
      %convert_element_type3A_461 = arith.extui %gt3A_460 : i1 to i32
      %cond3A_462 = arith.constant 0 : i32
      %cond3A_463 = arith.cmpi ne, %convert_element_type3A_461, %cond3A_462 : i32
      scf.if %cond3A_463 {
        %dma_wait3A_508 = arith.constant 0 : i32
        %dma_wait3A_509 = arith.constant 0 : i32
        %dma_wait3A_510 = tpu.memref_slice %arg20[%dma_wait3A_508, %dma_wait3A_509] : memref<128x66xf32, #tpu.memory_space<vmem>> -> memref<128x64xf32, #tpu.memory_space<vmem>>
        %dma_wait3A_511 = arith.constant 0 : i32
        %dma_wait3A_512 = arith.constant 0 : i32
        %dma_wait3A_513 = tpu.memref_slice %arg10[%dma_wait3A_511, %dma_wait3A_512] : memref<204800x64xf32, #tpu.memory_space<hbm>> -> memref<128x64xf32, #tpu.memory_space<hbm>>
        %dma_wait3A_514 = arith.constant 0 : i32
        %dma_wait3A_515 = arith.constant 0 : i32
        %dma_wait3A_516 = tpu.memref_slice %arg10[%dma_wait3A_514, %dma_wait3A_515] : memref<204800x64xf32, #tpu.memory_space<hbm>> -> memref<128x64xf32, #tpu.memory_space<hbm>>
        %dma_wait3A_517 = arith.constant 0 : i32
        %dma_wait3A_518 = arith.constant 0 : i32
        %dma_wait3A_519 = tpu.memref_slice %arg20[%dma_wait3A_517, %dma_wait3A_518] : memref<128x66xf32, #tpu.memory_space<vmem>> -> memref<128x64xf32, #tpu.memory_space<vmem>>
        tpu.wait_dma2 semaphore(%arg28 : memref<!tpu.dma_semaphore, #tpu.memory_space<semaphore_mem>>) src(%dma_wait3A_519 : memref<128x64xf32, #tpu.memory_space<vmem>>) dst(%dma_wait3A_516 : memref<128x64xf32, #tpu.memory_space<hbm>>)
      } else {
      }
      %scan3A_464 = arith.constant 0 : i32
      %scan3A_465 = arith.constant 0 : i32
      %scan3A_466 = arith.constant 8 : i32
      %scan3A_467 = arith.addi %scan3A_465, %scan3A_466 : i32
      %scan3A_468 = arith.constant 1 : i32
      %scan3A_469 = scf.for %scan3A_508 = %scan3A_465 to %scan3A_467 step %scan3A_468 iter_args(%scan3A_509 = %scan3A_464) -> (i32)  : i32 {
        %mul3A_510 = arith.constant 16 : i32
        %mul3A_511 = arith.muli %scan3A_508, %mul3A_510 : i32
        %add3A_512 = vector.broadcast %mul3A_511 : i32 to vector<16xi32>
        %add3A_513 = arith.addi %iota3A, %add3A_512 : vector<16xi32>
        %mul3A_514 = arith.constant 16 : i32
        %mul3A_515 = arith.muli %scan3A_508, %mul3A_514 : i32
        %get3A_516 = arith.index_cast %mul3A_515 : i32 to index
        %get3A_517 = tpu.vector_load %arg13[%get3A_516] {strides = array<i32>} : memref<128xi32, #tpu.memory_space<vmem>>, vector<16xi32>,
        %mul3A_518 = arith.constant 16 : i32
        %mul3A_519 = arith.muli %scan3A_508, %mul3A_518 : i32
        %get3A_520 = arith.index_cast %mul3A_519 : i32 to index
        %get3A_521 = tpu.vector_load %arg15[%get3A_520] {strides = array<i32>} : memref<128xi32, #tpu.memory_space<vmem>>, vector<16xi32>,
        %mul3A_522 = arith.constant 512 : i32
        %mul3A_523 = vector.broadcast %mul3A_522 : i32 to vector<16xi32>
        %mul3A_524 = arith.muli %get3A_521, %mul3A_523 : vector<16xi32>
        %add3A_525 = arith.addi %mul3A_524, %get3A_517 : vector<16xi32>
        %broadcast_in_dim3A = arith.constant 0.000000e+00 : f32
        %broadcast_in_dim3A_526 = vector.broadcast %broadcast_in_dim3A : f32 to vector<16xf32>
        %broadcast_in_dim3A_527 = arith.constant 0.000000e+00 : f32
        %broadcast_in_dim3A_528 = vector.broadcast %broadcast_in_dim3A_527 : f32 to vector<16xf32>
        %broadcast_in_dim3A_529 = arith.constant 0.000000e+00 : f32
        %broadcast_in_dim3A_530 = vector.broadcast %broadcast_in_dim3A_529 : f32 to vector<16xf32>
        %broadcast_in_dim3A_531 = arith.constant 0.000000e+00 : f32
        %broadcast_in_dim3A_532 = vector.broadcast %broadcast_in_dim3A_531 : f32 to vector<16xf32>
        %gather3A = tpu.vector_load_idx %arg17[%add3A_513, %add3A_127] : memref<128x64xf32, #tpu.memory_space<vmem>>[vector<16xi32>, vector<16xi32>], vector<16xf32>,
        %gather3A_533 = tpu.vector_load_idx %arg18[%add3A_525, %add3A_127] : memref<1024x65xf32, #tpu.memory_space<vmem>>[vector<16xi32>, vector<16xi32>], vector<16xf32>,
        %add3A_534 = arith.addf %gather3A, %gather3A_533 : vector<16xf32>
        %add3A_535 = arith.addf %broadcast_in_dim3A_526, %add3A_534 : vector<16xf32>
        %mul3A_536 = arith.mulf %add3A_534, %add3A_534 : vector<16xf32>
        %add3A_537 = arith.addf %broadcast_in_dim3A_530, %mul3A_536 : vector<16xf32>
        %swap3A = arith.constant 0 : index
        %swap3A_538 = tpu.vector_load %arg24[%swap3A] {strides = array<i32>} : memref<1024xf32, #tpu.memory_space<vmem>>, vector<16xf32>,
        tpu.vector_store %arg24[%swap3A], %add3A_534 {strides = array<i32>} : memref<1024xf32, #tpu.memory_space<vmem>>, vector<16xf32>,
        %gather3A_539 = tpu.vector_load_idx %arg17[%add3A_513, %add3A_130] : memref<128x64xf32, #tpu.memory_space<vmem>>[vector<16xi32>, vector<16xi32>], vector<16xf32>,
        %gather3A_540 = tpu.vector_load_idx %arg18[%add3A_525, %add3A_130] : memref<1024x65xf32, #tpu.memory_space<vmem>>[vector<16xi32>, vector<16xi32>], vector<16xf32>,
        %add3A_541 = arith.addf %gather3A_539, %gather3A_540 : vector<16xf32>
        %add3A_542 = arith.addf %broadcast_in_dim3A_528, %add3A_541 : vector<16xf32>
        %mul3A_543 = arith.mulf %add3A_541, %add3A_541 : vector<16xf32>
        %add3A_544 = arith.addf %broadcast_in_dim3A_532, %mul3A_543 : vector<16xf32>
        %swap3A_545 = arith.constant 16 : index
        %swap3A_546 = tpu.vector_load %arg24[%swap3A_545] {strides = array<i32>} : memref<1024xf32, #tpu.memory_space<vmem>>, vector<16xf32>,
        tpu.vector_store %arg24[%swap3A_545], %add3A_541 {strides = array<i32>} : memref<1024xf32, #tpu.memory_space<vmem>>, vector<16xf32>,
        %gather3A_547 = tpu.vector_load_idx %arg17[%add3A_513, %add3A_133] : memref<128x64xf32, #tpu.memory_space<vmem>>[vector<16xi32>, vector<16xi32>], vector<16xf32>,
        %gather3A_548 = tpu.vector_load_idx %arg18[%add3A_525, %add3A_133] : memref<1024x65xf32, #tpu.memory_space<vmem>>[vector<16xi32>, vector<16xi32>], vector<16xf32>,
        %add3A_549 = arith.addf %gather3A_547, %gather3A_548 : vector<16xf32>
        %add3A_550 = arith.addf %add3A_535, %add3A_549 : vector<16xf32>
        %mul3A_551 = arith.mulf %add3A_549, %add3A_549 : vector<16xf32>
        %add3A_552 = arith.addf %add3A_537, %mul3A_551 : vector<16xf32>
        %swap3A_553 = arith.constant 32 : index
        %swap3A_554 = tpu.vector_load %arg24[%swap3A_553] {strides = array<i32>} : memref<1024xf32, #tpu.memory_space<vmem>>, vector<16xf32>,
        tpu.vector_store %arg24[%swap3A_553], %add3A_549 {strides = array<i32>} : memref<1024xf32, #tpu.memory_space<vmem>>, vector<16xf32>,
        %gather3A_555 = tpu.vector_load_idx %arg17[%add3A_513, %add3A_136] : memref<128x64xf32, #tpu.memory_space<vmem>>[vector<16xi32>, vector<16xi32>], vector<16xf32>,
        %gather3A_556 = tpu.vector_load_idx %arg18[%add3A_525, %add3A_136] : memref<1024x65xf32, #tpu.memory_space<vmem>>[vector<16xi32>, vector<16xi32>], vector<16xf32>,
        %add3A_557 = arith.addf %gather3A_555, %gather3A_556 : vector<16xf32>
        %add3A_558 = arith.addf %add3A_542, %add3A_557 : vector<16xf32>
        %mul3A_559 = arith.mulf %add3A_557, %add3A_557 : vector<16xf32>
        %add3A_560 = arith.addf %add3A_544, %mul3A_559 : vector<16xf32>
        %swap3A_561 = arith.constant 48 : index
        %swap3A_562 = tpu.vector_load %arg24[%swap3A_561] {strides = array<i32>} : memref<1024xf32, #tpu.memory_space<vmem>>, vector<16xf32>,
        tpu.vector_store %arg24[%swap3A_561], %add3A_557 {strides = array<i32>} : memref<1024xf32, #tpu.memory_space<vmem>>, vector<16xf32>,
        %gather3A_563 = tpu.vector_load_idx %arg17[%add3A_513, %add3A_139] : memref<128x64xf32, #tpu.memory_space<vmem>>[vector<16xi32>, vector<16xi32>], vector<16xf32>,
        %gather3A_564 = tpu.vector_load_idx %arg18[%add3A_525, %add3A_139] : memref<1024x65xf32, #tpu.memory_space<vmem>>[vector<16xi32>, vector<16xi32>], vector<16xf32>,
        %add3A_565 = arith.addf %gather3A_563, %gather3A_564 : vector<16xf32>
        %add3A_566 = arith.addf %add3A_550, %add3A_565 : vector<16xf32>
        %mul3A_567 = arith.mulf %add3A_565, %add3A_565 : vector<16xf32>
        %add3A_568 = arith.addf %add3A_552, %mul3A_567 : vector<16xf32>
        %swap3A_569 = arith.constant 64 : index
        %swap3A_570 = tpu.vector_load %arg24[%swap3A_569] {strides = array<i32>} : memref<1024xf32, #tpu.memory_space<vmem>>, vector<16xf32>,
        tpu.vector_store %arg24[%swap3A_569], %add3A_565 {strides = array<i32>} : memref<1024xf32, #tpu.memory_space<vmem>>, vector<16xf32>,
        %gather3A_571 = tpu.vector_load_idx %arg17[%add3A_513, %add3A_142] : memref<128x64xf32, #tpu.memory_space<vmem>>[vector<16xi32>, vector<16xi32>], vector<16xf32>,
        %gather3A_572 = tpu.vector_load_idx %arg18[%add3A_525, %add3A_142] : memref<1024x65xf32, #tpu.memory_space<vmem>>[vector<16xi32>, vector<16xi32>], vector<16xf32>,
        %add3A_573 = arith.addf %gather3A_571, %gather3A_572 : vector<16xf32>
        %add3A_574 = arith.addf %add3A_558, %add3A_573 : vector<16xf32>
        %mul3A_575 = arith.mulf %add3A_573, %add3A_573 : vector<16xf32>
        %add3A_576 = arith.addf %add3A_560, %mul3A_575 : vector<16xf32>
        %swap3A_577 = arith.constant 80 : index
        %swap3A_578 = tpu.vector_load %arg24[%swap3A_577] {strides = array<i32>} : memref<1024xf32, #tpu.memory_space<vmem>>, vector<16xf32>,
        tpu.vector_store %arg24[%swap3A_577], %add3A_573 {strides = array<i32>} : memref<1024xf32, #tpu.memory_space<vmem>>, vector<16xf32>,
        %gather3A_579 = tpu.vector_load_idx %arg17[%add3A_513, %add3A_145] : memref<128x64xf32, #tpu.memory_space<vmem>>[vector<16xi32>, vector<16xi32>], vector<16xf32>,
        %gather3A_580 = tpu.vector_load_idx %arg18[%add3A_525, %add3A_145] : memref<1024x65xf32, #tpu.memory_space<vmem>>[vector<16xi32>, vector<16xi32>], vector<16xf32>,
        %add3A_581 = arith.addf %gather3A_579, %gather3A_580 : vector<16xf32>
        %add3A_582 = arith.addf %add3A_566, %add3A_581 : vector<16xf32>
        %mul3A_583 = arith.mulf %add3A_581, %add3A_581 : vector<16xf32>
        %add3A_584 = arith.addf %add3A_568, %mul3A_583 : vector<16xf32>
        %swap3A_585 = arith.constant 96 : index
        %swap3A_586 = tpu.vector_load %arg24[%swap3A_585] {strides = array<i32>} : memref<1024xf32, #tpu.memory_space<vmem>>, vector<16xf32>,
        tpu.vector_store %arg24[%swap3A_585], %add3A_581 {strides = array<i32>} : memref<1024xf32, #tpu.memory_space<vmem>>, vector<16xf32>,
        %gather3A_587 = tpu.vector_load_idx %arg17[%add3A_513, %add3A_148] : memref<128x64xf32, #tpu.memory_space<vmem>>[vector<16xi32>, vector<16xi32>], vector<16xf32>,
        %gather3A_588 = tpu.vector_load_idx %arg18[%add3A_525, %add3A_148] : memref<1024x65xf32, #tpu.memory_space<vmem>>[vector<16xi32>, vector<16xi32>], vector<16xf32>,
        %add3A_589 = arith.addf %gather3A_587, %gather3A_588 : vector<16xf32>
        %add3A_590 = arith.addf %add3A_574, %add3A_589 : vector<16xf32>
        %mul3A_591 = arith.mulf %add3A_589, %add3A_589 : vector<16xf32>
        %add3A_592 = arith.addf %add3A_576, %mul3A_591 : vector<16xf32>
        %swap3A_593 = arith.constant 112 : index
        %swap3A_594 = tpu.vector_load %arg24[%swap3A_593] {strides = array<i32>} : memref<1024xf32, #tpu.memory_space<vmem>>, vector<16xf32>,
        tpu.vector_store %arg24[%swap3A_593], %add3A_589 {strides = array<i32>} : memref<1024xf32, #tpu.memory_space<vmem>>, vector<16xf32>,
        %gather3A_595 = tpu.vector_load_idx %arg17[%add3A_513, %add3A_151] : memref<128x64xf32, #tpu.memory_space<vmem>>[vector<16xi32>, vector<16xi32>], vector<16xf32>,
        %gather3A_596 = tpu.vector_load_idx %arg18[%add3A_525, %add3A_151] : memref<1024x65xf32, #tpu.memory_space<vmem>>[vector<16xi32>, vector<16xi32>], vector<16xf32>,
        %add3A_597 = arith.addf %gather3A_595, %gather3A_596 : vector<16xf32>
        %add3A_598 = arith.addf %add3A_582, %add3A_597 : vector<16xf32>
        %mul3A_599 = arith.mulf %add3A_597, %add3A_597 : vector<16xf32>
        %add3A_600 = arith.addf %add3A_584, %mul3A_599 : vector<16xf32>
        %swap3A_601 = arith.constant 128 : index
        %swap3A_602 = tpu.vector_load %arg24[%swap3A_601] {strides = array<i32>} : memref<1024xf32, #tpu.memory_space<vmem>>, vector<16xf32>,
        tpu.vector_store %arg24[%swap3A_601], %add3A_597 {strides = array<i32>} : memref<1024xf32, #tpu.memory_space<vmem>>, vector<16xf32>,
        %gather3A_603 = tpu.vector_load_idx %arg17[%add3A_513, %add3A_154] : memref<128x64xf32, #tpu.memory_space<vmem>>[vector<16xi32>, vector<16xi32>], vector<16xf32>,
        %gather3A_604 = tpu.vector_load_idx %arg18[%add3A_525, %add3A_154] : memref<1024x65xf32, #tpu.memory_space<vmem>>[vector<16xi32>, vector<16xi32>], vector<16xf32>,
        %add3A_605 = arith.addf %gather3A_603, %gather3A_604 : vector<16xf32>
        %add3A_606 = arith.addf %add3A_590, %add3A_605 : vector<16xf32>
        %mul3A_607 = arith.mulf %add3A_605, %add3A_605 : vector<16xf32>
        %add3A_608 = arith.addf %add3A_592, %mul3A_607 : vector<16xf32>
        %swap3A_609 = arith.constant 144 : index
        %swap3A_610 = tpu.vector_load %arg24[%swap3A_609] {strides = array<i32>} : memref<1024xf32, #tpu.memory_space<vmem>>, vector<16xf32>,
        tpu.vector_store %arg24[%swap3A_609], %add3A_605 {strides = array<i32>} : memref<1024xf32, #tpu.memory_space<vmem>>, vector<16xf32>,
        %gather3A_611 = tpu.vector_load_idx %arg17[%add3A_513, %add3A_157] : memref<128x64xf32, #tpu.memory_space<vmem>>[vector<16xi32>, vector<16xi32>], vector<16xf32>,
        %gather3A_612 = tpu.vector_load_idx %arg18[%add3A_525, %add3A_157] : memref<1024x65xf32, #tpu.memory_space<vmem>>[vector<16xi32>, vector<16xi32>], vector<16xf32>,
        %add3A_613 = arith.addf %gather3A_611, %gather3A_612 : vector<16xf32>
        %add3A_614 = arith.addf %add3A_598, %add3A_613 : vector<16xf32>
        %mul3A_615 = arith.mulf %add3A_613, %add3A_613 : vector<16xf32>
        %add3A_616 = arith.addf %add3A_600, %mul3A_615 : vector<16xf32>
        %swap3A_617 = arith.constant 160 : index
        %swap3A_618 = tpu.vector_load %arg24[%swap3A_617] {strides = array<i32>} : memref<1024xf32, #tpu.memory_space<vmem>>, vector<16xf32>,
        tpu.vector_store %arg24[%swap3A_617], %add3A_613 {strides = array<i32>} : memref<1024xf32, #tpu.memory_space<vmem>>, vector<16xf32>,
        %gather3A_619 = tpu.vector_load_idx %arg17[%add3A_513, %add3A_160] : memref<128x64xf32, #tpu.memory_space<vmem>>[vector<16xi32>, vector<16xi32>], vector<16xf32>,
        %gather3A_620 = tpu.vector_load_idx %arg18[%add3A_525, %add3A_160] : memref<1024x65xf32, #tpu.memory_space<vmem>>[vector<16xi32>, vector<16xi32>], vector<16xf32>,
        %add3A_621 = arith.addf %gather3A_619, %gather3A_620 : vector<16xf32>
        %add3A_622 = arith.addf %add3A_606, %add3A_621 : vector<16xf32>
        %mul3A_623 = arith.mulf %add3A_621, %add3A_621 : vector<16xf32>
        %add3A_624 = arith.addf %add3A_608, %mul3A_623 : vector<16xf32>
        %swap3A_625 = arith.constant 176 : index
        %swap3A_626 = tpu.vector_load %arg24[%swap3A_625] {strides = array<i32>} : memref<1024xf32, #tpu.memory_space<vmem>>, vector<16xf32>,
        tpu.vector_store %arg24[%swap3A_625], %add3A_621 {strides = array<i32>} : memref<1024xf32, #tpu.memory_space<vmem>>, vector<16xf32>,
        %gather3A_627 = tpu.vector_load_idx %arg17[%add3A_513, %add3A_163] : memref<128x64xf32, #tpu.memory_space<vmem>>[vector<16xi32>, vector<16xi32>], vector<16xf32>,
        %gather3A_628 = tpu.vector_load_idx %arg18[%add3A_525, %add3A_163] : memref<1024x65xf32, #tpu.memory_space<vmem>>[vector<16xi32>, vector<16xi32>], vector<16xf32>,
        %add3A_629 = arith.addf %gather3A_627, %gather3A_628 : vector<16xf32>
        %add3A_630 = arith.addf %add3A_614, %add3A_629 : vector<16xf32>
        %mul3A_631 = arith.mulf %add3A_629, %add3A_629 : vector<16xf32>
        %add3A_632 = arith.addf %add3A_616, %mul3A_631 : vector<16xf32>
        %swap3A_633 = arith.constant 192 : index
        %swap3A_634 = tpu.vector_load %arg24[%swap3A_633] {strides = array<i32>} : memref<1024xf32, #tpu.memory_space<vmem>>, vector<16xf32>,
        tpu.vector_store %arg24[%swap3A_633], %add3A_629 {strides = array<i32>} : memref<1024xf32, #tpu.memory_space<vmem>>, vector<16xf32>,
        %gather3A_635 = tpu.vector_load_idx %arg17[%add3A_513, %add3A_166] : memref<128x64xf32, #tpu.memory_space<vmem>>[vector<16xi32>, vector<16xi32>], vector<16xf32>,
        %gather3A_636 = tpu.vector_load_idx %arg18[%add3A_525, %add3A_166] : memref<1024x65xf32, #tpu.memory_space<vmem>>[vector<16xi32>, vector<16xi32>], vector<16xf32>,
        %add3A_637 = arith.addf %gather3A_635, %gather3A_636 : vector<16xf32>
        %add3A_638 = arith.addf %add3A_622, %add3A_637 : vector<16xf32>
        %mul3A_639 = arith.mulf %add3A_637, %add3A_637 : vector<16xf32>
        %add3A_640 = arith.addf %add3A_624, %mul3A_639 : vector<16xf32>
        %swap3A_641 = arith.constant 208 : index
        %swap3A_642 = tpu.vector_load %arg24[%swap3A_641] {strides = array<i32>} : memref<1024xf32, #tpu.memory_space<vmem>>, vector<16xf32>,
        tpu.vector_store %arg24[%swap3A_641], %add3A_637 {strides = array<i32>} : memref<1024xf32, #tpu.memory_space<vmem>>, vector<16xf32>,
        %gather3A_643 = tpu.vector_load_idx %arg17[%add3A_513, %add3A_169] : memref<128x64xf32, #tpu.memory_space<vmem>>[vector<16xi32>, vector<16xi32>], vector<16xf32>,
        %gather3A_644 = tpu.vector_load_idx %arg18[%add3A_525, %add3A_169] : memref<1024x65xf32, #tpu.memory_space<vmem>>[vector<16xi32>, vector<16xi32>], vector<16xf32>,
        %add3A_645 = arith.addf %gather3A_643, %gather3A_644 : vector<16xf32>
        %add3A_646 = arith.addf %add3A_630, %add3A_645 : vector<16xf32>
        %mul3A_647 = arith.mulf %add3A_645, %add3A_645 : vector<16xf32>
        %add3A_648 = arith.addf %add3A_632, %mul3A_647 : vector<16xf32>
        %swap3A_649 = arith.constant 224 : index
        %swap3A_650 = tpu.vector_load %arg24[%swap3A_649] {strides = array<i32>} : memref<1024xf32, #tpu.memory_space<vmem>>, vector<16xf32>,
        tpu.vector_store %arg24[%swap3A_649], %add3A_645 {strides = array<i32>} : memref<1024xf32, #tpu.memory_space<vmem>>, vector<16xf32>,
        %gather3A_651 = tpu.vector_load_idx %arg17[%add3A_513, %add3A_172] : memref<128x64xf32, #tpu.memory_space<vmem>>[vector<16xi32>, vector<16xi32>], vector<16xf32>,
        %gather3A_652 = tpu.vector_load_idx %arg18[%add3A_525, %add3A_172] : memref<1024x65xf32, #tpu.memory_space<vmem>>[vector<16xi32>, vector<16xi32>], vector<16xf32>,
        %add3A_653 = arith.addf %gather3A_651, %gather3A_652 : vector<16xf32>
        %add3A_654 = arith.addf %add3A_638, %add3A_653 : vector<16xf32>
        %mul3A_655 = arith.mulf %add3A_653, %add3A_653 : vector<16xf32>
        %add3A_656 = arith.addf %add3A_640, %mul3A_655 : vector<16xf32>
        %swap3A_657 = arith.constant 240 : index
        %swap3A_658 = tpu.vector_load %arg24[%swap3A_657] {strides = array<i32>} : memref<1024xf32, #tpu.memory_space<vmem>>, vector<16xf32>,
        tpu.vector_store %arg24[%swap3A_657], %add3A_653 {strides = array<i32>} : memref<1024xf32, #tpu.memory_space<vmem>>, vector<16xf32>,
        %gather3A_659 = tpu.vector_load_idx %arg17[%add3A_513, %add3A_175] : memref<128x64xf32, #tpu.memory_space<vmem>>[vector<16xi32>, vector<16xi32>], vector<16xf32>,
        %gather3A_660 = tpu.vector_load_idx %arg18[%add3A_525, %add3A_175] : memref<1024x65xf32, #tpu.memory_space<vmem>>[vector<16xi32>, vector<16xi32>], vector<16xf32>,
        %add3A_661 = arith.addf %gather3A_659, %gather3A_660 : vector<16xf32>
        %add3A_662 = arith.addf %add3A_646, %add3A_661 : vector<16xf32>
        %mul3A_663 = arith.mulf %add3A_661, %add3A_661 : vector<16xf32>
        %add3A_664 = arith.addf %add3A_648, %mul3A_663 : vector<16xf32>
        %swap3A_665 = arith.constant 256 : index
        %swap3A_666 = tpu.vector_load %arg24[%swap3A_665] {strides = array<i32>} : memref<1024xf32, #tpu.memory_space<vmem>>, vector<16xf32>,
        tpu.vector_store %arg24[%swap3A_665], %add3A_661 {strides = array<i32>} : memref<1024xf32, #tpu.memory_space<vmem>>, vector<16xf32>,
        %gather3A_667 = tpu.vector_load_idx %arg17[%add3A_513, %add3A_178] : memref<128x64xf32, #tpu.memory_space<vmem>>[vector<16xi32>, vector<16xi32>], vector<16xf32>,
        %gather3A_668 = tpu.vector_load_idx %arg18[%add3A_525, %add3A_178] : memref<1024x65xf32, #tpu.memory_space<vmem>>[vector<16xi32>, vector<16xi32>], vector<16xf32>,
        %add3A_669 = arith.addf %gather3A_667, %gather3A_668 : vector<16xf32>
        %add3A_670 = arith.addf %add3A_654, %add3A_669 : vector<16xf32>
        %mul3A_671 = arith.mulf %add3A_669, %add3A_669 : vector<16xf32>
        %add3A_672 = arith.addf %add3A_656, %mul3A_671 : vector<16xf32>
        %swap3A_673 = arith.constant 272 : index
        %swap3A_674 = tpu.vector_load %arg24[%swap3A_673] {strides = array<i32>} : memref<1024xf32, #tpu.memory_space<vmem>>, vector<16xf32>,
        tpu.vector_store %arg24[%swap3A_673], %add3A_669 {strides = array<i32>} : memref<1024xf32, #tpu.memory_space<vmem>>, vector<16xf32>,
        %gather3A_675 = tpu.vector_load_idx %arg17[%add3A_513, %add3A_181] : memref<128x64xf32, #tpu.memory_space<vmem>>[vector<16xi32>, vector<16xi32>], vector<16xf32>,
        %gather3A_676 = tpu.vector_load_idx %arg18[%add3A_525, %add3A_181] : memref<1024x65xf32, #tpu.memory_space<vmem>>[vector<16xi32>, vector<16xi32>], vector<16xf32>,
        %add3A_677 = arith.addf %gather3A_675, %gather3A_676 : vector<16xf32>
        %add3A_678 = arith.addf %add3A_662, %add3A_677 : vector<16xf32>
        %mul3A_679 = arith.mulf %add3A_677, %add3A_677 : vector<16xf32>
        %add3A_680 = arith.addf %add3A_664, %mul3A_679 : vector<16xf32>
        %swap3A_681 = arith.constant 288 : index
        %swap3A_682 = tpu.vector_load %arg24[%swap3A_681] {strides = array<i32>} : memref<1024xf32, #tpu.memory_space<vmem>>, vector<16xf32>,
        tpu.vector_store %arg24[%swap3A_681], %add3A_677 {strides = array<i32>} : memref<1024xf32, #tpu.memory_space<vmem>>, vector<16xf32>,
        %gather3A_683 = tpu.vector_load_idx %arg17[%add3A_513, %add3A_184] : memref<128x64xf32, #tpu.memory_space<vmem>>[vector<16xi32>, vector<16xi32>], vector<16xf32>,
        %gather3A_684 = tpu.vector_load_idx %arg18[%add3A_525, %add3A_184] : memref<1024x65xf32, #tpu.memory_space<vmem>>[vector<16xi32>, vector<16xi32>], vector<16xf32>,
        %add3A_685 = arith.addf %gather3A_683, %gather3A_684 : vector<16xf32>
        %add3A_686 = arith.addf %add3A_670, %add3A_685 : vector<16xf32>
        %mul3A_687 = arith.mulf %add3A_685, %add3A_685 : vector<16xf32>
        %add3A_688 = arith.addf %add3A_672, %mul3A_687 : vector<16xf32>
        %swap3A_689 = arith.constant 304 : index
        %swap3A_690 = tpu.vector_load %arg24[%swap3A_689] {strides = array<i32>} : memref<1024xf32, #tpu.memory_space<vmem>>, vector<16xf32>,
        tpu.vector_store %arg24[%swap3A_689], %add3A_685 {strides = array<i32>} : memref<1024xf32, #tpu.memory_space<vmem>>, vector<16xf32>,
        %gather3A_691 = tpu.vector_load_idx %arg17[%add3A_513, %add3A_187] : memref<128x64xf32, #tpu.memory_space<vmem>>[vector<16xi32>, vector<16xi32>], vector<16xf32>,
        %gather3A_692 = tpu.vector_load_idx %arg18[%add3A_525, %add3A_187] : memref<1024x65xf32, #tpu.memory_space<vmem>>[vector<16xi32>, vector<16xi32>], vector<16xf32>,
        %add3A_693 = arith.addf %gather3A_691, %gather3A_692 : vector<16xf32>
        %add3A_694 = arith.addf %add3A_678, %add3A_693 : vector<16xf32>
        %mul3A_695 = arith.mulf %add3A_693, %add3A_693 : vector<16xf32>
        %add3A_696 = arith.addf %add3A_680, %mul3A_695 : vector<16xf32>
        %swap3A_697 = arith.constant 320 : index
        %swap3A_698 = tpu.vector_load %arg24[%swap3A_697] {strides = array<i32>} : memref<1024xf32, #tpu.memory_space<vmem>>, vector<16xf32>,
        tpu.vector_store %arg24[%swap3A_697], %add3A_693 {strides = array<i32>} : memref<1024xf32, #tpu.memory_space<vmem>>, vector<16xf32>,
        %gather3A_699 = tpu.vector_load_idx %arg17[%add3A_513, %add3A_190] : memref<128x64xf32, #tpu.memory_space<vmem>>[vector<16xi32>, vector<16xi32>], vector<16xf32>,
        %gather3A_700 = tpu.vector_load_idx %arg18[%add3A_525, %add3A_190] : memref<1024x65xf32, #tpu.memory_space<vmem>>[vector<16xi32>, vector<16xi32>], vector<16xf32>,
        %add3A_701 = arith.addf %gather3A_699, %gather3A_700 : vector<16xf32>
        %add3A_702 = arith.addf %add3A_686, %add3A_701 : vector<16xf32>
        %mul3A_703 = arith.mulf %add3A_701, %add3A_701 : vector<16xf32>
        %add3A_704 = arith.addf %add3A_688, %mul3A_703 : vector<16xf32>
        %swap3A_705 = arith.constant 336 : index
        %swap3A_706 = tpu.vector_load %arg24[%swap3A_705] {strides = array<i32>} : memref<1024xf32, #tpu.memory_space<vmem>>, vector<16xf32>,
        tpu.vector_store %arg24[%swap3A_705], %add3A_701 {strides = array<i32>} : memref<1024xf32, #tpu.memory_space<vmem>>, vector<16xf32>,
        %gather3A_707 = tpu.vector_load_idx %arg17[%add3A_513, %add3A_193] : memref<128x64xf32, #tpu.memory_space<vmem>>[vector<16xi32>, vector<16xi32>], vector<16xf32>,
        %gather3A_708 = tpu.vector_load_idx %arg18[%add3A_525, %add3A_193] : memref<1024x65xf32, #tpu.memory_space<vmem>>[vector<16xi32>, vector<16xi32>], vector<16xf32>,
        %add3A_709 = arith.addf %gather3A_707, %gather3A_708 : vector<16xf32>
        %add3A_710 = arith.addf %add3A_694, %add3A_709 : vector<16xf32>
        %mul3A_711 = arith.mulf %add3A_709, %add3A_709 : vector<16xf32>
        %add3A_712 = arith.addf %add3A_696, %mul3A_711 : vector<16xf32>
        %swap3A_713 = arith.constant 352 : index
        %swap3A_714 = tpu.vector_load %arg24[%swap3A_713] {strides = array<i32>} : memref<1024xf32, #tpu.memory_space<vmem>>, vector<16xf32>,
        tpu.vector_store %arg24[%swap3A_713], %add3A_709 {strides = array<i32>} : memref<1024xf32, #tpu.memory_space<vmem>>, vector<16xf32>,
        %gather3A_715 = tpu.vector_load_idx %arg17[%add3A_513, %add3A_196] : memref<128x64xf32, #tpu.memory_space<vmem>>[vector<16xi32>, vector<16xi32>], vector<16xf32>,
        %gather3A_716 = tpu.vector_load_idx %arg18[%add3A_525, %add3A_196] : memref<1024x65xf32, #tpu.memory_space<vmem>>[vector<16xi32>, vector<16xi32>], vector<16xf32>,
        %add3A_717 = arith.addf %gather3A_715, %gather3A_716 : vector<16xf32>
        %add3A_718 = arith.addf %add3A_702, %add3A_717 : vector<16xf32>
        %mul3A_719 = arith.mulf %add3A_717, %add3A_717 : vector<16xf32>
        %add3A_720 = arith.addf %add3A_704, %mul3A_719 : vector<16xf32>
        %swap3A_721 = arith.constant 368 : index
        %swap3A_722 = tpu.vector_load %arg24[%swap3A_721] {strides = array<i32>} : memref<1024xf32, #tpu.memory_space<vmem>>, vector<16xf32>,
        tpu.vector_store %arg24[%swap3A_721], %add3A_717 {strides = array<i32>} : memref<1024xf32, #tpu.memory_space<vmem>>, vector<16xf32>,
        %gather3A_723 = tpu.vector_load_idx %arg17[%add3A_513, %add3A_199] : memref<128x64xf32, #tpu.memory_space<vmem>>[vector<16xi32>, vector<16xi32>], vector<16xf32>,
        %gather3A_724 = tpu.vector_load_idx %arg18[%add3A_525, %add3A_199] : memref<1024x65xf32, #tpu.memory_space<vmem>>[vector<16xi32>, vector<16xi32>], vector<16xf32>,
        %add3A_725 = arith.addf %gather3A_723, %gather3A_724 : vector<16xf32>
        %add3A_726 = arith.addf %add3A_710, %add3A_725 : vector<16xf32>
        %mul3A_727 = arith.mulf %add3A_725, %add3A_725 : vector<16xf32>
        %add3A_728 = arith.addf %add3A_712, %mul3A_727 : vector<16xf32>
        %swap3A_729 = arith.constant 384 : index
        %swap3A_730 = tpu.vector_load %arg24[%swap3A_729] {strides = array<i32>} : memref<1024xf32, #tpu.memory_space<vmem>>, vector<16xf32>,
        tpu.vector_store %arg24[%swap3A_729], %add3A_725 {strides = array<i32>} : memref<1024xf32, #tpu.memory_space<vmem>>, vector<16xf32>,
        %gather3A_731 = tpu.vector_load_idx %arg17[%add3A_513, %add3A_202] : memref<128x64xf32, #tpu.memory_space<vmem>>[vector<16xi32>, vector<16xi32>], vector<16xf32>,
        %gather3A_732 = tpu.vector_load_idx %arg18[%add3A_525, %add3A_202] : memref<1024x65xf32, #tpu.memory_space<vmem>>[vector<16xi32>, vector<16xi32>], vector<16xf32>,
        %add3A_733 = arith.addf %gather3A_731, %gather3A_732 : vector<16xf32>
        %add3A_734 = arith.addf %add3A_718, %add3A_733 : vector<16xf32>
        %mul3A_735 = arith.mulf %add3A_733, %add3A_733 : vector<16xf32>
        %add3A_736 = arith.addf %add3A_720, %mul3A_735 : vector<16xf32>
        %swap3A_737 = arith.constant 400 : index
        %swap3A_738 = tpu.vector_load %arg24[%swap3A_737] {strides = array<i32>} : memref<1024xf32, #tpu.memory_space<vmem>>, vector<16xf32>,
        tpu.vector_store %arg24[%swap3A_737], %add3A_733 {strides = array<i32>} : memref<1024xf32, #tpu.memory_space<vmem>>, vector<16xf32>,
        %gather3A_739 = tpu.vector_load_idx %arg17[%add3A_513, %add3A_205] : memref<128x64xf32, #tpu.memory_space<vmem>>[vector<16xi32>, vector<16xi32>], vector<16xf32>,
        %gather3A_740 = tpu.vector_load_idx %arg18[%add3A_525, %add3A_205] : memref<1024x65xf32, #tpu.memory_space<vmem>>[vector<16xi32>, vector<16xi32>], vector<16xf32>,
        %add3A_741 = arith.addf %gather3A_739, %gather3A_740 : vector<16xf32>
        %add3A_742 = arith.addf %add3A_726, %add3A_741 : vector<16xf32>
        %mul3A_743 = arith.mulf %add3A_741, %add3A_741 : vector<16xf32>
        %add3A_744 = arith.addf %add3A_728, %mul3A_743 : vector<16xf32>
        %swap3A_745 = arith.constant 416 : index
        %swap3A_746 = tpu.vector_load %arg24[%swap3A_745] {strides = array<i32>} : memref<1024xf32, #tpu.memory_space<vmem>>, vector<16xf32>,
        tpu.vector_store %arg24[%swap3A_745], %add3A_741 {strides = array<i32>} : memref<1024xf32, #tpu.memory_space<vmem>>, vector<16xf32>,
        %gather3A_747 = tpu.vector_load_idx %arg17[%add3A_513, %add3A_208] : memref<128x64xf32, #tpu.memory_space<vmem>>[vector<16xi32>, vector<16xi32>], vector<16xf32>,
        %gather3A_748 = tpu.vector_load_idx %arg18[%add3A_525, %add3A_208] : memref<1024x65xf32, #tpu.memory_space<vmem>>[vector<16xi32>, vector<16xi32>], vector<16xf32>,
        %add3A_749 = arith.addf %gather3A_747, %gather3A_748 : vector<16xf32>
        %add3A_750 = arith.addf %add3A_734, %add3A_749 : vector<16xf32>
        %mul3A_751 = arith.mulf %add3A_749, %add3A_749 : vector<16xf32>
        %add3A_752 = arith.addf %add3A_736, %mul3A_751 : vector<16xf32>
        %swap3A_753 = arith.constant 432 : index
        %swap3A_754 = tpu.vector_load %arg24[%swap3A_753] {strides = array<i32>} : memref<1024xf32, #tpu.memory_space<vmem>>, vector<16xf32>,
        tpu.vector_store %arg24[%swap3A_753], %add3A_749 {strides = array<i32>} : memref<1024xf32, #tpu.memory_space<vmem>>, vector<16xf32>,
        %gather3A_755 = tpu.vector_load_idx %arg17[%add3A_513, %add3A_211] : memref<128x64xf32, #tpu.memory_space<vmem>>[vector<16xi32>, vector<16xi32>], vector<16xf32>,
        %gather3A_756 = tpu.vector_load_idx %arg18[%add3A_525, %add3A_211] : memref<1024x65xf32, #tpu.memory_space<vmem>>[vector<16xi32>, vector<16xi32>], vector<16xf32>,
        %add3A_757 = arith.addf %gather3A_755, %gather3A_756 : vector<16xf32>
        %add3A_758 = arith.addf %add3A_742, %add3A_757 : vector<16xf32>
        %mul3A_759 = arith.mulf %add3A_757, %add3A_757 : vector<16xf32>
        %add3A_760 = arith.addf %add3A_744, %mul3A_759 : vector<16xf32>
        %swap3A_761 = arith.constant 448 : index
        %swap3A_762 = tpu.vector_load %arg24[%swap3A_761] {strides = array<i32>} : memref<1024xf32, #tpu.memory_space<vmem>>, vector<16xf32>,
        tpu.vector_store %arg24[%swap3A_761], %add3A_757 {strides = array<i32>} : memref<1024xf32, #tpu.memory_space<vmem>>, vector<16xf32>,
        %gather3A_763 = tpu.vector_load_idx %arg17[%add3A_513, %add3A_214] : memref<128x64xf32, #tpu.memory_space<vmem>>[vector<16xi32>, vector<16xi32>], vector<16xf32>,
        %gather3A_764 = tpu.vector_load_idx %arg18[%add3A_525, %add3A_214] : memref<1024x65xf32, #tpu.memory_space<vmem>>[vector<16xi32>, vector<16xi32>], vector<16xf32>,
        %add3A_765 = arith.addf %gather3A_763, %gather3A_764 : vector<16xf32>
        %add3A_766 = arith.addf %add3A_750, %add3A_765 : vector<16xf32>
        %mul3A_767 = arith.mulf %add3A_765, %add3A_765 : vector<16xf32>
        %add3A_768 = arith.addf %add3A_752, %mul3A_767 : vector<16xf32>
        %swap3A_769 = arith.constant 464 : index
        %swap3A_770 = tpu.vector_load %arg24[%swap3A_769] {strides = array<i32>} : memref<1024xf32, #tpu.memory_space<vmem>>, vector<16xf32>,
        tpu.vector_store %arg24[%swap3A_769], %add3A_765 {strides = array<i32>} : memref<1024xf32, #tpu.memory_space<vmem>>, vector<16xf32>,
        %gather3A_771 = tpu.vector_load_idx %arg17[%add3A_513, %add3A_217] : memref<128x64xf32, #tpu.memory_space<vmem>>[vector<16xi32>, vector<16xi32>], vector<16xf32>,
        %gather3A_772 = tpu.vector_load_idx %arg18[%add3A_525, %add3A_217] : memref<1024x65xf32, #tpu.memory_space<vmem>>[vector<16xi32>, vector<16xi32>], vector<16xf32>,
        %add3A_773 = arith.addf %gather3A_771, %gather3A_772 : vector<16xf32>
        %add3A_774 = arith.addf %add3A_758, %add3A_773 : vector<16xf32>
        %mul3A_775 = arith.mulf %add3A_773, %add3A_773 : vector<16xf32>
        %add3A_776 = arith.addf %add3A_760, %mul3A_775 : vector<16xf32>
        %swap3A_777 = arith.constant 480 : index
        %swap3A_778 = tpu.vector_load %arg24[%swap3A_777] {strides = array<i32>} : memref<1024xf32, #tpu.memory_space<vmem>>, vector<16xf32>,
        tpu.vector_store %arg24[%swap3A_777], %add3A_773 {strides = array<i32>} : memref<1024xf32, #tpu.memory_space<vmem>>, vector<16xf32>,
        %gather3A_779 = tpu.vector_load_idx %arg17[%add3A_513, %add3A_220] : memref<128x64xf32, #tpu.memory_space<vmem>>[vector<16xi32>, vector<16xi32>], vector<16xf32>,
        %gather3A_780 = tpu.vector_load_idx %arg18[%add3A_525, %add3A_220] : memref<1024x65xf32, #tpu.memory_space<vmem>>[vector<16xi32>, vector<16xi32>], vector<16xf32>,
        %add3A_781 = arith.addf %gather3A_779, %gather3A_780 : vector<16xf32>
        %add3A_782 = arith.addf %add3A_766, %add3A_781 : vector<16xf32>
        %mul3A_783 = arith.mulf %add3A_781, %add3A_781 : vector<16xf32>
        %add3A_784 = arith.addf %add3A_768, %mul3A_783 : vector<16xf32>
        %swap3A_785 = arith.constant 496 : index
        %swap3A_786 = tpu.vector_load %arg24[%swap3A_785] {strides = array<i32>} : memref<1024xf32, #tpu.memory_space<vmem>>, vector<16xf32>,
        tpu.vector_store %arg24[%swap3A_785], %add3A_781 {strides = array<i32>} : memref<1024xf32, #tpu.memory_space<vmem>>, vector<16xf32>,
        %gather3A_787 = tpu.vector_load_idx %arg17[%add3A_513, %add3A_223] : memref<128x64xf32, #tpu.memory_space<vmem>>[vector<16xi32>, vector<16xi32>], vector<16xf32>,
        %gather3A_788 = tpu.vector_load_idx %arg18[%add3A_525, %add3A_223] : memref<1024x65xf32, #tpu.memory_space<vmem>>[vector<16xi32>, vector<16xi32>], vector<16xf32>,
        %add3A_789 = arith.addf %gather3A_787, %gather3A_788 : vector<16xf32>
        %add3A_790 = arith.addf %add3A_774, %add3A_789 : vector<16xf32>
        %mul3A_791 = arith.mulf %add3A_789, %add3A_789 : vector<16xf32>
        %add3A_792 = arith.addf %add3A_776, %mul3A_791 : vector<16xf32>
        %swap3A_793 = arith.constant 512 : index
        %swap3A_794 = tpu.vector_load %arg24[%swap3A_793] {strides = array<i32>} : memref<1024xf32, #tpu.memory_space<vmem>>, vector<16xf32>,
        tpu.vector_store %arg24[%swap3A_793], %add3A_789 {strides = array<i32>} : memref<1024xf32, #tpu.memory_space<vmem>>, vector<16xf32>,
        %gather3A_795 = tpu.vector_load_idx %arg17[%add3A_513, %add3A_226] : memref<128x64xf32, #tpu.memory_space<vmem>>[vector<16xi32>, vector<16xi32>], vector<16xf32>,
        %gather3A_796 = tpu.vector_load_idx %arg18[%add3A_525, %add3A_226] : memref<1024x65xf32, #tpu.memory_space<vmem>>[vector<16xi32>, vector<16xi32>], vector<16xf32>,
        %add3A_797 = arith.addf %gather3A_795, %gather3A_796 : vector<16xf32>
        %add3A_798 = arith.addf %add3A_782, %add3A_797 : vector<16xf32>
        %mul3A_799 = arith.mulf %add3A_797, %add3A_797 : vector<16xf32>
        %add3A_800 = arith.addf %add3A_784, %mul3A_799 : vector<16xf32>
        %swap3A_801 = arith.constant 528 : index
        %swap3A_802 = tpu.vector_load %arg24[%swap3A_801] {strides = array<i32>} : memref<1024xf32, #tpu.memory_space<vmem>>, vector<16xf32>,
        tpu.vector_store %arg24[%swap3A_801], %add3A_797 {strides = array<i32>} : memref<1024xf32, #tpu.memory_space<vmem>>, vector<16xf32>,
        %gather3A_803 = tpu.vector_load_idx %arg17[%add3A_513, %add3A_229] : memref<128x64xf32, #tpu.memory_space<vmem>>[vector<16xi32>, vector<16xi32>], vector<16xf32>,
        %gather3A_804 = tpu.vector_load_idx %arg18[%add3A_525, %add3A_229] : memref<1024x65xf32, #tpu.memory_space<vmem>>[vector<16xi32>, vector<16xi32>], vector<16xf32>,
        %add3A_805 = arith.addf %gather3A_803, %gather3A_804 : vector<16xf32>
        %add3A_806 = arith.addf %add3A_790, %add3A_805 : vector<16xf32>
        %mul3A_807 = arith.mulf %add3A_805, %add3A_805 : vector<16xf32>
        %add3A_808 = arith.addf %add3A_792, %mul3A_807 : vector<16xf32>
        %swap3A_809 = arith.constant 544 : index
        %swap3A_810 = tpu.vector_load %arg24[%swap3A_809] {strides = array<i32>} : memref<1024xf32, #tpu.memory_space<vmem>>, vector<16xf32>,
        tpu.vector_store %arg24[%swap3A_809], %add3A_805 {strides = array<i32>} : memref<1024xf32, #tpu.memory_space<vmem>>, vector<16xf32>,
        %gather3A_811 = tpu.vector_load_idx %arg17[%add3A_513, %add3A_232] : memref<128x64xf32, #tpu.memory_space<vmem>>[vector<16xi32>, vector<16xi32>], vector<16xf32>,
        %gather3A_812 = tpu.vector_load_idx %arg18[%add3A_525, %add3A_232] : memref<1024x65xf32, #tpu.memory_space<vmem>>[vector<16xi32>, vector<16xi32>], vector<16xf32>,
        %add3A_813 = arith.addf %gather3A_811, %gather3A_812 : vector<16xf32>
        %add3A_814 = arith.addf %add3A_798, %add3A_813 : vector<16xf32>
        %mul3A_815 = arith.mulf %add3A_813, %add3A_813 : vector<16xf32>
        %add3A_816 = arith.addf %add3A_800, %mul3A_815 : vector<16xf32>
        %swap3A_817 = arith.constant 560 : index
        %swap3A_818 = tpu.vector_load %arg24[%swap3A_817] {strides = array<i32>} : memref<1024xf32, #tpu.memory_space<vmem>>, vector<16xf32>,
        tpu.vector_store %arg24[%swap3A_817], %add3A_813 {strides = array<i32>} : memref<1024xf32, #tpu.memory_space<vmem>>, vector<16xf32>,
        %gather3A_819 = tpu.vector_load_idx %arg17[%add3A_513, %add3A_235] : memref<128x64xf32, #tpu.memory_space<vmem>>[vector<16xi32>, vector<16xi32>], vector<16xf32>,
        %gather3A_820 = tpu.vector_load_idx %arg18[%add3A_525, %add3A_235] : memref<1024x65xf32, #tpu.memory_space<vmem>>[vector<16xi32>, vector<16xi32>], vector<16xf32>,
        %add3A_821 = arith.addf %gather3A_819, %gather3A_820 : vector<16xf32>
        %add3A_822 = arith.addf %add3A_806, %add3A_821 : vector<16xf32>
        %mul3A_823 = arith.mulf %add3A_821, %add3A_821 : vector<16xf32>
        %add3A_824 = arith.addf %add3A_808, %mul3A_823 : vector<16xf32>
        %swap3A_825 = arith.constant 576 : index
        %swap3A_826 = tpu.vector_load %arg24[%swap3A_825] {strides = array<i32>} : memref<1024xf32, #tpu.memory_space<vmem>>, vector<16xf32>,
        tpu.vector_store %arg24[%swap3A_825], %add3A_821 {strides = array<i32>} : memref<1024xf32, #tpu.memory_space<vmem>>, vector<16xf32>,
        %gather3A_827 = tpu.vector_load_idx %arg17[%add3A_513, %add3A_238] : memref<128x64xf32, #tpu.memory_space<vmem>>[vector<16xi32>, vector<16xi32>], vector<16xf32>,
        %gather3A_828 = tpu.vector_load_idx %arg18[%add3A_525, %add3A_238] : memref<1024x65xf32, #tpu.memory_space<vmem>>[vector<16xi32>, vector<16xi32>], vector<16xf32>,
        %add3A_829 = arith.addf %gather3A_827, %gather3A_828 : vector<16xf32>
        %add3A_830 = arith.addf %add3A_814, %add3A_829 : vector<16xf32>
        %mul3A_831 = arith.mulf %add3A_829, %add3A_829 : vector<16xf32>
        %add3A_832 = arith.addf %add3A_816, %mul3A_831 : vector<16xf32>
        %swap3A_833 = arith.constant 592 : index
        %swap3A_834 = tpu.vector_load %arg24[%swap3A_833] {strides = array<i32>} : memref<1024xf32, #tpu.memory_space<vmem>>, vector<16xf32>,
        tpu.vector_store %arg24[%swap3A_833], %add3A_829 {strides = array<i32>} : memref<1024xf32, #tpu.memory_space<vmem>>, vector<16xf32>,
        %gather3A_835 = tpu.vector_load_idx %arg17[%add3A_513, %add3A_241] : memref<128x64xf32, #tpu.memory_space<vmem>>[vector<16xi32>, vector<16xi32>], vector<16xf32>,
        %gather3A_836 = tpu.vector_load_idx %arg18[%add3A_525, %add3A_241] : memref<1024x65xf32, #tpu.memory_space<vmem>>[vector<16xi32>, vector<16xi32>], vector<16xf32>,
        %add3A_837 = arith.addf %gather3A_835, %gather3A_836 : vector<16xf32>
        %add3A_838 = arith.addf %add3A_822, %add3A_837 : vector<16xf32>
        %mul3A_839 = arith.mulf %add3A_837, %add3A_837 : vector<16xf32>
        %add3A_840 = arith.addf %add3A_824, %mul3A_839 : vector<16xf32>
        %swap3A_841 = arith.constant 608 : index
        %swap3A_842 = tpu.vector_load %arg24[%swap3A_841] {strides = array<i32>} : memref<1024xf32, #tpu.memory_space<vmem>>, vector<16xf32>,
        tpu.vector_store %arg24[%swap3A_841], %add3A_837 {strides = array<i32>} : memref<1024xf32, #tpu.memory_space<vmem>>, vector<16xf32>,
        %gather3A_843 = tpu.vector_load_idx %arg17[%add3A_513, %add3A_244] : memref<128x64xf32, #tpu.memory_space<vmem>>[vector<16xi32>, vector<16xi32>], vector<16xf32>,
        %gather3A_844 = tpu.vector_load_idx %arg18[%add3A_525, %add3A_244] : memref<1024x65xf32, #tpu.memory_space<vmem>>[vector<16xi32>, vector<16xi32>], vector<16xf32>,
        %add3A_845 = arith.addf %gather3A_843, %gather3A_844 : vector<16xf32>
        %add3A_846 = arith.addf %add3A_830, %add3A_845 : vector<16xf32>
        %mul3A_847 = arith.mulf %add3A_845, %add3A_845 : vector<16xf32>
        %add3A_848 = arith.addf %add3A_832, %mul3A_847 : vector<16xf32>
        %swap3A_849 = arith.constant 624 : index
        %swap3A_850 = tpu.vector_load %arg24[%swap3A_849] {strides = array<i32>} : memref<1024xf32, #tpu.memory_space<vmem>>, vector<16xf32>,
        tpu.vector_store %arg24[%swap3A_849], %add3A_845 {strides = array<i32>} : memref<1024xf32, #tpu.memory_space<vmem>>, vector<16xf32>,
        %gather3A_851 = tpu.vector_load_idx %arg17[%add3A_513, %add3A_247] : memref<128x64xf32, #tpu.memory_space<vmem>>[vector<16xi32>, vector<16xi32>], vector<16xf32>,
        %gather3A_852 = tpu.vector_load_idx %arg18[%add3A_525, %add3A_247] : memref<1024x65xf32, #tpu.memory_space<vmem>>[vector<16xi32>, vector<16xi32>], vector<16xf32>,
        %add3A_853 = arith.addf %gather3A_851, %gather3A_852 : vector<16xf32>
        %add3A_854 = arith.addf %add3A_838, %add3A_853 : vector<16xf32>
        %mul3A_855 = arith.mulf %add3A_853, %add3A_853 : vector<16xf32>
        %add3A_856 = arith.addf %add3A_840, %mul3A_855 : vector<16xf32>
        %swap3A_857 = arith.constant 640 : index
        %swap3A_858 = tpu.vector_load %arg24[%swap3A_857] {strides = array<i32>} : memref<1024xf32, #tpu.memory_space<vmem>>, vector<16xf32>,
        tpu.vector_store %arg24[%swap3A_857], %add3A_853 {strides = array<i32>} : memref<1024xf32, #tpu.memory_space<vmem>>, vector<16xf32>,
        %gather3A_859 = tpu.vector_load_idx %arg17[%add3A_513, %add3A_250] : memref<128x64xf32, #tpu.memory_space<vmem>>[vector<16xi32>, vector<16xi32>], vector<16xf32>,
        %gather3A_860 = tpu.vector_load_idx %arg18[%add3A_525, %add3A_250] : memref<1024x65xf32, #tpu.memory_space<vmem>>[vector<16xi32>, vector<16xi32>], vector<16xf32>,
        %add3A_861 = arith.addf %gather3A_859, %gather3A_860 : vector<16xf32>
        %add3A_862 = arith.addf %add3A_846, %add3A_861 : vector<16xf32>
        %mul3A_863 = arith.mulf %add3A_861, %add3A_861 : vector<16xf32>
        %add3A_864 = arith.addf %add3A_848, %mul3A_863 : vector<16xf32>
        %swap3A_865 = arith.constant 656 : index
        %swap3A_866 = tpu.vector_load %arg24[%swap3A_865] {strides = array<i32>} : memref<1024xf32, #tpu.memory_space<vmem>>, vector<16xf32>,
        tpu.vector_store %arg24[%swap3A_865], %add3A_861 {strides = array<i32>} : memref<1024xf32, #tpu.memory_space<vmem>>, vector<16xf32>,
        %gather3A_867 = tpu.vector_load_idx %arg17[%add3A_513, %add3A_253] : memref<128x64xf32, #tpu.memory_space<vmem>>[vector<16xi32>, vector<16xi32>], vector<16xf32>,
        %gather3A_868 = tpu.vector_load_idx %arg18[%add3A_525, %add3A_253] : memref<1024x65xf32, #tpu.memory_space<vmem>>[vector<16xi32>, vector<16xi32>], vector<16xf32>,
        %add3A_869 = arith.addf %gather3A_867, %gather3A_868 : vector<16xf32>
        %add3A_870 = arith.addf %add3A_854, %add3A_869 : vector<16xf32>
        %mul3A_871 = arith.mulf %add3A_869, %add3A_869 : vector<16xf32>
        %add3A_872 = arith.addf %add3A_856, %mul3A_871 : vector<16xf32>
        %swap3A_873 = arith.constant 672 : index
        %swap3A_874 = tpu.vector_load %arg24[%swap3A_873] {strides = array<i32>} : memref<1024xf32, #tpu.memory_space<vmem>>, vector<16xf32>,
        tpu.vector_store %arg24[%swap3A_873], %add3A_869 {strides = array<i32>} : memref<1024xf32, #tpu.memory_space<vmem>>, vector<16xf32>,
        %gather3A_875 = tpu.vector_load_idx %arg17[%add3A_513, %add3A_256] : memref<128x64xf32, #tpu.memory_space<vmem>>[vector<16xi32>, vector<16xi32>], vector<16xf32>,
        %gather3A_876 = tpu.vector_load_idx %arg18[%add3A_525, %add3A_256] : memref<1024x65xf32, #tpu.memory_space<vmem>>[vector<16xi32>, vector<16xi32>], vector<16xf32>,
        %add3A_877 = arith.addf %gather3A_875, %gather3A_876 : vector<16xf32>
        %add3A_878 = arith.addf %add3A_862, %add3A_877 : vector<16xf32>
        %mul3A_879 = arith.mulf %add3A_877, %add3A_877 : vector<16xf32>
        %add3A_880 = arith.addf %add3A_864, %mul3A_879 : vector<16xf32>
        %swap3A_881 = arith.constant 688 : index
        %swap3A_882 = tpu.vector_load %arg24[%swap3A_881] {strides = array<i32>} : memref<1024xf32, #tpu.memory_space<vmem>>, vector<16xf32>,
        tpu.vector_store %arg24[%swap3A_881], %add3A_877 {strides = array<i32>} : memref<1024xf32, #tpu.memory_space<vmem>>, vector<16xf32>,
        %gather3A_883 = tpu.vector_load_idx %arg17[%add3A_513, %add3A_259] : memref<128x64xf32, #tpu.memory_space<vmem>>[vector<16xi32>, vector<16xi32>], vector<16xf32>,
        %gather3A_884 = tpu.vector_load_idx %arg18[%add3A_525, %add3A_259] : memref<1024x65xf32, #tpu.memory_space<vmem>>[vector<16xi32>, vector<16xi32>], vector<16xf32>,
        %add3A_885 = arith.addf %gather3A_883, %gather3A_884 : vector<16xf32>
        %add3A_886 = arith.addf %add3A_870, %add3A_885 : vector<16xf32>
        %mul3A_887 = arith.mulf %add3A_885, %add3A_885 : vector<16xf32>
        %add3A_888 = arith.addf %add3A_872, %mul3A_887 : vector<16xf32>
        %swap3A_889 = arith.constant 704 : index
        %swap3A_890 = tpu.vector_load %arg24[%swap3A_889] {strides = array<i32>} : memref<1024xf32, #tpu.memory_space<vmem>>, vector<16xf32>,
        tpu.vector_store %arg24[%swap3A_889], %add3A_885 {strides = array<i32>} : memref<1024xf32, #tpu.memory_space<vmem>>, vector<16xf32>,
        %gather3A_891 = tpu.vector_load_idx %arg17[%add3A_513, %add3A_262] : memref<128x64xf32, #tpu.memory_space<vmem>>[vector<16xi32>, vector<16xi32>], vector<16xf32>,
        %gather3A_892 = tpu.vector_load_idx %arg18[%add3A_525, %add3A_262] : memref<1024x65xf32, #tpu.memory_space<vmem>>[vector<16xi32>, vector<16xi32>], vector<16xf32>,
        %add3A_893 = arith.addf %gather3A_891, %gather3A_892 : vector<16xf32>
        %add3A_894 = arith.addf %add3A_878, %add3A_893 : vector<16xf32>
        %mul3A_895 = arith.mulf %add3A_893, %add3A_893 : vector<16xf32>
        %add3A_896 = arith.addf %add3A_880, %mul3A_895 : vector<16xf32>
        %swap3A_897 = arith.constant 720 : index
        %swap3A_898 = tpu.vector_load %arg24[%swap3A_897] {strides = array<i32>} : memref<1024xf32, #tpu.memory_space<vmem>>, vector<16xf32>,
        tpu.vector_store %arg24[%swap3A_897], %add3A_893 {strides = array<i32>} : memref<1024xf32, #tpu.memory_space<vmem>>, vector<16xf32>,
        %gather3A_899 = tpu.vector_load_idx %arg17[%add3A_513, %add3A_265] : memref<128x64xf32, #tpu.memory_space<vmem>>[vector<16xi32>, vector<16xi32>], vector<16xf32>,
        %gather3A_900 = tpu.vector_load_idx %arg18[%add3A_525, %add3A_265] : memref<1024x65xf32, #tpu.memory_space<vmem>>[vector<16xi32>, vector<16xi32>], vector<16xf32>,
        %add3A_901 = arith.addf %gather3A_899, %gather3A_900 : vector<16xf32>
        %add3A_902 = arith.addf %add3A_886, %add3A_901 : vector<16xf32>
        %mul3A_903 = arith.mulf %add3A_901, %add3A_901 : vector<16xf32>
        %add3A_904 = arith.addf %add3A_888, %mul3A_903 : vector<16xf32>
        %swap3A_905 = arith.constant 736 : index
        %swap3A_906 = tpu.vector_load %arg24[%swap3A_905] {strides = array<i32>} : memref<1024xf32, #tpu.memory_space<vmem>>, vector<16xf32>,
        tpu.vector_store %arg24[%swap3A_905], %add3A_901 {strides = array<i32>} : memref<1024xf32, #tpu.memory_space<vmem>>, vector<16xf32>,
        %gather3A_907 = tpu.vector_load_idx %arg17[%add3A_513, %add3A_268] : memref<128x64xf32, #tpu.memory_space<vmem>>[vector<16xi32>, vector<16xi32>], vector<16xf32>,
        %gather3A_908 = tpu.vector_load_idx %arg18[%add3A_525, %add3A_268] : memref<1024x65xf32, #tpu.memory_space<vmem>>[vector<16xi32>, vector<16xi32>], vector<16xf32>,
        %add3A_909 = arith.addf %gather3A_907, %gather3A_908 : vector<16xf32>
        %add3A_910 = arith.addf %add3A_894, %add3A_909 : vector<16xf32>
        %mul3A_911 = arith.mulf %add3A_909, %add3A_909 : vector<16xf32>
        %add3A_912 = arith.addf %add3A_896, %mul3A_911 : vector<16xf32>
        %swap3A_913 = arith.constant 752 : index
        %swap3A_914 = tpu.vector_load %arg24[%swap3A_913] {strides = array<i32>} : memref<1024xf32, #tpu.memory_space<vmem>>, vector<16xf32>,
        tpu.vector_store %arg24[%swap3A_913], %add3A_909 {strides = array<i32>} : memref<1024xf32, #tpu.memory_space<vmem>>, vector<16xf32>,
        %gather3A_915 = tpu.vector_load_idx %arg17[%add3A_513, %add3A_271] : memref<128x64xf32, #tpu.memory_space<vmem>>[vector<16xi32>, vector<16xi32>], vector<16xf32>,
        %gather3A_916 = tpu.vector_load_idx %arg18[%add3A_525, %add3A_271] : memref<1024x65xf32, #tpu.memory_space<vmem>>[vector<16xi32>, vector<16xi32>], vector<16xf32>,
        %add3A_917 = arith.addf %gather3A_915, %gather3A_916 : vector<16xf32>
        %add3A_918 = arith.addf %add3A_902, %add3A_917 : vector<16xf32>
        %mul3A_919 = arith.mulf %add3A_917, %add3A_917 : vector<16xf32>
        %add3A_920 = arith.addf %add3A_904, %mul3A_919 : vector<16xf32>
        %swap3A_921 = arith.constant 768 : index
        %swap3A_922 = tpu.vector_load %arg24[%swap3A_921] {strides = array<i32>} : memref<1024xf32, #tpu.memory_space<vmem>>, vector<16xf32>,
        tpu.vector_store %arg24[%swap3A_921], %add3A_917 {strides = array<i32>} : memref<1024xf32, #tpu.memory_space<vmem>>, vector<16xf32>,
        %gather3A_923 = tpu.vector_load_idx %arg17[%add3A_513, %add3A_274] : memref<128x64xf32, #tpu.memory_space<vmem>>[vector<16xi32>, vector<16xi32>], vector<16xf32>,
        %gather3A_924 = tpu.vector_load_idx %arg18[%add3A_525, %add3A_274] : memref<1024x65xf32, #tpu.memory_space<vmem>>[vector<16xi32>, vector<16xi32>], vector<16xf32>,
        %add3A_925 = arith.addf %gather3A_923, %gather3A_924 : vector<16xf32>
        %add3A_926 = arith.addf %add3A_910, %add3A_925 : vector<16xf32>
        %mul3A_927 = arith.mulf %add3A_925, %add3A_925 : vector<16xf32>
        %add3A_928 = arith.addf %add3A_912, %mul3A_927 : vector<16xf32>
        %swap3A_929 = arith.constant 784 : index
        %swap3A_930 = tpu.vector_load %arg24[%swap3A_929] {strides = array<i32>} : memref<1024xf32, #tpu.memory_space<vmem>>, vector<16xf32>,
        tpu.vector_store %arg24[%swap3A_929], %add3A_925 {strides = array<i32>} : memref<1024xf32, #tpu.memory_space<vmem>>, vector<16xf32>,
        %gather3A_931 = tpu.vector_load_idx %arg17[%add3A_513, %add3A_277] : memref<128x64xf32, #tpu.memory_space<vmem>>[vector<16xi32>, vector<16xi32>], vector<16xf32>,
        %gather3A_932 = tpu.vector_load_idx %arg18[%add3A_525, %add3A_277] : memref<1024x65xf32, #tpu.memory_space<vmem>>[vector<16xi32>, vector<16xi32>], vector<16xf32>,
        %add3A_933 = arith.addf %gather3A_931, %gather3A_932 : vector<16xf32>
        %add3A_934 = arith.addf %add3A_918, %add3A_933 : vector<16xf32>
        %mul3A_935 = arith.mulf %add3A_933, %add3A_933 : vector<16xf32>
        %add3A_936 = arith.addf %add3A_920, %mul3A_935 : vector<16xf32>
        %swap3A_937 = arith.constant 800 : index
        %swap3A_938 = tpu.vector_load %arg24[%swap3A_937] {strides = array<i32>} : memref<1024xf32, #tpu.memory_space<vmem>>, vector<16xf32>,
        tpu.vector_store %arg24[%swap3A_937], %add3A_933 {strides = array<i32>} : memref<1024xf32, #tpu.memory_space<vmem>>, vector<16xf32>,
        %gather3A_939 = tpu.vector_load_idx %arg17[%add3A_513, %add3A_280] : memref<128x64xf32, #tpu.memory_space<vmem>>[vector<16xi32>, vector<16xi32>], vector<16xf32>,
        %gather3A_940 = tpu.vector_load_idx %arg18[%add3A_525, %add3A_280] : memref<1024x65xf32, #tpu.memory_space<vmem>>[vector<16xi32>, vector<16xi32>], vector<16xf32>,
        %add3A_941 = arith.addf %gather3A_939, %gather3A_940 : vector<16xf32>
        %add3A_942 = arith.addf %add3A_926, %add3A_941 : vector<16xf32>
        %mul3A_943 = arith.mulf %add3A_941, %add3A_941 : vector<16xf32>
        %add3A_944 = arith.addf %add3A_928, %mul3A_943 : vector<16xf32>
        %swap3A_945 = arith.constant 816 : index
        %swap3A_946 = tpu.vector_load %arg24[%swap3A_945] {strides = array<i32>} : memref<1024xf32, #tpu.memory_space<vmem>>, vector<16xf32>,
        tpu.vector_store %arg24[%swap3A_945], %add3A_941 {strides = array<i32>} : memref<1024xf32, #tpu.memory_space<vmem>>, vector<16xf32>,
        %gather3A_947 = tpu.vector_load_idx %arg17[%add3A_513, %add3A_283] : memref<128x64xf32, #tpu.memory_space<vmem>>[vector<16xi32>, vector<16xi32>], vector<16xf32>,
        %gather3A_948 = tpu.vector_load_idx %arg18[%add3A_525, %add3A_283] : memref<1024x65xf32, #tpu.memory_space<vmem>>[vector<16xi32>, vector<16xi32>], vector<16xf32>,
        %add3A_949 = arith.addf %gather3A_947, %gather3A_948 : vector<16xf32>
        %add3A_950 = arith.addf %add3A_934, %add3A_949 : vector<16xf32>
        %mul3A_951 = arith.mulf %add3A_949, %add3A_949 : vector<16xf32>
        %add3A_952 = arith.addf %add3A_936, %mul3A_951 : vector<16xf32>
        %swap3A_953 = arith.constant 832 : index
        %swap3A_954 = tpu.vector_load %arg24[%swap3A_953] {strides = array<i32>} : memref<1024xf32, #tpu.memory_space<vmem>>, vector<16xf32>,
        tpu.vector_store %arg24[%swap3A_953], %add3A_949 {strides = array<i32>} : memref<1024xf32, #tpu.memory_space<vmem>>, vector<16xf32>,
        %gather3A_955 = tpu.vector_load_idx %arg17[%add3A_513, %add3A_286] : memref<128x64xf32, #tpu.memory_space<vmem>>[vector<16xi32>, vector<16xi32>], vector<16xf32>,
        %gather3A_956 = tpu.vector_load_idx %arg18[%add3A_525, %add3A_286] : memref<1024x65xf32, #tpu.memory_space<vmem>>[vector<16xi32>, vector<16xi32>], vector<16xf32>,
        %add3A_957 = arith.addf %gather3A_955, %gather3A_956 : vector<16xf32>
        %add3A_958 = arith.addf %add3A_942, %add3A_957 : vector<16xf32>
        %mul3A_959 = arith.mulf %add3A_957, %add3A_957 : vector<16xf32>
        %add3A_960 = arith.addf %add3A_944, %mul3A_959 : vector<16xf32>
        %swap3A_961 = arith.constant 848 : index
        %swap3A_962 = tpu.vector_load %arg24[%swap3A_961] {strides = array<i32>} : memref<1024xf32, #tpu.memory_space<vmem>>, vector<16xf32>,
        tpu.vector_store %arg24[%swap3A_961], %add3A_957 {strides = array<i32>} : memref<1024xf32, #tpu.memory_space<vmem>>, vector<16xf32>,
        %gather3A_963 = tpu.vector_load_idx %arg17[%add3A_513, %add3A_289] : memref<128x64xf32, #tpu.memory_space<vmem>>[vector<16xi32>, vector<16xi32>], vector<16xf32>,
        %gather3A_964 = tpu.vector_load_idx %arg18[%add3A_525, %add3A_289] : memref<1024x65xf32, #tpu.memory_space<vmem>>[vector<16xi32>, vector<16xi32>], vector<16xf32>,
        %add3A_965 = arith.addf %gather3A_963, %gather3A_964 : vector<16xf32>
        %add3A_966 = arith.addf %add3A_950, %add3A_965 : vector<16xf32>
        %mul3A_967 = arith.mulf %add3A_965, %add3A_965 : vector<16xf32>
        %add3A_968 = arith.addf %add3A_952, %mul3A_967 : vector<16xf32>
        %swap3A_969 = arith.constant 864 : index
        %swap3A_970 = tpu.vector_load %arg24[%swap3A_969] {strides = array<i32>} : memref<1024xf32, #tpu.memory_space<vmem>>, vector<16xf32>,
        tpu.vector_store %arg24[%swap3A_969], %add3A_965 {strides = array<i32>} : memref<1024xf32, #tpu.memory_space<vmem>>, vector<16xf32>,
        %gather3A_971 = tpu.vector_load_idx %arg17[%add3A_513, %add3A_292] : memref<128x64xf32, #tpu.memory_space<vmem>>[vector<16xi32>, vector<16xi32>], vector<16xf32>,
        %gather3A_972 = tpu.vector_load_idx %arg18[%add3A_525, %add3A_292] : memref<1024x65xf32, #tpu.memory_space<vmem>>[vector<16xi32>, vector<16xi32>], vector<16xf32>,
        %add3A_973 = arith.addf %gather3A_971, %gather3A_972 : vector<16xf32>
        %add3A_974 = arith.addf %add3A_958, %add3A_973 : vector<16xf32>
        %mul3A_975 = arith.mulf %add3A_973, %add3A_973 : vector<16xf32>
        %add3A_976 = arith.addf %add3A_960, %mul3A_975 : vector<16xf32>
        %swap3A_977 = arith.constant 880 : index
        %swap3A_978 = tpu.vector_load %arg24[%swap3A_977] {strides = array<i32>} : memref<1024xf32, #tpu.memory_space<vmem>>, vector<16xf32>,
        tpu.vector_store %arg24[%swap3A_977], %add3A_973 {strides = array<i32>} : memref<1024xf32, #tpu.memory_space<vmem>>, vector<16xf32>,
        %gather3A_979 = tpu.vector_load_idx %arg17[%add3A_513, %add3A_295] : memref<128x64xf32, #tpu.memory_space<vmem>>[vector<16xi32>, vector<16xi32>], vector<16xf32>,
        %gather3A_980 = tpu.vector_load_idx %arg18[%add3A_525, %add3A_295] : memref<1024x65xf32, #tpu.memory_space<vmem>>[vector<16xi32>, vector<16xi32>], vector<16xf32>,
        %add3A_981 = arith.addf %gather3A_979, %gather3A_980 : vector<16xf32>
        %add3A_982 = arith.addf %add3A_966, %add3A_981 : vector<16xf32>
        %mul3A_983 = arith.mulf %add3A_981, %add3A_981 : vector<16xf32>
        %add3A_984 = arith.addf %add3A_968, %mul3A_983 : vector<16xf32>
        %swap3A_985 = arith.constant 896 : index
        %swap3A_986 = tpu.vector_load %arg24[%swap3A_985] {strides = array<i32>} : memref<1024xf32, #tpu.memory_space<vmem>>, vector<16xf32>,
        tpu.vector_store %arg24[%swap3A_985], %add3A_981 {strides = array<i32>} : memref<1024xf32, #tpu.memory_space<vmem>>, vector<16xf32>,
        %gather3A_987 = tpu.vector_load_idx %arg17[%add3A_513, %add3A_298] : memref<128x64xf32, #tpu.memory_space<vmem>>[vector<16xi32>, vector<16xi32>], vector<16xf32>,
        %gather3A_988 = tpu.vector_load_idx %arg18[%add3A_525, %add3A_298] : memref<1024x65xf32, #tpu.memory_space<vmem>>[vector<16xi32>, vector<16xi32>], vector<16xf32>,
        %add3A_989 = arith.addf %gather3A_987, %gather3A_988 : vector<16xf32>
        %add3A_990 = arith.addf %add3A_974, %add3A_989 : vector<16xf32>
        %mul3A_991 = arith.mulf %add3A_989, %add3A_989 : vector<16xf32>
        %add3A_992 = arith.addf %add3A_976, %mul3A_991 : vector<16xf32>
        %swap3A_993 = arith.constant 912 : index
        %swap3A_994 = tpu.vector_load %arg24[%swap3A_993] {strides = array<i32>} : memref<1024xf32, #tpu.memory_space<vmem>>, vector<16xf32>,
        tpu.vector_store %arg24[%swap3A_993], %add3A_989 {strides = array<i32>} : memref<1024xf32, #tpu.memory_space<vmem>>, vector<16xf32>,
        %gather3A_995 = tpu.vector_load_idx %arg17[%add3A_513, %add3A_301] : memref<128x64xf32, #tpu.memory_space<vmem>>[vector<16xi32>, vector<16xi32>], vector<16xf32>,
        %gather3A_996 = tpu.vector_load_idx %arg18[%add3A_525, %add3A_301] : memref<1024x65xf32, #tpu.memory_space<vmem>>[vector<16xi32>, vector<16xi32>], vector<16xf32>,
        %add3A_997 = arith.addf %gather3A_995, %gather3A_996 : vector<16xf32>
        %add3A_998 = arith.addf %add3A_982, %add3A_997 : vector<16xf32>
        %mul3A_999 = arith.mulf %add3A_997, %add3A_997 : vector<16xf32>
        %add3A_1000 = arith.addf %add3A_984, %mul3A_999 : vector<16xf32>
        %swap3A_1001 = arith.constant 928 : index
        %swap3A_1002 = tpu.vector_load %arg24[%swap3A_1001] {strides = array<i32>} : memref<1024xf32, #tpu.memory_space<vmem>>, vector<16xf32>,
        tpu.vector_store %arg24[%swap3A_1001], %add3A_997 {strides = array<i32>} : memref<1024xf32, #tpu.memory_space<vmem>>, vector<16xf32>,
        %gather3A_1003 = tpu.vector_load_idx %arg17[%add3A_513, %add3A_304] : memref<128x64xf32, #tpu.memory_space<vmem>>[vector<16xi32>, vector<16xi32>], vector<16xf32>,
        %gather3A_1004 = tpu.vector_load_idx %arg18[%add3A_525, %add3A_304] : memref<1024x65xf32, #tpu.memory_space<vmem>>[vector<16xi32>, vector<16xi32>], vector<16xf32>,
        %add3A_1005 = arith.addf %gather3A_1003, %gather3A_1004 : vector<16xf32>
        %add3A_1006 = arith.addf %add3A_990, %add3A_1005 : vector<16xf32>
        %mul3A_1007 = arith.mulf %add3A_1005, %add3A_1005 : vector<16xf32>
        %add3A_1008 = arith.addf %add3A_992, %mul3A_1007 : vector<16xf32>
        %swap3A_1009 = arith.constant 944 : index
        %swap3A_1010 = tpu.vector_load %arg24[%swap3A_1009] {strides = array<i32>} : memref<1024xf32, #tpu.memory_space<vmem>>, vector<16xf32>,
        tpu.vector_store %arg24[%swap3A_1009], %add3A_1005 {strides = array<i32>} : memref<1024xf32, #tpu.memory_space<vmem>>, vector<16xf32>,
        %gather3A_1011 = tpu.vector_load_idx %arg17[%add3A_513, %add3A_307] : memref<128x64xf32, #tpu.memory_space<vmem>>[vector<16xi32>, vector<16xi32>], vector<16xf32>,
        %gather3A_1012 = tpu.vector_load_idx %arg18[%add3A_525, %add3A_307] : memref<1024x65xf32, #tpu.memory_space<vmem>>[vector<16xi32>, vector<16xi32>], vector<16xf32>,
        %add3A_1013 = arith.addf %gather3A_1011, %gather3A_1012 : vector<16xf32>
        %add3A_1014 = arith.addf %add3A_998, %add3A_1013 : vector<16xf32>
        %mul3A_1015 = arith.mulf %add3A_1013, %add3A_1013 : vector<16xf32>
        %add3A_1016 = arith.addf %add3A_1000, %mul3A_1015 : vector<16xf32>
        %swap3A_1017 = arith.constant 960 : index
        %swap3A_1018 = tpu.vector_load %arg24[%swap3A_1017] {strides = array<i32>} : memref<1024xf32, #tpu.memory_space<vmem>>, vector<16xf32>,
        tpu.vector_store %arg24[%swap3A_1017], %add3A_1013 {strides = array<i32>} : memref<1024xf32, #tpu.memory_space<vmem>>, vector<16xf32>,
        %gather3A_1019 = tpu.vector_load_idx %arg17[%add3A_513, %add3A_310] : memref<128x64xf32, #tpu.memory_space<vmem>>[vector<16xi32>, vector<16xi32>], vector<16xf32>,
        %gather3A_1020 = tpu.vector_load_idx %arg18[%add3A_525, %add3A_310] : memref<1024x65xf32, #tpu.memory_space<vmem>>[vector<16xi32>, vector<16xi32>], vector<16xf32>,
        %add3A_1021 = arith.addf %gather3A_1019, %gather3A_1020 : vector<16xf32>
        %add3A_1022 = arith.addf %add3A_1006, %add3A_1021 : vector<16xf32>
        %mul3A_1023 = arith.mulf %add3A_1021, %add3A_1021 : vector<16xf32>
        %add3A_1024 = arith.addf %add3A_1008, %mul3A_1023 : vector<16xf32>
        %swap3A_1025 = arith.constant 976 : index
        %swap3A_1026 = tpu.vector_load %arg24[%swap3A_1025] {strides = array<i32>} : memref<1024xf32, #tpu.memory_space<vmem>>, vector<16xf32>,
        tpu.vector_store %arg24[%swap3A_1025], %add3A_1021 {strides = array<i32>} : memref<1024xf32, #tpu.memory_space<vmem>>, vector<16xf32>,
        %gather3A_1027 = tpu.vector_load_idx %arg17[%add3A_513, %add3A_313] : memref<128x64xf32, #tpu.memory_space<vmem>>[vector<16xi32>, vector<16xi32>], vector<16xf32>,
        %gather3A_1028 = tpu.vector_load_idx %arg18[%add3A_525, %add3A_313] : memref<1024x65xf32, #tpu.memory_space<vmem>>[vector<16xi32>, vector<16xi32>], vector<16xf32>,
        %add3A_1029 = arith.addf %gather3A_1027, %gather3A_1028 : vector<16xf32>
        %add3A_1030 = arith.addf %add3A_1014, %add3A_1029 : vector<16xf32>
        %mul3A_1031 = arith.mulf %add3A_1029, %add3A_1029 : vector<16xf32>
        %add3A_1032 = arith.addf %add3A_1016, %mul3A_1031 : vector<16xf32>
        %swap3A_1033 = arith.constant 992 : index
        %swap3A_1034 = tpu.vector_load %arg24[%swap3A_1033] {strides = array<i32>} : memref<1024xf32, #tpu.memory_space<vmem>>, vector<16xf32>,
        tpu.vector_store %arg24[%swap3A_1033], %add3A_1029 {strides = array<i32>} : memref<1024xf32, #tpu.memory_space<vmem>>, vector<16xf32>,
        %gather3A_1035 = tpu.vector_load_idx %arg17[%add3A_513, %add3A_316] : memref<128x64xf32, #tpu.memory_space<vmem>>[vector<16xi32>, vector<16xi32>], vector<16xf32>,
        %gather3A_1036 = tpu.vector_load_idx %arg18[%add3A_525, %add3A_316] : memref<1024x65xf32, #tpu.memory_space<vmem>>[vector<16xi32>, vector<16xi32>], vector<16xf32>,
        %add3A_1037 = arith.addf %gather3A_1035, %gather3A_1036 : vector<16xf32>
        %add3A_1038 = arith.addf %add3A_1022, %add3A_1037 : vector<16xf32>
        %mul3A_1039 = arith.mulf %add3A_1037, %add3A_1037 : vector<16xf32>
        %add3A_1040 = arith.addf %add3A_1024, %mul3A_1039 : vector<16xf32>
        %swap3A_1041 = arith.constant 1008 : index
        %swap3A_1042 = tpu.vector_load %arg24[%swap3A_1041] {strides = array<i32>} : memref<1024xf32, #tpu.memory_space<vmem>>, vector<16xf32>,
        tpu.vector_store %arg24[%swap3A_1041], %add3A_1037 {strides = array<i32>} : memref<1024xf32, #tpu.memory_space<vmem>>, vector<16xf32>,
        %add3A_1043 = arith.addf %add3A_1030, %add3A_1038 : vector<16xf32>
        %add3A_1044 = arith.addf %add3A_1032, %add3A_1040 : vector<16xf32>
        %mul3A_1045 = arith.constant 1.562500e-02 : f32
        %mul3A_1046 = vector.broadcast %mul3A_1045 : f32 to vector<16xf32>
        %mul3A_1047 = arith.mulf %add3A_1043, %mul3A_1046 : vector<16xf32>
        %mul3A_1048 = arith.constant 1.562500e-02 : f32
        %mul3A_1049 = vector.broadcast %mul3A_1048 : f32 to vector<16xf32>
        %mul3A_1050 = arith.mulf %add3A_1044, %mul3A_1049 : vector<16xf32>
        %mul3A_1051 = arith.mulf %mul3A_1047, %mul3A_1047 : vector<16xf32>
        %sub3A = arith.subf %mul3A_1050, %mul3A_1051 : vector<16xf32>
        %add3A_1052 = arith.constant 9.99999974E-6 : f32
        %add3A_1053 = vector.broadcast %add3A_1052 : f32 to vector<16xf32>
        %add3A_1054 = arith.addf %sub3A, %add3A_1053 : vector<16xf32>
        %bitcast_convert_type3A = tpu.bitcast %add3A_1054 : vector<16xf32> -> vector<16xi32>
        %shift_right_arithmetic3A = arith.constant 1 : i32
        %shift_right_arithmetic3A_1055 = vector.broadcast %shift_right_arithmetic3A : i32 to vector<16xi32>
        %shift_right_arithmetic3A_1056 = arith.shrsi %bitcast_convert_type3A, %shift_right_arithmetic3A_1055 : vector<16xi32>
        %sub3A_1057 = arith.constant 1597463007 : i32
        %sub3A_1058 = vector.broadcast %sub3A_1057 : i32 to vector<16xi32>
        %sub3A_1059 = arith.subi %sub3A_1058, %shift_right_arithmetic3A_1056 : vector<16xi32>
        %bitcast_convert_type3A_1060 = tpu.bitcast %sub3A_1059 : vector<16xi32> -> vector<16xf32>
        %mul3A_1061 = arith.constant 5.000000e-01 : f32
        %mul3A_1062 = vector.broadcast %mul3A_1061 : f32 to vector<16xf32>
        %mul3A_1063 = arith.mulf %add3A_1054, %mul3A_1062 : vector<16xf32>
        %mul3A_1064 = arith.mulf %mul3A_1063, %bitcast_convert_type3A_1060 : vector<16xf32>
        %mul3A_1065 = arith.mulf %mul3A_1064, %bitcast_convert_type3A_1060 : vector<16xf32>
        %sub3A_1066 = arith.constant 1.500000e+00 : f32
        %sub3A_1067 = vector.broadcast %sub3A_1066 : f32 to vector<16xf32>
        %sub3A_1068 = arith.subf %sub3A_1067, %mul3A_1065 : vector<16xf32>
        %mul3A_1069 = arith.mulf %bitcast_convert_type3A_1060, %sub3A_1068 : vector<16xf32>
        %mul3A_1070 = arith.mulf %mul3A_1063, %mul3A_1069 : vector<16xf32>
        %mul3A_1071 = arith.mulf %mul3A_1070, %mul3A_1069 : vector<16xf32>
        %sub3A_1072 = arith.constant 1.500000e+00 : f32
        %sub3A_1073 = vector.broadcast %sub3A_1072 : f32 to vector<16xf32>
        %sub3A_1074 = arith.subf %sub3A_1073, %mul3A_1071 : vector<16xf32>
        %mul3A_1075 = arith.mulf %mul3A_1069, %sub3A_1074 : vector<16xf32>
        %mul3A_1076 = arith.mulf %mul3A_1063, %mul3A_1075 : vector<16xf32>
        %mul3A_1077 = arith.mulf %mul3A_1076, %mul3A_1075 : vector<16xf32>
        %sub3A_1078 = arith.constant 1.500000e+00 : f32
        %sub3A_1079 = vector.broadcast %sub3A_1078 : f32 to vector<16xf32>
        %sub3A_1080 = arith.subf %sub3A_1079, %mul3A_1077 : vector<16xf32>
        %mul3A_1081 = arith.mulf %mul3A_1075, %sub3A_1080 : vector<16xf32>
        %neg3A = arith.constant 0.000000e+00 : f32
        %neg3A_1082 = vector.broadcast %neg3A : f32 to vector<16xf32>
        %neg3A_1083 = arith.subf %neg3A_1082, %mul3A_1047 : vector<16xf32>
        %mul3A_1084 = arith.mulf %neg3A_1083, %mul3A_1081 : vector<16xf32>
        %get3A_1085 = arith.constant 0 : index
        %get3A_1086 = tpu.vector_load %arg24[%get3A_1085] {strides = array<i32>} : memref<1024xf32, #tpu.memory_space<vmem>>, vector<16xf32>,
        %mul3A_1087 = arith.mulf %get3A_1086, %mul3A_1081 : vector<16xf32>
        %add3A_1088 = arith.addf %mul3A_1087, %mul3A_1084 : vector<16xf32>
        tpu.vector_store_idx %arg20[%add3A_513, %add3A_127], %add3A_1088 : memref<128x66xf32, #tpu.memory_space<vmem>>[vector<16xi32>, vector<16xi32>], vector<16xf32>,
        %get3A_1089 = arith.constant 16 : index
        %get3A_1090 = tpu.vector_load %arg24[%get3A_1089] {strides = array<i32>} : memref<1024xf32, #tpu.memory_space<vmem>>, vector<16xf32>,
        %mul3A_1091 = arith.mulf %get3A_1090, %mul3A_1081 : vector<16xf32>
        %add3A_1092 = arith.addf %mul3A_1091, %mul3A_1084 : vector<16xf32>
        tpu.vector_store_idx %arg20[%add3A_513, %add3A_130], %add3A_1092 : memref<128x66xf32, #tpu.memory_space<vmem>>[vector<16xi32>, vector<16xi32>], vector<16xf32>,
        %get3A_1093 = arith.constant 32 : index
        %get3A_1094 = tpu.vector_load %arg24[%get3A_1093] {strides = array<i32>} : memref<1024xf32, #tpu.memory_space<vmem>>, vector<16xf32>,
        %mul3A_1095 = arith.mulf %get3A_1094, %mul3A_1081 : vector<16xf32>
        %add3A_1096 = arith.addf %mul3A_1095, %mul3A_1084 : vector<16xf32>
        tpu.vector_store_idx %arg20[%add3A_513, %add3A_133], %add3A_1096 : memref<128x66xf32, #tpu.memory_space<vmem>>[vector<16xi32>, vector<16xi32>], vector<16xf32>,
        %get3A_1097 = arith.constant 48 : index
        %get3A_1098 = tpu.vector_load %arg24[%get3A_1097] {strides = array<i32>} : memref<1024xf32, #tpu.memory_space<vmem>>, vector<16xf32>,
        %mul3A_1099 = arith.mulf %get3A_1098, %mul3A_1081 : vector<16xf32>
        %add3A_1100 = arith.addf %mul3A_1099, %mul3A_1084 : vector<16xf32>
        tpu.vector_store_idx %arg20[%add3A_513, %add3A_136], %add3A_1100 : memref<128x66xf32, #tpu.memory_space<vmem>>[vector<16xi32>, vector<16xi32>], vector<16xf32>,
        %get3A_1101 = arith.constant 64 : index
        %get3A_1102 = tpu.vector_load %arg24[%get3A_1101] {strides = array<i32>} : memref<1024xf32, #tpu.memory_space<vmem>>, vector<16xf32>,
        %mul3A_1103 = arith.mulf %get3A_1102, %mul3A_1081 : vector<16xf32>
        %add3A_1104 = arith.addf %mul3A_1103, %mul3A_1084 : vector<16xf32>
        tpu.vector_store_idx %arg20[%add3A_513, %add3A_139], %add3A_1104 : memref<128x66xf32, #tpu.memory_space<vmem>>[vector<16xi32>, vector<16xi32>], vector<16xf32>,
        %get3A_1105 = arith.constant 80 : index
        %get3A_1106 = tpu.vector_load %arg24[%get3A_1105] {strides = array<i32>} : memref<1024xf32, #tpu.memory_space<vmem>>, vector<16xf32>,
        %mul3A_1107 = arith.mulf %get3A_1106, %mul3A_1081 : vector<16xf32>
        %add3A_1108 = arith.addf %mul3A_1107, %mul3A_1084 : vector<16xf32>
        tpu.vector_store_idx %arg20[%add3A_513, %add3A_142], %add3A_1108 : memref<128x66xf32, #tpu.memory_space<vmem>>[vector<16xi32>, vector<16xi32>], vector<16xf32>,
        %get3A_1109 = arith.constant 96 : index
        %get3A_1110 = tpu.vector_load %arg24[%get3A_1109] {strides = array<i32>} : memref<1024xf32, #tpu.memory_space<vmem>>, vector<16xf32>,
        %mul3A_1111 = arith.mulf %get3A_1110, %mul3A_1081 : vector<16xf32>
        %add3A_1112 = arith.addf %mul3A_1111, %mul3A_1084 : vector<16xf32>
        tpu.vector_store_idx %arg20[%add3A_513, %add3A_145], %add3A_1112 : memref<128x66xf32, #tpu.memory_space<vmem>>[vector<16xi32>, vector<16xi32>], vector<16xf32>,
        %get3A_1113 = arith.constant 112 : index
        %get3A_1114 = tpu.vector_load %arg24[%get3A_1113] {strides = array<i32>} : memref<1024xf32, #tpu.memory_space<vmem>>, vector<16xf32>,
        %mul3A_1115 = arith.mulf %get3A_1114, %mul3A_1081 : vector<16xf32>
        %add3A_1116 = arith.addf %mul3A_1115, %mul3A_1084 : vector<16xf32>
        tpu.vector_store_idx %arg20[%add3A_513, %add3A_148], %add3A_1116 : memref<128x66xf32, #tpu.memory_space<vmem>>[vector<16xi32>, vector<16xi32>], vector<16xf32>,
        %get3A_1117 = arith.constant 128 : index
        %get3A_1118 = tpu.vector_load %arg24[%get3A_1117] {strides = array<i32>} : memref<1024xf32, #tpu.memory_space<vmem>>, vector<16xf32>,
        %mul3A_1119 = arith.mulf %get3A_1118, %mul3A_1081 : vector<16xf32>
        %add3A_1120 = arith.addf %mul3A_1119, %mul3A_1084 : vector<16xf32>
        tpu.vector_store_idx %arg20[%add3A_513, %add3A_151], %add3A_1120 : memref<128x66xf32, #tpu.memory_space<vmem>>[vector<16xi32>, vector<16xi32>], vector<16xf32>,
        %get3A_1121 = arith.constant 144 : index
        %get3A_1122 = tpu.vector_load %arg24[%get3A_1121] {strides = array<i32>} : memref<1024xf32, #tpu.memory_space<vmem>>, vector<16xf32>,
        %mul3A_1123 = arith.mulf %get3A_1122, %mul3A_1081 : vector<16xf32>
        %add3A_1124 = arith.addf %mul3A_1123, %mul3A_1084 : vector<16xf32>
        tpu.vector_store_idx %arg20[%add3A_513, %add3A_154], %add3A_1124 : memref<128x66xf32, #tpu.memory_space<vmem>>[vector<16xi32>, vector<16xi32>], vector<16xf32>,
        %get3A_1125 = arith.constant 160 : index
        %get3A_1126 = tpu.vector_load %arg24[%get3A_1125] {strides = array<i32>} : memref<1024xf32, #tpu.memory_space<vmem>>, vector<16xf32>,
        %mul3A_1127 = arith.mulf %get3A_1126, %mul3A_1081 : vector<16xf32>
        %add3A_1128 = arith.addf %mul3A_1127, %mul3A_1084 : vector<16xf32>
        tpu.vector_store_idx %arg20[%add3A_513, %add3A_157], %add3A_1128 : memref<128x66xf32, #tpu.memory_space<vmem>>[vector<16xi32>, vector<16xi32>], vector<16xf32>,
        %get3A_1129 = arith.constant 176 : index
        %get3A_1130 = tpu.vector_load %arg24[%get3A_1129] {strides = array<i32>} : memref<1024xf32, #tpu.memory_space<vmem>>, vector<16xf32>,
        %mul3A_1131 = arith.mulf %get3A_1130, %mul3A_1081 : vector<16xf32>
        %add3A_1132 = arith.addf %mul3A_1131, %mul3A_1084 : vector<16xf32>
        tpu.vector_store_idx %arg20[%add3A_513, %add3A_160], %add3A_1132 : memref<128x66xf32, #tpu.memory_space<vmem>>[vector<16xi32>, vector<16xi32>], vector<16xf32>,
        %get3A_1133 = arith.constant 192 : index
        %get3A_1134 = tpu.vector_load %arg24[%get3A_1133] {strides = array<i32>} : memref<1024xf32, #tpu.memory_space<vmem>>, vector<16xf32>,
        %mul3A_1135 = arith.mulf %get3A_1134, %mul3A_1081 : vector<16xf32>
        %add3A_1136 = arith.addf %mul3A_1135, %mul3A_1084 : vector<16xf32>
        tpu.vector_store_idx %arg20[%add3A_513, %add3A_163], %add3A_1136 : memref<128x66xf32, #tpu.memory_space<vmem>>[vector<16xi32>, vector<16xi32>], vector<16xf32>,
        %get3A_1137 = arith.constant 208 : index
        %get3A_1138 = tpu.vector_load %arg24[%get3A_1137] {strides = array<i32>} : memref<1024xf32, #tpu.memory_space<vmem>>, vector<16xf32>,
        %mul3A_1139 = arith.mulf %get3A_1138, %mul3A_1081 : vector<16xf32>
        %add3A_1140 = arith.addf %mul3A_1139, %mul3A_1084 : vector<16xf32>
        tpu.vector_store_idx %arg20[%add3A_513, %add3A_166], %add3A_1140 : memref<128x66xf32, #tpu.memory_space<vmem>>[vector<16xi32>, vector<16xi32>], vector<16xf32>,
        %get3A_1141 = arith.constant 224 : index
        %get3A_1142 = tpu.vector_load %arg24[%get3A_1141] {strides = array<i32>} : memref<1024xf32, #tpu.memory_space<vmem>>, vector<16xf32>,
        %mul3A_1143 = arith.mulf %get3A_1142, %mul3A_1081 : vector<16xf32>
        %add3A_1144 = arith.addf %mul3A_1143, %mul3A_1084 : vector<16xf32>
        tpu.vector_store_idx %arg20[%add3A_513, %add3A_169], %add3A_1144 : memref<128x66xf32, #tpu.memory_space<vmem>>[vector<16xi32>, vector<16xi32>], vector<16xf32>,
        %get3A_1145 = arith.constant 240 : index
        %get3A_1146 = tpu.vector_load %arg24[%get3A_1145] {strides = array<i32>} : memref<1024xf32, #tpu.memory_space<vmem>>, vector<16xf32>,
        %mul3A_1147 = arith.mulf %get3A_1146, %mul3A_1081 : vector<16xf32>
        %add3A_1148 = arith.addf %mul3A_1147, %mul3A_1084 : vector<16xf32>
        tpu.vector_store_idx %arg20[%add3A_513, %add3A_172], %add3A_1148 : memref<128x66xf32, #tpu.memory_space<vmem>>[vector<16xi32>, vector<16xi32>], vector<16xf32>,
        %get3A_1149 = arith.constant 256 : index
        %get3A_1150 = tpu.vector_load %arg24[%get3A_1149] {strides = array<i32>} : memref<1024xf32, #tpu.memory_space<vmem>>, vector<16xf32>,
        %mul3A_1151 = arith.mulf %get3A_1150, %mul3A_1081 : vector<16xf32>
        %add3A_1152 = arith.addf %mul3A_1151, %mul3A_1084 : vector<16xf32>
        tpu.vector_store_idx %arg20[%add3A_513, %add3A_175], %add3A_1152 : memref<128x66xf32, #tpu.memory_space<vmem>>[vector<16xi32>, vector<16xi32>], vector<16xf32>,
        %get3A_1153 = arith.constant 272 : index
        %get3A_1154 = tpu.vector_load %arg24[%get3A_1153] {strides = array<i32>} : memref<1024xf32, #tpu.memory_space<vmem>>, vector<16xf32>,
        %mul3A_1155 = arith.mulf %get3A_1154, %mul3A_1081 : vector<16xf32>
        %add3A_1156 = arith.addf %mul3A_1155, %mul3A_1084 : vector<16xf32>
        tpu.vector_store_idx %arg20[%add3A_513, %add3A_178], %add3A_1156 : memref<128x66xf32, #tpu.memory_space<vmem>>[vector<16xi32>, vector<16xi32>], vector<16xf32>,
        %get3A_1157 = arith.constant 288 : index
        %get3A_1158 = tpu.vector_load %arg24[%get3A_1157] {strides = array<i32>} : memref<1024xf32, #tpu.memory_space<vmem>>, vector<16xf32>,
        %mul3A_1159 = arith.mulf %get3A_1158, %mul3A_1081 : vector<16xf32>
        %add3A_1160 = arith.addf %mul3A_1159, %mul3A_1084 : vector<16xf32>
        tpu.vector_store_idx %arg20[%add3A_513, %add3A_181], %add3A_1160 : memref<128x66xf32, #tpu.memory_space<vmem>>[vector<16xi32>, vector<16xi32>], vector<16xf32>,
        %get3A_1161 = arith.constant 304 : index
        %get3A_1162 = tpu.vector_load %arg24[%get3A_1161] {strides = array<i32>} : memref<1024xf32, #tpu.memory_space<vmem>>, vector<16xf32>,
        %mul3A_1163 = arith.mulf %get3A_1162, %mul3A_1081 : vector<16xf32>
        %add3A_1164 = arith.addf %mul3A_1163, %mul3A_1084 : vector<16xf32>
        tpu.vector_store_idx %arg20[%add3A_513, %add3A_184], %add3A_1164 : memref<128x66xf32, #tpu.memory_space<vmem>>[vector<16xi32>, vector<16xi32>], vector<16xf32>,
        %get3A_1165 = arith.constant 320 : index
        %get3A_1166 = tpu.vector_load %arg24[%get3A_1165] {strides = array<i32>} : memref<1024xf32, #tpu.memory_space<vmem>>, vector<16xf32>,
        %mul3A_1167 = arith.mulf %get3A_1166, %mul3A_1081 : vector<16xf32>
        %add3A_1168 = arith.addf %mul3A_1167, %mul3A_1084 : vector<16xf32>
        tpu.vector_store_idx %arg20[%add3A_513, %add3A_187], %add3A_1168 : memref<128x66xf32, #tpu.memory_space<vmem>>[vector<16xi32>, vector<16xi32>], vector<16xf32>,
        %get3A_1169 = arith.constant 336 : index
        %get3A_1170 = tpu.vector_load %arg24[%get3A_1169] {strides = array<i32>} : memref<1024xf32, #tpu.memory_space<vmem>>, vector<16xf32>,
        %mul3A_1171 = arith.mulf %get3A_1170, %mul3A_1081 : vector<16xf32>
        %add3A_1172 = arith.addf %mul3A_1171, %mul3A_1084 : vector<16xf32>
        tpu.vector_store_idx %arg20[%add3A_513, %add3A_190], %add3A_1172 : memref<128x66xf32, #tpu.memory_space<vmem>>[vector<16xi32>, vector<16xi32>], vector<16xf32>,
        %get3A_1173 = arith.constant 352 : index
        %get3A_1174 = tpu.vector_load %arg24[%get3A_1173] {strides = array<i32>} : memref<1024xf32, #tpu.memory_space<vmem>>, vector<16xf32>,
        %mul3A_1175 = arith.mulf %get3A_1174, %mul3A_1081 : vector<16xf32>
        %add3A_1176 = arith.addf %mul3A_1175, %mul3A_1084 : vector<16xf32>
        tpu.vector_store_idx %arg20[%add3A_513, %add3A_193], %add3A_1176 : memref<128x66xf32, #tpu.memory_space<vmem>>[vector<16xi32>, vector<16xi32>], vector<16xf32>,
        %get3A_1177 = arith.constant 368 : index
        %get3A_1178 = tpu.vector_load %arg24[%get3A_1177] {strides = array<i32>} : memref<1024xf32, #tpu.memory_space<vmem>>, vector<16xf32>,
        %mul3A_1179 = arith.mulf %get3A_1178, %mul3A_1081 : vector<16xf32>
        %add3A_1180 = arith.addf %mul3A_1179, %mul3A_1084 : vector<16xf32>
        tpu.vector_store_idx %arg20[%add3A_513, %add3A_196], %add3A_1180 : memref<128x66xf32, #tpu.memory_space<vmem>>[vector<16xi32>, vector<16xi32>], vector<16xf32>,
        %get3A_1181 = arith.constant 384 : index
        %get3A_1182 = tpu.vector_load %arg24[%get3A_1181] {strides = array<i32>} : memref<1024xf32, #tpu.memory_space<vmem>>, vector<16xf32>,
        %mul3A_1183 = arith.mulf %get3A_1182, %mul3A_1081 : vector<16xf32>
        %add3A_1184 = arith.addf %mul3A_1183, %mul3A_1084 : vector<16xf32>
        tpu.vector_store_idx %arg20[%add3A_513, %add3A_199], %add3A_1184 : memref<128x66xf32, #tpu.memory_space<vmem>>[vector<16xi32>, vector<16xi32>], vector<16xf32>,
        %get3A_1185 = arith.constant 400 : index
        %get3A_1186 = tpu.vector_load %arg24[%get3A_1185] {strides = array<i32>} : memref<1024xf32, #tpu.memory_space<vmem>>, vector<16xf32>,
        %mul3A_1187 = arith.mulf %get3A_1186, %mul3A_1081 : vector<16xf32>
        %add3A_1188 = arith.addf %mul3A_1187, %mul3A_1084 : vector<16xf32>
        tpu.vector_store_idx %arg20[%add3A_513, %add3A_202], %add3A_1188 : memref<128x66xf32, #tpu.memory_space<vmem>>[vector<16xi32>, vector<16xi32>], vector<16xf32>,
        %get3A_1189 = arith.constant 416 : index
        %get3A_1190 = tpu.vector_load %arg24[%get3A_1189] {strides = array<i32>} : memref<1024xf32, #tpu.memory_space<vmem>>, vector<16xf32>,
        %mul3A_1191 = arith.mulf %get3A_1190, %mul3A_1081 : vector<16xf32>
        %add3A_1192 = arith.addf %mul3A_1191, %mul3A_1084 : vector<16xf32>
        tpu.vector_store_idx %arg20[%add3A_513, %add3A_205], %add3A_1192 : memref<128x66xf32, #tpu.memory_space<vmem>>[vector<16xi32>, vector<16xi32>], vector<16xf32>,
        %get3A_1193 = arith.constant 432 : index
        %get3A_1194 = tpu.vector_load %arg24[%get3A_1193] {strides = array<i32>} : memref<1024xf32, #tpu.memory_space<vmem>>, vector<16xf32>,
        %mul3A_1195 = arith.mulf %get3A_1194, %mul3A_1081 : vector<16xf32>
        %add3A_1196 = arith.addf %mul3A_1195, %mul3A_1084 : vector<16xf32>
        tpu.vector_store_idx %arg20[%add3A_513, %add3A_208], %add3A_1196 : memref<128x66xf32, #tpu.memory_space<vmem>>[vector<16xi32>, vector<16xi32>], vector<16xf32>,
        %get3A_1197 = arith.constant 448 : index
        %get3A_1198 = tpu.vector_load %arg24[%get3A_1197] {strides = array<i32>} : memref<1024xf32, #tpu.memory_space<vmem>>, vector<16xf32>,
        %mul3A_1199 = arith.mulf %get3A_1198, %mul3A_1081 : vector<16xf32>
        %add3A_1200 = arith.addf %mul3A_1199, %mul3A_1084 : vector<16xf32>
        tpu.vector_store_idx %arg20[%add3A_513, %add3A_211], %add3A_1200 : memref<128x66xf32, #tpu.memory_space<vmem>>[vector<16xi32>, vector<16xi32>], vector<16xf32>,
        %get3A_1201 = arith.constant 464 : index
        %get3A_1202 = tpu.vector_load %arg24[%get3A_1201] {strides = array<i32>} : memref<1024xf32, #tpu.memory_space<vmem>>, vector<16xf32>,
        %mul3A_1203 = arith.mulf %get3A_1202, %mul3A_1081 : vector<16xf32>
        %add3A_1204 = arith.addf %mul3A_1203, %mul3A_1084 : vector<16xf32>
        tpu.vector_store_idx %arg20[%add3A_513, %add3A_214], %add3A_1204 : memref<128x66xf32, #tpu.memory_space<vmem>>[vector<16xi32>, vector<16xi32>], vector<16xf32>,
        %get3A_1205 = arith.constant 480 : index
        %get3A_1206 = tpu.vector_load %arg24[%get3A_1205] {strides = array<i32>} : memref<1024xf32, #tpu.memory_space<vmem>>, vector<16xf32>,
        %mul3A_1207 = arith.mulf %get3A_1206, %mul3A_1081 : vector<16xf32>
        %add3A_1208 = arith.addf %mul3A_1207, %mul3A_1084 : vector<16xf32>
        tpu.vector_store_idx %arg20[%add3A_513, %add3A_217], %add3A_1208 : memref<128x66xf32, #tpu.memory_space<vmem>>[vector<16xi32>, vector<16xi32>], vector<16xf32>,
        %get3A_1209 = arith.constant 496 : index
        %get3A_1210 = tpu.vector_load %arg24[%get3A_1209] {strides = array<i32>} : memref<1024xf32, #tpu.memory_space<vmem>>, vector<16xf32>,
        %mul3A_1211 = arith.mulf %get3A_1210, %mul3A_1081 : vector<16xf32>
        %add3A_1212 = arith.addf %mul3A_1211, %mul3A_1084 : vector<16xf32>
        tpu.vector_store_idx %arg20[%add3A_513, %add3A_220], %add3A_1212 : memref<128x66xf32, #tpu.memory_space<vmem>>[vector<16xi32>, vector<16xi32>], vector<16xf32>,
        %get3A_1213 = arith.constant 512 : index
        %get3A_1214 = tpu.vector_load %arg24[%get3A_1213] {strides = array<i32>} : memref<1024xf32, #tpu.memory_space<vmem>>, vector<16xf32>,
        %mul3A_1215 = arith.mulf %get3A_1214, %mul3A_1081 : vector<16xf32>
        %add3A_1216 = arith.addf %mul3A_1215, %mul3A_1084 : vector<16xf32>
        tpu.vector_store_idx %arg20[%add3A_513, %add3A_223], %add3A_1216 : memref<128x66xf32, #tpu.memory_space<vmem>>[vector<16xi32>, vector<16xi32>], vector<16xf32>,
        %get3A_1217 = arith.constant 528 : index
        %get3A_1218 = tpu.vector_load %arg24[%get3A_1217] {strides = array<i32>} : memref<1024xf32, #tpu.memory_space<vmem>>, vector<16xf32>,
        %mul3A_1219 = arith.mulf %get3A_1218, %mul3A_1081 : vector<16xf32>
        %add3A_1220 = arith.addf %mul3A_1219, %mul3A_1084 : vector<16xf32>
        tpu.vector_store_idx %arg20[%add3A_513, %add3A_226], %add3A_1220 : memref<128x66xf32, #tpu.memory_space<vmem>>[vector<16xi32>, vector<16xi32>], vector<16xf32>,
        %get3A_1221 = arith.constant 544 : index
        %get3A_1222 = tpu.vector_load %arg24[%get3A_1221] {strides = array<i32>} : memref<1024xf32, #tpu.memory_space<vmem>>, vector<16xf32>,
        %mul3A_1223 = arith.mulf %get3A_1222, %mul3A_1081 : vector<16xf32>
        %add3A_1224 = arith.addf %mul3A_1223, %mul3A_1084 : vector<16xf32>
        tpu.vector_store_idx %arg20[%add3A_513, %add3A_229], %add3A_1224 : memref<128x66xf32, #tpu.memory_space<vmem>>[vector<16xi32>, vector<16xi32>], vector<16xf32>,
        %get3A_1225 = arith.constant 560 : index
        %get3A_1226 = tpu.vector_load %arg24[%get3A_1225] {strides = array<i32>} : memref<1024xf32, #tpu.memory_space<vmem>>, vector<16xf32>,
        %mul3A_1227 = arith.mulf %get3A_1226, %mul3A_1081 : vector<16xf32>
        %add3A_1228 = arith.addf %mul3A_1227, %mul3A_1084 : vector<16xf32>
        tpu.vector_store_idx %arg20[%add3A_513, %add3A_232], %add3A_1228 : memref<128x66xf32, #tpu.memory_space<vmem>>[vector<16xi32>, vector<16xi32>], vector<16xf32>,
        %get3A_1229 = arith.constant 576 : index
        %get3A_1230 = tpu.vector_load %arg24[%get3A_1229] {strides = array<i32>} : memref<1024xf32, #tpu.memory_space<vmem>>, vector<16xf32>,
        %mul3A_1231 = arith.mulf %get3A_1230, %mul3A_1081 : vector<16xf32>
        %add3A_1232 = arith.addf %mul3A_1231, %mul3A_1084 : vector<16xf32>
        tpu.vector_store_idx %arg20[%add3A_513, %add3A_235], %add3A_1232 : memref<128x66xf32, #tpu.memory_space<vmem>>[vector<16xi32>, vector<16xi32>], vector<16xf32>,
        %get3A_1233 = arith.constant 592 : index
        %get3A_1234 = tpu.vector_load %arg24[%get3A_1233] {strides = array<i32>} : memref<1024xf32, #tpu.memory_space<vmem>>, vector<16xf32>,
        %mul3A_1235 = arith.mulf %get3A_1234, %mul3A_1081 : vector<16xf32>
        %add3A_1236 = arith.addf %mul3A_1235, %mul3A_1084 : vector<16xf32>
        tpu.vector_store_idx %arg20[%add3A_513, %add3A_238], %add3A_1236 : memref<128x66xf32, #tpu.memory_space<vmem>>[vector<16xi32>, vector<16xi32>], vector<16xf32>,
        %get3A_1237 = arith.constant 608 : index
        %get3A_1238 = tpu.vector_load %arg24[%get3A_1237] {strides = array<i32>} : memref<1024xf32, #tpu.memory_space<vmem>>, vector<16xf32>,
        %mul3A_1239 = arith.mulf %get3A_1238, %mul3A_1081 : vector<16xf32>
        %add3A_1240 = arith.addf %mul3A_1239, %mul3A_1084 : vector<16xf32>
        tpu.vector_store_idx %arg20[%add3A_513, %add3A_241], %add3A_1240 : memref<128x66xf32, #tpu.memory_space<vmem>>[vector<16xi32>, vector<16xi32>], vector<16xf32>,
        %get3A_1241 = arith.constant 624 : index
        %get3A_1242 = tpu.vector_load %arg24[%get3A_1241] {strides = array<i32>} : memref<1024xf32, #tpu.memory_space<vmem>>, vector<16xf32>,
        %mul3A_1243 = arith.mulf %get3A_1242, %mul3A_1081 : vector<16xf32>
        %add3A_1244 = arith.addf %mul3A_1243, %mul3A_1084 : vector<16xf32>
        tpu.vector_store_idx %arg20[%add3A_513, %add3A_244], %add3A_1244 : memref<128x66xf32, #tpu.memory_space<vmem>>[vector<16xi32>, vector<16xi32>], vector<16xf32>,
        %get3A_1245 = arith.constant 640 : index
        %get3A_1246 = tpu.vector_load %arg24[%get3A_1245] {strides = array<i32>} : memref<1024xf32, #tpu.memory_space<vmem>>, vector<16xf32>,
        %mul3A_1247 = arith.mulf %get3A_1246, %mul3A_1081 : vector<16xf32>
        %add3A_1248 = arith.addf %mul3A_1247, %mul3A_1084 : vector<16xf32>
        tpu.vector_store_idx %arg20[%add3A_513, %add3A_247], %add3A_1248 : memref<128x66xf32, #tpu.memory_space<vmem>>[vector<16xi32>, vector<16xi32>], vector<16xf32>,
        %get3A_1249 = arith.constant 656 : index
        %get3A_1250 = tpu.vector_load %arg24[%get3A_1249] {strides = array<i32>} : memref<1024xf32, #tpu.memory_space<vmem>>, vector<16xf32>,
        %mul3A_1251 = arith.mulf %get3A_1250, %mul3A_1081 : vector<16xf32>
        %add3A_1252 = arith.addf %mul3A_1251, %mul3A_1084 : vector<16xf32>
        tpu.vector_store_idx %arg20[%add3A_513, %add3A_250], %add3A_1252 : memref<128x66xf32, #tpu.memory_space<vmem>>[vector<16xi32>, vector<16xi32>], vector<16xf32>,
        %get3A_1253 = arith.constant 672 : index
        %get3A_1254 = tpu.vector_load %arg24[%get3A_1253] {strides = array<i32>} : memref<1024xf32, #tpu.memory_space<vmem>>, vector<16xf32>,
        %mul3A_1255 = arith.mulf %get3A_1254, %mul3A_1081 : vector<16xf32>
        %add3A_1256 = arith.addf %mul3A_1255, %mul3A_1084 : vector<16xf32>
        tpu.vector_store_idx %arg20[%add3A_513, %add3A_253], %add3A_1256 : memref<128x66xf32, #tpu.memory_space<vmem>>[vector<16xi32>, vector<16xi32>], vector<16xf32>,
        %get3A_1257 = arith.constant 688 : index
        %get3A_1258 = tpu.vector_load %arg24[%get3A_1257] {strides = array<i32>} : memref<1024xf32, #tpu.memory_space<vmem>>, vector<16xf32>,
        %mul3A_1259 = arith.mulf %get3A_1258, %mul3A_1081 : vector<16xf32>
        %add3A_1260 = arith.addf %mul3A_1259, %mul3A_1084 : vector<16xf32>
        tpu.vector_store_idx %arg20[%add3A_513, %add3A_256], %add3A_1260 : memref<128x66xf32, #tpu.memory_space<vmem>>[vector<16xi32>, vector<16xi32>], vector<16xf32>,
        %get3A_1261 = arith.constant 704 : index
        %get3A_1262 = tpu.vector_load %arg24[%get3A_1261] {strides = array<i32>} : memref<1024xf32, #tpu.memory_space<vmem>>, vector<16xf32>,
        %mul3A_1263 = arith.mulf %get3A_1262, %mul3A_1081 : vector<16xf32>
        %add3A_1264 = arith.addf %mul3A_1263, %mul3A_1084 : vector<16xf32>
        tpu.vector_store_idx %arg20[%add3A_513, %add3A_259], %add3A_1264 : memref<128x66xf32, #tpu.memory_space<vmem>>[vector<16xi32>, vector<16xi32>], vector<16xf32>,
        %get3A_1265 = arith.constant 720 : index
        %get3A_1266 = tpu.vector_load %arg24[%get3A_1265] {strides = array<i32>} : memref<1024xf32, #tpu.memory_space<vmem>>, vector<16xf32>,
        %mul3A_1267 = arith.mulf %get3A_1266, %mul3A_1081 : vector<16xf32>
        %add3A_1268 = arith.addf %mul3A_1267, %mul3A_1084 : vector<16xf32>
        tpu.vector_store_idx %arg20[%add3A_513, %add3A_262], %add3A_1268 : memref<128x66xf32, #tpu.memory_space<vmem>>[vector<16xi32>, vector<16xi32>], vector<16xf32>,
        %get3A_1269 = arith.constant 736 : index
        %get3A_1270 = tpu.vector_load %arg24[%get3A_1269] {strides = array<i32>} : memref<1024xf32, #tpu.memory_space<vmem>>, vector<16xf32>,
        %mul3A_1271 = arith.mulf %get3A_1270, %mul3A_1081 : vector<16xf32>
        %add3A_1272 = arith.addf %mul3A_1271, %mul3A_1084 : vector<16xf32>
        tpu.vector_store_idx %arg20[%add3A_513, %add3A_265], %add3A_1272 : memref<128x66xf32, #tpu.memory_space<vmem>>[vector<16xi32>, vector<16xi32>], vector<16xf32>,
        %get3A_1273 = arith.constant 752 : index
        %get3A_1274 = tpu.vector_load %arg24[%get3A_1273] {strides = array<i32>} : memref<1024xf32, #tpu.memory_space<vmem>>, vector<16xf32>,
        %mul3A_1275 = arith.mulf %get3A_1274, %mul3A_1081 : vector<16xf32>
        %add3A_1276 = arith.addf %mul3A_1275, %mul3A_1084 : vector<16xf32>
        tpu.vector_store_idx %arg20[%add3A_513, %add3A_268], %add3A_1276 : memref<128x66xf32, #tpu.memory_space<vmem>>[vector<16xi32>, vector<16xi32>], vector<16xf32>,
        %get3A_1277 = arith.constant 768 : index
        %get3A_1278 = tpu.vector_load %arg24[%get3A_1277] {strides = array<i32>} : memref<1024xf32, #tpu.memory_space<vmem>>, vector<16xf32>,
        %mul3A_1279 = arith.mulf %get3A_1278, %mul3A_1081 : vector<16xf32>
        %add3A_1280 = arith.addf %mul3A_1279, %mul3A_1084 : vector<16xf32>
        tpu.vector_store_idx %arg20[%add3A_513, %add3A_271], %add3A_1280 : memref<128x66xf32, #tpu.memory_space<vmem>>[vector<16xi32>, vector<16xi32>], vector<16xf32>,
        %get3A_1281 = arith.constant 784 : index
        %get3A_1282 = tpu.vector_load %arg24[%get3A_1281] {strides = array<i32>} : memref<1024xf32, #tpu.memory_space<vmem>>, vector<16xf32>,
        %mul3A_1283 = arith.mulf %get3A_1282, %mul3A_1081 : vector<16xf32>
        %add3A_1284 = arith.addf %mul3A_1283, %mul3A_1084 : vector<16xf32>
        tpu.vector_store_idx %arg20[%add3A_513, %add3A_274], %add3A_1284 : memref<128x66xf32, #tpu.memory_space<vmem>>[vector<16xi32>, vector<16xi32>], vector<16xf32>,
        %get3A_1285 = arith.constant 800 : index
        %get3A_1286 = tpu.vector_load %arg24[%get3A_1285] {strides = array<i32>} : memref<1024xf32, #tpu.memory_space<vmem>>, vector<16xf32>,
        %mul3A_1287 = arith.mulf %get3A_1286, %mul3A_1081 : vector<16xf32>
        %add3A_1288 = arith.addf %mul3A_1287, %mul3A_1084 : vector<16xf32>
        tpu.vector_store_idx %arg20[%add3A_513, %add3A_277], %add3A_1288 : memref<128x66xf32, #tpu.memory_space<vmem>>[vector<16xi32>, vector<16xi32>], vector<16xf32>,
        %get3A_1289 = arith.constant 816 : index
        %get3A_1290 = tpu.vector_load %arg24[%get3A_1289] {strides = array<i32>} : memref<1024xf32, #tpu.memory_space<vmem>>, vector<16xf32>,
        %mul3A_1291 = arith.mulf %get3A_1290, %mul3A_1081 : vector<16xf32>
        %add3A_1292 = arith.addf %mul3A_1291, %mul3A_1084 : vector<16xf32>
        tpu.vector_store_idx %arg20[%add3A_513, %add3A_280], %add3A_1292 : memref<128x66xf32, #tpu.memory_space<vmem>>[vector<16xi32>, vector<16xi32>], vector<16xf32>,
        %get3A_1293 = arith.constant 832 : index
        %get3A_1294 = tpu.vector_load %arg24[%get3A_1293] {strides = array<i32>} : memref<1024xf32, #tpu.memory_space<vmem>>, vector<16xf32>,
        %mul3A_1295 = arith.mulf %get3A_1294, %mul3A_1081 : vector<16xf32>
        %add3A_1296 = arith.addf %mul3A_1295, %mul3A_1084 : vector<16xf32>
        tpu.vector_store_idx %arg20[%add3A_513, %add3A_283], %add3A_1296 : memref<128x66xf32, #tpu.memory_space<vmem>>[vector<16xi32>, vector<16xi32>], vector<16xf32>,
        %get3A_1297 = arith.constant 848 : index
        %get3A_1298 = tpu.vector_load %arg24[%get3A_1297] {strides = array<i32>} : memref<1024xf32, #tpu.memory_space<vmem>>, vector<16xf32>,
        %mul3A_1299 = arith.mulf %get3A_1298, %mul3A_1081 : vector<16xf32>
        %add3A_1300 = arith.addf %mul3A_1299, %mul3A_1084 : vector<16xf32>
        tpu.vector_store_idx %arg20[%add3A_513, %add3A_286], %add3A_1300 : memref<128x66xf32, #tpu.memory_space<vmem>>[vector<16xi32>, vector<16xi32>], vector<16xf32>,
        %get3A_1301 = arith.constant 864 : index
        %get3A_1302 = tpu.vector_load %arg24[%get3A_1301] {strides = array<i32>} : memref<1024xf32, #tpu.memory_space<vmem>>, vector<16xf32>,
        %mul3A_1303 = arith.mulf %get3A_1302, %mul3A_1081 : vector<16xf32>
        %add3A_1304 = arith.addf %mul3A_1303, %mul3A_1084 : vector<16xf32>
        tpu.vector_store_idx %arg20[%add3A_513, %add3A_289], %add3A_1304 : memref<128x66xf32, #tpu.memory_space<vmem>>[vector<16xi32>, vector<16xi32>], vector<16xf32>,
        %get3A_1305 = arith.constant 880 : index
        %get3A_1306 = tpu.vector_load %arg24[%get3A_1305] {strides = array<i32>} : memref<1024xf32, #tpu.memory_space<vmem>>, vector<16xf32>,
        %mul3A_1307 = arith.mulf %get3A_1306, %mul3A_1081 : vector<16xf32>
        %add3A_1308 = arith.addf %mul3A_1307, %mul3A_1084 : vector<16xf32>
        tpu.vector_store_idx %arg20[%add3A_513, %add3A_292], %add3A_1308 : memref<128x66xf32, #tpu.memory_space<vmem>>[vector<16xi32>, vector<16xi32>], vector<16xf32>,
        %get3A_1309 = arith.constant 896 : index
        %get3A_1310 = tpu.vector_load %arg24[%get3A_1309] {strides = array<i32>} : memref<1024xf32, #tpu.memory_space<vmem>>, vector<16xf32>,
        %mul3A_1311 = arith.mulf %get3A_1310, %mul3A_1081 : vector<16xf32>
        %add3A_1312 = arith.addf %mul3A_1311, %mul3A_1084 : vector<16xf32>
        tpu.vector_store_idx %arg20[%add3A_513, %add3A_295], %add3A_1312 : memref<128x66xf32, #tpu.memory_space<vmem>>[vector<16xi32>, vector<16xi32>], vector<16xf32>,
        %get3A_1313 = arith.constant 912 : index
        %get3A_1314 = tpu.vector_load %arg24[%get3A_1313] {strides = array<i32>} : memref<1024xf32, #tpu.memory_space<vmem>>, vector<16xf32>,
        %mul3A_1315 = arith.mulf %get3A_1314, %mul3A_1081 : vector<16xf32>
        %add3A_1316 = arith.addf %mul3A_1315, %mul3A_1084 : vector<16xf32>
        tpu.vector_store_idx %arg20[%add3A_513, %add3A_298], %add3A_1316 : memref<128x66xf32, #tpu.memory_space<vmem>>[vector<16xi32>, vector<16xi32>], vector<16xf32>,
        %get3A_1317 = arith.constant 928 : index
        %get3A_1318 = tpu.vector_load %arg24[%get3A_1317] {strides = array<i32>} : memref<1024xf32, #tpu.memory_space<vmem>>, vector<16xf32>,
        %mul3A_1319 = arith.mulf %get3A_1318, %mul3A_1081 : vector<16xf32>
        %add3A_1320 = arith.addf %mul3A_1319, %mul3A_1084 : vector<16xf32>
        tpu.vector_store_idx %arg20[%add3A_513, %add3A_301], %add3A_1320 : memref<128x66xf32, #tpu.memory_space<vmem>>[vector<16xi32>, vector<16xi32>], vector<16xf32>,
        %get3A_1321 = arith.constant 944 : index
        %get3A_1322 = tpu.vector_load %arg24[%get3A_1321] {strides = array<i32>} : memref<1024xf32, #tpu.memory_space<vmem>>, vector<16xf32>,
        %mul3A_1323 = arith.mulf %get3A_1322, %mul3A_1081 : vector<16xf32>
        %add3A_1324 = arith.addf %mul3A_1323, %mul3A_1084 : vector<16xf32>
        tpu.vector_store_idx %arg20[%add3A_513, %add3A_304], %add3A_1324 : memref<128x66xf32, #tpu.memory_space<vmem>>[vector<16xi32>, vector<16xi32>], vector<16xf32>,
        %get3A_1325 = arith.constant 960 : index
        %get3A_1326 = tpu.vector_load %arg24[%get3A_1325] {strides = array<i32>} : memref<1024xf32, #tpu.memory_space<vmem>>, vector<16xf32>,
        %mul3A_1327 = arith.mulf %get3A_1326, %mul3A_1081 : vector<16xf32>
        %add3A_1328 = arith.addf %mul3A_1327, %mul3A_1084 : vector<16xf32>
        tpu.vector_store_idx %arg20[%add3A_513, %add3A_307], %add3A_1328 : memref<128x66xf32, #tpu.memory_space<vmem>>[vector<16xi32>, vector<16xi32>], vector<16xf32>,
        %get3A_1329 = arith.constant 976 : index
        %get3A_1330 = tpu.vector_load %arg24[%get3A_1329] {strides = array<i32>} : memref<1024xf32, #tpu.memory_space<vmem>>, vector<16xf32>,
        %mul3A_1331 = arith.mulf %get3A_1330, %mul3A_1081 : vector<16xf32>
        %add3A_1332 = arith.addf %mul3A_1331, %mul3A_1084 : vector<16xf32>
        tpu.vector_store_idx %arg20[%add3A_513, %add3A_310], %add3A_1332 : memref<128x66xf32, #tpu.memory_space<vmem>>[vector<16xi32>, vector<16xi32>], vector<16xf32>,
        %get3A_1333 = arith.constant 992 : index
        %get3A_1334 = tpu.vector_load %arg24[%get3A_1333] {strides = array<i32>} : memref<1024xf32, #tpu.memory_space<vmem>>, vector<16xf32>,
        %mul3A_1335 = arith.mulf %get3A_1334, %mul3A_1081 : vector<16xf32>
        %add3A_1336 = arith.addf %mul3A_1335, %mul3A_1084 : vector<16xf32>
        tpu.vector_store_idx %arg20[%add3A_513, %add3A_313], %add3A_1336 : memref<128x66xf32, #tpu.memory_space<vmem>>[vector<16xi32>, vector<16xi32>], vector<16xf32>,
        %get3A_1337 = arith.constant 1008 : index
        %get3A_1338 = tpu.vector_load %arg24[%get3A_1337] {strides = array<i32>} : memref<1024xf32, #tpu.memory_space<vmem>>, vector<16xf32>,
        %mul3A_1339 = arith.mulf %get3A_1338, %mul3A_1081 : vector<16xf32>
        %add3A_1340 = arith.addf %mul3A_1339, %mul3A_1084 : vector<16xf32>
        tpu.vector_store_idx %arg20[%add3A_513, %add3A_316], %add3A_1340 : memref<128x66xf32, #tpu.memory_space<vmem>>[vector<16xi32>, vector<16xi32>], vector<16xf32>,
        %scan3A_1341 = arith.constant 0 : i32
        scf.yield %scan3A_1341 : i32
      }
      %scan3A_470 = arith.constant 8 : i32
      %get3A_471 = arith.constant 0 : index
      %get3A_472 = tpu.vector_load %arg22[%get3A_471] {strides = array<i32>} : memref<64xf32, #tpu.memory_space<vmem>>, vector<16xf32>,
      %get3A_473 = arith.constant 16 : index
      %get3A_474 = tpu.vector_load %arg22[%get3A_473] {strides = array<i32>} : memref<64xf32, #tpu.memory_space<vmem>>, vector<16xf32>,
      %get3A_475 = arith.constant 32 : index
      %get3A_476 = tpu.vector_load %arg22[%get3A_475] {strides = array<i32>} : memref<64xf32, #tpu.memory_space<vmem>>, vector<16xf32>,
      %get3A_477 = arith.constant 48 : index
      %get3A_478 = tpu.vector_load %arg22[%get3A_477] {strides = array<i32>} : memref<64xf32, #tpu.memory_space<vmem>>, vector<16xf32>,
      %get3A_479 = arith.constant 0 : index
      %get3A_480 = tpu.vector_load %arg23[%get3A_479] {strides = array<i32>} : memref<64xf32, #tpu.memory_space<vmem>>, vector<16xf32>,
      %get3A_481 = arith.constant 16 : index
      %get3A_482 = tpu.vector_load %arg23[%get3A_481] {strides = array<i32>} : memref<64xf32, #tpu.memory_space<vmem>>, vector<16xf32>,
      %get3A_483 = arith.constant 32 : index
      %get3A_484 = tpu.vector_load %arg23[%get3A_483] {strides = array<i32>} : memref<64xf32, #tpu.memory_space<vmem>>, vector<16xf32>,
      %get3A_485 = arith.constant 48 : index
      %get3A_486 = tpu.vector_load %arg23[%get3A_485] {strides = array<i32>} : memref<64xf32, #tpu.memory_space<vmem>>, vector<16xf32>,
      %scan3A_487 = arith.constant 0 : i32
      %scan3A_488 = arith.constant 0 : i32
      %scan3A_489 = arith.constant 32 : i32
      %scan3A_490 = arith.addi %scan3A_488, %scan3A_489 : i32
      %scan3A_491 = arith.constant 1 : i32
      %scan3A_492 = scf.for %scan3A_508 = %scan3A_488 to %scan3A_490 step %scan3A_491 iter_args(%scan3A_509 = %scan3A_487) -> (i32)  : i32 {
        %mul3A_510 = arith.constant 4 : i32
        %mul3A_511 = arith.muli %scan3A_508, %mul3A_510 : i32
        %add3A_512 = arith.constant 0 : i32
        %add3A_513 = arith.addi %mul3A_511, %add3A_512 : i32
        %get3A_514 = arith.index_cast %add3A_513 : i32 to index
        %get3A_515 = arith.constant 0 : index
        %get3A_516 = tpu.vector_load %arg20[%get3A_514, %get3A_515] {strides = array<i32>} : memref<128x66xf32, #tpu.memory_space<vmem>>, vector<16xf32>,
        %mul3A_517 = arith.mulf %get3A_516, %get3A_472 : vector<16xf32>
        %add3A_518 = arith.addf %mul3A_517, %get3A_480 : vector<16xf32>
        %swap3A = arith.index_cast %add3A_513 : i32 to index
        %swap3A_519 = arith.constant 0 : index
        %swap3A_520 = tpu.vector_load %arg20[%swap3A, %swap3A_519] {strides = array<i32>} : memref<128x66xf32, #tpu.memory_space<vmem>>, vector<16xf32>,
        tpu.vector_store %arg20[%swap3A, %swap3A_519], %add3A_518 {strides = array<i32>} : memref<128x66xf32, #tpu.memory_space<vmem>>, vector<16xf32>,
        %get3A_521 = arith.index_cast %add3A_513 : i32 to index
        %get3A_522 = arith.constant 16 : index
        %get3A_523 = tpu.vector_load %arg20[%get3A_521, %get3A_522] {strides = array<i32>} : memref<128x66xf32, #tpu.memory_space<vmem>>, vector<16xf32>,
        %mul3A_524 = arith.mulf %get3A_523, %get3A_474 : vector<16xf32>
        %add3A_525 = arith.addf %mul3A_524, %get3A_482 : vector<16xf32>
        %swap3A_526 = arith.index_cast %add3A_513 : i32 to index
        %swap3A_527 = arith.constant 16 : index
        %swap3A_528 = tpu.vector_load %arg20[%swap3A_526, %swap3A_527] {strides = array<i32>} : memref<128x66xf32, #tpu.memory_space<vmem>>, vector<16xf32>,
        tpu.vector_store %arg20[%swap3A_526, %swap3A_527], %add3A_525 {strides = array<i32>} : memref<128x66xf32, #tpu.memory_space<vmem>>, vector<16xf32>,
        %get3A_529 = arith.index_cast %add3A_513 : i32 to index
        %get3A_530 = arith.constant 32 : index
        %get3A_531 = tpu.vector_load %arg20[%get3A_529, %get3A_530] {strides = array<i32>} : memref<128x66xf32, #tpu.memory_space<vmem>>, vector<16xf32>,
        %mul3A_532 = arith.mulf %get3A_531, %get3A_476 : vector<16xf32>
        %add3A_533 = arith.addf %mul3A_532, %get3A_484 : vector<16xf32>
        %swap3A_534 = arith.index_cast %add3A_513 : i32 to index
        %swap3A_535 = arith.constant 32 : index
        %swap3A_536 = tpu.vector_load %arg20[%swap3A_534, %swap3A_535] {strides = array<i32>} : memref<128x66xf32, #tpu.memory_space<vmem>>, vector<16xf32>,
        tpu.vector_store %arg20[%swap3A_534, %swap3A_535], %add3A_533 {strides = array<i32>} : memref<128x66xf32, #tpu.memory_space<vmem>>, vector<16xf32>,
        %get3A_537 = arith.index_cast %add3A_513 : i32 to index
        %get3A_538 = arith.constant 48 : index
        %get3A_539 = tpu.vector_load %arg20[%get3A_537, %get3A_538] {strides = array<i32>} : memref<128x66xf32, #tpu.memory_space<vmem>>, vector<16xf32>,
        %mul3A_540 = arith.mulf %get3A_539, %get3A_478 : vector<16xf32>
        %add3A_541 = arith.addf %mul3A_540, %get3A_486 : vector<16xf32>
        %swap3A_542 = arith.index_cast %add3A_513 : i32 to index
        %swap3A_543 = arith.constant 48 : index
        %swap3A_544 = tpu.vector_load %arg20[%swap3A_542, %swap3A_543] {strides = array<i32>} : memref<128x66xf32, #tpu.memory_space<vmem>>, vector<16xf32>,
        tpu.vector_store %arg20[%swap3A_542, %swap3A_543], %add3A_541 {strides = array<i32>} : memref<128x66xf32, #tpu.memory_space<vmem>>, vector<16xf32>,
        %mul3A_545 = arith.constant 4 : i32
        %mul3A_546 = arith.muli %scan3A_508, %mul3A_545 : i32
        %add3A_547 = arith.constant 1 : i32
        %add3A_548 = arith.addi %mul3A_546, %add3A_547 : i32
        %get3A_549 = arith.index_cast %add3A_548 : i32 to index
        %get3A_550 = arith.constant 0 : index
        %get3A_551 = tpu.vector_load %arg20[%get3A_549, %get3A_550] {strides = array<i32>} : memref<128x66xf32, #tpu.memory_space<vmem>>, vector<16xf32>,
        %mul3A_552 = arith.mulf %get3A_551, %get3A_472 : vector<16xf32>
        %add3A_553 = arith.addf %mul3A_552, %get3A_480 : vector<16xf32>
        %swap3A_554 = arith.index_cast %add3A_548 : i32 to index
        %swap3A_555 = arith.constant 0 : index
        %swap3A_556 = tpu.vector_load %arg20[%swap3A_554, %swap3A_555] {strides = array<i32>} : memref<128x66xf32, #tpu.memory_space<vmem>>, vector<16xf32>,
        tpu.vector_store %arg20[%swap3A_554, %swap3A_555], %add3A_553 {strides = array<i32>} : memref<128x66xf32, #tpu.memory_space<vmem>>, vector<16xf32>,
        %get3A_557 = arith.index_cast %add3A_548 : i32 to index
        %get3A_558 = arith.constant 16 : index
        %get3A_559 = tpu.vector_load %arg20[%get3A_557, %get3A_558] {strides = array<i32>} : memref<128x66xf32, #tpu.memory_space<vmem>>, vector<16xf32>,
        %mul3A_560 = arith.mulf %get3A_559, %get3A_474 : vector<16xf32>
        %add3A_561 = arith.addf %mul3A_560, %get3A_482 : vector<16xf32>
        %swap3A_562 = arith.index_cast %add3A_548 : i32 to index
        %swap3A_563 = arith.constant 16 : index
        %swap3A_564 = tpu.vector_load %arg20[%swap3A_562, %swap3A_563] {strides = array<i32>} : memref<128x66xf32, #tpu.memory_space<vmem>>, vector<16xf32>,
        tpu.vector_store %arg20[%swap3A_562, %swap3A_563], %add3A_561 {strides = array<i32>} : memref<128x66xf32, #tpu.memory_space<vmem>>, vector<16xf32>,
        %get3A_565 = arith.index_cast %add3A_548 : i32 to index
        %get3A_566 = arith.constant 32 : index
        %get3A_567 = tpu.vector_load %arg20[%get3A_565, %get3A_566] {strides = array<i32>} : memref<128x66xf32, #tpu.memory_space<vmem>>, vector<16xf32>,
        %mul3A_568 = arith.mulf %get3A_567, %get3A_476 : vector<16xf32>
        %add3A_569 = arith.addf %mul3A_568, %get3A_484 : vector<16xf32>
        %swap3A_570 = arith.index_cast %add3A_548 : i32 to index
        %swap3A_571 = arith.constant 32 : index
        %swap3A_572 = tpu.vector_load %arg20[%swap3A_570, %swap3A_571] {strides = array<i32>} : memref<128x66xf32, #tpu.memory_space<vmem>>, vector<16xf32>,
        tpu.vector_store %arg20[%swap3A_570, %swap3A_571], %add3A_569 {strides = array<i32>} : memref<128x66xf32, #tpu.memory_space<vmem>>, vector<16xf32>,
        %get3A_573 = arith.index_cast %add3A_548 : i32 to index
        %get3A_574 = arith.constant 48 : index
        %get3A_575 = tpu.vector_load %arg20[%get3A_573, %get3A_574] {strides = array<i32>} : memref<128x66xf32, #tpu.memory_space<vmem>>, vector<16xf32>,
        %mul3A_576 = arith.mulf %get3A_575, %get3A_478 : vector<16xf32>
        %add3A_577 = arith.addf %mul3A_576, %get3A_486 : vector<16xf32>
        %swap3A_578 = arith.index_cast %add3A_548 : i32 to index
        %swap3A_579 = arith.constant 48 : index
        %swap3A_580 = tpu.vector_load %arg20[%swap3A_578, %swap3A_579] {strides = array<i32>} : memref<128x66xf32, #tpu.memory_space<vmem>>, vector<16xf32>,
        tpu.vector_store %arg20[%swap3A_578, %swap3A_579], %add3A_577 {strides = array<i32>} : memref<128x66xf32, #tpu.memory_space<vmem>>, vector<16xf32>,
        %mul3A_581 = arith.constant 4 : i32
        %mul3A_582 = arith.muli %scan3A_508, %mul3A_581 : i32
        %add3A_583 = arith.constant 2 : i32
        %add3A_584 = arith.addi %mul3A_582, %add3A_583 : i32
        %get3A_585 = arith.index_cast %add3A_584 : i32 to index
        %get3A_586 = arith.constant 0 : index
        %get3A_587 = tpu.vector_load %arg20[%get3A_585, %get3A_586] {strides = array<i32>} : memref<128x66xf32, #tpu.memory_space<vmem>>, vector<16xf32>,
        %mul3A_588 = arith.mulf %get3A_587, %get3A_472 : vector<16xf32>
        %add3A_589 = arith.addf %mul3A_588, %get3A_480 : vector<16xf32>
        %swap3A_590 = arith.index_cast %add3A_584 : i32 to index
        %swap3A_591 = arith.constant 0 : index
        %swap3A_592 = tpu.vector_load %arg20[%swap3A_590, %swap3A_591] {strides = array<i32>} : memref<128x66xf32, #tpu.memory_space<vmem>>, vector<16xf32>,
        tpu.vector_store %arg20[%swap3A_590, %swap3A_591], %add3A_589 {strides = array<i32>} : memref<128x66xf32, #tpu.memory_space<vmem>>, vector<16xf32>,
        %get3A_593 = arith.index_cast %add3A_584 : i32 to index
        %get3A_594 = arith.constant 16 : index
        %get3A_595 = tpu.vector_load %arg20[%get3A_593, %get3A_594] {strides = array<i32>} : memref<128x66xf32, #tpu.memory_space<vmem>>, vector<16xf32>,
        %mul3A_596 = arith.mulf %get3A_595, %get3A_474 : vector<16xf32>
        %add3A_597 = arith.addf %mul3A_596, %get3A_482 : vector<16xf32>
        %swap3A_598 = arith.index_cast %add3A_584 : i32 to index
        %swap3A_599 = arith.constant 16 : index
        %swap3A_600 = tpu.vector_load %arg20[%swap3A_598, %swap3A_599] {strides = array<i32>} : memref<128x66xf32, #tpu.memory_space<vmem>>, vector<16xf32>,
        tpu.vector_store %arg20[%swap3A_598, %swap3A_599], %add3A_597 {strides = array<i32>} : memref<128x66xf32, #tpu.memory_space<vmem>>, vector<16xf32>,
        %get3A_601 = arith.index_cast %add3A_584 : i32 to index
        %get3A_602 = arith.constant 32 : index
        %get3A_603 = tpu.vector_load %arg20[%get3A_601, %get3A_602] {strides = array<i32>} : memref<128x66xf32, #tpu.memory_space<vmem>>, vector<16xf32>,
        %mul3A_604 = arith.mulf %get3A_603, %get3A_476 : vector<16xf32>
        %add3A_605 = arith.addf %mul3A_604, %get3A_484 : vector<16xf32>
        %swap3A_606 = arith.index_cast %add3A_584 : i32 to index
        %swap3A_607 = arith.constant 32 : index
        %swap3A_608 = tpu.vector_load %arg20[%swap3A_606, %swap3A_607] {strides = array<i32>} : memref<128x66xf32, #tpu.memory_space<vmem>>, vector<16xf32>,
        tpu.vector_store %arg20[%swap3A_606, %swap3A_607], %add3A_605 {strides = array<i32>} : memref<128x66xf32, #tpu.memory_space<vmem>>, vector<16xf32>,
        %get3A_609 = arith.index_cast %add3A_584 : i32 to index
        %get3A_610 = arith.constant 48 : index
        %get3A_611 = tpu.vector_load %arg20[%get3A_609, %get3A_610] {strides = array<i32>} : memref<128x66xf32, #tpu.memory_space<vmem>>, vector<16xf32>,
        %mul3A_612 = arith.mulf %get3A_611, %get3A_478 : vector<16xf32>
        %add3A_613 = arith.addf %mul3A_612, %get3A_486 : vector<16xf32>
        %swap3A_614 = arith.index_cast %add3A_584 : i32 to index
        %swap3A_615 = arith.constant 48 : index
        %swap3A_616 = tpu.vector_load %arg20[%swap3A_614, %swap3A_615] {strides = array<i32>} : memref<128x66xf32, #tpu.memory_space<vmem>>, vector<16xf32>,
        tpu.vector_store %arg20[%swap3A_614, %swap3A_615], %add3A_613 {strides = array<i32>} : memref<128x66xf32, #tpu.memory_space<vmem>>, vector<16xf32>,
        %mul3A_617 = arith.constant 4 : i32
        %mul3A_618 = arith.muli %scan3A_508, %mul3A_617 : i32
        %add3A_619 = arith.constant 3 : i32
        %add3A_620 = arith.addi %mul3A_618, %add3A_619 : i32
        %get3A_621 = arith.index_cast %add3A_620 : i32 to index
        %get3A_622 = arith.constant 0 : index
        %get3A_623 = tpu.vector_load %arg20[%get3A_621, %get3A_622] {strides = array<i32>} : memref<128x66xf32, #tpu.memory_space<vmem>>, vector<16xf32>,
        %mul3A_624 = arith.mulf %get3A_623, %get3A_472 : vector<16xf32>
        %add3A_625 = arith.addf %mul3A_624, %get3A_480 : vector<16xf32>
        %swap3A_626 = arith.index_cast %add3A_620 : i32 to index
        %swap3A_627 = arith.constant 0 : index
        %swap3A_628 = tpu.vector_load %arg20[%swap3A_626, %swap3A_627] {strides = array<i32>} : memref<128x66xf32, #tpu.memory_space<vmem>>, vector<16xf32>,
        tpu.vector_store %arg20[%swap3A_626, %swap3A_627], %add3A_625 {strides = array<i32>} : memref<128x66xf32, #tpu.memory_space<vmem>>, vector<16xf32>,
        %get3A_629 = arith.index_cast %add3A_620 : i32 to index
        %get3A_630 = arith.constant 16 : index
        %get3A_631 = tpu.vector_load %arg20[%get3A_629, %get3A_630] {strides = array<i32>} : memref<128x66xf32, #tpu.memory_space<vmem>>, vector<16xf32>,
        %mul3A_632 = arith.mulf %get3A_631, %get3A_474 : vector<16xf32>
        %add3A_633 = arith.addf %mul3A_632, %get3A_482 : vector<16xf32>
        %swap3A_634 = arith.index_cast %add3A_620 : i32 to index
        %swap3A_635 = arith.constant 16 : index
        %swap3A_636 = tpu.vector_load %arg20[%swap3A_634, %swap3A_635] {strides = array<i32>} : memref<128x66xf32, #tpu.memory_space<vmem>>, vector<16xf32>,
        tpu.vector_store %arg20[%swap3A_634, %swap3A_635], %add3A_633 {strides = array<i32>} : memref<128x66xf32, #tpu.memory_space<vmem>>, vector<16xf32>,
        %get3A_637 = arith.index_cast %add3A_620 : i32 to index
        %get3A_638 = arith.constant 32 : index
        %get3A_639 = tpu.vector_load %arg20[%get3A_637, %get3A_638] {strides = array<i32>} : memref<128x66xf32, #tpu.memory_space<vmem>>, vector<16xf32>,
        %mul3A_640 = arith.mulf %get3A_639, %get3A_476 : vector<16xf32>
        %add3A_641 = arith.addf %mul3A_640, %get3A_484 : vector<16xf32>
        %swap3A_642 = arith.index_cast %add3A_620 : i32 to index
        %swap3A_643 = arith.constant 32 : index
        %swap3A_644 = tpu.vector_load %arg20[%swap3A_642, %swap3A_643] {strides = array<i32>} : memref<128x66xf32, #tpu.memory_space<vmem>>, vector<16xf32>,
        tpu.vector_store %arg20[%swap3A_642, %swap3A_643], %add3A_641 {strides = array<i32>} : memref<128x66xf32, #tpu.memory_space<vmem>>, vector<16xf32>,
        %get3A_645 = arith.index_cast %add3A_620 : i32 to index
        %get3A_646 = arith.constant 48 : index
        %get3A_647 = tpu.vector_load %arg20[%get3A_645, %get3A_646] {strides = array<i32>} : memref<128x66xf32, #tpu.memory_space<vmem>>, vector<16xf32>,
        %mul3A_648 = arith.mulf %get3A_647, %get3A_478 : vector<16xf32>
        %add3A_649 = arith.addf %mul3A_648, %get3A_486 : vector<16xf32>
        %swap3A_650 = arith.index_cast %add3A_620 : i32 to index
        %swap3A_651 = arith.constant 48 : index
        %swap3A_652 = tpu.vector_load %arg20[%swap3A_650, %swap3A_651] {strides = array<i32>} : memref<128x66xf32, #tpu.memory_space<vmem>>, vector<16xf32>,
        tpu.vector_store %arg20[%swap3A_650, %swap3A_651], %add3A_649 {strides = array<i32>} : memref<128x66xf32, #tpu.memory_space<vmem>>, vector<16xf32>,
        %scan3A_653 = arith.constant 0 : i32
        scf.yield %scan3A_653 : i32
      }
      %scan3A_493 = arith.constant 32 : i32
      %mul3A_494 = arith.constant 128 : i32
      %mul3A_495 = arith.muli %add3A_437, %mul3A_494 : i32
      %add3A_496 = arith.addi %mul3A_2, %mul3A_495 : i32
      %dma_start3A_497 = arith.constant 0 : i32
      %dma_start3A_498 = arith.constant 0 : i32
      %dma_start3A_499 = tpu.memref_slice %arg20[%dma_start3A_497, %dma_start3A_498] : memref<128x66xf32, #tpu.memory_space<vmem>> -> memref<128x64xf32, #tpu.memory_space<vmem>>
      %dma_start3A_500 = arith.constant 0 : i32
      %dma_start3A_501 = tpu.memref_slice %arg10[%add3A_496, %dma_start3A_500] : memref<204800x64xf32, #tpu.memory_space<hbm>> -> memref<128x64xf32, #tpu.memory_space<hbm>>
      %dma_start3A_502 = arith.constant 0 : i32
      %dma_start3A_503 = tpu.memref_slice %arg10[%add3A_496, %dma_start3A_502] : memref<204800x64xf32, #tpu.memory_space<hbm>> -> memref<128x64xf32, #tpu.memory_space<hbm>>
      %dma_start3A_504 = arith.constant 0 : i32
      %dma_start3A_505 = arith.constant 0 : i32
      %dma_start3A_506 = tpu.memref_slice %arg20[%dma_start3A_504, %dma_start3A_505] : memref<128x66xf32, #tpu.memory_space<vmem>> -> memref<128x64xf32, #tpu.memory_space<vmem>>
      tpu.enqueue_dma source(%dma_start3A_506 : memref<128x64xf32, #tpu.memory_space<vmem>>) target(%dma_start3A_503 : memref<128x64xf32, #tpu.memory_space<hbm>>) target_semaphore(%arg28 : memref<!tpu.dma_semaphore, #tpu.memory_space<semaphore_mem>>)
      %scan3A_507 = arith.constant 0 : i32
      scf.yield %scan3A_507 : i32
    }
    %scan3A_339 = arith.constant 25 : i32
    %dma_wait3A = arith.constant 0 : i32
    %dma_wait3A_340 = arith.constant 0 : i32
    %dma_wait3A_341 = tpu.memref_slice %arg19[%dma_wait3A, %dma_wait3A_340] : memref<128x66xf32, #tpu.memory_space<vmem>> -> memref<128x64xf32, #tpu.memory_space<vmem>>
    %dma_wait3A_342 = arith.constant 0 : i32
    %dma_wait3A_343 = arith.constant 0 : i32
    %dma_wait3A_344 = tpu.memref_slice %arg10[%dma_wait3A_342, %dma_wait3A_343] : memref<204800x64xf32, #tpu.memory_space<hbm>> -> memref<128x64xf32, #tpu.memory_space<hbm>>
    %dma_wait3A_345 = arith.constant 0 : i32
    %dma_wait3A_346 = arith.constant 0 : i32
    %dma_wait3A_347 = tpu.memref_slice %arg10[%dma_wait3A_345, %dma_wait3A_346] : memref<204800x64xf32, #tpu.memory_space<hbm>> -> memref<128x64xf32, #tpu.memory_space<hbm>>
    %dma_wait3A_348 = arith.constant 0 : i32
    %dma_wait3A_349 = arith.constant 0 : i32
    %dma_wait3A_350 = tpu.memref_slice %arg19[%dma_wait3A_348, %dma_wait3A_349] : memref<128x66xf32, #tpu.memory_space<vmem>> -> memref<128x64xf32, #tpu.memory_space<vmem>>
    tpu.wait_dma2 semaphore(%arg27 : memref<!tpu.dma_semaphore, #tpu.memory_space<semaphore_mem>>) src(%dma_wait3A_350 : memref<128x64xf32, #tpu.memory_space<vmem>>) dst(%dma_wait3A_347 : memref<128x64xf32, #tpu.memory_space<hbm>>)
    %dma_wait3A_351 = arith.constant 0 : i32
    %dma_wait3A_352 = arith.constant 0 : i32
    %dma_wait3A_353 = tpu.memref_slice %arg20[%dma_wait3A_351, %dma_wait3A_352] : memref<128x66xf32, #tpu.memory_space<vmem>> -> memref<128x64xf32, #tpu.memory_space<vmem>>
    %dma_wait3A_354 = arith.constant 0 : i32
    %dma_wait3A_355 = arith.constant 0 : i32
    %dma_wait3A_356 = tpu.memref_slice %arg10[%dma_wait3A_354, %dma_wait3A_355] : memref<204800x64xf32, #tpu.memory_space<hbm>> -> memref<128x64xf32, #tpu.memory_space<hbm>>
    %dma_wait3A_357 = arith.constant 0 : i32
    %dma_wait3A_358 = arith.constant 0 : i32
    %dma_wait3A_359 = tpu.memref_slice %arg10[%dma_wait3A_357, %dma_wait3A_358] : memref<204800x64xf32, #tpu.memory_space<hbm>> -> memref<128x64xf32, #tpu.memory_space<hbm>>
    %dma_wait3A_360 = arith.constant 0 : i32
    %dma_wait3A_361 = arith.constant 0 : i32
    %dma_wait3A_362 = tpu.memref_slice %arg20[%dma_wait3A_360, %dma_wait3A_361] : memref<128x66xf32, #tpu.memory_space<vmem>> -> memref<128x64xf32, #tpu.memory_space<vmem>>
    tpu.wait_dma2 semaphore(%arg28 : memref<!tpu.dma_semaphore, #tpu.memory_space<semaphore_mem>>) src(%dma_wait3A_362 : memref<128x64xf32, #tpu.memory_space<vmem>>) dst(%dma_wait3A_359 : memref<128x64xf32, #tpu.memory_space<hbm>>)
    return
  }
}

</mosaic_0001>

<sc_bundles>
// kernel: kernel.3.cloned.1.call-start
scs
__scs_entry_jumppad:
0x0: {  	(pc) =	sbr.rel $0x88, $3  }
0x1: {  	(tag) =	ssettag $0x0;
	lr =	simm.s32 $0x1  }
0x2: {  	[smem:$0x3F99] =	sst lr;
	_ =	strace $0xD0000000  }
0x3: {  	_ = 	snop  }
0x4: {  	_ = 	snop  }
0x5: {  	_ = 	snop  }
0x6: {  	_ = 	snop  }
0x7: {  	_ = 	snop  }
__scs_overlays_trampoline_lowered:
0x8: {  	[smem:$0x3FA8] =	sst s0  }
0x9: {  	[smem:$0x3FA9] =	sst s1  }
0xa: {  	[smem:$0x3FAA] =	sst s2  }
0xb: {  	[smem:$0x3FAB] =	sst s3  }
0xc: {  	[smem:$0x3FAC] =	sst s4  }
0xd: {  	[smem:$0x3FAD] =	sst s5  }
0xe: {  	[smem:$0x3FAE] =	sst s6  }
0xf: {  	[smem:$0x3FAF] =	sst s7  }
0x10: {  	[smem:$0x3FB0] =	sst s8  }
0x11: {  	[smem:$0x3FB1] =	sst s9;
	s0 =	simm.s32 @!p0 $0x0  }
0x12: {  	s1 =	sld [smem:$0x3F97];
	s0 =	simm.s32 @p0 $0x1  }
0x13: {  	[smem:$0x3FB2] =	sst s0;
	s0 =	simm.s32 @!p1 $0x0  }
0x14: {  	s2 =	sld [smem:$0x3F96];
	s0 =	simm.s32 @p1 $0x1  }
0x15: {  	[smem:$0x3FB3] =	sst s0;
	s0 =	simm.s32 @!p2 $0x0  }
0x16: {  	s3 =	sld [smem:$0x3FDB];
	s0 =	simm.s32 @p2 $0x1  }
0x17: {  	s4 =	simm.s32 $0x1BF5;
	[smem:$0x3FB5] =	sst s0  }
0x18: {  	s0 =	sld [smem:$0x3F98];
	_ =	swait.ge [sflag:s4], $0x0  }
0x19: {  	s7 =	sld [smem:$0x3F99]  }
0x1a: {  	s8 =	sadd.s32 $0xFFFFE003, lr  }
0x1b: {  	s9 =	sadd.s32 $0xFFFFFEF7, lr;
	s5 =	simm.s32 $0xFFFFFFFF;
	p2 =	slt.u32 s8, $0xFFFFF086  }
0x1c: {  	p1 =	slt.u32 s9, $0xF7A;
	s5 =	simm.s32 @!p2 $0x0  }
0x1d: {  	s5 =	simm.s32 @p1 $0x1;
	p0 =	seq.s32 s7, s2  }
0x1e: {  	s7 =	smul.u32 @!p0 $0xF7A, s2;
	p2 =	seq.s32 @!p0 s5, $0x0  }
0x1f: {  	s9 =	smul.u32 $0xF7A, s1;
	s8 =	simm.s32 @!p0 $0x1BF5;
	p2 =	por !p2, p0  }
0x20: {  	[sflag:s8] =	ssyncset.s32 @!p0 $0xFFFFF086;
	s6 =	sadd.s32 @!p0 s3, s7;
	s7 =	simm.s32 @!p0 $0x108  }
0x21: {  	s3 =	sadd.s32 s3, s9;
	s6 =	sadd.s32 @!p0 $0x88, s6;
	s7 =	simm.s32 @p2 $0x1082  }
0x22: {  	[simem:s7], [sflag:s8] =	dma.local @!p0 [hbm:s6], $0xF7A  }
0x23: {  	s9 =	sor.u32 $0xD0000000, s2;
	s6 =	simm.s32 $0x108;
	_ =	swait.ge @!p0 [sflag:s8], $0x0  }
0x24: {  	s3 =	sadd.s32 $0x88, s3;
	s6 =	simm.s32 @!p1 $0x1082;
	[sflag:s4] =	ssyncset.s32 $0xFFFFF086  }
0x25: {  	[simem:s6], [sflag:s4] =	dma.local [hbm:s3], $0xF7A  }
0x26: {  	[smem:$0x3F99] =	sst s1;
	(tag) =	ssettag s2;
	_ =	strace s9  }
0x27: {  	s1 =	sld [smem:$0x3FA9]  }
0x28: {  	s2 =	sld [smem:$0x3FAA]  }
0x29: {  	s4 =	sld [smem:$0x3FAC]  }
0x2a: {  	p0 =	seq.s32 s5, $0x0;
	s5 =	sld [smem:$0x3FAD]  }
0x2b: {  	s6 =	sld [smem:$0x3FAE]  }
0x2c: {  	s7 =	sld [smem:$0x3FAF]  }
0x2d: {  	s3 =	simm.s32 $0x108;
	s8 =	sld [smem:$0x3FB0]  }
0x2e: {  	s3 =	simm.s32 @!p0 $0x1082;
	s9 =	sld [smem:$0x3FB1]  }
0x2f: {  	lr =	sadd.s32 s0, s3;
	s0 =	sld [smem:$0x3FA8]  }
0x30: {  	s3 =	sld [smem:$0x3FAB]  }
0x31: {  	[smem:$0x3FB4] =	sst s10  }
0x32: {  	s10 =	sld [smem:$0x3FB2];
	_ =	sdelay $0x3  }
0x33: {  	p0 =	seq.s32 s10, $0x1;
	s10 =	sld [smem:$0x3FB4];
	_ =	sdelay $0x3  }
0x34: {  	[smem:$0x3FB4] =	sst s10  }
0x35: {  	s10 =	sld [smem:$0x3FB3];
	_ =	sdelay $0x3  }
0x36: {  	p1 =	seq.s32 s10, $0x1;
	s10 =	sld [smem:$0x3FB4];
	_ =	sdelay $0x3  }
0x37: {  	[smem:$0x3FB4] =	sst s10  }
0x38: {  	s10 =	sld [smem:$0x3FB5]  }
0x39: {  	_ = 	snop;
	(pc) =	sbr.ind lr, $3  }
0x3a: {  	_ = 	snop  }
0x3b: {  	_ = 	snop  }
0x3c: {  	p2 =	seq.s32 s10, $0x1;
	s10 =	sld [smem:$0x3FB4]  }
0x3d: {  	_ =	shalt  }
0x3e: {  	_ =	shalt  }
0x3f: {  	_ =	shalt  }
0x40: {  	_ =	shalt  }
0x41: {  	_ =	shalt  }
0x42: {  	_ =	shalt  }
0x43: {  	_ =	shalt  }
0x44: {  	_ =	shalt  }
0x45: {  	_ =	shalt  }
0x46: {  	_ =	shalt  }
0x47: {  	_ =	shalt  }
0x48: {  	_ =	shalt  }
0x49: {  	_ =	shalt  }
0x4a: {  	_ =	shalt  }
0x4b: {  	_ =	shalt  }
0x4c: {  	_ =	shalt  }
0x4d: {  	_ =	shalt  }
0x4e: {  	_ =	shalt  }
0x4f: {  	_ =	shalt  }
0x50: {  	_ =	shalt  }
0x51: {  	_ =	shalt  }
0x52: {  	_ =	shalt  }
0x53: {  	_ =	shalt  }
0x54: {  	_ =	shalt  }
0x55: {  	_ =	shalt  }
0x56: {  	_ =	shalt  }
0x57: {  	_ =	shalt  }
0x58: {  	_ =	shalt  }
0x59: {  	_ =	shalt  }
0x5a: {  	_ =	shalt  }
0x5b: {  	_ =	shalt  }
0x5c: {  	_ =	shalt  }
0x5d: {  	_ =	shalt  }
0x5e: {  	_ =	shalt  }
0x5f: {  	_ =	shalt  }
0x60: {  	_ =	shalt  }
0x61: {  	_ =	shalt  }
0x62: {  	_ =	shalt  }
0x63: {  	_ =	shalt  }
0x64: {  	_ =	shalt  }
0x65: {  	_ =	shalt  }
0x66: {  	_ =	shalt  }
0x67: {  	_ =	shalt  }
0x68: {  	_ =	shalt  }
0x69: {  	_ =	shalt  }
0x6a: {  	_ =	shalt  }
0x6b: {  	_ =	shalt  }
0x6c: {  	_ =	shalt  }
0x6d: {  	_ =	shalt  }
0x6e: {  	_ =	shalt  }
0x6f: {  	_ =	shalt  }
0x70: {  	_ =	shalt  }
0x71: {  	_ =	shalt  }
0x72: {  	_ =	shalt  }
0x73: {  	_ =	shalt  }
0x74: {  	_ =	shalt  }
0x75: {  	_ =	shalt  }
0x76: {  	_ =	shalt  }
0x77: {  	_ =	shalt  }
0x78: {  	_ =	shalt  }
0x79: {  	_ =	shalt  }
0x7a: {  	_ =	shalt  }
0x7b: {  	_ =	shalt  }
0x7c: {  	_ =	shalt  }
0x7d: {  	_ =	shalt  }
0x7e: {  	_ =	shalt  }
0x7f: {  	_ =	shalt  }
0x80: {  	_ =	shalt  }
0x81: {  	_ =	shalt  }
0x82: {  	_ =	shalt  }
0x83: {  	_ =	shalt  }
0x84: {  	_ =	shalt  }
0x85: {  	_ =	shalt  }
0x86: {  	_ =	shalt  }
0x87: {  	_ =	shalt  }
.Lfunc_end0:
.L_simem_size_0:
called_computation.1_lowered:
.L_overlay_start_0:
0x88: {  	s2 =	sld [smem:$0x3FD9]  }
0x89: {  	s3 =	sld [smem:$0x3FFE];
	_ =	sdelay $0x1  }
0x8a: {  	s1 =	srdreg.scid  }
0x8b: {  	s0 =	sand.u32 $0x1, s1  }
0x8c: {  	s17 =	sshll.u32 s0, $0xA;
	s2 =	sadd.s32 s3, s2  }
0x8d: {  	s2 =	sadd.s32 s2, s17  }
0x8e: {  	[smem:$0x3FC0] =	sst s2  }
0x8f: {  	_ = 	snop  }
0x90: {  	s2 =	sld [smem:$0x3FC3]  }
0x91: {  	s18 =	sld [smem:$0x3FC2]  }
0x92: {  	s4 =	sld [smem:$0x3FD0];
	(tm) =	ssettm $0x1  }
0x93: {  	s5 =	sld [smem:$0x3FFB];
	_ =	sdelay $0x3  }
0x94: {  	_ =	strace s5  }
0x95: {  	s5 =	sld [smem:$0x3FFC];
	_ =	sdelay $0x3  }
0x96: {  	_ =	strace s5  }
0x97: {  	s5 =	sld [smem:$0x3FFD];
	_ =	sdelay $0x3  }
0x98: {  	_ =	strace s5  }
0x99: {  	_ =	strace $0x8FFFFFFF  }
0x9a: {  	s19 =	sld [smem:$0x3FDB];
	_ =	sdelay $0x1  }
0x9b: {  	s6 =	simm.s32 $_scs_section_size  }
0x9c: {  	s7 =	simm.s32 $_size__tile_overlayer_lowered;
	s8 =	simm.s32 $_tile_overlayer_lowered  }
0x9d: {  	s22 =	simm.s32 $0x1BFF;
	s21 =	sshll.u32 s8, $0x1;
	s5 =	sadd.s32 s6, s19  }
0x9e: {  	s9 =	simm.s32 $0x0;
	s20 =	sshll.u32 s7, $0x1;
	s7 =	sadd.s32 s21, s5  }
0x9f: {  	[timem:s9], [sflag:s22] =	dma.local [hbm:s7], s20  }
0xa0: {  	_ =	swait.ge [sflag:s22], s20  }
0xa1: {  	s6 =	ssub.s32 $0x0, s20;
	[sflag:s22] =	ssyncset.done $0x0  }
0xa2: {  	[sflag:s22] =	ssyncadd.s32 s6;
	_ =	sdelay $0x1  }
0xa3: {  	s23 =	simm.s32 $0x1B8B  }
0xa4: {  	_ =	swait.ge [sflag:s23], $0x1  }
0xa5: {  	[sflag:s23] =	ssyncset.done $0x0  }
0xa6: {  	s25 =	simm.s32 $0x1B8E;
	s24 =	sld [smem:$0x3FFE];
	[sflag:s23] =	ssyncadd.s32 $0xFFFFFFFF  }
0xa7: {  	s26 =	simm.s32 $execute0_lowered;
	[smem:$0x3FD2] =	sst s25  }
0xa8: {  	s7 =	sshll.u32 s26, $0x1;
	_ =	strace $0x80000046;
	[dreg:$0x1] =	wrdreg $0xFFFFFFFF  }
0xa9: {  	s28 =	simm.s32 $_size_execute0_lowered;
	s5 =	sadd.s32 s5, s7;
	[dreg:$0x0] =	wrdreg $0x0  }
0xaa: {  	s7 =	sshll.u32 s28, $0x1;
	[dreg:$0x2] =	wrdreg s5  }
0xab: {  	[dreg:$0x3] =	wrdreg s7  }
0xac: {  	[dreg:$0x4] =	wrdreg $0xC0  }
0xad: {  	_ =	task [dreg:s9], $0x5FFFF  }
0xae: {  	[dreg:$0x1] =	wrdreg $0xFFFFFFFF  }
0xaf: {  	[dreg:$0x0] =	wrdreg $0x60  }
0xb0: {  	[dreg:$0x2] =	wrdreg s24  }
0xb1: {  	[dreg:$0x3] =	wrdreg s2  }
0xb2: {  	[dreg:$0x4] =	wrdreg s18  }
0xb3: {  	[dreg:$0x5] =	wrdreg s4  }
0xb4: {  	[dreg:$0x6] =	wrdreg $0x9  }
0xb5: {  	_ =	task.clear_ibuf [dreg:s9], $0x7FFFF;
	_ =	strace $0x90000046  }
0xb6: {  	s29 =	simm.s32 $0x9;
	_ =	strace $0x80000048  }
0xb7: {  	_ =	swait.ge [sflag:s29], $0x1  }
0xb8: {  	[sflag:s29] =	ssyncadd.s32 $0xFFFFFFFF  }
0xb9: {  	_ =	strace $0x90000048  }
0xba: {  	_ =	sfence  }
0xbb: {  	s30 =	sld [smem:$0x0];
	_ =	sdelay $0x2  }
0xbc: {  	s31 =	sshll.u32 s1, $0xD;
	s1 =	sshrl.u32 s1, $0x2  }
0xbd: {  	s3 =	sand.u32 $0x4000, s31;
	s1 =	sadd.s32 s1, s30  }
0xbe: {  	s0 =	sor.u32 s3, s0;
	s1 =	sshll.u32 s1, $0x11  }
0xbf: {  	s0 =	sor.u32 s1, s0  }
0xc0: {  	s0 =	sadd.s32 $0x8F2B, s0  }
0xc1: {  	[sflag:s0] =	ssyncadd.remote.s32 $0x1  }
0xc2: {  	_ =	sfence.sel $0xFFFF  }
0xc3: {  	[dreg:$0x0] =	wrdreg $0xFFFFFFFF;
	(pc) =	sbr.abs _section_cstart, $3  }
0xc4: {  	[dreg:$0x1] =	wrdreg $0xFFFFFFFF  }
0xc5: {  	_ =	task.clear_ibuf [dreg:s9], $0x2FFFF;
	_ =	strace $0x9FFFFFFF  }
0xc6: {  	(tm) =	ssettm $0x7FFFFFFF  }
0xc7: {  	_ =	shalt  }
tec
execute0_lowered:
.L_overlay_start_1:
0x0: {  	(tag) =	ssettag $0x1  }
0x1: {  	v0 =	vimm.s32 $0xFEDCBA9;
	v19 =	vlaneseq.u32;
	v1 =	vimm.s32 $0x87654321  }
0x2: {  	v2 =	vimm.s32 $0x10FEDCBA;
	v3 =	vimm.s32 $0x98765432;
	v4 =	vimm.s32 $0x210FEDCB  }
0x3: {  	v5 =	vimm.s32 $0xA9876543;
	v6 =	vimm.s32 $0x3210FEDC;
	v7 =	vimm.s32 $0xBA987654  }
0x4: {  	v11 =	vimm.s32 $0x43210FED;
	v12 =	vimm.s32 $0xCBA98765;
	v32 =	vimm.s32 $0x543210FE  }
0x5: {  	v33 =	vimm.s32 $0xDCBA9876;
	v13 =	vimm.s32 $0x6543210F;
	v14 =	vimm.s32 $0xEDCBA987  }
0x6: {  	v15 =	vimm.s32 $0xFEDCBA98;
	v16 =	vimm.s32 $0x76543210;
	vm0 =	vcmask $0x1F10  }
0x7: {  	v48 =	vimm.s32 $0x1C1B1A19;
	v49 =	vimm.s32 $0x101F1E1D;
	v52 =	vimm.s32 $0x1D1C1B1A  }
0x8: {  	v53 =	vimm.s32 $0x11101F1E;
	v54 =	vimm.s32 $0x15141312;
	v55 =	vimm.s32 $0x19181716  }
0x9: {  	v56 =	vimm.s32 $0x1E1D1C1B;
	v0 =	vunpack.c.l.s4.s8 v0;
	v1 =	vunpack.c.l.s4.s8 v1  }
0xa: {  	v2 =	vunpack.c.l.s4.s8 v2;
	v3 =	vunpack.c.l.s4.s8 v3;
	v4 =	vunpack.c.l.s4.s8 v4  }
0xb: {  	v5 =	vunpack.c.l.s4.s8 v5;
	v6 =	vunpack.c.l.s4.s8 v6;
	v7 =	vunpack.c.l.s4.s8 v7  }
0xc: {  	v11 =	vunpack.c.l.s4.s8 v11;
	v28 =	vunpack.c.l.s4.s8 v12;
	v12 =	vunpack.c.l.s4.s8 v33  }
0xd: {  	v13 =	vunpack.c.l.s4.s8 v13;
	v14 =	vunpack.c.l.s4.s8 v14;
	v15 =	vunpack.c.l.s4.s8 v15  }
0xe: {  	v16 =	vunpack.c.l.s4.s8 v16;
	v0 =	vunpack.c.0.s8.s32 v0;
	v1 =	vunpack.c.0.s8.s32 v1  }
0xf: {  	v2 =	vunpack.c.0.s8.s32 v2;
	v3 =	vunpack.c.0.s8.s32 v3;
	v4 =	vunpack.c.0.s8.s32 v4  }
0x10: {  	v5 =	vunpack.c.0.s8.s32 v5;
	v6 =	vunpack.c.0.s8.s32 v6;
	v8 =	vcombine.low v1, v0  }
0x11: {  	v7 =	vunpack.c.0.s8.s32 v7;
	v31 =	vunpack.c.0.s8.s32 v11;
	v9 =	vcombine.low v3, v2  }
0x12: {  	v15 =	vunpack.c.0.s8.s32 v15;
	v10 =	vcombine.low v5, v4;
	v8 =	vand.u32 $0xF, v8  }
0x13: {  	v16 =	vunpack.c.0.s8.s32 v16;
	v30 =	vcombine.low v7, v6;
	v18 =	vand.u32 $0xF, v9;
	[tilespmem:$0x1FB30] =	vst v8  }
0x14: {  	v11 =	vunpack.c.l.s4.s8 v32;
	v15 =	vand.u32 $0xF, v15;
	v29 =	vand.u32 $0xF, v10;
	[tilespmem:$0x1FB40] =	vst v18  }
0x15: {  	v0 =	vcombine.low v0, v1;
	v35 =	vcombine.low v15, v16;
	v9 =	vand.u32 $0xF, v30;
	[tilespmem:$0x1FB50] =	vst v29  }
0x16: {  	v12 =	vunpack.c.0.s8.s32 v12;
	v13 =	vunpack.c.0.s8.s32 v13;
	v37 =	vcombine.low v2, v3;
	[tilespmem:$0x1FB60] =	vst v9  }
0x17: {  	v14 =	vunpack.c.0.s8.s32 v14;
	v38 =	vcombine.low v4, v5;
	v0 =	vand.u32 $0xF, v0;
	[tilespmem:$0x1FB80] =	vst v35  }
0x18: {  	v11 =	vunpack.c.0.s8.s32 v11;
	v40 =	vcombine.low v6, v7;
	v1 =	vand.u32 $0xF, v37;
	[tilespmem:$0x1FBB0] =	vst v0  }
0x19: {  	v57 =	vimm.s32 $0x1211101F;
	v43 =	vcombine.low v13, v14;
	v44 =	vand.u32 $0xF, v38;
	[tilespmem:$0x1FBC0] =	vst v1  }
0x1a: {  	v59 =	vimm.s32 $0x1A191817;
	v17 =	vcombine.low v12, v11;
	v45 =	vand.u32 $0xF, v40;
	[tilespmem:$0x1FBD0] =	vst v44  }
0x1b: {  	v60 =	vimm.s32 $0x1F1E1D1C;
	v42 =	vcombine.low v11, v12;
	v47 =	vand.u32 $0xF, v43;
	[tilespmem:$0x1FBE0] =	vst v45  }
0x1c: {  	v8 =	vunpack.c.0.s8.s32 v28;
	v18 =	vcombine.low v14, v13;
	[tilespmem:$0x1FC10] =	vst v47;
	v36 =	vand.u32 $0xF, v17  }
0x1d: {  	v14 =	vunpack.c.0.s8.s32 v59;
	v13 =	vimm.s32 $0x2C2B2A29;
	v0 =	vand.u32 $0xF, v42;
	[tilespmem:$0x1FB90] =	vst v36  }
0x1e: {  	v59 =	vimm.s32 $0x34333231;
	v28 =	vunpack.c.0.s8.s32 v13;
	v39 =	vand.u32 $0xF, v18;
	[tilespmem:$0x1FC00] =	vst v0  }
0x1f: {  	v15 =	vunpack.c.0.s8.s32 v60;
	v29 =	vimm.s32 $0x202F2E2D;
	v60 =	vunpack.c.0.s8.s32 v59;
	[tilespmem:$0x1FBA0] =	vst v39  }
0x20: {  	v58 =	vimm.s32 $0x16151413;
	v34 =	vcombine.low v8, v31;
	v0 =	vunpack.c.0.s8.s32 v29;
	[tilespmem:$0x1FC20] =	vst v28  }
0x21: {  	v63 =	vimm.s32 $0x1B1A1918;
	v21 =	vunpack.c.0.s8.s32 v49;
	v41 =	vcombine.low v31, v8;
	[tilespmem:$0x1FC70] =	vst v60  }
0x22: {  	v33 =	vimm.s32 $0x2D2C2B2A;
	v30 =	vimm.s32 $0x24232221;
	v9 =	vand.u32 $0xF, v34;
	[tilespmem:$0x1FC30] =	vst v0  }
0x23: {  	v31 =	vimm.s32 $0x28272625;
	v46 =	vand.u32 $0xF, v41;
	v0 =	vunpack.c.0.s8.s32 v30;
	[tilespmem:$0x1FB70] =	vst v9  }
0x24: {  	v49 =	vor.u32 $0x10, v19;
	v6 =	vunpack.c.0.s8.s32 v52;
	v32 =	vunpack.c.0.s8.s32 v31;
	[tilespmem:$0x1FBF0] =	vst v46  }
0x25: {  	v7 =	vunpack.c.0.s8.s32 v53;
	v11 =	vunpack.c.0.s8.s32 v57;
	[tilespmem:$0x1FC40] =	vst v0;
	v0 =	vunpack.c.0.s8.s32 v33  }
0x26: {  	s0 =	rddreg [dreg:$0x0];
	s5 =	simm.s32 $0x0;
	v12 =	vunpack.c.0.s8.s32 v58;
	v57 =	vimm.s32 $0x3C3B3A39;
	v58 =	vimm.s32 $0x303F3E3D;
	[tilespmem:$0x1FC50] =	vst v32  }
0x27: {  	[smem:$0x7FF] =	sst s5;
	v10 =	vunpack.c.0.s8.s32 v56;
	v22 =	vunpack.c.0.s8.s32 v57;
	v27 =	vunpack.c.0.s8.s32 v58;
	[tilespmem:$0x1FC60] =	vst v0  }
0x28: {  	s4 =	rddreg [dreg:$0x3];
	v57 =	vor.u32 $0x20, v19;
	v58 =	vor.u32 $0x30, v19;
	v8 =	vunpack.c.0.s8.s32 v54;
	_ =	strace $0x80000047;
	[tilespmem:$0x1FC90] =	vst v49  }
0x29: {  	v18 =	vunpack.c.0.s8.s32 v63;
	v34 =	vimm.s32 $0x21202F2E;
	v9 =	vunpack.c.0.s8.s32 v55;
	[tilespmem:$0x1FCA0] =	vst v57  }
0x2a: {  	v60 =	vsel vm0, v7, v6;
	v41 =	vunpack.c.0.s8.s32 v34;
	v34 =	vimm.s32 $0x3231303F;
	[tilespmem:$0x1FCB0] =	vst v58  }
0x2b: {  	v63 =	vimm.s32 $0x31303F3E;
	v25 =	vunpack.c.0.s8.s32 v34;
	v34 =	vsel vm0, v9, v8;
	[tilespmem:$0x1FCD0] =	vst v60  }
0x2c: {  	v20 =	vunpack.c.0.s8.s32 v48;
	v31 =	vunpack.c.0.s8.s32 v63;
	v63 =	vsel vm0, v11, v10;
	[tilespmem:$0x1FCE0] =	vst v34  }
0x2d: {  	v50 =	vimm.s32 $0x14131211;
	[tilespmem:$0x1FCF0] =	vst v63  }
0x2e: {  	v51 =	vimm.s32 $0x18171615;
	v4 =	vunpack.c.0.s8.s32 v50;
	[tilespmem:$0x1FD00] =	vst v20  }
0x2f: {  	v5 =	vunpack.c.0.s8.s32 v51;
	[tilespmem:$0x1FD10] =	vst v21  }
0x30: {  	[tilespmem:$0x1FD20] =	vst v4  }
0x31: {  	[tilespmem:$0x1FD30] =	vst v5  }
0x32: {  	[tilespmem:$0x1FD40] =	vst v6  }
0x33: {  	[tilespmem:$0x1FD50] =	vst v7  }
0x34: {  	[tilespmem:$0x1FD60] =	vst v8  }
0x35: {  	[tilespmem:$0x1FD70] =	vst v9  }
0x36: {  	[tilespmem:$0x1FD80] =	vst v10  }
0x37: {  	[tilespmem:$0x1FD90] =	vst v11  }
0x38: {  	v61 =	vimm.s32 $0x13121110;
	[tilespmem:$0x1FDA0] =	vst v12  }
0x39: {  	v62 =	vimm.s32 $0x17161514;
	v16 =	vunpack.c.0.s8.s32 v61;
	[tilespmem:$0x1FDB0] =	vst v14  }
0x3a: {  	v17 =	vunpack.c.0.s8.s32 v62;
	[tilespmem:$0x1FDC0] =	vst v15  }
0x3b: {  	[tilespmem:$0x1FDD0] =	vst v16  }
0x3c: {  	v35 =	vimm.s32 $0x25242322;
	[tilespmem:$0x1FDE0] =	vst v17  }
0x3d: {  	v42 =	vunpack.c.0.s8.s32 v35;
	v36 =	vimm.s32 $0x29282726;
	[tilespmem:$0x1FDF0] =	vst v18  }
0x3e: {  	v37 =	vimm.s32 $0x2E2D2C2B;
	v44 =	vunpack.c.0.s8.s32 v36;
	[tilespmem:$0x1FE00] =	vst v41  }
0x3f: {  	v38 =	vimm.s32 $0x2221202F;
	v45 =	vunpack.c.0.s8.s32 v37;
	[tilespmem:$0x1FE10] =	vst v42  }
0x40: {  	v43 =	vunpack.c.0.s8.s32 v38;
	v39 =	vimm.s32 $0x26252423;
	[tilespmem:$0x1FE20] =	vst v44  }
0x41: {  	v40 =	vimm.s32 $0x2A292827;
	v46 =	vunpack.c.0.s8.s32 v39;
	[tilespmem:$0x1FE30] =	vst v45  }
0x42: {  	v47 =	vimm.s32 $0x2F2E2D2C;
	v51 =	vunpack.c.0.s8.s32 v40;
	[tilespmem:$0x1FE40] =	vst v43  }
0x43: {  	v24 =	vunpack.c.0.s8.s32 v47;
	v54 =	vimm.s32 $0x23222120;
	[tilespmem:$0x1FE50] =	vst v46  }
0x44: {  	v48 =	vunpack.c.0.s8.s32 v54;
	v55 =	vimm.s32 $0x27262524;
	[tilespmem:$0x1FE60] =	vst v51  }
0x45: {  	v56 =	vimm.s32 $0x2B2A2928;
	v23 =	vunpack.c.0.s8.s32 v55;
	[tilespmem:$0x1FE70] =	vst v24  }
0x46: {  	v53 =	vunpack.c.0.s8.s32 v56;
	[tilespmem:$0x1FE80] =	vst v48  }
0x47: {  	[tilespmem:$0x1FE90] =	vst v23  }
0x48: {  	v61 =	vimm.s32 $0x38373635;
	[tilespmem:$0x1FEA0] =	vst v53  }
0x49: {  	v62 =	vimm.s32 $0x3D3C3B3A;
	v54 =	vunpack.c.0.s8.s32 v61;
	[tilespmem:$0x1FEB0] =	vst v22  }
0x4a: {  	v29 =	vunpack.c.0.s8.s32 v62;
	[tilespmem:$0x1FEC0] =	vst v27  }
0x4b: {  	v13 =	vimm.s32 $0x35343332;
	[tilespmem:$0x1FED0] =	vst v54  }
0x4c: {  	v28 =	vimm.s32 $0x39383736;
	v32 =	vunpack.c.0.s8.s32 v13;
	[tilespmem:$0x1FEE0] =	vst v29  }
0x4d: {  	v30 =	vimm.s32 $0x3E3D3C3B;
	v33 =	vunpack.c.0.s8.s32 v28;
	[tilespmem:$0x1FEF0] =	vst v31  }
0x4e: {  	v35 =	vunpack.c.0.s8.s32 v30;
	[tilespmem:$0x1FF00] =	vst v32  }
0x4f: {  	v36 =	vimm.s32 $0x36353433;
	[tilespmem:$0x1FF10] =	vst v33  }
0x50: {  	v37 =	vimm.s32 $0x3A393837;
	v26 =	vunpack.c.0.s8.s32 v36;
	[tilespmem:$0x1FF20] =	vst v35  }
0x51: {  	v38 =	vimm.s32 $0x3F3E3D3C;
	v28 =	vunpack.c.0.s8.s32 v37;
	[tilespmem:$0x1FF30] =	vst v25  }
0x52: {  	v40 =	vimm.s32 $0x37363534;
	v30 =	vunpack.c.0.s8.s32 v38;
	[tilespmem:$0x1FF40] =	vst v26  }
0x53: {  	s1 =	srdreg.scid;
	s2 =	stileid.u32;
	v1 =	vunpack.c.0.s8.s32 v40;
	[tilespmem:$0x1FF50] =	vst v28  }
0x54: {  	s17 =	simm.s32 $0x5;
	s21 =	simm.s32 $0x5B00;
	s22 =	simm.s32 $0x80;
	[tilespmem:$0x1FF60] =	vst v30  }
0x55: {  	s23 =	simm.s32 $0x1B00;
	s28 =	simm.s32 $0x1980;
	s29 =	simm.s32 $0x1A80;
	v50 =	vor.u32 $0x9010, v19;
	[tilespmem:$0x1FF70] =	vst v1  }
0x56: {  	s30 =	simm.s32 $0x1;
	s31 =	simm.s32 $0x17B00;
	s18 =	simm.s32 $0x0;
	v52 =	vor.u32 $0x9020, v19;
	v39 =	vimm.s32 $0x33323130;
	[tilespmem:$0x1FFA0] =	vst v50  }
0x57: {  	s1 =	sand.u32 $0x1, s1;
	s2 =	sshll.u32 s2, $0x1;
	s7 =	sadd.s32 $0x7600, s0;
	v59 =	vsel vm0, v5, v4;
	v0 =	vunpack.c.0.s8.s32 v39;
	[tilespmem:$0x1FFB0] =	vst v52  }
0x58: {  	s8 =	sadd.s32 $0x1200, s0;
	s9 =	sadd.s32 $0xF43600, s0;
	s2 =	sor.u32 s1, s2;
	[tilespmem:$0x1FFE0] =	vst v59  }
0x59: {  	s10 =	sadd.s32 $0x13E00, s0;
	s1 =	ssub.s32 $0x2, s1;
	s6 =	smul.u32 $0x1900, s2;
	v57 =	vor.u32 $0x9030, v19;
	[tilespmem:$0x1FC80] =	vst v0  }
0x5a: {  	s12 =	sshrl.u32 s1, $0x1;
	s15 =	smul.u32 $0x64000, s2;
	s2 =	simm.s32 $0x4;
	v62 =	vcombine.low v34, v60;
	v58 =	vsel vm0, v21, v20;
	[tilespmem:$0x1FFC0] =	vst v57  }
0x5b: {  	s24 =	ssub.s32 s1, s12;
	s1 =	simm.s32 $0x19F00;
	s3 =	sshrl.u32 s6, $0x3;
	v47 =	vimm.s32 $0x3B3A3938;
	[tilespmem:$0x1FFD0] =	vst v58  }
0x5c: {  	s16 =	smax.u32 s24, $0x1;
	s11 =	sadd.s32 s3, s0;
	s0 =	sadd.s32 $0x14E00, s0;
	v0 =	vunpack.c.0.s8.s32 v47;
	v47 =	vor.u32 $0x9000, v19;
	v61 =	vcombine.low v59, v58;
	[tilespmem:$0x1FFF0] =	vst v62  }
0x5d: {  	s26 =	sadd.s32 s7, s3;
	s25 =	sadd.s32 $0xDA00, s11;
	[dreg:$0x5] =	wrdreg s0;
	[tilespmem:$0x1FF90] =	vst v47  }
0x5e: {  	s14 =	sadd.s32 s8, s3;
	s3 =	simm.s32 $0x2;
	[dreg:$0x6] =	wrdreg s25;
	[tilespmem:$0x1FCC0] =	vst v61  }
0x5f: {  	[dreg:$0x7] =	wrdreg s26;
	s26 =	simm.s32 $0x3B00;
	s0 =	simm.s32 $0x3;
	[tilespmem:$0x1FF80] =	vst v0  }
.LBB2_1:
0x60: {  	s11 =	rddreg [dreg:$0x6]  }
0x61: {  	[tilespmem:s5], [sflag:$0x5] =	stream.linear.gather [hbm4b:s11+s5], $0x1900, $0x38;
	[tilespmem:$0x1C800] =	vst v63  }
0x62: {  	_ =	swait.ge [sflag:s17], $0x1900  }
0x63: {  	s20 =	sadd.s32 $0x0, s10;
	s19 =	simm.s32 $0x5B48;
	[sflag:s17] =	ssyncset.done $0x0  }
0x64: {  	s12 =	simm.s32 $0x5B00;
	s11 =	simm.s32 $0x8;
	[sflag:s17] =	ssyncadd.s32 $0xFFFFE700  }
.LBB2_2:
0x65: {  	[tilespmem:s12], [sflag:$0x5] =	stream.linear.gather [hbm4b:s20+s5], $0x40, $0x38;
	[tilespmem:$0x1C800] =	vst v63  }
0x66: {  	s13 =	smov.u32 s11;
	s12 =	smov.u32 s19;
	p0 =	sne.s32 s11, $0xFF8  }
.Ltmp0:
0x67: {  	s11 =	sadd.s32 $0x8, s11;
	(pc) =	sbr.rel @p0 .LBB2_2-.Ltmp0, $2  }
0x68: {  	_ =	sdelay $0x2  }
0x69: {  	s19 =	sadd.s32 $0x48, s19;
	s20 =	sadd.s32 s13, s10  }
0x6a: {  	[tilespmem:s12], [sflag:$0x5] =	stream.linear.gather [hbm4b:s20+s5], $0x40, $0x38;
	[tilespmem:$0x1C800] =	vst v63  }
0x6b: {  	_ =	swait.ge [sflag:s17], $0x8000  }
0x6c: {  	s11 =	simm.s32 $0x0;
	[sflag:s17] =	ssyncset.done $0x0  }
0x6d: {  	s13 =	simm.s32 $0x1C300;
	s25 =	rddreg [dreg:$0x5];
	[sflag:s17] =	ssyncadd.s32 $0xFFFF8000  }
0x6e: {  	[tilespmem:s13], [sflag:$0x5] =	stream.linear.gather [hbm4b:s25+s11], $0x80, $0x38;
	[tilespmem:$0x1C800] =	vst v63  }
0x6f: {  	_ =	swait.ge [sflag:s17], $0x80  }
0x70: {  	[sflag:s17] =	ssyncset.done $0x0  }
0x71: {  	[sflag:s17] =	ssyncadd.s32 $0xFFFFFF80  }
0x72: {  	s19 =	simm.s32 $0x1C380;
	s13 =	rddreg [dreg:$0x1]  }
0x73: {  	v0 =	vmov s11;
	[tilespmem:s19], [sflag:$0x5] =	stream.linear.gather [hbm4b:s13+s11], $0x40, $0x38;
	[tilespmem:$0x1C800] =	vst v63  }
0x74: {  	v0 =	vmul.u32 $0x48, v0;
	_ =	swait.ge [sflag:s17], $0x40  }
0x75: {  	[sflag:s17] =	ssyncset.done $0x0  }
0x76: {  	v9 =	vbroadcast v0, $0x0;
	[sflag:s17] =	ssyncadd.s32 $0xFFFFFFC0  }
0x77: {  	s24 =	simm.s32 $0x1C3C0;
	v21 =	vlaneseq.u32;
	s20 =	rddreg [dreg:$0x2]  }
0x78: {  	v8 =	vadd.s32 v21, v9;
	[tilespmem:s24], [sflag:$0x5] =	stream.linear.gather [hbm4b:s20+s11], $0x40, $0x38;
	[tilespmem:$0x1C800] =	vst v63  }
0x79: {  	_ =	swait.ge [sflag:s17], $0x40  }
0x7a: {  	[sflag:s17] =	ssyncset.done $0x0;
	v52 =	vld [tilespmem:$0x1FC90]  }
0x7b: {  	v55 =	vld [tilespmem:$0x1FFA0];
	[sflag:s17] =	ssyncadd.s32 $0xFFFFFFC0  }
0x7c: {  	v6 =	vld [tilespmem:$0x1C300]  }
0x7d: {  	v10 =	vld.idx.msk [tilespmem:v8+s21+$0x0], $0xffff  }
0x7e: {  	v7 =	vld [tilespmem:$0x1C340]  }
0x7f: {  	v3 =	vld [tilespmem:$0x1C310]  }
0x80: {  	v11 =	vadd.s32 v47, v9;
	v1 =	vld [tilespmem:$0x1C320]  }
0x81: {  	v0 =	vld [tilespmem:$0x1C330];
	v12 =	vadd.s32 v52, v9  }
0x82: {  	v5 =	vld [tilespmem:$0x1C350];
	v13 =	vadd.f32 v10, v6  }
0x83: {  	v4 =	vld [tilespmem:$0x1C360];
	v10 =	vadd.f32 v10, v7  }
0x84: {  	v2 =	vld [tilespmem:$0x1C370];
	[tilespmem:v8+s21+$0x0] =	vst.idx.msk $0xffff, v13  }
0x85: {  	v58 =	vld [tilespmem:$0x1FCA0];
	[tilespmem:v11+s21+$0x0] =	vst.idx.msk $0xffff, v10  }
0x86: {  	v8 =	vld.idx.msk [tilespmem:v12+s21+$0x0], $0xffff;
	_ =	sdelay $0x2  }
0x87: {  	v10 =	vadd.s32 v55, v9  }
0x88: {  	v11 =	vadd.s32 v58, v9  }
0x89: {  	v60 =	vadd.f32 v8, v3  }
0x8a: {  	v8 =	vadd.f32 v8, v5  }
0x8b: {  	v57 =	vld [tilespmem:$0x1FFB0];
	[tilespmem:v12+s21+$0x0] =	vst.idx.msk $0xffff, v60  }
0x8c: {  	v56 =	vld [tilespmem:$0x1FCB0];
	[tilespmem:v10+s21+$0x0] =	vst.idx.msk $0xffff, v8  }
0x8d: {  	v8 =	vld.idx.msk [tilespmem:v11+s21+$0x0], $0xffff;
	_ =	sdelay $0x2  }
0x8e: {  	v10 =	vadd.s32 v57, v9  }
0x8f: {  	v61 =	vadd.s32 v56, v9  }
0x90: {  	v62 =	vadd.f32 v8, v1  }
0x91: {  	v8 =	vadd.f32 v8, v4  }
0x92: {  	s25 =	simm.s32 $0x1;
	v19 =	vld [tilespmem:$0x1FFC0];
	[tilespmem:v11+s21+$0x0] =	vst.idx.msk $0xffff, v62  }
0x93: {  	[tilespmem:v10+s21+$0x0] =	vst.idx.msk $0xffff, v8;
	v8 =	vmov s25  }
0x94: {  	v11 =	vld.idx.msk [tilespmem:v61+s21+$0x0], $0xffff;
	v8 =	vmul.u32 $0x48, v8;
	_ =	sdelay $0x1  }
0x95: {  	v8 =	vbroadcast v8, $0x0  }
0x96: {  	v10 =	vadd.s32 v19, v9  }
0x97: {  	v9 =	vadd.s32 v21, v8  }
0x98: {  	v63 =	vadd.f32 v11, v0  }
0x99: {  	v11 =	vadd.f32 v11, v2  }
0x9a: {  	v20 =	vlaneseq.u32;
	s11 =	simm.s32 $0x2;
	[tilespmem:v61+s21+$0x0] =	vst.idx.msk $0xffff, v63  }
.LBB2_4:
0x9b: {  	p0 =	sne.s32 s11, $0x1FF;
	[tilespmem:v10+s21+$0x0] =	vst.idx.msk $0xffff, v11;
	s12 =	smov.u32 s11;
	s11 =	sadd.s32 $0x1, s11  }
0x9c: {  	v10 =	vld.idx.msk [tilespmem:v9+s21+$0x0], $0xffff;
	_ =	sdelay $0x3  }
0x9d: {  	v11 =	vadd.s32 v47, v8  }
0x9e: {  	v12 =	vadd.s32 v52, v8  }
0x9f: {  	v13 =	vadd.f32 v10, v6  }
0xa0: {  	v10 =	vadd.f32 v10, v7  }
0xa1: {  	[tilespmem:v9+s21+$0x0] =	vst.idx.msk $0xffff, v13  }
0xa2: {  	[tilespmem:v11+s21+$0x0] =	vst.idx.msk $0xffff, v10  }
0xa3: {  	v9 =	vld.idx.msk [tilespmem:v12+s21+$0x0], $0xffff;
	_ =	sdelay $0x3  }
0xa4: {  	v10 =	vadd.s32 v55, v8  }
0xa5: {  	v11 =	vadd.s32 v58, v8  }
0xa6: {  	v13 =	vadd.f32 v9, v3  }
0xa7: {  	v9 =	vadd.f32 v9, v5  }
0xa8: {  	[tilespmem:v12+s21+$0x0] =	vst.idx.msk $0xffff, v13  }
0xa9: {  	[tilespmem:v10+s21+$0x0] =	vst.idx.msk $0xffff, v9  }
0xaa: {  	v9 =	vld.idx.msk [tilespmem:v11+s21+$0x0], $0xffff;
	_ =	sdelay $0x3  }
0xab: {  	v10 =	vadd.s32 v57, v8  }
0xac: {  	v12 =	vadd.s32 v56, v8  }
0xad: {  	v13 =	vadd.f32 v9, v1  }
0xae: {  	v9 =	vadd.f32 v9, v4  }
0xaf: {  	[tilespmem:v11+s21+$0x0] =	vst.idx.msk $0xffff, v13  }
0xb0: {  	[tilespmem:v10+s21+$0x0] =	vst.idx.msk $0xffff, v9  }
0xb1: {  	v9 =	vmov s12;
	v11 =	vld.idx.msk [tilespmem:v12+s21+$0x0], $0xffff  }
0xb2: {  	v9 =	vmul.u32 $0x48, v9;
	_ =	sdelay $0x1  }
0xb3: {  	v13 =	vbroadcast v9, $0x0  }
.Ltmp1:
0xb4: {  	v10 =	vadd.s32 v19, v8;
	(pc) =	sbr.rel @p0 .LBB2_4-.Ltmp1, $4  }
0xb5: {  	v9 =	vadd.s32 v20, v13;
	v8 =	vmov v13  }
0xb6: {  	v13 =	vadd.f32 v11, v0  }
0xb7: {  	v11 =	vadd.f32 v11, v2  }
0xb8: {  	[tilespmem:v12+s21+$0x0] =	vst.idx.msk $0xffff, v13  }
0xb9: {  	_ =	sdelay $0x3  }
0xba: {  	[tilespmem:v10+s21+$0x0] =	vst.idx.msk $0xffff, v11  }
0xbb: {  	v10 =	vld.idx.msk [tilespmem:v9+s21+$0x0], $0xffff;
	_ =	sdelay $0x2  }
0xbc: {  	v50 =	vadd.s32 v47, v8  }
0xbd: {  	v12 =	vadd.s32 v52, v8  }
0xbe: {  	v6 =	vadd.f32 v10, v6  }
0xbf: {  	v7 =	vadd.f32 v10, v7  }
0xc0: {  	[tilespmem:v9+s21+$0x0] =	vst.idx.msk $0xffff, v6  }
0xc1: {  	[tilespmem:v50+s21+$0x0] =	vst.idx.msk $0xffff, v7  }
0xc2: {  	v6 =	vld.idx.msk [tilespmem:v12+s21+$0x0], $0xffff;
	_ =	sdelay $0x2  }
0xc3: {  	v59 =	vadd.s32 v55, v8  }
0xc4: {  	v60 =	vadd.s32 v58, v8  }
0xc5: {  	v3 =	vadd.f32 v6, v3  }
0xc6: {  	v5 =	vadd.f32 v6, v5  }
0xc7: {  	[tilespmem:v12+s21+$0x0] =	vst.idx.msk $0xffff, v3  }
0xc8: {  	[tilespmem:v59+s21+$0x0] =	vst.idx.msk $0xffff, v5  }
0xc9: {  	v3 =	vld.idx.msk [tilespmem:v60+s21+$0x0], $0xffff;
	_ =	sdelay $0x2  }
0xca: {  	v61 =	vadd.s32 v57, v8  }
0xcb: {  	v62 =	vadd.s32 v56, v8  }
0xcc: {  	v1 =	vadd.f32 v3, v1  }
0xcd: {  	v3 =	vadd.f32 v3, v4  }
0xce: {  	[tilespmem:v60+s21+$0x0] =	vst.idx.msk $0xffff, v1  }
0xcf: {  	[tilespmem:v61+s21+$0x0] =	vst.idx.msk $0xffff, v3  }
0xd0: {  	v1 =	vld.idx.msk [tilespmem:v62+s21+$0x0], $0xffff;
	_ =	sdelay $0x2  }
0xd1: {  	v63 =	vadd.s32 v19, v8;
	_ =	sdelay $0x1  }
0xd2: {  	v0 =	vadd.f32 v1, v0  }
0xd3: {  	v1 =	vadd.f32 v1, v2  }
0xd4: {  	[tilespmem:v62+s21+$0x0] =	vst.idx.msk $0xffff, v0  }
0xd5: {  	s19 =	simm.s32 $0x0;
	[tilespmem:v63+s21+$0x0] =	vst.idx.msk $0xffff, v1  }
0xd6: {  	[tilespmem:s23], [sflag:$0x1] =	stream.indirect.gather [hbm4b:s9+s22], $0x40, s19, s22, $0xb8;
	[tilespmem:$0x1C800] =	vst v63  }
0xd7: {  	s11 =	rddreg [dreg:$0x7];
	s12 =	simm.s32 $0x1900  }
0xd8: {  	[tilespmem:s12], [sflag:$0x1] =	stream.linear.gather [hbm4b:s11+s19], $0x80, $0x38;
	[tilespmem:$0x1C800] =	vst v63  }
0xd9: {  	s25 =	simm.s32 $0x1A00  }
0xda: {  	v47 =	vmov v52;
	v34 =	vld [tilespmem:$0x1FCC0];
	[tilespmem:s25], [sflag:$0x1] =	stream.linear.gather [hbm4b:s14+s19], $0x80, $0x38  }
.LBB2_6:
0xdb: {  	s20 =	sshllo.u32 s19, $0x1  }
0xdc: {  	s11 =	sshll.u32 s20, $0x7  }
0xdd: {  	[tilespmem:s26], [sflag:$0x2] =	stream.indirect.gather [hbm4b:s9+s22], $0x40, s11, s22, $0xb8;
	[tilespmem:$0x1C800] =	vst v63  }
0xde: {  	s11 =	sadd.s32 s6, s11  }
0xdf: {  	s11 =	sshrl.u32 s11, $0x3  }
0xe0: {  	s12 =	sadd.s32 s7, s11  }
0xe1: {  	[tilespmem:s28], [sflag:$0x2] =	stream.linear.gather [hbm4b:s12+s5], $0x80, $0x38;
	[tilespmem:$0x1C800] =	vst v63  }
0xe2: {  	s11 =	sadd.s32 s8, s11  }
0xe3: {  	[tilespmem:s29], [sflag:$0x2] =	stream.linear.gather [hbm4b:s11+s5], $0x80, $0x38;
	[tilespmem:$0x1C800] =	vst v63  }
0xe4: {  	_ =	swait.ge [sflag:s30], $0x2000  }
0xe5: {  	[sflag:s30] =	ssyncset.done $0x0  }
0xe6: {  	[sflag:s30] =	ssyncadd.s32 $0xFFFFE000  }
0xe7: {  	_ =	swait.ge [sflag:s30], $0x80  }
0xe8: {  	[sflag:s30] =	ssyncset.done $0x0  }
0xe9: {  	[sflag:s30] =	ssyncadd.s32 $0xFFFFFF80  }
0xea: {  	_ =	swait.ge [sflag:s30], $0x80  }
0xeb: {  	p0 =	seq.s32 s19, $0x0;
	[sflag:s30] =	ssyncset.done $0x0  }
0xec: {  	s11 =	simm.s32 @!p0 $0x3;
	[sflag:s30] =	ssyncadd.s32 $0xFFFFFF80  }
0xed: {  	_ =	swait.ge @!p0 [sflag:s11], $0x2000  }
0xee: {  	s24 =	simm.s32 $0x1900;
	[sflag:s11] =	ssyncset.done @!p0 $0x0  }
0xef: {  	s25 =	simm.s32 $0x1A00;
	v35 =	vmov v23;
	v55 =	vmov v24;
	[sflag:s11] =	ssyncadd.s32 @!p0 $0xFFFFE000;
	s11 =	simm.s32 $0x0  }
.LBB2_7:
0xf0: {  	v0 =	vld [tilespmem:s25+$0x0]  }
0xf1: {  	v1 =	vld [tilespmem:s24+$0x0];
	_ =	sdelay $0x3  }
0xf2: {  	v4 =	vlaneseq.u32;
	v0 =	vshll.u32 v0, $0x9  }
0xf3: {  	v2 =	vor.u32 s11, v4;
	v0 =	vadd.s32 v1, v0  }
0xf4: {  	[tilespmem:$0x1F970] =	vst v2;
	v3 =	vshll.u32 v2, $0x6;
	v2 =	vmul.u32 $0x48, v0  }
0xf5: {  	v40 =	vor.u32 v4, v3  }
0xf6: {  	v52 =	vadd.s32 v4, v2;
	_ =	sdelay $0x2  }
0xf7: {  	v5 =	vld [tilespmem:$0x1FB30]  }
0xf8: {  	v0 =	vld.idx.msk [tilespmem:v40+s23+$0x0], $0xffff  }
0xf9: {  	v1 =	vld.idx.msk [tilespmem:v52+s21+$0x0], $0xffff;
	_ =	sdelay $0x2  }
0xfa: {  	v56 =	vor.u32 v5, v3  }
0xfb: {  	v5 =	vadd.s32 v5, v2  }
0xfc: {  	v0 =	vadd.f32 v1, v0;
	_ =	sdelay $0x1  }
0xfd: {  	v6 =	vld [tilespmem:$0x1FB40];
	[tilespmem:$0x1C400] =	vst v0  }
0xfe: {  	[tilespmem:$0x1F980] =	vst v0;
	v0 =	vld.idx.msk [tilespmem:v56+s23+$0x0], $0xffff  }
0xff: {  	v57 =	vld.idx.msk [tilespmem:v5+s21+$0x0], $0xffff;
	_ =	sdelay $0x2  }
0x100: {  	v58 =	vor.u32 v6, v3  }
0x101: {  	v59 =	vadd.s32 v6, v2  }
0x102: {  	v0 =	vadd.f32 v57, v0;
	_ =	sdelay $0x1  }
0x103: {  	v26 =	vld [tilespmem:$0x1FB50];
	[tilespmem:$0x1C410] =	vst v0  }
0x104: {  	[tilespmem:$0x1F730] =	vst v0;
	v0 =	vld.idx.msk [tilespmem:v58+s23+$0x0], $0xffff  }
0x105: {  	v60 =	vld.idx.msk [tilespmem:v59+s21+$0x0], $0xffff;
	_ =	sdelay $0x2  }
0x106: {  	v61 =	vor.u32 v26, v3  }
0x107: {  	v62 =	vadd.s32 v26, v2  }
0x108: {  	v52 =	vadd.f32 v60, v0;
	_ =	sdelay $0x1  }
0x109: {  	v23 =	vld [tilespmem:$0x1FB60];
	[tilespmem:$0x1C420] =	vst v52  }
0x10a: {  	v63 =	vld.idx.msk [tilespmem:v61+s23+$0x0], $0xffff  }
0x10b: {  	v11 =	vld.idx.msk [tilespmem:v62+s21+$0x0], $0xffff;
	_ =	sdelay $0x2  }
0x10c: {  	v38 =	vor.u32 v23, v3  }
0x10d: {  	v39 =	vadd.s32 v23, v2  }
0x10e: {  	v0 =	vadd.f32 v11, v63;
	_ =	sdelay $0x1  }
0x10f: {  	v24 =	vld [tilespmem:$0x1FB70];
	[tilespmem:$0x1C430] =	vst v0  }
0x110: {  	[tilespmem:$0x1F740] =	vst v0;
	v0 =	vld.idx.msk [tilespmem:v38+s23+$0x0], $0xffff  }
0x111: {  	v40 =	vld.idx.msk [tilespmem:v39+s21+$0x0], $0xffff;
	_ =	sdelay $0x2  }
0x112: {  	v56 =	vor.u32 v24, v3  }
0x113: {  	v57 =	vadd.s32 v24, v2  }
0x114: {  	v0 =	vadd.f32 v40, v0  }
0x115: {  	v50 =	vld [tilespmem:$0x1FC70]  }
0x116: {  	v22 =	vld [tilespmem:$0x1FB90];
	[tilespmem:$0x1C440] =	vst v0  }
0x117: {  	[tilespmem:$0x1F750] =	vst v0;
	v0 =	vld.idx.msk [tilespmem:v56+s23+$0x0], $0xffff  }
0x118: {  	v58 =	vld.idx.msk [tilespmem:v57+s21+$0x0], $0xffff  }
0x119: {  	v30 =	vld [tilespmem:$0x1FC60]  }
0x11a: {  	v36 =	vld [tilespmem:$0x1FC50]  }
0x11b: {  	v32 =	vld [tilespmem:$0x1FC40];
	v59 =	vor.u32 v22, v3  }
0x11c: {  	v37 =	vld [tilespmem:$0x1FC30];
	v60 =	vadd.s32 v22, v2  }
0x11d: {  	v33 =	vld [tilespmem:$0x1FC10];
	v0 =	vadd.f32 v58, v0  }
0x11e: {  	v10 =	vld [tilespmem:$0x1FC00]  }
0x11f: {  	v7 =	vld [tilespmem:$0x1FBA0];
	[tilespmem:$0x1C450] =	vst v0  }
0x120: {  	[tilespmem:$0x1F760] =	vst v0;
	v0 =	vld.idx.msk [tilespmem:v59+s23+$0x0], $0xffff  }
0x121: {  	v61 =	vld.idx.msk [tilespmem:v60+s21+$0x0], $0xffff  }
0x122: {  	v31 =	vld [tilespmem:$0x1FBF0]  }
0x123: {  	v29 =	vld [tilespmem:$0x1FBE0]  }
0x124: {  	v9 =	vld [tilespmem:$0x1FBD0];
	v62 =	vor.u32 v7, v3  }
0x125: {  	v8 =	vld [tilespmem:$0x1FBC0];
	v63 =	vadd.s32 v7, v2  }
0x126: {  	v27 =	vld [tilespmem:$0x1FBB0];
	v0 =	vadd.f32 v61, v0  }
0x127: {  	v25 =	vld [tilespmem:$0x1FB80]  }
0x128: {  	v49 =	vmov v35;
	v35 =	vld [tilespmem:$0x1FC20];
	[tilespmem:$0x1C460] =	vst v0  }
0x129: {  	[tilespmem:$0x1F770] =	vst v0;
	v0 =	vld.idx.msk [tilespmem:v62+s23+$0x0], $0xffff  }
0x12a: {  	v11 =	vld.idx.msk [tilespmem:v63+s21+$0x0], $0xffff;
	_ =	sdelay $0x2  }
0x12b: {  	v38 =	vor.u32 v25, v3  }
0x12c: {  	v39 =	vadd.s32 v25, v2  }
0x12d: {  	v0 =	vadd.f32 v11, v0;
	_ =	sdelay $0x1  }
0x12e: {  	[tilespmem:$0x1C470] =	vst v0  }
0x12f: {  	[tilespmem:$0x1F780] =	vst v0;
	v0 =	vld.idx.msk [tilespmem:v38+s23+$0x0], $0xffff  }
0x130: {  	v40 =	vld.idx.msk [tilespmem:v39+s21+$0x0], $0xffff;
	_ =	sdelay $0x2  }
0x131: {  	v56 =	vor.u32 v27, v3  }
0x132: {  	v57 =	vadd.s32 v27, v2  }
0x133: {  	v0 =	vadd.f32 v40, v0;
	_ =	sdelay $0x1  }
0x134: {  	[tilespmem:$0x1C480] =	vst v0  }
0x135: {  	[tilespmem:$0x1F790] =	vst v0;
	v0 =	vld.idx.msk [tilespmem:v56+s23+$0x0], $0xffff  }
0x136: {  	v58 =	vld.idx.msk [tilespmem:v57+s21+$0x0], $0xffff;
	_ =	sdelay $0x2  }
0x137: {  	v59 =	vor.u32 v8, v3  }
0x138: {  	v60 =	vadd.s32 v8, v2  }
0x139: {  	v0 =	vadd.f32 v58, v0;
	_ =	sdelay $0x1  }
0x13a: {  	[tilespmem:$0x1C490] =	vst v0  }
0x13b: {  	[tilespmem:$0x1F7A0] =	vst v0;
	v0 =	vld.idx.msk [tilespmem:v59+s23+$0x0], $0xffff  }
0x13c: {  	v61 =	vld.idx.msk [tilespmem:v60+s21+$0x0], $0xffff;
	_ =	sdelay $0x2  }
0x13d: {  	v62 =	vor.u32 v9, v3  }
0x13e: {  	v63 =	vadd.s32 v9, v2  }
0x13f: {  	v0 =	vadd.f32 v61, v0;
	_ =	sdelay $0x1  }
0x140: {  	[tilespmem:$0x1C4A0] =	vst v0  }
0x141: {  	[tilespmem:$0x1F7B0] =	vst v0;
	v0 =	vld.idx.msk [tilespmem:v62+s23+$0x0], $0xffff  }
0x142: {  	v9 =	vld.idx.msk [tilespmem:v63+s21+$0x0], $0xffff;
	_ =	sdelay $0x2  }
0x143: {  	v11 =	vor.u32 v29, v3  }
0x144: {  	v38 =	vadd.s32 v29, v2  }
0x145: {  	v0 =	vadd.f32 v9, v0;
	_ =	sdelay $0x1  }
0x146: {  	[tilespmem:$0x1C4B0] =	vst v0  }
0x147: {  	[tilespmem:$0x1F7C0] =	vst v0;
	v0 =	vld.idx.msk [tilespmem:v11+s23+$0x0], $0xffff  }
0x148: {  	v39 =	vld.idx.msk [tilespmem:v38+s21+$0x0], $0xffff;
	_ =	sdelay $0x2  }
0x149: {  	v40 =	vor.u32 v31, v3  }
0x14a: {  	v56 =	vadd.s32 v31, v2  }
0x14b: {  	v0 =	vadd.f32 v39, v0;
	_ =	sdelay $0x1  }
0x14c: {  	[tilespmem:$0x1C4C0] =	vst v0  }
0x14d: {  	[tilespmem:$0x1F7D0] =	vst v0;
	v0 =	vld.idx.msk [tilespmem:v40+s23+$0x0], $0xffff  }
0x14e: {  	v57 =	vld.idx.msk [tilespmem:v56+s21+$0x0], $0xffff;
	_ =	sdelay $0x2  }
0x14f: {  	v58 =	vor.u32 v10, v3  }
0x150: {  	v59 =	vadd.s32 v10, v2  }
0x151: {  	v0 =	vadd.f32 v57, v0;
	_ =	sdelay $0x1  }
0x152: {  	[tilespmem:$0x1C4D0] =	vst v0  }
0x153: {  	[tilespmem:$0x1F7E0] =	vst v0;
	v0 =	vld.idx.msk [tilespmem:v58+s23+$0x0], $0xffff  }
0x154: {  	v60 =	vld.idx.msk [tilespmem:v59+s21+$0x0], $0xffff;
	_ =	sdelay $0x2  }
0x155: {  	v61 =	vor.u32 v33, v3  }
0x156: {  	v62 =	vadd.s32 v33, v2  }
0x157: {  	v0 =	vadd.f32 v60, v0;
	_ =	sdelay $0x1  }
0x158: {  	[tilespmem:$0x1C4E0] =	vst v0  }
0x159: {  	[tilespmem:$0x1F7F0] =	vst v0;
	v0 =	vld.idx.msk [tilespmem:v61+s23+$0x0], $0xffff  }
0x15a: {  	v63 =	vld.idx.msk [tilespmem:v62+s21+$0x0], $0xffff;
	_ =	sdelay $0x2  }
0x15b: {  	v9 =	vor.u32 v47, v3  }
0x15c: {  	v10 =	vadd.s32 v47, v2  }
0x15d: {  	v0 =	vadd.f32 v63, v0;
	_ =	sdelay $0x1  }
0x15e: {  	[tilespmem:$0x1C4F0] =	vst v0  }
0x15f: {  	[tilespmem:$0x1F800] =	vst v0;
	v0 =	vld.idx.msk [tilespmem:v9+s23+$0x0], $0xffff  }
0x160: {  	v11 =	vld.idx.msk [tilespmem:v10+s21+$0x0], $0xffff;
	_ =	sdelay $0x2  }
0x161: {  	v33 =	vor.u32 v34, v3  }
0x162: {  	v34 =	vadd.s32 v34, v2  }
0x163: {  	v0 =	vadd.f32 v11, v0;
	_ =	sdelay $0x1  }
0x164: {  	v39 =	vld [tilespmem:$0x1FFF0];
	[tilespmem:$0x1C500] =	vst v0  }
0x165: {  	[tilespmem:$0x1F810] =	vst v0;
	v0 =	vld.idx.msk [tilespmem:v33+s23+$0x0], $0xffff  }
0x166: {  	v38 =	vld.idx.msk [tilespmem:v34+s21+$0x0], $0xffff;
	_ =	sdelay $0x2  }
0x167: {  	v8 =	vld [tilespmem:$0x1FDB0];
	v40 =	vor.u32 v39, v3  }
0x168: {  	v47 =	vadd.s32 v39, v2;
	v9 =	vld [tilespmem:$0x1FDA0]  }
0x169: {  	v20 =	vld [tilespmem:$0x1FCF0];
	v0 =	vadd.f32 v38, v0;
	_ =	sdelay $0x1  }
0x16a: {  	[tilespmem:$0x1C510] =	vst v0  }
0x16b: {  	[tilespmem:$0x1F820] =	vst v0;
	v0 =	vld.idx.msk [tilespmem:v40+s23+$0x0], $0xffff  }
0x16c: {  	v6 =	vsel vm0, v8, v9;
	v56 =	vld.idx.msk [tilespmem:v47+s21+$0x0], $0xffff  }
0x16d: {  	v12 =	vld [tilespmem:$0x1FDE0];
	v57 =	vcombine.low v6, v20  }
0x16e: {  	v13 =	vld [tilespmem:$0x1FDF0]  }
0x16f: {  	v10 =	vld [tilespmem:$0x1FDC0];
	v58 =	vor.u32 v57, v3  }
0x170: {  	v11 =	vld [tilespmem:$0x1FDD0];
	v14 =	vadd.s32 v57, v2  }
0x171: {  	v0 =	vadd.f32 v56, v0;
	_ =	sdelay $0x1  }
0x172: {  	[tilespmem:$0x1C520] =	vst v0  }
0x173: {  	[tilespmem:$0x1F830] =	vst v0;
	v0 =	vld.idx.msk [tilespmem:v58+s23+$0x0], $0xffff  }
0x174: {  	v22 =	vsel vm0, v13, v12;
	v16 =	vsel vm0, v11, v10;
	v59 =	vld.idx.msk [tilespmem:v14+s21+$0x0], $0xffff  }
0x175: {  	v63 =	vld [tilespmem:$0x1FD10];
	v60 =	vcombine.low v22, v16  }
0x176: {  	v33 =	vld [tilespmem:$0x1FD20]  }
0x177: {  	v34 =	vld [tilespmem:$0x1FD00];
	v61 =	vor.u32 v60, v3  }
0x178: {  	v15 =	vadd.s32 v60, v2;
	v38 =	vld [tilespmem:$0x1FD30]  }
0x179: {  	v0 =	vadd.f32 v59, v0;
	_ =	sdelay $0x1  }
0x17a: {  	[tilespmem:$0x1C530] =	vst v0  }
0x17b: {  	[tilespmem:$0x1F840] =	vst v0;
	v0 =	vld.idx.msk [tilespmem:v61+s23+$0x0], $0xffff  }
0x17c: {  	v24 =	vsel vm0, v33, v63;
	v25 =	vsel vm0, v34, v38;
	v62 =	vld.idx.msk [tilespmem:v15+s21+$0x0], $0xffff  }
0x17d: {  	[tilespmem:$0x1F9C0] =	vst v57;
	v57 =	vld [tilespmem:$0x1FD40];
	v4 =	vcombine.low v25, v24  }
0x17e: {  	v47 =	vld [tilespmem:$0x1FD50]  }
0x17f: {  	v39 =	vor.u32 v4, v3;
	v56 =	vld [tilespmem:$0x1FD60]  }
0x180: {  	v17 =	vadd.s32 v4, v2;
	v58 =	vld [tilespmem:$0x1FD70]  }
0x181: {  	v0 =	vadd.f32 v62, v0;
	_ =	sdelay $0x1  }
0x182: {  	[tilespmem:$0x1C540] =	vst v0  }
0x183: {  	[tilespmem:$0x1F850] =	vst v0;
	v0 =	vld.idx.msk [tilespmem:v39+s23+$0x0], $0xffff  }
0x184: {  	v26 =	vsel vm0, v56, v47;
	v27 =	vsel vm0, v57, v58;
	v40 =	vld.idx.msk [tilespmem:v17+s21+$0x0], $0xffff  }
0x185: {  	[tilespmem:$0x1F9E0] =	vst v4;
	v4 =	vcombine.low v27, v26;
	_ =	sdelay $0x1  }
0x186: {  	v59 =	vor.u32 v4, v3;
	v61 =	vld [tilespmem:$0x1FD90]  }
0x187: {  	v62 =	vld [tilespmem:$0x1FD80];
	v17 =	vadd.s32 v4, v2  }
0x188: {  	v0 =	vadd.f32 v40, v0;
	_ =	sdelay $0x1  }
0x189: {  	[tilespmem:$0x1C550] =	vst v0  }
0x18a: {  	[tilespmem:$0x1F860] =	vst v0;
	v0 =	vld.idx.msk [tilespmem:v59+s23+$0x0], $0xffff  }
0x18b: {  	[tilespmem:$0x1F9D0] =	vst v60;
	v28 =	vsel vm0, v9, v61;
	v29 =	vsel vm0, v62, v8;
	v60 =	vld.idx.msk [tilespmem:v17+s21+$0x0], $0xffff  }
0x18c: {  	[tilespmem:$0x1FA00] =	vst v4;
	v4 =	vcombine.low v29, v28;
	_ =	sdelay $0x1  }
0x18d: {  	v63 =	vor.u32 v4, v3  }
0x18e: {  	v17 =	vadd.s32 v4, v2  }
0x18f: {  	v0 =	vadd.f32 v60, v0;
	_ =	sdelay $0x1  }
0x190: {  	[tilespmem:$0x1C560] =	vst v0  }
0x191: {  	[tilespmem:$0x1F870] =	vst v0;
	v0 =	vld.idx.msk [tilespmem:v63+s23+$0x0], $0xffff  }
0x192: {  	v33 =	vsel vm0, v12, v11;
	v9 =	vld.idx.msk [tilespmem:v17+s21+$0x0], $0xffff;
	v17 =	vsel vm0, v10, v13  }
0x193: {  	v34 =	vcombine.low v17, v33;
	_ =	sdelay $0x1  }
0x194: {  	v7 =	vor.u32 v34, v3  }
0x195: {  	v39 =	vld [tilespmem:$0x1FFD0];
	v19 =	vadd.s32 v34, v2  }
0x196: {  	v40 =	vld [tilespmem:$0x1FFE0];
	v0 =	vadd.f32 v9, v0;
	_ =	sdelay $0x1  }
0x197: {  	[tilespmem:$0x1C570] =	vst v0  }
0x198: {  	[tilespmem:$0x1F880] =	vst v0;
	v0 =	vld.idx.msk [tilespmem:v7+s23+$0x0], $0xffff  }
0x199: {  	v38 =	vld.idx.msk [tilespmem:v19+s21+$0x0], $0xffff  }
0x19a: {  	[tilespmem:$0x1FA10] =	vst v4;
	v4 =	vcombine.low v39, v40;
	_ =	sdelay $0x1  }
0x19b: {  	v47 =	vor.u32 v4, v3  }
0x19c: {  	v57 =	vld [tilespmem:$0x1FCD0];
	v21 =	vadd.s32 v4, v2  }
0x19d: {  	v58 =	vld [tilespmem:$0x1FCE0];
	v0 =	vadd.f32 v38, v0;
	_ =	sdelay $0x1  }
0x19e: {  	[tilespmem:$0x1C580] =	vst v0  }
0x19f: {  	[tilespmem:$0x1F890] =	vst v0;
	v0 =	vld.idx.msk [tilespmem:v47+s23+$0x0], $0xffff  }
0x1a0: {  	v56 =	vld.idx.msk [tilespmem:v21+s21+$0x0], $0xffff  }
0x1a1: {  	[tilespmem:$0x1FA40] =	vst v4;
	v4 =	vcombine.low v57, v58;
	_ =	sdelay $0x1  }
0x1a2: {  	v59 =	vor.u32 v4, v3  }
0x1a3: {  	v23 =	vadd.s32 v4, v2  }
0x1a4: {  	v0 =	vadd.f32 v56, v0;
	_ =	sdelay $0x1  }
0x1a5: {  	[tilespmem:$0x1C590] =	vst v0  }
0x1a6: {  	[tilespmem:$0x1F8A0] =	vst v0;
	v0 =	vld.idx.msk [tilespmem:v59+s23+$0x0], $0xffff  }
0x1a7: {  	v60 =	vld.idx.msk [tilespmem:v23+s21+$0x0], $0xffff  }
0x1a8: {  	v61 =	vcombine.low v20, v6;
	_ =	sdelay $0x1  }
0x1a9: {  	v6 =	vor.u32 v61, v3  }
0x1aa: {  	v23 =	vadd.s32 v61, v2  }
0x1ab: {  	v0 =	vadd.f32 v60, v0;
	_ =	sdelay $0x1  }
0x1ac: {  	[tilespmem:$0x1C5A0] =	vst v0  }
0x1ad: {  	[tilespmem:$0x1F8B0] =	vst v0;
	v0 =	vld.idx.msk [tilespmem:v6+s23+$0x0], $0xffff  }
0x1ae: {  	v62 =	vld.idx.msk [tilespmem:v23+s21+$0x0], $0xffff  }
0x1af: {  	v63 =	vcombine.low v16, v22;
	_ =	sdelay $0x1  }
0x1b0: {  	v9 =	vor.u32 v63, v3  }
0x1b1: {  	v16 =	vadd.s32 v63, v2  }
0x1b2: {  	v58 =	vadd.f32 v62, v0;
	_ =	sdelay $0x1  }
0x1b3: {  	[tilespmem:$0x1C5B0] =	vst v58  }
0x1b4: {  	v10 =	vld.idx.msk [tilespmem:v9+s23+$0x0], $0xffff  }
0x1b5: {  	v11 =	vld.idx.msk [tilespmem:v16+s21+$0x0], $0xffff  }
0x1b6: {  	v33 =	vcombine.low v24, v25;
	_ =	sdelay $0x1  }
0x1b7: {  	[tilespmem:$0x1FA20] =	vst v34;
	v34 =	vor.u32 v33, v3  }
0x1b8: {  	v16 =	vadd.s32 v33, v2  }
0x1b9: {  	v59 =	vadd.f32 v11, v10;
	_ =	sdelay $0x1  }
0x1ba: {  	[tilespmem:$0x1C5C0] =	vst v59  }
0x1bb: {  	v38 =	vld.idx.msk [tilespmem:v34+s23+$0x0], $0xffff  }
0x1bc: {  	v39 =	vld.idx.msk [tilespmem:v16+s21+$0x0], $0xffff  }
0x1bd: {  	v40 =	vcombine.low v26, v27;
	_ =	sdelay $0x1  }
0x1be: {  	v47 =	vor.u32 v40, v3  }
0x1bf: {  	v16 =	vadd.s32 v40, v2  }
0x1c0: {  	v25 =	vadd.f32 v39, v38;
	_ =	sdelay $0x1  }
0x1c1: {  	[tilespmem:$0x1C5D0] =	vst v25  }
0x1c2: {  	v56 =	vld.idx.msk [tilespmem:v47+s23+$0x0], $0xffff  }
0x1c3: {  	v57 =	vld.idx.msk [tilespmem:v16+s21+$0x0], $0xffff  }
0x1c4: {  	v60 =	vcombine.low v28, v29;
	_ =	sdelay $0x1  }
0x1c5: {  	[tilespmem:$0x1F930] =	vst v61;
	v61 =	vor.u32 v60, v3  }
0x1c6: {  	v22 =	vadd.s32 v60, v2  }
0x1c7: {  	v0 =	vadd.f32 v57, v56  }
0x1c8: {  	[tilespmem:$0x1F9A0] =	vst v63  }
0x1c9: {  	v63 =	vld [tilespmem:$0x1FCA0];
	[tilespmem:$0x1C5E0] =	vst v0  }
0x1ca: {  	[tilespmem:$0x1F8C0] =	vst v0;
	v0 =	vld.idx.msk [tilespmem:v61+s23+$0x0], $0xffff  }
0x1cb: {  	v62 =	vld.idx.msk [tilespmem:v22+s21+$0x0], $0xffff;
	_ =	sdelay $0x2  }
0x1cc: {  	v9 =	vor.u32 v63, v3  }
0x1cd: {  	v22 =	vadd.s32 v63, v2  }
0x1ce: {  	v61 =	vadd.f32 v62, v0;
	_ =	sdelay $0x1  }
0x1cf: {  	[tilespmem:$0x1C5F0] =	vst v61  }
0x1d0: {  	v10 =	vld.idx.msk [tilespmem:v9+s23+$0x0], $0xffff  }
0x1d1: {  	v6 =	vsel vm0, v37, v35;
	v11 =	vld.idx.msk [tilespmem:v22+s21+$0x0], $0xffff;
	v22 =	vsel vm0, v36, v32  }
0x1d2: {  	[tilespmem:$0x1F9B0] =	vst v33;
	v33 =	vcombine.low v22, v6;
	_ =	sdelay $0x1  }
0x1d3: {  	v28 =	vor.u32 v33, v3  }
0x1d4: {  	v29 =	vadd.s32 v33, v2  }
0x1d5: {  	v62 =	vadd.f32 v11, v10;
	_ =	sdelay $0x1  }
0x1d6: {  	[tilespmem:$0x1C600] =	vst v62  }
0x1d7: {  	v34 =	vld.idx.msk [tilespmem:v28+s23+$0x0], $0xffff  }
0x1d8: {  	[tilespmem:$0x1FA50] =	vst v40;
	v37 =	vsel vm0, v44, v42;
	v36 =	vsel vm0, v41, v30;
	v40 =	vld.idx.msk [tilespmem:v29+s21+$0x0], $0xffff  }
0x1d9: {  	v41 =	vcombine.low v37, v36;
	_ =	sdelay $0x1  }
0x1da: {  	v29 =	vor.u32 v41, v3  }
0x1db: {  	v30 =	vadd.s32 v41, v2  }
0x1dc: {  	v63 =	vadd.f32 v40, v34;
	_ =	sdelay $0x1  }
0x1dd: {  	[tilespmem:$0x1C610] =	vst v63  }
0x1de: {  	v42 =	vld.idx.msk [tilespmem:v29+s23+$0x0], $0xffff  }
0x1df: {  	v38 =	vsel vm0, v43, v45;
	v39 =	vsel vm0, v51, v46;
	v44 =	vld.idx.msk [tilespmem:v30+s21+$0x0], $0xffff  }
0x1e0: {  	v45 =	vcombine.low v39, v38;
	_ =	sdelay $0x1  }
0x1e1: {  	v30 =	vor.u32 v45, v3  }
0x1e2: {  	v31 =	vadd.s32 v45, v2  }
0x1e3: {  	v0 =	vadd.f32 v44, v42;
	_ =	sdelay $0x1  }
0x1e4: {  	[tilespmem:$0x1C620] =	vst v0  }
0x1e5: {  	[tilespmem:$0x1F8D0] =	vst v0;
	v0 =	vld.idx.msk [tilespmem:v30+s23+$0x0], $0xffff  }
0x1e6: {  	[tilespmem:$0x1FA80] =	vst v41;
	v41 =	vsel vm0, v53, v49;
	v40 =	vsel vm0, v48, v55;
	v46 =	vld.idx.msk [tilespmem:v31+s21+$0x0], $0xffff  }
0x1e7: {  	v47 =	vcombine.low v41, v40  }
0x1e8: {  	v8 =	vld [tilespmem:$0x1FC50]  }
0x1e9: {  	[tilespmem:$0x1FA60] =	vst v60;
	v60 =	vld [tilespmem:$0x1FC40];
	v31 =	vor.u32 v47, v3  }
0x1ea: {  	v57 =	vld [tilespmem:$0x1FC30];
	v51 =	vadd.s32 v47, v2  }
0x1eb: {  	v0 =	vadd.f32 v46, v0;
	_ =	sdelay $0x1  }
0x1ec: {  	[tilespmem:$0x1C630] =	vst v0  }
0x1ed: {  	[tilespmem:$0x1F8E0] =	vst v0;
	v0 =	vld.idx.msk [tilespmem:v31+s23+$0x0], $0xffff  }
0x1ee: {  	v43 =	vsel vm0, v35, v8;
	v42 =	vsel vm0, v60, v57;
	v56 =	vld.idx.msk [tilespmem:v51+s21+$0x0], $0xffff  }
0x1ef: {  	[tilespmem:$0x1F920] =	vst v4;
	v4 =	vcombine.low v43, v42  }
0x1f0: {  	v8 =	vld [tilespmem:$0x1FE20]  }
0x1f1: {  	v57 =	vld [tilespmem:$0x1FE10];
	v9 =	vor.u32 v4, v3  }
0x1f2: {  	v60 =	vld [tilespmem:$0x1FC60];
	v10 =	vadd.s32 v4, v2  }
0x1f3: {  	v31 =	vadd.f32 v56, v0;
	v56 =	vld [tilespmem:$0x1FE00];
	_ =	sdelay $0x1  }
0x1f4: {  	[tilespmem:$0x1C640] =	vst v31  }
0x1f5: {  	v11 =	vld.idx.msk [tilespmem:v9+s23+$0x0], $0xffff  }
0x1f6: {  	v51 =	vld.idx.msk [tilespmem:v10+s21+$0x0], $0xffff  }
0x1f7: {  	[tilespmem:$0x1FA90] =	vst v45;
	v45 =	vsel vm0, v60, v8;
	v44 =	vsel vm0, v57, v56  }
0x1f8: {  	v35 =	vld [tilespmem:$0x1FE40];
	[tilespmem:$0x1FAB0] =	vst v4;
	v4 =	vcombine.low v45, v44  }
0x1f9: {  	[tilespmem:$0x1FAA0] =	vst v47;
	v47 =	vld [tilespmem:$0x1FE30]  }
0x1fa: {  	v46 =	vld [tilespmem:$0x1FE50];
	v9 =	vor.u32 v4, v3  }
0x1fb: {  	v10 =	vadd.s32 v4, v2;
	v0 =	vadd.f32 v51, v11;
	v51 =	vld [tilespmem:$0x1FE60];
	_ =	sdelay $0x2  }
0x1fc: {  	[tilespmem:$0x1C650] =	vst v0  }
0x1fd: {  	[tilespmem:$0x1F8F0] =	vst v0;
	v0 =	vld.idx.msk [tilespmem:v9+s23+$0x0], $0xffff  }
0x1fe: {  	v46 =	vsel vm0, v46, v35;
	v11 =	vld.idx.msk [tilespmem:v10+s21+$0x0], $0xffff;
	v47 =	vsel vm0, v47, v51  }
0x1ff: {  	[tilespmem:$0x1FAC0] =	vst v4;
	v4 =	vcombine.low v47, v46;
	_ =	sdelay $0x1  }
0x200: {  	v56 =	vor.u32 v4, v3  }
0x201: {  	v57 =	vadd.s32 v4, v2  }
0x202: {  	v0 =	vadd.f32 v11, v0;
	_ =	sdelay $0x1  }
0x203: {  	[tilespmem:$0x1C660] =	vst v0  }
0x204: {  	[tilespmem:$0x1F900] =	vst v0;
	v0 =	vld.idx.msk [tilespmem:v56+s23+$0x0], $0xffff  }
0x205: {  	v8 =	vsel vm0, v49, v48;
	v9 =	vsel vm0, v55, v53;
	v60 =	vld.idx.msk [tilespmem:v57+s21+$0x0], $0xffff  }
0x206: {  	v10 =	vcombine.low v9, v8;
	_ =	sdelay $0x1  }
0x207: {  	v35 =	vor.u32 v10, v3  }
0x208: {  	v11 =	vadd.s32 v10, v2  }
0x209: {  	v32 =	vadd.f32 v60, v0;
	_ =	sdelay $0x1  }
0x20a: {  	[tilespmem:$0x1C670] =	vst v32  }
0x20b: {  	v51 =	vld.idx.msk [tilespmem:v35+s23+$0x0], $0xffff  }
0x20c: {  	v53 =	vld.idx.msk [tilespmem:v11+s21+$0x0], $0xffff  }
0x20d: {  	v55 =	vcombine.low v6, v22;
	_ =	sdelay $0x1  }
0x20e: {  	v6 =	vor.u32 v55, v3  }
0x20f: {  	v22 =	vadd.s32 v55, v2  }
0x210: {  	v35 =	vadd.f32 v53, v51;
	_ =	sdelay $0x1  }
0x211: {  	[tilespmem:$0x1C680] =	vst v35  }
0x212: {  	v56 =	vld.idx.msk [tilespmem:v6+s23+$0x0], $0xffff  }
0x213: {  	v57 =	vld.idx.msk [tilespmem:v22+s21+$0x0], $0xffff  }
0x214: {  	v60 =	vcombine.low v36, v37;
	_ =	sdelay $0x1  }
0x215: {  	v9 =	vor.u32 v60, v3  }
0x216: {  	v22 =	vadd.s32 v60, v2  }
0x217: {  	v26 =	vadd.f32 v57, v56;
	_ =	sdelay $0x1  }
0x218: {  	[tilespmem:$0x1C690] =	vst v26  }
0x219: {  	[tilespmem:$0x1FAE0] =	vst v10;
	v10 =	vld.idx.msk [tilespmem:v9+s23+$0x0], $0xffff  }
0x21a: {  	v11 =	vld.idx.msk [tilespmem:v22+s21+$0x0], $0xffff  }
0x21b: {  	[tilespmem:$0x1FA70] =	vst v33;
	v33 =	vcombine.low v38, v39;
	_ =	sdelay $0x1  }
0x21c: {  	v34 =	vor.u32 v33, v3  }
0x21d: {  	v22 =	vadd.s32 v33, v2  }
0x21e: {  	v36 =	vadd.f32 v11, v10;
	_ =	sdelay $0x1  }
0x21f: {  	[tilespmem:$0x1C6A0] =	vst v36  }
0x220: {  	v38 =	vld.idx.msk [tilespmem:v34+s23+$0x0], $0xffff  }
0x221: {  	v39 =	vld.idx.msk [tilespmem:v22+s21+$0x0], $0xffff  }
0x222: {  	v48 =	vcombine.low v40, v41;
	_ =	sdelay $0x1  }
0x223: {  	v49 =	vor.u32 v48, v3  }
0x224: {  	v22 =	vadd.s32 v48, v2  }
0x225: {  	v37 =	vadd.f32 v39, v38;
	_ =	sdelay $0x1  }
0x226: {  	[tilespmem:$0x1C6B0] =	vst v37  }
0x227: {  	v51 =	vld.idx.msk [tilespmem:v49+s23+$0x0], $0xffff  }
0x228: {  	v53 =	vld.idx.msk [tilespmem:v22+s21+$0x0], $0xffff  }
0x229: {  	[tilespmem:$0x1FAF0] =	vst v55;
	v55 =	vcombine.low v42, v43;
	_ =	sdelay $0x1  }
0x22a: {  	v56 =	vor.u32 v55, v3  }
0x22b: {  	v22 =	vadd.s32 v55, v2  }
0x22c: {  	v39 =	vadd.f32 v53, v51;
	_ =	sdelay $0x1  }
0x22d: {  	[tilespmem:$0x1C6C0] =	vst v39  }
0x22e: {  	v57 =	vld.idx.msk [tilespmem:v56+s23+$0x0], $0xffff  }
0x22f: {  	[tilespmem:$0x1FB00] =	vst v60;
	v60 =	vld.idx.msk [tilespmem:v22+s21+$0x0], $0xffff  }
0x230: {  	v9 =	vcombine.low v44, v45;
	_ =	sdelay $0x1  }
0x231: {  	v10 =	vor.u32 v9, v3  }
0x232: {  	v22 =	vadd.s32 v9, v2  }
0x233: {  	v40 =	vadd.f32 v60, v57;
	_ =	sdelay $0x1  }
0x234: {  	[tilespmem:$0x1C6D0] =	vst v40  }
0x235: {  	v11 =	vld.idx.msk [tilespmem:v10+s23+$0x0], $0xffff  }
0x236: {  	[tilespmem:$0x1FB10] =	vst v33;
	v33 =	vld.idx.msk [tilespmem:v22+s21+$0x0], $0xffff  }
0x237: {  	v34 =	vcombine.low v46, v47;
	_ =	sdelay $0x1  }
0x238: {  	v38 =	vor.u32 v34, v3  }
0x239: {  	v22 =	vadd.s32 v34, v2  }
0x23a: {  	v41 =	vadd.f32 v33, v11;
	_ =	sdelay $0x1  }
0x23b: {  	v45 =	vld [tilespmem:$0x1FCB0];
	[tilespmem:$0x1C6E0] =	vst v41  }
0x23c: {  	v43 =	vld.idx.msk [tilespmem:v38+s23+$0x0], $0xffff  }
0x23d: {  	v44 =	vld.idx.msk [tilespmem:v22+s21+$0x0], $0xffff;
	_ =	sdelay $0x2  }
0x23e: {  	v5 =	vld [tilespmem:$0x1FEC0];
	v46 =	vor.u32 v45, v3  }
0x23f: {  	[tilespmem:$0x1FAD0] =	vst v4;
	v4 =	vld [tilespmem:$0x1FEB0];
	v22 =	vadd.s32 v45, v2  }
0x240: {  	v42 =	vadd.f32 v44, v43;
	_ =	sdelay $0x1  }
0x241: {  	[tilespmem:$0x1C6F0] =	vst v42  }
0x242: {  	v47 =	vld.idx.msk [tilespmem:v46+s23+$0x0], $0xffff  }
0x243: {  	[tilespmem:$0x1FB20] =	vst v48;
	v12 =	vsel vm0, v5, v4;
	v11 =	vsel vm0, v54, v50;
	v48 =	vld.idx.msk [tilespmem:v22+s21+$0x0], $0xffff  }
0x244: {  	v7 =	vld [tilespmem:$0x1FEF0];
	v49 =	vcombine.low v11, v12  }
0x245: {  	v6 =	vld [tilespmem:$0x1FEE0]  }
0x246: {  	[tilespmem:$0x1FA30] =	vst v9;
	v9 =	vld [tilespmem:$0x1FF00];
	v51 =	vor.u32 v49, v3  }
0x247: {  	v10 =	vld [tilespmem:$0x1FF10];
	v22 =	vadd.s32 v49, v2  }
0x248: {  	v43 =	vadd.f32 v48, v47;
	_ =	sdelay $0x1  }
0x249: {  	[tilespmem:$0x1C700] =	vst v43  }
0x24a: {  	v53 =	vld.idx.msk [tilespmem:v51+s23+$0x0], $0xffff  }
0x24b: {  	[tilespmem:$0x1F960] =	vst v55;
	v14 =	vsel vm0, v7, v6;
	v13 =	vsel vm0, v10, v9;
	v55 =	vld.idx.msk [tilespmem:v22+s21+$0x0], $0xffff  }
0x24c: {  	v20 =	vld [tilespmem:$0x1FF40];
	v15 =	vcombine.low v13, v14  }
0x24d: {  	v19 =	vld [tilespmem:$0x1FF30]  }
0x24e: {  	v21 =	vld [tilespmem:$0x1FF50];
	v56 =	vor.u32 v15, v3  }
0x24f: {  	v0 =	vld [tilespmem:$0x1FF20];
	v22 =	vadd.s32 v15, v2  }
0x250: {  	v44 =	vadd.f32 v55, v53;
	_ =	sdelay $0x1  }
0x251: {  	[tilespmem:$0x1C710] =	vst v44  }
0x252: {  	v8 =	vld.idx.msk [tilespmem:v56+s23+$0x0], $0xffff  }
0x253: {  	v16 =	vsel vm0, v19, v0;
	[tilespmem:$0x1F950] =	vst v15;
	v15 =	vsel vm0, v21, v20;
	v22 =	vld.idx.msk [tilespmem:v22+s21+$0x0], $0xffff  }
0x254: {  	v23 =	vld [tilespmem:$0x1FF60];
	v57 =	vcombine.low v15, v16  }
0x255: {  	v28 =	vld [tilespmem:$0x1FC80]  }
0x256: {  	v29 =	vld [tilespmem:$0x1FF70];
	v60 =	vor.u32 v57, v3  }
0x257: {  	v30 =	vld [tilespmem:$0x1FF80];
	v1 =	vadd.s32 v57, v2  }
0x258: {  	v45 =	vadd.f32 v22, v8;
	_ =	sdelay $0x1  }
0x259: {  	[tilespmem:$0x1C720] =	vst v45  }
0x25a: {  	v46 =	vld.idx.msk [tilespmem:v60+s23+$0x0], $0xffff  }
0x25b: {  	v17 =	vsel vm0, v30, v29;
	v22 =	vsel vm0, v28, v23;
	v47 =	vld.idx.msk [tilespmem:v1+s21+$0x0], $0xffff  }
0x25c: {  	v60 =	vcombine.low v17, v22;
	_ =	sdelay $0x1  }
0x25d: {  	v8 =	vor.u32 v60, v3  }
0x25e: {  	v33 =	vadd.s32 v60, v2  }
0x25f: {  	v46 =	vadd.f32 v47, v46;
	_ =	sdelay $0x1  }
0x260: {  	[tilespmem:$0x1C730] =	vst v46  }
0x261: {  	[tilespmem:$0x1F9F0] =	vst v34;
	v34 =	vld.idx.msk [tilespmem:v8+s23+$0x0], $0xffff  }
0x262: {  	v55 =	vsel vm0, v50, v5;
	v56 =	vsel vm0, v4, v54;
	v38 =	vld.idx.msk [tilespmem:v33+s21+$0x0], $0xffff  }
0x263: {  	v27 =	vcombine.low v56, v55;
	_ =	sdelay $0x1  }
0x264: {  	v1 =	vor.u32 v27, v3  }
0x265: {  	v4 =	vadd.s32 v27, v2  }
0x266: {  	v47 =	vadd.f32 v38, v34;
	_ =	sdelay $0x1  }
0x267: {  	[tilespmem:$0x1C740] =	vst v47  }
0x268: {  	v5 =	vld.idx.msk [tilespmem:v1+s23+$0x0], $0xffff  }
0x269: {  	v53 =	vsel vm0, v9, v7;
	v54 =	vsel vm0, v6, v10;
	v8 =	vld.idx.msk [tilespmem:v4+s21+$0x0], $0xffff  }
0x26a: {  	v24 =	vcombine.low v54, v53;
	_ =	sdelay $0x1  }
0x26b: {  	v10 =	vor.u32 v24, v3  }
0x26c: {  	v33 =	vadd.s32 v24, v2  }
0x26d: {  	v48 =	vadd.f32 v8, v5;
	_ =	sdelay $0x1  }
0x26e: {  	[tilespmem:$0x1C750] =	vst v48  }
0x26f: {  	v34 =	vld.idx.msk [tilespmem:v10+s23+$0x0], $0xffff  }
0x270: {  	v51 =	vsel vm0, v0, v21;
	[tilespmem:$0x1F990] =	vst v57;
	v57 =	vsel vm0, v20, v19;
	v38 =	vld.idx.msk [tilespmem:v33+s21+$0x0], $0xffff  }
0x271: {  	v21 =	vcombine.low v51, v57;
	_ =	sdelay $0x1  }
0x272: {  	v9 =	vld [tilespmem:$0x1F980];
	v8 =	vor.u32 v21, v3  }
0x273: {  	v4 =	vadd.s32 v21, v2  }
0x274: {  	[tilespmem:$0x1F940] =	vst v49;
	v49 =	vadd.f32 v38, v34  }
0x275: {  	v19 =	vld [tilespmem:$0x1F750]  }
0x276: {  	v6 =	vld [tilespmem:$0x1F730];
	[tilespmem:$0x1C760] =	vst v49  }
0x277: {  	v34 =	vmul.f32 v9, v9;
	v38 =	vmul.f32 v52, v52;
	v10 =	vld.idx.msk [tilespmem:v8+s23+$0x0], $0xffff  }
0x278: {  	[tilespmem:$0x1F910] =	vst v57;
	v57 =	vsel vm0, v23, v30;
	v50 =	vsel vm0, v29, v28;
	v8 =	vld.idx.msk [tilespmem:v4+s21+$0x0], $0xffff  }
0x279: {  	v20 =	vcombine.low v57, v50;
	v33 =	vadd.f32 $0.0e+00, v9;
	v5 =	vadd.f32 v38, v34;
	v34 =	vld [tilespmem:$0x1F740];
	_ =	sdelay $0x1  }
0x27a: {  	v23 =	vld [tilespmem:$0x1F760];
	v7 =	vadd.f32 v52, v33;
	v52 =	vor.u32 v20, v3;
	_ =	sdelay $0x1  }
0x27b: {  	v33 =	vmul.f32 v6, v6;
	v9 =	vadd.f32 $0.0e+00, v6;
	v6 =	vadd.f32 v8, v10  }
0x27c: {  	v50 =	vmul.f32 v19, v19;
	v7 =	vadd.f32 v19, v7;
	v19 =	vld [tilespmem:$0x1F780];
	v38 =	vmul.f32 v34, v34  }
0x27d: {  	v1 =	vadd.f32 v34, v9;
	v34 =	vld [tilespmem:$0x1F770];
	[tilespmem:$0x1C770] =	vst v6  }
0x27e: {  	v0 =	vadd.f32 v50, v5;
	v4 =	vadd.f32 v38, v33;
	v33 =	vmul.f32 v23, v23;
	v5 =	vld.idx.msk [tilespmem:v52+s23+$0x0], $0xffff  }
0x27f: {  	v57 =	vadd.s32 v20, v2;
	v52 =	vld [tilespmem:$0x1F790]  }
0x280: {  	v4 =	vadd.f32 v33, v4;
	v33 =	vld [tilespmem:$0x1F7A0]  }
0x281: {  	v50 =	vmul.f32 v19, v19  }
0x282: {  	v1 =	vadd.f32 v23, v1;
	v23 =	vld [tilespmem:$0x1F7C0]  }
0x283: {  	v38 =	vmul.f32 v34, v34;
	v4 =	vadd.f32 v50, v4;
	v50 =	vld [tilespmem:$0x1F7B0]  }
0x284: {  	v1 =	vadd.f32 v19, v1;
	v8 =	vld.idx.msk [tilespmem:v57+s21+$0x0], $0xffff;
	v19 =	vcombine.low v12, v11;
	v7 =	vadd.f32 v34, v7  }
0x285: {  	v28 =	vld [tilespmem:$0x1F7D0];
	v0 =	vadd.f32 v38, v0;
	v57 =	vmul.f32 v52, v52;
	v34 =	vmul.f32 v33, v33  }
0x286: {  	v12 =	vadd.s32 v19, v2  }
0x287: {  	v0 =	vadd.f32 v57, v0;
	v38 =	vadd.f32 v34, v4;
	v57 =	vmul.f32 v23, v23  }
0x288: {  	v7 =	vadd.f32 v52, v7;
	v52 =	vmul.f32 v50, v50  }
0x289: {  	v18 =	vadd.f32 v8, v5;
	v34 =	vadd.f32 v57, v38;
	v38 =	vld [tilespmem:$0x1F7E0]  }
0x28a: {  	v1 =	vadd.f32 v33, v1;
	v33 =	vmul.f32 v28, v28;
	v0 =	vadd.f32 v52, v0  }
0x28b: {  	[tilespmem:$0x1C780] =	vst v18;
	v52 =	vld [tilespmem:$0x1F7F0]  }
0x28c: {  	v7 =	vadd.f32 v50, v7;
	v0 =	vadd.f32 v33, v0;
	v33 =	vld.idx.msk [tilespmem:v12+s21+$0x0], $0xffff  }
0x28d: {  	v12 =	vld [tilespmem:$0x1F810]  }
0x28e: {  	v7 =	vadd.f32 v28, v7;
	v50 =	vmul.f32 v38, v38  }
0x28f: {  	v10 =	vor.u32 v19, v3  }
0x290: {  	v7 =	vadd.f32 v52, v7;
	v8 =	vadd.f32 v50, v34;
	v34 =	vld [tilespmem:$0x1F800]  }
0x291: {  	v1 =	vadd.f32 v23, v1;
	v4 =	vcombine.low v14, v13;
	v14 =	vld [tilespmem:$0x1F830]  }
0x292: {  	v57 =	vmul.f32 v52, v52;
	v50 =	vmul.f32 v12, v12;
	v7 =	vadd.f32 v12, v7;
	v12 =	vld [tilespmem:$0x1F820]  }
0x293: {  	v1 =	vadd.f32 v38, v1  }
0x294: {  	v9 =	vld.idx.msk [tilespmem:v10+s23+$0x0], $0xffff;
	v0 =	vadd.f32 v57, v0  }
0x295: {  	v1 =	vadd.f32 v34, v1  }
0x296: {  	v13 =	vadd.s32 v4, v2;
	v0 =	vadd.f32 v50, v0  }
0x297: {  	v52 =	vmul.f32 v12, v12;
	v1 =	vadd.f32 v12, v1;
	v12 =	vmul.f32 v14, v14  }
0x298: {  	v23 =	vld [tilespmem:$0x1F840];
	v38 =	vmul.f32 v34, v34  }
0x299: {  	v5 =	vadd.f32 v33, v9;
	v0 =	vadd.f32 v12, v0;
	v12 =	vld [tilespmem:$0x1F850]  }
0x29a: {  	v8 =	vadd.f32 v38, v8  }
0x29b: {  	v7 =	vadd.f32 v14, v7;
	[tilespmem:$0x1C790] =	vst v5;
	v14 =	vld [tilespmem:$0x1F860]  }
0x29c: {  	v8 =	vadd.f32 v52, v8;
	v52 =	vld.idx.msk [tilespmem:v13+s21+$0x0], $0xffff  }
0x29d: {  	v57 =	vor.u32 v4, v3;
	v13 =	vld [tilespmem:$0x1F880]  }
0x29e: {  	v1 =	vadd.f32 v23, v1;
	v34 =	vmul.f32 v12, v12;
	v7 =	vadd.f32 v12, v7;
	v12 =	vld [tilespmem:$0x1F870];
	_ =	sdelay $0x1  }
0x29f: {  	v1 =	vadd.f32 v14, v1;
	_ =	sdelay $0x1  }
0x2a0: {  	v33 =	vmul.f32 v23, v23;
	v50 =	vld.idx.msk [tilespmem:v57+s23+$0x0], $0xffff;
	v1 =	vadd.f32 v13, v1  }
0x2a1: {  	v57 =	vmul.f32 v12, v12;
	v7 =	vadd.f32 v12, v7;
	v12 =	vmul.f32 v13, v13;
	v13 =	vld [tilespmem:$0x1F890]  }
0x2a2: {  	v8 =	vadd.f32 v33, v8;
	v38 =	vmul.f32 v14, v14  }
0x2a3: {  	v0 =	vadd.f32 v34, v0  }
0x2a4: {  	v28 =	vcombine.low v16, v15;
	v15 =	vld [tilespmem:$0x1F8A0];
	v8 =	vadd.f32 v38, v8  }
0x2a5: {  	v0 =	vadd.f32 v57, v0  }
0x2a6: {  	v8 =	vadd.f32 v12, v8;
	v12 =	vor.u32 v28, v3;
	v33 =	vmul.f32 v13, v13  }
0x2a7: {  	v14 =	vadd.s32 v28, v2  }
0x2a8: {  	v11 =	vadd.f32 v33, v0;
	v0 =	vadd.f32 v52, v50  }
0x2a9: {  	v16 =	vld [tilespmem:$0x1F8B0];
	v1 =	vadd.f32 v15, v1  }
0x2aa: {  	[tilespmem:$0x1C7A0] =	vst v0  }
0x2ab: {  	v1 =	vadd.f32 v58, v1;
	v52 =	vld.idx.msk [tilespmem:v12+s23+$0x0], $0xffff  }
0x2ac: {  	v33 =	vld.idx.msk [tilespmem:v14+s21+$0x0], $0xffff  }
0x2ad: {  	v1 =	vadd.f32 v25, v1;
	v12 =	vmul.f32 v25, v25;
	v25 =	vcombine.low v22, v17;
	v14 =	vld [tilespmem:$0x1F8C0]  }
0x2ae: {  	v34 =	vmul.f32 v16, v16;
	v7 =	vadd.f32 v13, v7  }
0x2af: {  	v13 =	vmul.f32 v15, v15;
	v15 =	vadd.s32 v25, v2  }
0x2b0: {  	v7 =	vadd.f32 v16, v7;
	v50 =	vmul.f32 v59, v59;
	v9 =	vadd.f32 v34, v11  }
0x2b1: {  	v38 =	vmul.f32 v58, v58;
	v8 =	vadd.f32 v13, v8;
	v10 =	vadd.f32 v33, v52  }
0x2b2: {  	v7 =	vadd.f32 v59, v7;
	v9 =	vadd.f32 v50, v9;
	v13 =	vmul.f32 v14, v14  }
0x2b3: {  	v1 =	vadd.f32 v61, v1;
	v16 =	vld [tilespmem:$0x1F8E0];
	v8 =	vadd.f32 v38, v8;
	[tilespmem:$0x1C7B0] =	vst v10  }
0x2b4: {  	v7 =	vadd.f32 v14, v7;
	v14 =	vmul.f32 v62, v62;
	v9 =	vadd.f32 v13, v9;
	v52 =	vld.idx.msk [tilespmem:v15+s21+$0x0], $0xffff  }
0x2b5: {  	v1 =	vadd.f32 v63, v1;
	v15 =	vld [tilespmem:$0x1F8F0]  }
0x2b6: {  	v8 =	vadd.f32 v12, v8;
	v12 =	vmul.f32 v61, v61;
	v9 =	vadd.f32 v14, v9;
	v14 =	vld [tilespmem:$0x1F8D0]  }
0x2b7: {  	v34 =	vmul.f32 v63, v63  }
0x2b8: {  	v1 =	vadd.f32 v16, v1;
	v8 =	vadd.f32 v12, v8;
	v13 =	vor.u32 v25, v3  }
0x2b9: {  	v7 =	vadd.f32 v62, v7  }
0x2ba: {  	v38 =	vmul.f32 v16, v16;
	v8 =	vadd.f32 v34, v8;
	v1 =	vadd.f32 v15, v1  }
0x2bb: {  	v12 =	vmul.f32 v14, v14;
	v7 =	vadd.f32 v14, v7;
	v14 =	vmul.f32 v15, v15;
	v15 =	vld [tilespmem:$0x1F900];
	_ =	sdelay $0x1  }
0x2bc: {  	v30 =	vcombine.low v55, v56;
	v8 =	vadd.f32 v38, v8;
	v9 =	vadd.f32 v12, v9;
	v12 =	vld.idx.msk [tilespmem:v13+s23+$0x0], $0xffff  }
0x2bd: {  	v13 =	vmul.f32 v31, v31  }
0x2be: {  	v16 =	vadd.s32 v30, v2;
	v7 =	vadd.f32 v31, v7;
	v8 =	vadd.f32 v14, v8  }
0x2bf: {  	v14 =	vor.u32 v30, v3;
	v9 =	vadd.f32 v13, v9;
	v13 =	vmul.f32 v15, v15  }
0x2c0: {  	v1 =	vadd.f32 v32, v1;
	v7 =	vadd.f32 v15, v7;
	v15 =	vmul.f32 v32, v32  }
0x2c1: {  	v9 =	vadd.f32 v13, v9;
	v11 =	vadd.f32 v52, v12;
	v12 =	vmul.f32 v35, v35  }
0x2c2: {  	v1 =	vadd.f32 v26, v1;
	v8 =	vadd.f32 v15, v8;
	v13 =	vmul.f32 v26, v26  }
0x2c3: {  	v9 =	vadd.f32 v12, v9;
	[tilespmem:$0x1C7C0] =	vst v11;
	v12 =	vmul.f32 v36, v36  }
0x2c4: {  	v1 =	vadd.f32 v37, v1;
	v8 =	vadd.f32 v13, v8;
	v13 =	vld.idx.msk [tilespmem:v14+s23+$0x0], $0xffff  }
0x2c5: {  	v7 =	vadd.f32 v35, v7;
	v14 =	vmul.f32 v37, v37;
	v9 =	vadd.f32 v12, v9;
	v12 =	vld.idx.msk [tilespmem:v16+s21+$0x0], $0xffff  }
0x2c6: {  	v26 =	vcombine.low v53, v54;
	v15 =	vmul.f32 v39, v39;
	v1 =	vadd.f32 v40, v1  }
0x2c7: {  	v7 =	vadd.f32 v36, v7;
	v8 =	vadd.f32 v14, v8;
	v14 =	vmul.f32 v40, v40  }
0x2c8: {  	v16 =	vmul.f32 v41, v41;
	v9 =	vadd.f32 v15, v9;
	v15 =	vor.u32 v26, v3  }
0x2c9: {  	v17 =	vadd.s32 v26, v2;
	v7 =	vadd.f32 v39, v7;
	v8 =	vadd.f32 v14, v8  }
0x2ca: {  	v9 =	vadd.f32 v16, v9;
	v16 =	vld [tilespmem:$0x1F910];
	v12 =	vadd.f32 v12, v13;
	v13 =	vmul.f32 v42, v42  }
0x2cb: {  	v1 =	vadd.f32 v42, v1;
	v14 =	vmul.f32 v43, v43  }
0x2cc: {  	v7 =	vadd.f32 v41, v7;
	v8 =	vadd.f32 v13, v8;
	[tilespmem:$0x1C7D0] =	vst v12;
	v13 =	vmul.f32 v44, v44  }
0x2cd: {  	v1 =	vadd.f32 v44, v1;
	v9 =	vadd.f32 v14, v9;
	v14 =	vld.idx.msk [tilespmem:v15+s23+$0x0], $0xffff  }
0x2ce: {  	v7 =	vadd.f32 v43, v7;
	v8 =	vadd.f32 v13, v8;
	v13 =	vld.idx.msk [tilespmem:v17+s21+$0x0], $0xffff  }
0x2cf: {  	v1 =	vadd.f32 v46, v1;
	v17 =	vcombine.low v16, v51  }
0x2d0: {  	v7 =	vadd.f32 v45, v7  }
0x2d1: {  	v1 =	vadd.f32 v48, v1;
	v15 =	vmul.f32 v45, v45;
	v3 =	vor.u32 v17, v3  }
0x2d2: {  	v7 =	vadd.f32 v47, v7;
	v16 =	vmul.f32 v46, v46;
	v2 =	vadd.s32 v17, v2  }
0x2d3: {  	v9 =	vadd.f32 v15, v9;
	v15 =	vmul.f32 v47, v47;
	v13 =	vadd.f32 v13, v14  }
0x2d4: {  	v1 =	vadd.f32 v6, v1;
	v8 =	vadd.f32 v16, v8;
	v16 =	vmul.f32 v48, v48  }
0x2d5: {  	v7 =	vadd.f32 v49, v7;
	v9 =	vadd.f32 v15, v9;
	v14 =	vmul.f32 v49, v49;
	[tilespmem:$0x1C7E0] =	vst v13  }
0x2d6: {  	v1 =	vadd.f32 v5, v1;
	v15 =	vmul.f32 v6, v6;
	v8 =	vadd.f32 v16, v8;
	v3 =	vld.idx.msk [tilespmem:v3+s23+$0x0], $0xffff  }
0x2d7: {  	v49 =	vadd.f32 v18, v7;
	v9 =	vadd.f32 v14, v9;
	v14 =	vmul.f32 v18, v18;
	v2 =	vld.idx.msk [tilespmem:v2+s21+$0x0], $0xffff  }
0x2d8: {  	v40 =	vmul.f32 v5, v5;
	v1 =	vadd.f32 v10, v1;
	v39 =	vadd.f32 v15, v8  }
0x2d9: {  	v36 =	vmul.f32 v0, v0;
	v0 =	vadd.f32 v0, v49;
	v52 =	vadd.f32 v14, v9  }
0x2da: {  	v1 =	vadd.f32 v12, v1;
	v37 =	vadd.f32 v40, v39;
	v39 =	vmul.f32 v10, v10  }
0x2db: {  	v49 =	vmul.f32 v11, v11;
	v0 =	vadd.f32 v11, v0;
	v40 =	vadd.f32 v36, v52  }
0x2dc: {  	v5 =	vadd.f32 v39, v37;
	v52 =	vmul.f32 v12, v12;
	v8 =	vadd.f32 v2, v3  }
0x2dd: {  	v37 =	vmul.f32 v13, v13;
	v0 =	vadd.f32 v13, v0;
	v11 =	vadd.f32 v49, v40  }
0x2de: {  	v36 =	vadd.f32 v52, v5;
	v1 =	vadd.f32 v8, v1;
	v39 =	vmul.f32 v8, v8  }
0x2df: {  	v2 =	vadd.f32 v37, v11  }
0x2e0: {  	v3 =	vadd.f32 v39, v36;
	v0 =	vadd.f32 v1, v0;
	_ =	sdelay $0x1  }
0x2e1: {  	v40 =	vadd.f32 v3, v2;
	v49 =	vmul.f32 $1.562500000e-02, v0;
	_ =	sdelay $0x1  }
0x2e2: {  	v15 =	vmov v4;
	v52 =	vmul.f32 $1.562500000e-02, v40;
	v4 =	vmul.f32 v49, v49;
	_ =	sdelay $0x1  }
0x2e3: {  	v0 =	vsub.f32 v52, v4;
	_ =	sdelay $0x1  }
0x2e4: {  	v0 =	vadd.f32 $9.999999740e-06, v0;
	_ =	sdelay $0x1  }
0x2e5: {  	v9 =	vshra.s32 v0, $0x1;
	v0 =	vmul.f32 $5.000000000e-01, v0  }
0x2e6: {  	v1 =	vsub.s32 $0x5F3759DF, v9  }
0x2e7: {  	v10 =	vmul.f32 v1, v0;
	_ =	sdelay $0x1  }
0x2e8: {  	v2 =	vmul.f32 v1, v10;
	_ =	sdelay $0x1  }
0x2e9: {  	v2 =	vsub.f32 $1.500000000e+00, v2;
	_ =	sdelay $0x1  }
0x2ea: {  	v1 =	vmul.f32 v1, v2;
	_ =	sdelay $0x1  }
0x2eb: {  	v2 =	vmul.f32 v1, v0;
	_ =	sdelay $0x1  }
0x2ec: {  	v2 =	vmul.f32 v2, v1;
	_ =	sdelay $0x1  }
0x2ed: {  	v2 =	vsub.f32 $1.500000000e+00, v2;
	_ =	sdelay $0x1  }
0x2ee: {  	v1 =	vmul.f32 v2, v1;
	_ =	sdelay $0x1  }
0x2ef: {  	v11 =	vld [tilespmem:$0x1F970];
	v0 =	vmul.f32 v1, v0;
	_ =	sdelay $0x1  }
0x2f0: {  	v0 =	vmul.f32 v0, v1  }
0x2f1: {  	v40 =	vld [tilespmem:$0x1F980]  }
0x2f2: {  	v0 =	vsub.f32 $1.500000000e+00, v0  }
0x2f3: {  	v2 =	vmul.u32 $0x48, v11  }
0x2f4: {  	v37 =	vlaneseq.u32;
	v36 =	vsub.f32 $0.0e+00, v49;
	v0 =	vmul.f32 v0, v1  }
0x2f5: {  	v39 =	vadd.s32 v37, v2  }
0x2f6: {  	v3 =	vmul.f32 v0, v36;
	v1 =	vmul.f32 v0, v40;
	_ =	sdelay $0x1  }
0x2f7: {  	v1 =	vadd.f32 v3, v1  }
0x2f8: {  	[tilespmem:$0x1C7F0] =	vst v8  }
0x2f9: {  	v23 =	vld [tilespmem:$0x1FB30];
	[tilespmem:v39+s31+$0x0] =	vst.idx.msk $0xffff, v1  }
0x2fa: {  	v1 =	vld [tilespmem:$0x1C410];
	_ =	sdelay $0x3  }
0x2fb: {  	v49 =	vadd.s32 v23, v2  }
0x2fc: {  	v1 =	vmul.f32 v0, v1;
	_ =	sdelay $0x1  }
0x2fd: {  	v1 =	vadd.f32 v3, v1;
	_ =	sdelay $0x1  }
0x2fe: {  	v57 =	vld [tilespmem:$0x1FB40];
	[tilespmem:v49+s31+$0x0] =	vst.idx.msk $0xffff, v1  }
0x2ff: {  	v1 =	vld [tilespmem:$0x1C420];
	_ =	sdelay $0x3  }
0x300: {  	v52 =	vadd.s32 v57, v2  }
0x301: {  	v1 =	vmul.f32 v0, v1;
	_ =	sdelay $0x1  }
0x302: {  	v1 =	vadd.f32 v3, v1;
	_ =	sdelay $0x1  }
0x303: {  	v22 =	vld [tilespmem:$0x1FB50];
	[tilespmem:v52+s31+$0x0] =	vst.idx.msk $0xffff, v1  }
0x304: {  	v1 =	vld [tilespmem:$0x1C430];
	_ =	sdelay $0x3  }
0x305: {  	v57 =	vadd.s32 v22, v2  }
0x306: {  	v1 =	vmul.f32 v0, v1;
	_ =	sdelay $0x1  }
0x307: {  	v1 =	vadd.f32 v3, v1;
	_ =	sdelay $0x1  }
0x308: {  	v58 =	vld [tilespmem:$0x1FB60];
	[tilespmem:v57+s31+$0x0] =	vst.idx.msk $0xffff, v1  }
0x309: {  	v1 =	vld [tilespmem:$0x1C440];
	_ =	sdelay $0x3  }
0x30a: {  	v58 =	vadd.s32 v58, v2  }
0x30b: {  	v1 =	vmul.f32 v0, v1;
	_ =	sdelay $0x1  }
0x30c: {  	v1 =	vadd.f32 v3, v1;
	_ =	sdelay $0x1  }
0x30d: {  	v59 =	vld [tilespmem:$0x1FB70];
	[tilespmem:v58+s31+$0x0] =	vst.idx.msk $0xffff, v1  }
0x30e: {  	v1 =	vld [tilespmem:$0x1C450];
	_ =	sdelay $0x3  }
0x30f: {  	v59 =	vadd.s32 v59, v2  }
0x310: {  	v1 =	vmul.f32 v0, v1;
	_ =	sdelay $0x1  }
0x311: {  	v1 =	vadd.f32 v3, v1;
	_ =	sdelay $0x1  }
0x312: {  	v61 =	vld [tilespmem:$0x1FB90];
	[tilespmem:v59+s31+$0x0] =	vst.idx.msk $0xffff, v1  }
0x313: {  	v1 =	vld [tilespmem:$0x1C460];
	_ =	sdelay $0x3  }
0x314: {  	v61 =	vadd.s32 v61, v2  }
0x315: {  	v1 =	vmul.f32 v0, v1;
	_ =	sdelay $0x1  }
0x316: {  	v1 =	vadd.f32 v3, v1;
	_ =	sdelay $0x1  }
0x317: {  	v62 =	vld [tilespmem:$0x1FBA0];
	[tilespmem:v61+s31+$0x0] =	vst.idx.msk $0xffff, v1  }
0x318: {  	v1 =	vld [tilespmem:$0x1C470];
	_ =	sdelay $0x3  }
0x319: {  	v9 =	vadd.s32 v62, v2  }
0x31a: {  	v1 =	vmul.f32 v0, v1;
	_ =	sdelay $0x1  }
0x31b: {  	v1 =	vadd.f32 v3, v1;
	_ =	sdelay $0x1  }
0x31c: {  	v50 =	vld [tilespmem:$0x1FB80];
	[tilespmem:v9+s31+$0x0] =	vst.idx.msk $0xffff, v1  }
0x31d: {  	v1 =	vld [tilespmem:$0x1C480];
	_ =	sdelay $0x3  }
0x31e: {  	v10 =	vadd.s32 v50, v2  }
0x31f: {  	v1 =	vmul.f32 v0, v1;
	_ =	sdelay $0x1  }
0x320: {  	v1 =	vadd.f32 v3, v1;
	_ =	sdelay $0x1  }
0x321: {  	v63 =	vld [tilespmem:$0x1FBB0];
	[tilespmem:v10+s31+$0x0] =	vst.idx.msk $0xffff, v1  }
0x322: {  	v1 =	vld [tilespmem:$0x1C490];
	_ =	sdelay $0x3  }
0x323: {  	v11 =	vadd.s32 v63, v2  }
0x324: {  	v1 =	vmul.f32 v0, v1;
	_ =	sdelay $0x1  }
0x325: {  	v1 =	vadd.f32 v3, v1;
	_ =	sdelay $0x1  }
0x326: {  	v33 =	vld [tilespmem:$0x1FBC0];
	[tilespmem:v11+s31+$0x0] =	vst.idx.msk $0xffff, v1  }
0x327: {  	v1 =	vld [tilespmem:$0x1C4A0];
	_ =	sdelay $0x3  }
0x328: {  	v33 =	vadd.s32 v33, v2  }
0x329: {  	v1 =	vmul.f32 v0, v1;
	_ =	sdelay $0x1  }
0x32a: {  	v1 =	vadd.f32 v3, v1;
	_ =	sdelay $0x1  }
0x32b: {  	v29 =	vld [tilespmem:$0x1FBD0];
	[tilespmem:v33+s31+$0x0] =	vst.idx.msk $0xffff, v1  }
0x32c: {  	v1 =	vld [tilespmem:$0x1C4B0];
	_ =	sdelay $0x3  }
0x32d: {  	v36 =	vadd.s32 v29, v2  }
0x32e: {  	v1 =	vmul.f32 v0, v1;
	_ =	sdelay $0x1  }
0x32f: {  	v1 =	vadd.f32 v3, v1;
	_ =	sdelay $0x1  }
0x330: {  	v31 =	vld [tilespmem:$0x1FBE0];
	[tilespmem:v36+s31+$0x0] =	vst.idx.msk $0xffff, v1  }
0x331: {  	v1 =	vld [tilespmem:$0x1C4C0];
	_ =	sdelay $0x3  }
0x332: {  	v37 =	vadd.s32 v31, v2  }
0x333: {  	v1 =	vmul.f32 v1, v0;
	_ =	sdelay $0x1  }
0x334: {  	v1 =	vadd.f32 v1, v3;
	_ =	sdelay $0x1  }
0x335: {  	v56 =	vld [tilespmem:$0x1FBF0];
	[tilespmem:v37+s31+$0x0] =	vst.idx.msk $0xffff, v1  }
0x336: {  	v1 =	vld [tilespmem:$0x1C4D0];
	_ =	sdelay $0x3  }
0x337: {  	v39 =	vadd.s32 v56, v2  }
0x338: {  	v1 =	vmul.f32 v1, v0;
	_ =	sdelay $0x1  }
0x339: {  	v1 =	vadd.f32 v1, v3;
	_ =	sdelay $0x1  }
0x33a: {  	v34 =	vld [tilespmem:$0x1FC00];
	[tilespmem:v39+s31+$0x0] =	vst.idx.msk $0xffff, v1  }
0x33b: {  	v1 =	vld [tilespmem:$0x1C4E0];
	_ =	sdelay $0x3  }
0x33c: {  	v40 =	vadd.s32 v34, v2  }
0x33d: {  	v1 =	vmul.f32 v1, v0;
	_ =	sdelay $0x1  }
0x33e: {  	v1 =	vadd.f32 v1, v3;
	_ =	sdelay $0x1  }
0x33f: {  	v32 =	vld [tilespmem:$0x1FC10];
	[tilespmem:v40+s31+$0x0] =	vst.idx.msk $0xffff, v1  }
0x340: {  	v1 =	vld [tilespmem:$0x1C4F0];
	_ =	sdelay $0x3  }
0x341: {  	v49 =	vadd.s32 v32, v2  }
0x342: {  	v1 =	vmul.f32 v1, v0;
	_ =	sdelay $0x1  }
0x343: {  	v1 =	vadd.f32 v1, v3;
	_ =	sdelay $0x1  }
0x344: {  	v47 =	vld [tilespmem:$0x1FC90];
	[tilespmem:v49+s31+$0x0] =	vst.idx.msk $0xffff, v1  }
0x345: {  	v1 =	vld [tilespmem:$0x1C500];
	_ =	sdelay $0x3  }
0x346: {  	v57 =	vadd.s32 v47, v2  }
0x347: {  	v1 =	vmul.f32 v1, v0;
	_ =	sdelay $0x1  }
0x348: {  	v1 =	vadd.f32 v1, v3;
	_ =	sdelay $0x1  }
0x349: {  	v34 =	vld [tilespmem:$0x1FCC0];
	[tilespmem:v57+s31+$0x0] =	vst.idx.msk $0xffff, v1  }
0x34a: {  	v1 =	vld [tilespmem:$0x1C510];
	_ =	sdelay $0x3  }
0x34b: {  	v58 =	vadd.s32 v34, v2  }
0x34c: {  	v1 =	vmul.f32 v1, v0;
	_ =	sdelay $0x1  }
0x34d: {  	v1 =	vadd.f32 v1, v3;
	_ =	sdelay $0x1  }
0x34e: {  	v59 =	vld [tilespmem:$0x1FFF0];
	[tilespmem:v58+s31+$0x0] =	vst.idx.msk $0xffff, v1  }
0x34f: {  	v1 =	vld [tilespmem:$0x1C520];
	_ =	sdelay $0x3  }
0x350: {  	v4 =	vadd.s32 v59, v2  }
0x351: {  	v1 =	vmul.f32 v1, v0;
	_ =	sdelay $0x1  }
0x352: {  	v1 =	vadd.f32 v1, v3;
	_ =	sdelay $0x1  }
0x353: {  	v61 =	vld [tilespmem:$0x1F9C0];
	[tilespmem:v4+s31+$0x0] =	vst.idx.msk $0xffff, v1  }
0x354: {  	v1 =	vld [tilespmem:$0x1C530];
	_ =	sdelay $0x3  }
0x355: {  	v4 =	vadd.s32 v61, v2  }
0x356: {  	v1 =	vmul.f32 v1, v0;
	_ =	sdelay $0x1  }
0x357: {  	v1 =	vadd.f32 v1, v3;
	_ =	sdelay $0x1  }
0x358: {  	v62 =	vld [tilespmem:$0x1F9D0];
	[tilespmem:v4+s31+$0x0] =	vst.idx.msk $0xffff, v1  }
0x359: {  	v1 =	vld [tilespmem:$0x1C540];
	_ =	sdelay $0x3  }
0x35a: {  	v4 =	vadd.s32 v62, v2  }
0x35b: {  	v1 =	vmul.f32 v1, v0;
	_ =	sdelay $0x1  }
0x35c: {  	v1 =	vadd.f32 v1, v3;
	_ =	sdelay $0x1  }
0x35d: {  	v63 =	vld [tilespmem:$0x1F9E0];
	[tilespmem:v4+s31+$0x0] =	vst.idx.msk $0xffff, v1  }
0x35e: {  	v1 =	vld [tilespmem:$0x1C550];
	_ =	sdelay $0x3  }
0x35f: {  	v4 =	vadd.s32 v63, v2  }
0x360: {  	v1 =	vmul.f32 v1, v0;
	_ =	sdelay $0x1  }
0x361: {  	v1 =	vadd.f32 v1, v3;
	_ =	sdelay $0x1  }
0x362: {  	v9 =	vld [tilespmem:$0x1FA00];
	[tilespmem:v4+s31+$0x0] =	vst.idx.msk $0xffff, v1  }
0x363: {  	v1 =	vld [tilespmem:$0x1C560];
	_ =	sdelay $0x3  }
0x364: {  	v4 =	vadd.s32 v9, v2  }
0x365: {  	v1 =	vmul.f32 v1, v0;
	_ =	sdelay $0x1  }
0x366: {  	v1 =	vadd.f32 v1, v3;
	_ =	sdelay $0x1  }
0x367: {  	v10 =	vld [tilespmem:$0x1FA10];
	[tilespmem:v4+s31+$0x0] =	vst.idx.msk $0xffff, v1  }
0x368: {  	v1 =	vld [tilespmem:$0x1C570];
	_ =	sdelay $0x3  }
0x369: {  	v4 =	vadd.s32 v10, v2  }
0x36a: {  	v1 =	vmul.f32 v1, v0;
	_ =	sdelay $0x1  }
0x36b: {  	v1 =	vadd.f32 v1, v3;
	_ =	sdelay $0x1  }
0x36c: {  	v11 =	vld [tilespmem:$0x1FA20];
	[tilespmem:v4+s31+$0x0] =	vst.idx.msk $0xffff, v1  }
0x36d: {  	v1 =	vld [tilespmem:$0x1C580];
	_ =	sdelay $0x3  }
0x36e: {  	v4 =	vadd.s32 v11, v2  }
0x36f: {  	v1 =	vmul.f32 v1, v0;
	_ =	sdelay $0x1  }
0x370: {  	v1 =	vadd.f32 v1, v3;
	_ =	sdelay $0x1  }
0x371: {  	v32 =	vld [tilespmem:$0x1FA40];
	[tilespmem:v4+s31+$0x0] =	vst.idx.msk $0xffff, v1  }
0x372: {  	v1 =	vld [tilespmem:$0x1C590];
	_ =	sdelay $0x3  }
0x373: {  	v4 =	vadd.s32 v32, v2  }
0x374: {  	v1 =	vmul.f32 v1, v0;
	_ =	sdelay $0x1  }
0x375: {  	v1 =	vadd.f32 v1, v3;
	_ =	sdelay $0x1  }
0x376: {  	v16 =	vld [tilespmem:$0x1F920];
	[tilespmem:v4+s31+$0x0] =	vst.idx.msk $0xffff, v1  }
0x377: {  	v1 =	vld [tilespmem:$0x1C5A0];
	_ =	sdelay $0x3  }
0x378: {  	v33 =	vadd.s32 v16, v2  }
0x379: {  	v1 =	vmul.f32 v1, v0;
	_ =	sdelay $0x1  }
0x37a: {  	v1 =	vadd.f32 v1, v3;
	_ =	sdelay $0x1  }
0x37b: {  	v18 =	vld [tilespmem:$0x1F930];
	[tilespmem:v33+s31+$0x0] =	vst.idx.msk $0xffff, v1  }
0x37c: {  	v1 =	vld [tilespmem:$0x1C5B0];
	_ =	sdelay $0x3  }
0x37d: {  	v36 =	vadd.s32 v18, v2  }
0x37e: {  	v1 =	vmul.f32 v1, v0;
	_ =	sdelay $0x1  }
0x37f: {  	v1 =	vadd.f32 v1, v3;
	_ =	sdelay $0x1  }
0x380: {  	v23 =	vld [tilespmem:$0x1F9A0];
	[tilespmem:v36+s31+$0x0] =	vst.idx.msk $0xffff, v1  }
0x381: {  	v1 =	vld [tilespmem:$0x1C5C0];
	_ =	sdelay $0x3  }
0x382: {  	v37 =	vadd.s32 v23, v2  }
0x383: {  	v1 =	vmul.f32 v1, v0;
	_ =	sdelay $0x1  }
0x384: {  	v1 =	vadd.f32 v1, v3;
	_ =	sdelay $0x1  }
0x385: {  	v50 =	vld [tilespmem:$0x1F9B0];
	[tilespmem:v37+s31+$0x0] =	vst.idx.msk $0xffff, v1  }
0x386: {  	v1 =	vld [tilespmem:$0x1C5D0];
	_ =	sdelay $0x3  }
0x387: {  	v40 =	vadd.s32 v50, v2  }
0x388: {  	v1 =	vmul.f32 v1, v0;
	_ =	sdelay $0x1  }
0x389: {  	v1 =	vadd.f32 v1, v3;
	_ =	sdelay $0x1  }
0x38a: {  	v49 =	vld [tilespmem:$0x1FA50];
	[tilespmem:v40+s31+$0x0] =	vst.idx.msk $0xffff, v1  }
0x38b: {  	v1 =	vld [tilespmem:$0x1C5E0];
	_ =	sdelay $0x3  }
0x38c: {  	v4 =	vadd.s32 v49, v2  }
0x38d: {  	v1 =	vmul.f32 v1, v0;
	_ =	sdelay $0x1  }
0x38e: {  	v1 =	vadd.f32 v1, v3;
	_ =	sdelay $0x1  }
0x38f: {  	v50 =	vld [tilespmem:$0x1FA60];
	[tilespmem:v4+s31+$0x0] =	vst.idx.msk $0xffff, v1  }
0x390: {  	v1 =	vld [tilespmem:$0x1C5F0];
	_ =	sdelay $0x3  }
0x391: {  	v4 =	vadd.s32 v50, v2  }
0x392: {  	v1 =	vmul.f32 v1, v0;
	_ =	sdelay $0x1  }
0x393: {  	v1 =	vadd.f32 v1, v3;
	_ =	sdelay $0x1  }
0x394: {  	v22 =	vld [tilespmem:$0x1FCA0];
	[tilespmem:v4+s31+$0x0] =	vst.idx.msk $0xffff, v1  }
0x395: {  	v1 =	vld [tilespmem:$0x1C600];
	_ =	sdelay $0x3  }
0x396: {  	v56 =	vadd.s32 v22, v2  }
0x397: {  	v1 =	vmul.f32 v1, v0;
	_ =	sdelay $0x1  }
0x398: {  	v1 =	vadd.f32 v1, v3;
	_ =	sdelay $0x1  }
0x399: {  	v59 =	vld [tilespmem:$0x1FA70];
	[tilespmem:v56+s31+$0x0] =	vst.idx.msk $0xffff, v1  }
0x39a: {  	v1 =	vld [tilespmem:$0x1C610];
	_ =	sdelay $0x3  }
0x39b: {  	v4 =	vadd.s32 v59, v2  }
0x39c: {  	v1 =	vmul.f32 v1, v0;
	_ =	sdelay $0x1  }
0x39d: {  	v1 =	vadd.f32 v1, v3;
	_ =	sdelay $0x1  }
0x39e: {  	v12 =	vmov v21;
	v21 =	vmov v9;
	v9 =	vld [tilespmem:$0x1FA80];
	[tilespmem:v4+s31+$0x0] =	vst.idx.msk $0xffff, v1  }
0x39f: {  	v1 =	vld [tilespmem:$0x1C620];
	_ =	sdelay $0x3  }
0x3a0: {  	v4 =	vadd.s32 v9, v2  }
0x3a1: {  	v1 =	vmul.f32 v1, v0;
	_ =	sdelay $0x1  }
0x3a2: {  	v1 =	vadd.f32 v1, v3;
	_ =	sdelay $0x1  }
0x3a3: {  	v14 =	vmov v19;
	v19 =	vmov v62;
	v62 =	vmov v10;
	v10 =	vld [tilespmem:$0x1FA90];
	[tilespmem:v4+s31+$0x0] =	vst.idx.msk $0xffff, v1  }
0x3a4: {  	v1 =	vld [tilespmem:$0x1C630];
	_ =	sdelay $0x3  }
0x3a5: {  	v4 =	vadd.s32 v10, v2  }
0x3a6: {  	v1 =	vmul.f32 v1, v0;
	_ =	sdelay $0x1  }
0x3a7: {  	v1 =	vadd.f32 v1, v3;
	_ =	sdelay $0x1  }
0x3a8: {  	v58 =	vmov v11;
	v11 =	vld [tilespmem:$0x1FAA0];
	[tilespmem:v4+s31+$0x0] =	vst.idx.msk $0xffff, v1  }
0x3a9: {  	v1 =	vld [tilespmem:$0x1C640];
	_ =	sdelay $0x3  }
0x3aa: {  	v4 =	vadd.s32 v11, v2  }
0x3ab: {  	v1 =	vmul.f32 v1, v0;
	_ =	sdelay $0x1  }
0x3ac: {  	v1 =	vadd.f32 v1, v3;
	_ =	sdelay $0x1  }
0x3ad: {  	v57 =	vmov v32;
	v32 =	vld [tilespmem:$0x1FAB0];
	[tilespmem:v4+s31+$0x0] =	vst.idx.msk $0xffff, v1  }
0x3ae: {  	v1 =	vld [tilespmem:$0x1C650];
	_ =	sdelay $0x3  }
0x3af: {  	v4 =	vadd.s32 v32, v2  }
0x3b0: {  	v1 =	vmul.f32 v1, v0;
	_ =	sdelay $0x1  }
0x3b1: {  	v1 =	vadd.f32 v1, v3;
	_ =	sdelay $0x1  }
0x3b2: {  	v33 =	vld [tilespmem:$0x1FAC0];
	[tilespmem:v4+s31+$0x0] =	vst.idx.msk $0xffff, v1  }
0x3b3: {  	v1 =	vld [tilespmem:$0x1C660];
	_ =	sdelay $0x3  }
0x3b4: {  	v4 =	vadd.s32 v33, v2  }
0x3b5: {  	v1 =	vmul.f32 v1, v0;
	_ =	sdelay $0x1  }
0x3b6: {  	v1 =	vadd.f32 v1, v3;
	_ =	sdelay $0x1  }
0x3b7: {  	v36 =	vld [tilespmem:$0x1FAD0];
	[tilespmem:v4+s31+$0x0] =	vst.idx.msk $0xffff, v1  }
0x3b8: {  	v1 =	vld [tilespmem:$0x1C670];
	_ =	sdelay $0x3  }
0x3b9: {  	v4 =	vadd.s32 v36, v2  }
0x3ba: {  	v1 =	vmul.f32 v1, v0;
	_ =	sdelay $0x1  }
0x3bb: {  	v1 =	vadd.f32 v1, v3;
	_ =	sdelay $0x1  }
0x3bc: {  	v37 =	vld [tilespmem:$0x1FAE0];
	[tilespmem:v4+s31+$0x0] =	vst.idx.msk $0xffff, v1  }
0x3bd: {  	v1 =	vld [tilespmem:$0x1C680];
	_ =	sdelay $0x3  }
0x3be: {  	v4 =	vadd.s32 v37, v2  }
0x3bf: {  	v1 =	vmul.f32 v1, v0;
	_ =	sdelay $0x1  }
0x3c0: {  	v1 =	vadd.f32 v1, v3;
	_ =	sdelay $0x1  }
0x3c1: {  	v39 =	vld [tilespmem:$0x1FAF0];
	[tilespmem:v4+s31+$0x0] =	vst.idx.msk $0xffff, v1  }
0x3c2: {  	v1 =	vld [tilespmem:$0x1C690];
	_ =	sdelay $0x3  }
0x3c3: {  	v4 =	vadd.s32 v39, v2  }
0x3c4: {  	v1 =	vmul.f32 v1, v0;
	_ =	sdelay $0x1  }
0x3c5: {  	v1 =	vadd.f32 v1, v3;
	_ =	sdelay $0x1  }
0x3c6: {  	v40 =	vld [tilespmem:$0x1FB00];
	[tilespmem:v4+s31+$0x0] =	vst.idx.msk $0xffff, v1  }
0x3c7: {  	v1 =	vld [tilespmem:$0x1C6A0];
	_ =	sdelay $0x3  }
0x3c8: {  	v4 =	vadd.s32 v40, v2  }
0x3c9: {  	v1 =	vmul.f32 v1, v0;
	_ =	sdelay $0x1  }
0x3ca: {  	v1 =	vadd.f32 v1, v3;
	_ =	sdelay $0x1  }
0x3cb: {  	v49 =	vld [tilespmem:$0x1FB10];
	[tilespmem:v4+s31+$0x0] =	vst.idx.msk $0xffff, v1  }
0x3cc: {  	v1 =	vld [tilespmem:$0x1C6B0];
	_ =	sdelay $0x3  }
0x3cd: {  	v4 =	vadd.s32 v49, v2  }
0x3ce: {  	v1 =	vmul.f32 v1, v0;
	_ =	sdelay $0x1  }
0x3cf: {  	v1 =	vadd.f32 v1, v3;
	_ =	sdelay $0x1  }
0x3d0: {  	v50 =	vld [tilespmem:$0x1FB20];
	[tilespmem:v4+s31+$0x0] =	vst.idx.msk $0xffff, v1  }
0x3d1: {  	v1 =	vld [tilespmem:$0x1C6C0];
	_ =	sdelay $0x3  }
0x3d2: {  	v4 =	vadd.s32 v50, v2  }
0x3d3: {  	v1 =	vmul.f32 v1, v0;
	_ =	sdelay $0x1  }
0x3d4: {  	v1 =	vadd.f32 v1, v3;
	_ =	sdelay $0x1  }
0x3d5: {  	v5 =	vld [tilespmem:$0x1F960];
	[tilespmem:v4+s31+$0x0] =	vst.idx.msk $0xffff, v1  }
0x3d6: {  	v1 =	vld [tilespmem:$0x1C6D0];
	_ =	sdelay $0x3  }
0x3d7: {  	v56 =	vadd.s32 v5, v2  }
0x3d8: {  	v1 =	vmul.f32 v1, v0;
	_ =	sdelay $0x1  }
0x3d9: {  	v1 =	vadd.f32 v1, v3;
	_ =	sdelay $0x1  }
0x3da: {  	v52 =	vmov v63;
	v63 =	vld [tilespmem:$0x1FA30];
	[tilespmem:v56+s31+$0x0] =	vst.idx.msk $0xffff, v1  }
0x3db: {  	v1 =	vld [tilespmem:$0x1C6E0];
	_ =	sdelay $0x3  }
0x3dc: {  	v59 =	vadd.s32 v63, v2  }
0x3dd: {  	v1 =	vmul.f32 v1, v0;
	_ =	sdelay $0x1  }
0x3de: {  	v1 =	vadd.f32 v1, v3;
	_ =	sdelay $0x1  }
0x3df: {  	v13 =	vmov v20;
	v20 =	vmov v61;
	v61 =	vld [tilespmem:$0x1F9F0];
	[tilespmem:v59+s31+$0x0] =	vst.idx.msk $0xffff, v1  }
0x3e0: {  	v1 =	vld [tilespmem:$0x1C6F0];
	_ =	sdelay $0x3  }
0x3e1: {  	v61 =	vadd.s32 v61, v2  }
0x3e2: {  	v1 =	vmul.f32 v1, v0;
	_ =	sdelay $0x1  }
0x3e3: {  	v1 =	vadd.f32 v1, v3;
	_ =	sdelay $0x1  }
0x3e4: {  	v38 =	vld [tilespmem:$0x1FCB0];
	[tilespmem:v61+s31+$0x0] =	vst.idx.msk $0xffff, v1  }
0x3e5: {  	v1 =	vld [tilespmem:$0x1C700];
	_ =	sdelay $0x3  }
0x3e6: {  	v9 =	vadd.s32 v38, v2  }
0x3e7: {  	v1 =	vmul.f32 v1, v0;
	_ =	sdelay $0x1  }
0x3e8: {  	v1 =	vadd.f32 v1, v3;
	_ =	sdelay $0x1  }
0x3e9: {  	v6 =	vld [tilespmem:$0x1F940];
	[tilespmem:v9+s31+$0x0] =	vst.idx.msk $0xffff, v1  }
0x3ea: {  	v1 =	vld [tilespmem:$0x1C710];
	_ =	sdelay $0x3  }
0x3eb: {  	v10 =	vadd.s32 v6, v2  }
0x3ec: {  	v1 =	vmul.f32 v1, v0;
	_ =	sdelay $0x1  }
0x3ed: {  	v1 =	vadd.f32 v1, v3;
	_ =	sdelay $0x1  }
0x3ee: {  	v7 =	vld [tilespmem:$0x1F950];
	[tilespmem:v10+s31+$0x0] =	vst.idx.msk $0xffff, v1  }
0x3ef: {  	v1 =	vld [tilespmem:$0x1C720];
	_ =	sdelay $0x3  }
0x3f0: {  	v11 =	vadd.s32 v7, v2  }
0x3f1: {  	v1 =	vmul.f32 v1, v0;
	_ =	sdelay $0x1  }
0x3f2: {  	v1 =	vadd.f32 v1, v3;
	_ =	sdelay $0x1  }
0x3f3: {  	v8 =	vld [tilespmem:$0x1F990];
	[tilespmem:v11+s31+$0x0] =	vst.idx.msk $0xffff, v1  }
0x3f4: {  	v1 =	vld [tilespmem:$0x1C730];
	_ =	sdelay $0x3  }
0x3f5: {  	v32 =	vadd.s32 v8, v2  }
0x3f6: {  	v1 =	vmul.f32 v1, v0;
	_ =	sdelay $0x1  }
0x3f7: {  	v1 =	vadd.f32 v1, v3;
	_ =	sdelay $0x1  }
0x3f8: {  	[tilespmem:v32+s31+$0x0] =	vst.idx.msk $0xffff, v1  }
0x3f9: {  	v1 =	vld [tilespmem:$0x1C740];
	_ =	sdelay $0x3  }
0x3fa: {  	v33 =	vadd.s32 v60, v2  }
0x3fb: {  	v1 =	vmul.f32 v1, v0;
	_ =	sdelay $0x1  }
0x3fc: {  	v1 =	vadd.f32 v1, v3;
	_ =	sdelay $0x1  }
0x3fd: {  	[tilespmem:v33+s31+$0x0] =	vst.idx.msk $0xffff, v1  }
0x3fe: {  	v1 =	vld [tilespmem:$0x1C750];
	_ =	sdelay $0x3  }
0x3ff: {  	v36 =	vadd.s32 v27, v2  }
0x400: {  	v1 =	vmul.f32 v1, v0;
	_ =	sdelay $0x1  }
0x401: {  	v1 =	vadd.f32 v1, v3;
	_ =	sdelay $0x1  }
0x402: {  	[tilespmem:v36+s31+$0x0] =	vst.idx.msk $0xffff, v1  }
0x403: {  	v1 =	vld [tilespmem:$0x1C760];
	_ =	sdelay $0x3  }
0x404: {  	v37 =	vadd.s32 v24, v2  }
0x405: {  	v1 =	vmul.f32 v1, v0;
	_ =	sdelay $0x1  }
0x406: {  	v1 =	vadd.f32 v1, v3;
	_ =	sdelay $0x1  }
0x407: {  	[tilespmem:v37+s31+$0x0] =	vst.idx.msk $0xffff, v1  }
0x408: {  	v1 =	vld [tilespmem:$0x1C770];
	_ =	sdelay $0x3  }
0x409: {  	v38 =	vadd.s32 v12, v2  }
0x40a: {  	v1 =	vmul.f32 v1, v0;
	_ =	sdelay $0x1  }
0x40b: {  	v1 =	vadd.f32 v1, v3;
	_ =	sdelay $0x1  }
0x40c: {  	[tilespmem:v38+s31+$0x0] =	vst.idx.msk $0xffff, v1  }
0x40d: {  	v1 =	vld [tilespmem:$0x1C780];
	_ =	sdelay $0x3  }
0x40e: {  	v39 =	vadd.s32 v13, v2  }
0x40f: {  	v1 =	vmul.f32 v1, v0;
	_ =	sdelay $0x1  }
0x410: {  	v1 =	vadd.f32 v1, v3;
	_ =	sdelay $0x1  }
0x411: {  	[tilespmem:v39+s31+$0x0] =	vst.idx.msk $0xffff, v1  }
0x412: {  	v1 =	vld [tilespmem:$0x1C790];
	_ =	sdelay $0x3  }
0x413: {  	v40 =	vadd.s32 v14, v2  }
0x414: {  	v1 =	vmul.f32 v1, v0;
	_ =	sdelay $0x1  }
0x415: {  	v1 =	vadd.f32 v1, v3;
	_ =	sdelay $0x1  }
0x416: {  	[tilespmem:v40+s31+$0x0] =	vst.idx.msk $0xffff, v1  }
0x417: {  	v1 =	vld [tilespmem:$0x1C7A0];
	_ =	sdelay $0x3  }
0x418: {  	v49 =	vadd.s32 v15, v2  }
0x419: {  	v1 =	vmul.f32 v1, v0;
	_ =	sdelay $0x1  }
0x41a: {  	v1 =	vadd.f32 v1, v3;
	_ =	sdelay $0x1  }
0x41b: {  	[tilespmem:v49+s31+$0x0] =	vst.idx.msk $0xffff, v1  }
0x41c: {  	v1 =	vld [tilespmem:$0x1C7B0];
	_ =	sdelay $0x3  }
0x41d: {  	v50 =	vadd.s32 v28, v2  }
0x41e: {  	v1 =	vmul.f32 v1, v0;
	_ =	sdelay $0x1  }
0x41f: {  	v1 =	vadd.f32 v1, v3;
	_ =	sdelay $0x1  }
0x420: {  	[tilespmem:v50+s31+$0x0] =	vst.idx.msk $0xffff, v1  }
0x421: {  	v1 =	vld [tilespmem:$0x1C7C0];
	_ =	sdelay $0x3  }
0x422: {  	v56 =	vadd.s32 v25, v2  }
0x423: {  	v1 =	vmul.f32 v1, v0;
	_ =	sdelay $0x1  }
0x424: {  	v1 =	vadd.f32 v1, v3;
	_ =	sdelay $0x1  }
0x425: {  	[tilespmem:v56+s31+$0x0] =	vst.idx.msk $0xffff, v1  }
0x426: {  	v1 =	vld [tilespmem:$0x1C7D0];
	_ =	sdelay $0x3  }
0x427: {  	v59 =	vadd.s32 v30, v2  }
0x428: {  	v1 =	vmul.f32 v1, v0;
	_ =	sdelay $0x1  }
0x429: {  	v1 =	vadd.f32 v1, v3;
	_ =	sdelay $0x1  }
0x42a: {  	[tilespmem:v59+s31+$0x0] =	vst.idx.msk $0xffff, v1  }
0x42b: {  	v1 =	vld [tilespmem:$0x1C7E0];
	_ =	sdelay $0x3  }
0x42c: {  	v61 =	vadd.s32 v26, v2  }
0x42d: {  	v1 =	vmul.f32 v1, v0;
	_ =	sdelay $0x1  }
0x42e: {  	v55 =	vld [tilespmem:$0x1FE70];
	v1 =	vadd.f32 v1, v3  }
0x42f: {  	v54 =	vld [tilespmem:$0x1FED0]  }
0x430: {  	v53 =	vld [tilespmem:$0x1FEA0];
	[tilespmem:v61+s31+$0x0] =	vst.idx.msk $0xffff, v1  }
0x431: {  	v1 =	vld [tilespmem:$0x1C7F0]  }
0x432: {  	v35 =	vld [tilespmem:$0x1FE90]  }
0x433: {  	v41 =	vld [tilespmem:$0x1FE00]  }
0x434: {  	v43 =	vld [tilespmem:$0x1FE40]  }
0x435: {  	p1 =	sne.s32 s11, $0x70;
	v42 =	vld [tilespmem:$0x1FE10];
	v2 =	vadd.s32 v17, v2  }
.Ltmp2:
0x436: {  	v44 =	vld [tilespmem:$0x1FE20];
	v0 =	vmul.f32 v1, v0;
	(pc) =	sbr.rel @p1 .LBB2_7-.Ltmp2, $4  }
0x437: {  	v45 =	vld [tilespmem:$0x1FE30]  }
0x438: {  	v46 =	vld [tilespmem:$0x1FE50];
	v0 =	vadd.f32 v0, v3  }
0x439: {  	v51 =	vld [tilespmem:$0x1FE60]  }
0x43a: {  	s24 =	sadd.s32 $0x10, s24;
	s25 =	sadd.s32 $0x10, s25;
	s11 =	sadd.s32 $0x10, s11;
	v48 =	vld [tilespmem:$0x1FE80];
	[tilespmem:v2+s31+$0x0] =	vst.idx.msk $0xffff, v0  }
0x43b: {  	v7 =	vld [tilespmem:$0x1C380]  }
0x43c: {  	v5 =	vld [tilespmem:$0x1C390]  }
0x43d: {  	v3 =	vld [tilespmem:$0x1C3A0]  }
0x43e: {  	v1 =	vld [tilespmem:$0x1C3B0]  }
0x43f: {  	v6 =	vld [tilespmem:$0x1C3C0]  }
0x440: {  	v4 =	vld [tilespmem:$0x1C3D0];
	s11 =	simm.s32 $0x0  }
0x441: {  	v8 =	vld [tilespmem:s11+$0x17B00]  }
0x442: {  	v2 =	vld [tilespmem:$0x1C3E0]  }
0x443: {  	v0 =	vld [tilespmem:$0x1C3F0]  }
0x444: {  	[tilespmem:$0x1F6B0] =	vst v17;
	v9 =	vld [tilespmem:s11+$0x17B10]  }
0x445: {  	[tilespmem:$0x1F6C0] =	vst v15;
	v11 =	vld [tilespmem:s11+$0x17B30]  }
0x446: {  	[tilespmem:$0x1F6D0] =	vst v14;
	v10 =	vld [tilespmem:s11+$0x17B20];
	v8 =	vmul.f32 v8, v7  }
0x447: {  	[tilespmem:$0x1F6F0] =	vst v12;
	v12 =	vld [tilespmem:s11+$0x17B48]  }
0x448: {  	[tilespmem:$0x1F6E0] =	vst v13;
	v13 =	vld [tilespmem:s11+$0x17B58];
	v8 =	vadd.f32 v8, v6  }
0x449: {  	[tilespmem:$0x1F700] =	vst v24;
	v14 =	vld [tilespmem:s11+$0x17B68];
	v9 =	vmul.f32 v9, v5  }
0x44a: {  	v15 =	vld [tilespmem:s11+$0x17B78];
	[tilespmem:s11+$0x17B00] =	vst v8;
	v8 =	vmul.f32 v11, v1  }
0x44b: {  	[tilespmem:$0x1F710] =	vst v27;
	v16 =	vld [tilespmem:s11+$0x17B90];
	v10 =	vmul.f32 v10, v3;
	v9 =	vadd.f32 v9, v4  }
0x44c: {  	[tilespmem:$0x1F720] =	vst v60;
	v17 =	vld [tilespmem:s11+$0x17BA0];
	v11 =	vmul.f32 v12, v7;
	v12 =	vadd.f32 v8, v0  }
0x44d: {  	v13 =	vmul.f32 v13, v5;
	v10 =	vadd.f32 v10, v2;
	[tilespmem:s11+$0x17B10] =	vst v9;
	v9 =	vld [tilespmem:s11+$0x17BB0]  }
0x44e: {  	v8 =	vld [tilespmem:s11+$0x17BC0];
	v11 =	vadd.f32 v11, v6;
	[tilespmem:s11+$0x17B30] =	vst v12;
	v12 =	vmul.f32 v14, v3  }
0x44f: {  	v13 =	vadd.f32 v13, v4;
	[tilespmem:s11+$0x17B20] =	vst v10;
	v10 =	vld [tilespmem:s11+$0x17BD8];
	v14 =	vmul.f32 v15, v1  }
0x450: {  	v16 =	vmul.f32 v16, v7;
	[tilespmem:s11+$0x17B48] =	vst v11;
	v11 =	vld [tilespmem:s11+$0x17BE8];
	v15 =	vadd.f32 v12, v2  }
0x451: {  	v56 =	vmov v63;
	s24 =	simm.s32 $0x480;
	[tilespmem:s11+$0x17B58] =	vst v13;
	v13 =	vadd.f32 v14, v0;
	v14 =	vmul.f32 v17, v5;
	v12 =	vld [tilespmem:s11+$0x17BF8]  }
.LBB2_9:
0x452: {  	s12 =	sshra.s32 s24, $0x2;
	p1 =	sne.s32 s24, $0x8B80;
	[tilespmem:s11+$0x17B68] =	vst v15;
	v15 =	vadd.f32 v16, v6;
	v9 =	vmul.f32 v9, v3;
	v16 =	vld [tilespmem:s11+$0x17C08]  }
0x453: {  	v17 =	vld [tilespmem:s12+$0x17B00];
	[tilespmem:s11+$0x17B78] =	vst v13;
	v13 =	vadd.f32 v14, v4;
	v8 =	vmul.f32 v8, v1  }
0x454: {  	v14 =	vld [tilespmem:s12+$0x17B10];
	[tilespmem:s11+$0x17B90] =	vst v15;
	v9 =	vadd.f32 v9, v2;
	v10 =	vmul.f32 v10, v7  }
0x455: {  	v15 =	vld [tilespmem:s12+$0x17B20];
	[tilespmem:s11+$0x17BA0] =	vst v13;
	v8 =	vadd.f32 v8, v0;
	v11 =	vmul.f32 v11, v5  }
0x456: {  	v13 =	vld [tilespmem:s12+$0x17B30];
	[tilespmem:s11+$0x17BB0] =	vst v9;
	v9 =	vadd.f32 v10, v6;
	v10 =	vmul.f32 v12, v3  }
0x457: {  	v12 =	vld [tilespmem:s12+$0x17B48];
	[tilespmem:s11+$0x17BC0] =	vst v8;
	v8 =	vadd.f32 v11, v4;
	v11 =	vmul.f32 v16, v1  }
0x458: {  	v16 =	vmul.f32 v17, v7;
	v17 =	vld [tilespmem:s12+$0x17B58];
	[tilespmem:s11+$0x17BD8] =	vst v9;
	v9 =	vadd.f32 v10, v2  }
0x459: {  	v10 =	vmul.f32 v14, v5;
	v14 =	vld [tilespmem:s12+$0x17B68];
	[tilespmem:s11+$0x17BE8] =	vst v8;
	v8 =	vadd.f32 v11, v0  }
0x45a: {  	v11 =	vadd.f32 v16, v6;
	v15 =	vmul.f32 v15, v3;
	v16 =	vld [tilespmem:s12+$0x17B78];
	[tilespmem:s11+$0x17BF8] =	vst v9  }
0x45b: {  	v9 =	vadd.f32 v10, v4;
	v10 =	vmul.f32 v13, v1;
	v13 =	vld [tilespmem:s12+$0x17B90];
	[tilespmem:s11+$0x17C08] =	vst v8;
	s11 =	smov.u32 s12  }
0x45c: {  	[tilespmem:s11+$0x17B00] =	vst v11;
	v8 =	vadd.f32 v15, v2;
	v11 =	vmul.f32 v12, v7;
	v12 =	vld [tilespmem:s11+$0x17BA0]  }
.Ltmp3:
0x45d: {  	[tilespmem:s11+$0x17B10] =	vst v9;
	v10 =	vadd.f32 v10, v0;
	v15 =	vmul.f32 v17, v5;
	v9 =	vld [tilespmem:s11+$0x17BB0];
	(pc) =	sbr.rel @p1 .LBB2_9-.Ltmp3, $4  }
0x45e: {  	[tilespmem:s11+$0x17B20] =	vst v8;
	v11 =	vadd.f32 v11, v6;
	v14 =	vmul.f32 v14, v3;
	v8 =	vld [tilespmem:s11+$0x17BC0]  }
0x45f: {  	[tilespmem:s11+$0x17B30] =	vst v10;
	v17 =	vadd.f32 v15, v4;
	v18 =	vmul.f32 v16, v1;
	v10 =	vld [tilespmem:s11+$0x17BD8]  }
0x460: {  	[tilespmem:s11+$0x17B48] =	vst v11;
	v15 =	vadd.f32 v14, v2;
	v16 =	vmul.f32 v13, v7;
	v11 =	vld [tilespmem:s11+$0x17BE8]  }
0x461: {  	s24 =	sadd.s32 $0x480, s24;
	[tilespmem:s11+$0x17B58] =	vst v17;
	v13 =	vadd.f32 v18, v0;
	v14 =	vmul.f32 v12, v5;
	v12 =	vld [tilespmem:s11+$0x17BF8]  }
0x462: {  	v51 =	vadd.f32 v16, v6;
	v16 =	vld [tilespmem:s11+$0x17C08]  }
0x463: {  	v35 =	vld [tilespmem:$0x1F920]  }
0x464: {  	v36 =	vld [tilespmem:$0x1F930]  }
0x465: {  	v37 =	vld [tilespmem:$0x1F9A0]  }
0x466: {  	v38 =	vld [tilespmem:$0x1F9B0]  }
0x467: {  	v39 =	vld [tilespmem:$0x1FA50]  }
0x468: {  	v40 =	vld [tilespmem:$0x1FA60]  }
0x469: {  	v41 =	vld [tilespmem:$0x1FA70]  }
0x46a: {  	v42 =	vld [tilespmem:$0x1FA80]  }
0x46b: {  	[tilespmem:s11+$0x17B68] =	vst v15;
	v9 =	vmul.f32 v9, v3;
	v43 =	vld [tilespmem:$0x1FA90]  }
0x46c: {  	v44 =	vld [tilespmem:$0x1FAA0];
	[tilespmem:s11+$0x17B78] =	vst v13;
	v53 =	vadd.f32 v14, v4;
	v8 =	vmul.f32 v8, v1  }
0x46d: {  	v45 =	vld [tilespmem:$0x1FAB0];
	[tilespmem:s11+$0x17B90] =	vst v51;
	v9 =	vadd.f32 v9, v2;
	v7 =	vmul.f32 v10, v7  }
0x46e: {  	v46 =	vld [tilespmem:$0x1FAC0];
	[tilespmem:s11+$0x17BA0] =	vst v53;
	v8 =	vadd.f32 v8, v0;
	v5 =	vmul.f32 v11, v5  }
0x46f: {  	v48 =	vld [tilespmem:$0x1FAD0];
	[tilespmem:s11+$0x17BB0] =	vst v9;
	v54 =	vadd.f32 v7, v6;
	v55 =	vmul.f32 v12, v3  }
0x470: {  	s12 =	sshll.u32 s19, $0xE;
	v49 =	vld [tilespmem:$0x1FAE0];
	[tilespmem:s11+$0x17BC0] =	vst v8;
	v59 =	vadd.f32 v5, v4;
	v60 =	vmul.f32 v16, v1  }
0x471: {  	v50 =	vld [tilespmem:$0x1FAF0];
	s12 =	sadd.s32 s15, s12;
	[tilespmem:s11+$0x17BD8] =	vst v54;
	v61 =	vadd.f32 v55, v2  }
0x472: {  	s12 =	sshrl.u32 s12, $0x3;
	v51 =	vld [tilespmem:$0x1FB00];
	[tilespmem:s11+$0x17BE8] =	vst v59;
	v63 =	vadd.f32 v60, v0  }
0x473: {  	s25 =	simm.s32 $0x17B00;
	s24 =	sadd.s32 s4, s12;
	v53 =	vld [tilespmem:$0x1FB10];
	[tilespmem:s11+$0x17BF8] =	vst v61  }
0x474: {  	s12 =	simm.s32 $0x17B48;
	s13 =	sadd.s32 $0x0, s24;
	v54 =	vld [tilespmem:$0x1FB20];
	[tilespmem:s11+$0x17C08] =	vst v63;
	s11 =	simm.s32 $0x8  }
.LBB2_11:
0x475: {  	[hbm4b:s13+s5] =	stream.linear.scatter [tilespmem:s25], [sflag:$0x3], $0x40, $0x38;
	[tilespmem:$0x1C800] =	vst v63  }
0x476: {  	s13 =	smov.u32 s11;
	s25 =	smov.u32 s12;
	p1 =	sne.s32 s11, $0x3F8  }
.Ltmp4:
0x477: {  	s11 =	sadd.s32 $0x8, s11;
	(pc) =	sbr.rel @p1 .LBB2_11-.Ltmp4, $2  }
0x478: {  	_ =	sdelay $0x2  }
0x479: {  	s12 =	sadd.s32 $0x48, s12;
	s13 =	sadd.s32 s13, s24  }
0x47a: {  	[hbm4b:s13+s5] =	stream.linear.scatter [tilespmem:s25], [sflag:$0x3], $0x40, $0x38;
	[tilespmem:$0x1C800] =	vst v63  }
0x47b: {  	p1 =	seq.s32 s19, $0x18  }
0x47c: {  	s11 =	sshll.u32 @!p1 s19, $0x8  }
0x47d: {  	s12 =	simm.s32 @!p1 $0x80;
	s13 =	simm.s32 @!p1 $0x1B00;
	s11 =	sadd.s32 @!p1 $0x100, s11  }
0x47e: {  	[tilespmem:s13], [sflag:$0x1] =	stream.indirect.gather @!p1 [hbm4b:s9+s12], $0x40, s11, s12, $0xb8;
	[tilespmem:$0x1C800] =	vst v63  }
0x47f: {  	s11 =	sadd.s32 @!p1 s6, s11  }
0x480: {  	s11 =	sshrl.u32 @!p1 s11, $0x3  }
0x481: {  	s24 =	simm.s32 @!p1 $0x1900;
	s13 =	simm.s32 @!p1 $0x0;
	s12 =	sadd.s32 @!p1 s7, s11  }
0x482: {  	[tilespmem:s24], [sflag:$0x1] =	stream.linear.gather @!p1 [hbm4b:s12+s13], $0x80, $0x38;
	[tilespmem:$0x1C800] =	vst v63  }
0x483: {  	s11 =	sadd.s32 @!p1 s8, s11;
	s12 =	simm.s32 @!p1 $0x1A00  }
0x484: {  	[tilespmem:s12], [sflag:$0x1] =	stream.linear.gather @!p1 [hbm4b:s11+s13], $0x80, $0x38;
	[tilespmem:$0x1C800] =	vst v63  }
0x485: {  	_ =	swait.ge [sflag:s3], $0x2000  }
0x486: {  	[sflag:s3] =	ssyncset.done $0x0  }
0x487: {  	[sflag:s3] =	ssyncadd.s32 $0xFFFFE000  }
0x488: {  	_ =	swait.ge [sflag:s3], $0x80  }
0x489: {  	[sflag:s3] =	ssyncset.done $0x0  }
0x48a: {  	[sflag:s3] =	ssyncadd.s32 $0xFFFFFF80  }
0x48b: {  	_ =	swait.ge [sflag:s3], $0x80  }
0x48c: {  	[sflag:s3] =	ssyncset.done $0x0  }
0x48d: {  	s11 =	simm.s32 @!p0 $0x4;
	[sflag:s3] =	ssyncadd.s32 $0xFFFFFF80  }
0x48e: {  	_ =	swait.ge @!p0 [sflag:s11], $0x2000  }
0x48f: {  	[tilespmem:$0x1F670] =	vst v28  }
0x490: {  	[tilespmem:$0x1F680] =	vst v25  }
0x491: {  	s25 =	simm.s32 $0x1A80;
	[sflag:s11] =	ssyncset.done @!p0 $0x0;
	[tilespmem:$0x1F690] =	vst v30  }
0x492: {  	s24 =	simm.s32 $0x1980;
	[tilespmem:$0x1F6A0] =	vst v26;
	[sflag:s11] =	ssyncadd.s32 @!p0 $0xFFFFE000;
	s11 =	simm.s32 $0x0  }
.LBB2_13:
0x493: {  	v0 =	vld [tilespmem:s25+$0x0]  }
0x494: {  	v1 =	vld [tilespmem:s24+$0x0];
	_ =	sdelay $0x3  }
0x495: {  	v4 =	vlaneseq.u32;
	v0 =	vshll.u32 v0, $0x9  }
0x496: {  	v2 =	vor.u32 s11, v4;
	v0 =	vadd.s32 v1, v0  }
0x497: {  	[tilespmem:$0x1F650] =	vst v2;
	v3 =	vshll.u32 v2, $0x6;
	v2 =	vmul.u32 $0x48, v0  }
0x498: {  	v8 =	vor.u32 v4, v3  }
0x499: {  	v9 =	vadd.s32 v4, v2;
	_ =	sdelay $0x2  }
0x49a: {  	v5 =	vld [tilespmem:$0x1FB30]  }
0x49b: {  	v0 =	vld.idx.msk [tilespmem:v8+s26+$0x0], $0xffff  }
0x49c: {  	v1 =	vld.idx.msk [tilespmem:v9+s21+$0x0], $0xffff;
	_ =	sdelay $0x2  }
0x49d: {  	v10 =	vor.u32 v5, v3  }
0x49e: {  	v5 =	vadd.s32 v5, v2  }
0x49f: {  	v63 =	vadd.f32 v1, v0;
	_ =	sdelay $0x1  }
0x4a0: {  	v13 =	vld [tilespmem:$0x1FB40];
	[tilespmem:$0x1C400] =	vst v63  }
0x4a1: {  	v11 =	vld.idx.msk [tilespmem:v10+s26+$0x0], $0xffff  }
0x4a2: {  	v12 =	vld.idx.msk [tilespmem:v5+s21+$0x0], $0xffff;
	_ =	sdelay $0x2  }
0x4a3: {  	v14 =	vor.u32 v13, v3  }
0x4a4: {  	v6 =	vadd.s32 v13, v2  }
0x4a5: {  	v4 =	vadd.f32 v12, v11;
	_ =	sdelay $0x1  }
0x4a6: {  	v26 =	vld [tilespmem:$0x1FB50];
	[tilespmem:$0x1C410] =	vst v4  }
0x4a7: {  	v15 =	vld.idx.msk [tilespmem:v14+s26+$0x0], $0xffff  }
0x4a8: {  	v28 =	vld.idx.msk [tilespmem:v6+s21+$0x0], $0xffff;
	_ =	sdelay $0x2  }
0x4a9: {  	v29 =	vor.u32 v26, v3  }
0x4aa: {  	v7 =	vadd.s32 v26, v2  }
0x4ab: {  	v5 =	vadd.f32 v28, v15;
	_ =	sdelay $0x1  }
0x4ac: {  	v23 =	vld [tilespmem:$0x1FB60];
	[tilespmem:$0x1C420] =	vst v5  }
0x4ad: {  	v30 =	vld.idx.msk [tilespmem:v29+s26+$0x0], $0xffff  }
0x4ae: {  	v31 =	vld.idx.msk [tilespmem:v7+s21+$0x0], $0xffff;
	_ =	sdelay $0x2  }
0x4af: {  	v32 =	vor.u32 v23, v3  }
0x4b0: {  	v8 =	vadd.s32 v23, v2  }
0x4b1: {  	v6 =	vadd.f32 v31, v30;
	_ =	sdelay $0x1  }
0x4b2: {  	v24 =	vld [tilespmem:$0x1FB70];
	[tilespmem:$0x1C430] =	vst v6  }
0x4b3: {  	v33 =	vld.idx.msk [tilespmem:v32+s26+$0x0], $0xffff  }
0x4b4: {  	v55 =	vld.idx.msk [tilespmem:v8+s21+$0x0], $0xffff;
	_ =	sdelay $0x2  }
0x4b5: {  	v1 =	vor.u32 v24, v3  }
0x4b6: {  	v9 =	vadd.s32 v24, v2  }
0x4b7: {  	v7 =	vadd.f32 v55, v33;
	_ =	sdelay $0x1  }
0x4b8: {  	v22 =	vld [tilespmem:$0x1FB90];
	[tilespmem:$0x1C440] =	vst v7  }
0x4b9: {  	v12 =	vld.idx.msk [tilespmem:v1+s26+$0x0], $0xffff  }
0x4ba: {  	v13 =	vld.idx.msk [tilespmem:v9+s21+$0x0], $0xffff;
	_ =	sdelay $0x2  }
0x4bb: {  	v14 =	vor.u32 v22, v3  }
0x4bc: {  	v10 =	vadd.s32 v22, v2  }
0x4bd: {  	v8 =	vadd.f32 v13, v12;
	_ =	sdelay $0x1  }
0x4be: {  	v25 =	vld [tilespmem:$0x1FBA0];
	[tilespmem:$0x1C450] =	vst v8  }
0x4bf: {  	v15 =	vld.idx.msk [tilespmem:v14+s26+$0x0], $0xffff  }
0x4c0: {  	v28 =	vld.idx.msk [tilespmem:v10+s21+$0x0], $0xffff;
	_ =	sdelay $0x2  }
0x4c1: {  	v29 =	vor.u32 v25, v3  }
0x4c2: {  	v11 =	vadd.s32 v25, v2  }
0x4c3: {  	v9 =	vadd.f32 v28, v15;
	_ =	sdelay $0x1  }
0x4c4: {  	v32 =	vld [tilespmem:$0x1FB80];
	[tilespmem:$0x1C460] =	vst v9  }
0x4c5: {  	v30 =	vld.idx.msk [tilespmem:v29+s26+$0x0], $0xffff  }
0x4c6: {  	v31 =	vld.idx.msk [tilespmem:v11+s21+$0x0], $0xffff;
	_ =	sdelay $0x2  }
0x4c7: {  	v33 =	vor.u32 v32, v3  }
0x4c8: {  	v12 =	vadd.s32 v32, v2  }
0x4c9: {  	v10 =	vadd.f32 v31, v30;
	_ =	sdelay $0x1  }
0x4ca: {  	v27 =	vld [tilespmem:$0x1FBB0];
	[tilespmem:$0x1C470] =	vst v10  }
0x4cb: {  	v55 =	vld.idx.msk [tilespmem:v33+s26+$0x0], $0xffff  }
0x4cc: {  	v1 =	vld.idx.msk [tilespmem:v12+s21+$0x0], $0xffff;
	_ =	sdelay $0x2  }
0x4cd: {  	v26 =	vor.u32 v27, v3  }
0x4ce: {  	v13 =	vadd.s32 v27, v2  }
0x4cf: {  	v11 =	vadd.f32 v1, v55;
	_ =	sdelay $0x1  }
0x4d0: {  	v29 =	vld [tilespmem:$0x1FBC0];
	[tilespmem:$0x1C480] =	vst v11  }
0x4d1: {  	v27 =	vld.idx.msk [tilespmem:v26+s26+$0x0], $0xffff  }
0x4d2: {  	v28 =	vld.idx.msk [tilespmem:v13+s21+$0x0], $0xffff;
	_ =	sdelay $0x2  }
0x4d3: {  	v30 =	vor.u32 v29, v3  }
0x4d4: {  	v14 =	vadd.s32 v29, v2  }
0x4d5: {  	v12 =	vadd.f32 v28, v27;
	_ =	sdelay $0x1  }
0x4d6: {  	v33 =	vld [tilespmem:$0x1FBD0];
	[tilespmem:$0x1C490] =	vst v12  }
0x4d7: {  	v31 =	vld.idx.msk [tilespmem:v30+s26+$0x0], $0xffff  }
0x4d8: {  	v32 =	vld.idx.msk [tilespmem:v14+s21+$0x0], $0xffff;
	_ =	sdelay $0x2  }
0x4d9: {  	v55 =	vor.u32 v33, v3  }
0x4da: {  	v15 =	vadd.s32 v33, v2  }
0x4db: {  	v0 =	vadd.f32 v32, v31;
	_ =	sdelay $0x1  }
0x4dc: {  	v29 =	vld [tilespmem:$0x1FBE0];
	[tilespmem:$0x1C4A0] =	vst v0  }
0x4dd: {  	[tilespmem:$0x1F640] =	vst v0;
	v0 =	vld.idx.msk [tilespmem:v55+s26+$0x0], $0xffff  }
0x4de: {  	v24 =	vld.idx.msk [tilespmem:v15+s21+$0x0], $0xffff;
	_ =	sdelay $0x2  }
0x4df: {  	v25 =	vor.u32 v29, v3  }
0x4e0: {  	v16 =	vadd.s32 v29, v2  }
0x4e1: {  	v14 =	vadd.f32 v24, v0;
	_ =	sdelay $0x1  }
0x4e2: {  	v31 =	vld [tilespmem:$0x1FBF0];
	[tilespmem:$0x1C4B0] =	vst v14  }
0x4e3: {  	v26 =	vld.idx.msk [tilespmem:v25+s26+$0x0], $0xffff  }
0x4e4: {  	v27 =	vld.idx.msk [tilespmem:v16+s21+$0x0], $0xffff;
	_ =	sdelay $0x2  }
0x4e5: {  	v16 =	vor.u32 v31, v3  }
0x4e6: {  	v17 =	vadd.s32 v31, v2  }
0x4e7: {  	v13 =	vadd.f32 v27, v26;
	_ =	sdelay $0x1  }
0x4e8: {  	v55 =	vld [tilespmem:$0x1FC00];
	[tilespmem:$0x1C4C0] =	vst v13  }
0x4e9: {  	v33 =	vld.idx.msk [tilespmem:v16+s26+$0x0], $0xffff  }
0x4ea: {  	v16 =	vld.idx.msk [tilespmem:v17+s21+$0x0], $0xffff;
	_ =	sdelay $0x2  }
0x4eb: {  	v17 =	vor.u32 v55, v3  }
0x4ec: {  	v18 =	vadd.s32 v55, v2  }
0x4ed: {  	v16 =	vadd.f32 v16, v33;
	_ =	sdelay $0x1  }
0x4ee: {  	v33 =	vld [tilespmem:$0x1FC10];
	[tilespmem:$0x1C4D0] =	vst v16  }
0x4ef: {  	v24 =	vld.idx.msk [tilespmem:v17+s26+$0x0], $0xffff  }
0x4f0: {  	v17 =	vld.idx.msk [tilespmem:v18+s21+$0x0], $0xffff;
	_ =	sdelay $0x2  }
0x4f1: {  	v18 =	vor.u32 v33, v3  }
0x4f2: {  	v59 =	vmov v19;
	v19 =	vadd.s32 v33, v2  }
0x4f3: {  	v15 =	vadd.f32 v17, v24;
	_ =	sdelay $0x1  }
0x4f4: {  	[tilespmem:$0x1C4E0] =	vst v15  }
0x4f5: {  	v25 =	vld.idx.msk [tilespmem:v18+s26+$0x0], $0xffff  }
0x4f6: {  	v18 =	vld.idx.msk [tilespmem:v19+s21+$0x0], $0xffff;
	_ =	sdelay $0x2  }
0x4f7: {  	v19 =	vor.u32 v47, v3  }
0x4f8: {  	v61 =	vmov v20;
	v20 =	vadd.s32 v47, v2  }
0x4f9: {  	v18 =	vadd.f32 v18, v25;
	_ =	sdelay $0x1  }
0x4fa: {  	[tilespmem:$0x1C4F0] =	vst v18  }
0x4fb: {  	v26 =	vld.idx.msk [tilespmem:v19+s26+$0x0], $0xffff  }
0x4fc: {  	v19 =	vld.idx.msk [tilespmem:v20+s21+$0x0], $0xffff;
	_ =	sdelay $0x2  }
0x4fd: {  	v20 =	vor.u32 v34, v3  }
0x4fe: {  	v60 =	vmov v21;
	v21 =	vadd.s32 v34, v2  }
0x4ff: {  	v19 =	vadd.f32 v19, v26;
	_ =	sdelay $0x1  }
0x500: {  	v28 =	vld [tilespmem:$0x1FFF0];
	[tilespmem:$0x1C500] =	vst v19  }
0x501: {  	v27 =	vld.idx.msk [tilespmem:v20+s26+$0x0], $0xffff  }
0x502: {  	v20 =	vld.idx.msk [tilespmem:v21+s21+$0x0], $0xffff;
	_ =	sdelay $0x2  }
0x503: {  	v21 =	vor.u32 v28, v3  }
0x504: {  	v23 =	vadd.s32 v28, v2  }
0x505: {  	v20 =	vadd.f32 v20, v27;
	_ =	sdelay $0x1  }
0x506: {  	[tilespmem:$0x1C510] =	vst v20  }
0x507: {  	v29 =	vld.idx.msk [tilespmem:v21+s26+$0x0], $0xffff  }
0x508: {  	v21 =	vld.idx.msk [tilespmem:v23+s21+$0x0], $0xffff;
	_ =	sdelay $0x2  }
0x509: {  	v23 =	vor.u32 v61, v3  }
0x50a: {  	v30 =	vadd.s32 v61, v2  }
0x50b: {  	v21 =	vadd.f32 v21, v29;
	_ =	sdelay $0x1  }
0x50c: {  	[tilespmem:$0x1C520] =	vst v21  }
0x50d: {  	v31 =	vld.idx.msk [tilespmem:v23+s26+$0x0], $0xffff  }
0x50e: {  	v23 =	vld.idx.msk [tilespmem:v30+s21+$0x0], $0xffff;
	_ =	sdelay $0x2  }
0x50f: {  	v32 =	vor.u32 v59, v3  }
0x510: {  	v33 =	vadd.s32 v59, v2  }
0x511: {  	v23 =	vadd.f32 v23, v31;
	_ =	sdelay $0x1  }
0x512: {  	[tilespmem:$0x1C530] =	vst v23  }
0x513: {  	v34 =	vld.idx.msk [tilespmem:v32+s26+$0x0], $0xffff  }
0x514: {  	v47 =	vld.idx.msk [tilespmem:v33+s21+$0x0], $0xffff;
	_ =	sdelay $0x2  }
0x515: {  	v55 =	vor.u32 v52, v3  }
0x516: {  	v59 =	vadd.s32 v52, v2  }
0x517: {  	v24 =	vadd.f32 v47, v34;
	_ =	sdelay $0x1  }
0x518: {  	[tilespmem:$0x1C540] =	vst v24  }
0x519: {  	v61 =	vld.idx.msk [tilespmem:v55+s26+$0x0], $0xffff  }
0x51a: {  	v1 =	vld.idx.msk [tilespmem:v59+s21+$0x0], $0xffff;
	_ =	sdelay $0x2  }
0x51b: {  	v30 =	vor.u32 v60, v3  }
0x51c: {  	v31 =	vadd.s32 v60, v2  }
0x51d: {  	v25 =	vadd.f32 v1, v61;
	_ =	sdelay $0x1  }
0x51e: {  	[tilespmem:$0x1C550] =	vst v25  }
0x51f: {  	v32 =	vld.idx.msk [tilespmem:v30+s26+$0x0], $0xffff  }
0x520: {  	v33 =	vld.idx.msk [tilespmem:v31+s21+$0x0], $0xffff;
	_ =	sdelay $0x2  }
0x521: {  	v34 =	vor.u32 v62, v3  }
0x522: {  	v28 =	vadd.s32 v62, v2  }
0x523: {  	v26 =	vadd.f32 v33, v32;
	_ =	sdelay $0x1  }
0x524: {  	[tilespmem:$0x1C560] =	vst v26  }
0x525: {  	v47 =	vld.idx.msk [tilespmem:v34+s26+$0x0], $0xffff  }
0x526: {  	v52 =	vld.idx.msk [tilespmem:v28+s21+$0x0], $0xffff;
	_ =	sdelay $0x2  }
0x527: {  	v55 =	vor.u32 v58, v3  }
0x528: {  	v58 =	vadd.s32 v58, v2  }
0x529: {  	v27 =	vadd.f32 v52, v47;
	_ =	sdelay $0x1  }
0x52a: {  	[tilespmem:$0x1C570] =	vst v27  }
0x52b: {  	v59 =	vld.idx.msk [tilespmem:v55+s26+$0x0], $0xffff  }
0x52c: {  	v60 =	vld.idx.msk [tilespmem:v58+s21+$0x0], $0xffff;
	_ =	sdelay $0x2  }
0x52d: {  	v61 =	vor.u32 v57, v3  }
0x52e: {  	v30 =	vadd.s32 v57, v2  }
0x52f: {  	v28 =	vadd.f32 v60, v59;
	_ =	sdelay $0x1  }
0x530: {  	[tilespmem:$0x1C580] =	vst v28  }
0x531: {  	v62 =	vld.idx.msk [tilespmem:v61+s26+$0x0], $0xffff  }
0x532: {  	v33 =	vld.idx.msk [tilespmem:v30+s21+$0x0], $0xffff;
	_ =	sdelay $0x2  }
0x533: {  	v34 =	vor.u32 v35, v3  }
0x534: {  	v47 =	vadd.s32 v35, v2  }
0x535: {  	v29 =	vadd.f32 v33, v62;
	_ =	sdelay $0x1  }
0x536: {  	[tilespmem:$0x1C590] =	vst v29  }
0x537: {  	v52 =	vld.idx.msk [tilespmem:v34+s26+$0x0], $0xffff  }
0x538: {  	v55 =	vld.idx.msk [tilespmem:v47+s21+$0x0], $0xffff;
	_ =	sdelay $0x2  }
0x539: {  	v22 =	vmov v57;
	v57 =	vor.u32 v36, v3  }
0x53a: {  	v32 =	vadd.s32 v36, v2  }
0x53b: {  	v30 =	vadd.f32 v55, v52;
	_ =	sdelay $0x1  }
0x53c: {  	[tilespmem:$0x1C5A0] =	vst v30  }
0x53d: {  	v58 =	vld.idx.msk [tilespmem:v57+s26+$0x0], $0xffff  }
0x53e: {  	v59 =	vld.idx.msk [tilespmem:v32+s21+$0x0], $0xffff;
	_ =	sdelay $0x2  }
0x53f: {  	v60 =	vor.u32 v37, v3  }
0x540: {  	v61 =	vadd.s32 v37, v2  }
0x541: {  	v31 =	vadd.f32 v59, v58;
	_ =	sdelay $0x1  }
0x542: {  	[tilespmem:$0x1C5B0] =	vst v31  }
0x543: {  	v62 =	vld.idx.msk [tilespmem:v60+s26+$0x0], $0xffff  }
0x544: {  	v36 =	vld.idx.msk [tilespmem:v61+s21+$0x0], $0xffff;
	_ =	sdelay $0x2  }
0x545: {  	v37 =	vor.u32 v38, v3  }
0x546: {  	v47 =	vadd.s32 v38, v2  }
0x547: {  	v32 =	vadd.f32 v36, v62;
	_ =	sdelay $0x1  }
0x548: {  	[tilespmem:$0x1C5C0] =	vst v32  }
0x549: {  	v52 =	vld.idx.msk [tilespmem:v37+s26+$0x0], $0xffff  }
0x54a: {  	v55 =	vld.idx.msk [tilespmem:v47+s21+$0x0], $0xffff;
	_ =	sdelay $0x2  }
0x54b: {  	v57 =	vor.u32 v39, v3  }
0x54c: {  	v58 =	vadd.s32 v39, v2  }
0x54d: {  	v33 =	vadd.f32 v55, v52;
	_ =	sdelay $0x1  }
0x54e: {  	[tilespmem:$0x1C5D0] =	vst v33  }
0x54f: {  	v59 =	vld.idx.msk [tilespmem:v57+s26+$0x0], $0xffff  }
0x550: {  	v60 =	vld.idx.msk [tilespmem:v58+s21+$0x0], $0xffff;
	_ =	sdelay $0x2  }
0x551: {  	v61 =	vor.u32 v40, v3  }
0x552: {  	v62 =	vadd.s32 v40, v2  }
0x553: {  	v34 =	vadd.f32 v60, v59;
	_ =	sdelay $0x1  }
0x554: {  	v52 =	vld [tilespmem:$0x1FCA0];
	[tilespmem:$0x1C5E0] =	vst v34  }
0x555: {  	v40 =	vld.idx.msk [tilespmem:v61+s26+$0x0], $0xffff  }
0x556: {  	v47 =	vld.idx.msk [tilespmem:v62+s21+$0x0], $0xffff;
	_ =	sdelay $0x2  }
0x557: {  	v55 =	vor.u32 v52, v3  }
0x558: {  	v57 =	vadd.s32 v52, v2  }
0x559: {  	v35 =	vadd.f32 v47, v40;
	_ =	sdelay $0x1  }
0x55a: {  	[tilespmem:$0x1C5F0] =	vst v35  }
0x55b: {  	v58 =	vld.idx.msk [tilespmem:v55+s26+$0x0], $0xffff  }
0x55c: {  	v59 =	vld.idx.msk [tilespmem:v57+s21+$0x0], $0xffff;
	_ =	sdelay $0x2  }
0x55d: {  	v60 =	vor.u32 v41, v3  }
0x55e: {  	v61 =	vadd.s32 v41, v2  }
0x55f: {  	v36 =	vadd.f32 v59, v58;
	_ =	sdelay $0x1  }
0x560: {  	[tilespmem:$0x1C600] =	vst v36  }
0x561: {  	v62 =	vld.idx.msk [tilespmem:v60+s26+$0x0], $0xffff  }
0x562: {  	v47 =	vld.idx.msk [tilespmem:v61+s21+$0x0], $0xffff;
	_ =	sdelay $0x2  }
0x563: {  	v52 =	vor.u32 v42, v3  }
0x564: {  	v55 =	vadd.s32 v42, v2  }
0x565: {  	v37 =	vadd.f32 v47, v62;
	_ =	sdelay $0x1  }
0x566: {  	[tilespmem:$0x1C610] =	vst v37  }
0x567: {  	v57 =	vld.idx.msk [tilespmem:v52+s26+$0x0], $0xffff  }
0x568: {  	v58 =	vld.idx.msk [tilespmem:v55+s21+$0x0], $0xffff;
	_ =	sdelay $0x2  }
0x569: {  	v59 =	vor.u32 v43, v3  }
0x56a: {  	v60 =	vadd.s32 v43, v2  }
0x56b: {  	v38 =	vadd.f32 v58, v57;
	_ =	sdelay $0x1  }
0x56c: {  	[tilespmem:$0x1C620] =	vst v38  }
0x56d: {  	v61 =	vld.idx.msk [tilespmem:v59+s26+$0x0], $0xffff  }
0x56e: {  	v62 =	vld.idx.msk [tilespmem:v60+s21+$0x0], $0xffff;
	_ =	sdelay $0x2  }
0x56f: {  	v1 =	vor.u32 v44, v3  }
0x570: {  	v44 =	vadd.s32 v44, v2  }
0x571: {  	v39 =	vadd.f32 v62, v61;
	_ =	sdelay $0x1  }
0x572: {  	[tilespmem:$0x1C630] =	vst v39  }
0x573: {  	v47 =	vld.idx.msk [tilespmem:v1+s26+$0x0], $0xffff  }
0x574: {  	v52 =	vld.idx.msk [tilespmem:v44+s21+$0x0], $0xffff;
	_ =	sdelay $0x2  }
0x575: {  	v55 =	vor.u32 v45, v3  }
0x576: {  	v57 =	vadd.s32 v45, v2  }
0x577: {  	v40 =	vadd.f32 v52, v47;
	_ =	sdelay $0x1  }
0x578: {  	[tilespmem:$0x1C640] =	vst v40  }
0x579: {  	v58 =	vld.idx.msk [tilespmem:v55+s26+$0x0], $0xffff  }
0x57a: {  	v59 =	vld.idx.msk [tilespmem:v57+s21+$0x0], $0xffff;
	_ =	sdelay $0x2  }
0x57b: {  	v60 =	vor.u32 v46, v3  }
0x57c: {  	v61 =	vadd.s32 v46, v2  }
0x57d: {  	v41 =	vadd.f32 v59, v58;
	_ =	sdelay $0x1  }
0x57e: {  	[tilespmem:$0x1C650] =	vst v41  }
0x57f: {  	v62 =	vld.idx.msk [tilespmem:v60+s26+$0x0], $0xffff  }
0x580: {  	v52 =	vld.idx.msk [tilespmem:v61+s21+$0x0], $0xffff;
	_ =	sdelay $0x2  }
0x581: {  	v55 =	vor.u32 v48, v3  }
0x582: {  	v57 =	vadd.s32 v48, v2  }
0x583: {  	v42 =	vadd.f32 v52, v62;
	_ =	sdelay $0x1  }
0x584: {  	[tilespmem:$0x1C660] =	vst v42  }
0x585: {  	v58 =	vld.idx.msk [tilespmem:v55+s26+$0x0], $0xffff  }
0x586: {  	v59 =	vld.idx.msk [tilespmem:v57+s21+$0x0], $0xffff;
	_ =	sdelay $0x2  }
0x587: {  	v60 =	vor.u32 v49, v3  }
0x588: {  	v61 =	vadd.s32 v49, v2  }
0x589: {  	v43 =	vadd.f32 v59, v58;
	_ =	sdelay $0x1  }
0x58a: {  	[tilespmem:$0x1C670] =	vst v43  }
0x58b: {  	v62 =	vld.idx.msk [tilespmem:v60+s26+$0x0], $0xffff  }
0x58c: {  	v48 =	vld.idx.msk [tilespmem:v61+s21+$0x0], $0xffff;
	_ =	sdelay $0x2  }
0x58d: {  	v49 =	vor.u32 v50, v3  }
0x58e: {  	v50 =	vadd.s32 v50, v2  }
0x58f: {  	v44 =	vadd.f32 v48, v62;
	_ =	sdelay $0x1  }
0x590: {  	[tilespmem:$0x1C680] =	vst v44  }
0x591: {  	v52 =	vld.idx.msk [tilespmem:v49+s26+$0x0], $0xffff  }
0x592: {  	v55 =	vld.idx.msk [tilespmem:v50+s21+$0x0], $0xffff;
	_ =	sdelay $0x2  }
0x593: {  	v57 =	vor.u32 v51, v3  }
0x594: {  	v58 =	vadd.s32 v51, v2  }
0x595: {  	v45 =	vadd.f32 v55, v52;
	_ =	sdelay $0x1  }
0x596: {  	[tilespmem:$0x1C690] =	vst v45  }
0x597: {  	v59 =	vld.idx.msk [tilespmem:v57+s26+$0x0], $0xffff  }
0x598: {  	v60 =	vld.idx.msk [tilespmem:v58+s21+$0x0], $0xffff;
	_ =	sdelay $0x2  }
0x599: {  	v61 =	vor.u32 v53, v3  }
0x59a: {  	v62 =	vadd.s32 v53, v2  }
0x59b: {  	v46 =	vadd.f32 v60, v59;
	_ =	sdelay $0x1  }
0x59c: {  	[tilespmem:$0x1C6A0] =	vst v46  }
0x59d: {  	v52 =	vld.idx.msk [tilespmem:v61+s26+$0x0], $0xffff  }
0x59e: {  	v53 =	vld.idx.msk [tilespmem:v62+s21+$0x0], $0xffff;
	_ =	sdelay $0x2  }
0x59f: {  	v55 =	vor.u32 v54, v3  }
0x5a0: {  	v57 =	vadd.s32 v54, v2  }
0x5a1: {  	v17 =	vadd.f32 v53, v52;
	_ =	sdelay $0x1  }
0x5a2: {  	v60 =	vld [tilespmem:$0x1F960];
	[tilespmem:$0x1C6B0] =	vst v17  }
0x5a3: {  	v58 =	vld.idx.msk [tilespmem:v55+s26+$0x0], $0xffff  }
0x5a4: {  	v59 =	vld.idx.msk [tilespmem:v57+s21+$0x0], $0xffff;
	_ =	sdelay $0x2  }
0x5a5: {  	v61 =	vor.u32 v60, v3  }
0x5a6: {  	v62 =	vadd.s32 v60, v2  }
0x5a7: {  	v47 =	vadd.f32 v59, v58;
	_ =	sdelay $0x1  }
0x5a8: {  	[tilespmem:$0x1C6C0] =	vst v47  }
0x5a9: {  	v0 =	vld.idx.msk [tilespmem:v61+s26+$0x0], $0xffff  }
0x5aa: {  	v1 =	vld.idx.msk [tilespmem:v62+s21+$0x0], $0xffff;
	_ =	sdelay $0x2  }
0x5ab: {  	v54 =	vor.u32 v56, v3  }
0x5ac: {  	v55 =	vadd.s32 v56, v2  }
0x5ad: {  	v48 =	vadd.f32 v1, v0  }
0x5ae: {  	v60 =	vld [tilespmem:$0x1F9F0]  }
0x5af: {  	v58 =	vld [tilespmem:$0x1F9F0];
	[tilespmem:$0x1C6D0] =	vst v48  }
0x5b0: {  	v56 =	vld.idx.msk [tilespmem:v54+s26+$0x0], $0xffff  }
0x5b1: {  	v57 =	vld.idx.msk [tilespmem:v55+s21+$0x0], $0xffff;
	_ =	sdelay $0x2  }
0x5b2: {  	v59 =	vor.u32 v58, v3  }
0x5b3: {  	v61 =	vadd.s32 v60, v2  }
0x5b4: {  	v49 =	vadd.f32 v57, v56;
	_ =	sdelay $0x1  }
0x5b5: {  	v57 =	vld [tilespmem:$0x1FCB0];
	[tilespmem:$0x1C6E0] =	vst v49  }
0x5b6: {  	v62 =	vld.idx.msk [tilespmem:v59+s26+$0x0], $0xffff  }
0x5b7: {  	v56 =	vld.idx.msk [tilespmem:v61+s21+$0x0], $0xffff;
	_ =	sdelay $0x2  }
0x5b8: {  	v58 =	vor.u32 v57, v3  }
0x5b9: {  	v59 =	vadd.s32 v57, v2  }
0x5ba: {  	v50 =	vadd.f32 v56, v62;
	_ =	sdelay $0x1  }
0x5bb: {  	v62 =	vld [tilespmem:$0x1F940];
	[tilespmem:$0x1C6F0] =	vst v50  }
0x5bc: {  	v60 =	vld.idx.msk [tilespmem:v58+s26+$0x0], $0xffff  }
0x5bd: {  	v61 =	vld.idx.msk [tilespmem:v59+s21+$0x0], $0xffff;
	_ =	sdelay $0x2  }
0x5be: {  	v1 =	vor.u32 v62, v3  }
0x5bf: {  	v57 =	vadd.s32 v62, v2  }
0x5c0: {  	v51 =	vadd.f32 v61, v60;
	_ =	sdelay $0x1  }
0x5c1: {  	v60 =	vld [tilespmem:$0x1F950];
	[tilespmem:$0x1C700] =	vst v51  }
0x5c2: {  	v58 =	vld.idx.msk [tilespmem:v1+s26+$0x0], $0xffff  }
0x5c3: {  	v59 =	vld.idx.msk [tilespmem:v57+s21+$0x0], $0xffff;
	_ =	sdelay $0x2  }
0x5c4: {  	v61 =	vor.u32 v60, v3  }
0x5c5: {  	v55 =	vadd.s32 v60, v2  }
0x5c6: {  	v52 =	vadd.f32 v59, v58;
	_ =	sdelay $0x1  }
0x5c7: {  	v59 =	vld [tilespmem:$0x1F990];
	[tilespmem:$0x1C710] =	vst v52  }
0x5c8: {  	v53 =	vld.idx.msk [tilespmem:v61+s26+$0x0], $0xffff  }
0x5c9: {  	v62 =	vld.idx.msk [tilespmem:v55+s21+$0x0], $0xffff;
	_ =	sdelay $0x2  }
0x5ca: {  	v60 =	vor.u32 v59, v3  }
0x5cb: {  	v61 =	vadd.s32 v59, v2  }
0x5cc: {  	v53 =	vadd.f32 v62, v53;
	_ =	sdelay $0x1  }
0x5cd: {  	v62 =	vld [tilespmem:$0x1F720];
	[tilespmem:$0x1C720] =	vst v53  }
0x5ce: {  	v54 =	vld.idx.msk [tilespmem:v60+s26+$0x0], $0xffff  }
0x5cf: {  	v55 =	vld.idx.msk [tilespmem:v61+s21+$0x0], $0xffff;
	_ =	sdelay $0x2  }
0x5d0: {  	v60 =	vor.u32 v62, v3  }
0x5d1: {  	v61 =	vadd.s32 v62, v2  }
0x5d2: {  	v54 =	vadd.f32 v55, v54;
	_ =	sdelay $0x1  }
0x5d3: {  	v62 =	vld [tilespmem:$0x1F710];
	[tilespmem:$0x1C730] =	vst v54  }
0x5d4: {  	v55 =	vld.idx.msk [tilespmem:v60+s26+$0x0], $0xffff  }
0x5d5: {  	v56 =	vld.idx.msk [tilespmem:v61+s21+$0x0], $0xffff;
	_ =	sdelay $0x2  }
0x5d6: {  	v60 =	vor.u32 v62, v3  }
0x5d7: {  	v61 =	vadd.s32 v62, v2  }
0x5d8: {  	v55 =	vadd.f32 v56, v55;
	_ =	sdelay $0x1  }
0x5d9: {  	v62 =	vld [tilespmem:$0x1F700];
	[tilespmem:$0x1C740] =	vst v55  }
0x5da: {  	v56 =	vld.idx.msk [tilespmem:v60+s26+$0x0], $0xffff  }
0x5db: {  	v57 =	vld.idx.msk [tilespmem:v61+s21+$0x0], $0xffff;
	_ =	sdelay $0x2  }
0x5dc: {  	v60 =	vor.u32 v62, v3  }
0x5dd: {  	v61 =	vadd.s32 v62, v2  }
0x5de: {  	v56 =	vadd.f32 v57, v56;
	_ =	sdelay $0x1  }
0x5df: {  	v62 =	vld [tilespmem:$0x1F6F0];
	[tilespmem:$0x1C750] =	vst v56  }
0x5e0: {  	v57 =	vld.idx.msk [tilespmem:v60+s26+$0x0], $0xffff  }
0x5e1: {  	v58 =	vld.idx.msk [tilespmem:v61+s21+$0x0], $0xffff;
	_ =	sdelay $0x2  }
0x5e2: {  	v1 =	vor.u32 v62, v3  }
0x5e3: {  	v0 =	vadd.s32 v62, v2  }
0x5e4: {  	v57 =	vadd.f32 v58, v57;
	_ =	sdelay $0x1  }
0x5e5: {  	v61 =	vld [tilespmem:$0x1F6E0];
	[tilespmem:$0x1C760] =	vst v57  }
0x5e6: {  	v58 =	vld.idx.msk [tilespmem:v1+s26+$0x0], $0xffff  }
0x5e7: {  	v59 =	vld.idx.msk [tilespmem:v0+s21+$0x0], $0xffff;
	_ =	sdelay $0x2  }
0x5e8: {  	v60 =	vor.u32 v61, v3;
	_ =	sdelay $0x1  }
0x5e9: {  	v61 =	vadd.s32 v61, v2;
	v58 =	vadd.f32 v59, v58;
	v59 =	vadd.f32 $0.0e+00, v63  }
0x5ea: {  	v0 =	vmov v22;
	v1 =	vadd.f32 $0.0e+00, v4;
	v22 =	vmul.f32 v5, v5  }
0x5eb: {  	v4 =	vmul.f32 v4, v4;
	[tilespmem:$0x1C770] =	vst v58;
	v5 =	vadd.f32 v5, v59;
	v59 =	vmul.f32 v6, v6  }
0x5ec: {  	v60 =	vld.idx.msk [tilespmem:v60+s26+$0x0], $0xffff  }
0x5ed: {  	v62 =	vmul.f32 v63, v63;
	v59 =	vadd.f32 v59, v4;
	v4 =	vld [tilespmem:$0x1F6D0]  }
0x5ee: {  	v61 =	vld.idx.msk [tilespmem:v61+s21+$0x0], $0xffff  }
0x5ef: {  	v22 =	vadd.f32 v22, v62;
	v6 =	vadd.f32 v6, v1;
	v1 =	vmul.f32 v7, v7;
	_ =	sdelay $0x1  }
0x5f0: {  	v5 =	vadd.f32 v7, v5;
	v22 =	vadd.f32 v1, v22  }
0x5f1: {  	[tilespmem:$0x1F660] =	vst v63;
	v1 =	vmul.f32 v8, v8;
	v6 =	vadd.f32 v8, v6;
	v63 =	vadd.s32 v4, v2  }
0x5f2: {  	v7 =	vor.u32 v4, v3;
	v4 =	vadd.f32 v61, v60;
	v61 =	vmul.f32 v9, v9  }
0x5f3: {  	v59 =	vadd.f32 v1, v59  }
0x5f4: {  	v6 =	vadd.f32 v10, v6;
	v60 =	vmovc v0;
	v0 =	vmul.f32 v10, v10;
	v8 =	vadd.f32 v61, v22;
	v61 =	vld [tilespmem:$0x1F640]  }
0x5f5: {  	v5 =	vadd.f32 v9, v5;
	[tilespmem:$0x1C780] =	vst v4  }
0x5f6: {  	v6 =	vadd.f32 v12, v6;
	v9 =	vadd.f32 v0, v59;
	v59 =	vmul.f32 v12, v12;
	v12 =	vld.idx.msk [tilespmem:v63+s21+$0x0], $0xffff  }
0x5f7: {  	v1 =	vmul.f32 v11, v11;
	v63 =	vld [tilespmem:$0x1F6C0]  }
0x5f8: {  	v5 =	vadd.f32 v11, v5;
	v0 =	vmul.f32 v14, v14;
	v9 =	vadd.f32 v59, v9  }
0x5f9: {  	v6 =	vadd.f32 v14, v6;
	v8 =	vadd.f32 v1, v8;
	v7 =	vld.idx.msk [tilespmem:v7+s26+$0x0], $0xffff;
	v62 =	vmul.f32 v61, v61  }
0x5fa: {  	v9 =	vadd.f32 v0, v9;
	v0 =	vmul.f32 v16, v16;
	v5 =	vadd.f32 v61, v5  }
0x5fb: {  	v6 =	vadd.f32 v16, v6;
	v1 =	vmul.f32 v13, v13;
	v8 =	vadd.f32 v62, v8  }
0x5fc: {  	v9 =	vadd.f32 v0, v9;
	v59 =	vadd.f32 v13, v5;
	v62 =	vor.u32 v63, v3  }
0x5fd: {  	v14 =	vadd.s32 v63, v2;
	v8 =	vadd.f32 v1, v8;
	v1 =	vmul.f32 v15, v15  }
0x5fe: {  	v5 =	vadd.f32 v12, v7;
	v12 =	vadd.f32 v15, v59;
	v15 =	vmul.f32 v18, v18  }
0x5ff: {  	v6 =	vadd.f32 v18, v6;
	v59 =	vmul.f32 v19, v19;
	v7 =	vadd.f32 v1, v8  }
0x600: {  	v61 =	vmul.f32 v20, v20;
	[tilespmem:$0x1C790] =	vst v5;
	v9 =	vadd.f32 v15, v9;
	v10 =	vadd.f32 v19, v12;
	v15 =	vld [tilespmem:$0x1F670]  }
0x601: {  	v6 =	vadd.f32 v20, v6;
	v12 =	vld.idx.msk [tilespmem:v62+s26+$0x0], $0xffff;
	v7 =	vadd.f32 v59, v7;
	v62 =	vmul.f32 v21, v21  }
0x602: {  	v0 =	vmul.f32 v23, v23;
	v9 =	vadd.f32 v61, v9;
	v10 =	vadd.f32 v21, v10  }
0x603: {  	v6 =	vadd.f32 v23, v6;
	v13 =	vld.idx.msk [tilespmem:v14+s21+$0x0], $0xffff;
	v14 =	vmul.f32 v24, v24;
	v7 =	vadd.f32 v62, v7  }
0x604: {  	v9 =	vadd.f32 v0, v9;
	v10 =	vadd.f32 v24, v10;
	v24 =	vmul.f32 v25, v25  }
0x605: {  	v61 =	vmul.f32 v27, v27;
	v0 =	vmul.f32 v26, v26;
	v7 =	vadd.f32 v14, v7  }
0x606: {  	v62 =	vld [tilespmem:$0x1F670];
	v11 =	vor.u32 v15, v3;
	v15 =	vadd.f32 v25, v6;
	v8 =	vadd.f32 v24, v9  }
0x607: {  	v9 =	vadd.f32 v26, v10;
	v26 =	vmul.f32 v28, v28;
	v7 =	vadd.f32 v0, v7  }
0x608: {  	v0 =	vadd.f32 v27, v15;
	v8 =	vadd.f32 v61, v8;
	v61 =	vmul.f32 v29, v29  }
0x609: {  	v24 =	vmul.f32 v31, v31;
	v6 =	vadd.f32 v13, v12;
	v7 =	vadd.f32 v26, v7  }
0x60a: {  	v12 =	vadd.f32 v29, v0;
	v0 =	vmul.f32 v30, v30;
	v8 =	vadd.f32 v61, v8  }
0x60b: {  	v14 =	vadd.s32 v62, v2  }
0x60c: {  	v61 =	vmul.f32 v32, v32;
	v7 =	vadd.f32 v0, v7;
	v8 =	vadd.f32 v24, v8;
	v24 =	vld [tilespmem:$0x1F680];
	_ =	sdelay $0x1  }
0x60d: {  	v7 =	vadd.f32 v61, v7;
	v61 =	vmul.f32 v33, v33  }
0x60e: {  	v15 =	vld [tilespmem:$0x1F680];
	[tilespmem:$0x1C7A0] =	vst v6  }
0x60f: {  	v9 =	vadd.f32 v28, v9;
	v11 =	vld.idx.msk [tilespmem:v11+s26+$0x0], $0xffff;
	v8 =	vadd.f32 v61, v8  }
0x610: {  	v14 =	vld.idx.msk [tilespmem:v14+s21+$0x0], $0xffff;
	v61 =	vmul.f32 v35, v35;
	v10 =	vor.u32 v24, v3;
	v24 =	vmul.f32 v34, v34  }
0x611: {  	v9 =	vadd.f32 v30, v9;
	v0 =	vmul.f32 v36, v36  }
0x612: {  	v8 =	vadd.f32 v61, v8;
	v7 =	vadd.f32 v24, v7;
	v24 =	vmul.f32 v37, v37  }
0x613: {  	v12 =	vadd.f32 v31, v12;
	v9 =	vadd.f32 v32, v9;
	v61 =	vmul.f32 v38, v38  }
0x614: {  	v7 =	vadd.f32 v0, v7;
	v8 =	vadd.f32 v24, v8;
	v0 =	vmul.f32 v39, v39  }
0x615: {  	v15 =	vadd.s32 v15, v2;
	v11 =	vadd.f32 v14, v11;
	v24 =	vmul.f32 v40, v40  }
0x616: {  	v7 =	vadd.f32 v61, v7;
	v8 =	vadd.f32 v0, v8;
	v61 =	vmul.f32 v41, v41  }
0x617: {  	v12 =	vadd.f32 v33, v12;
	v9 =	vadd.f32 v34, v9;
	v0 =	vmul.f32 v42, v42  }
0x618: {  	v30 =	vld [tilespmem:$0x1F690];
	[tilespmem:$0x1C7B0] =	vst v11;
	v7 =	vadd.f32 v24, v7;
	v8 =	vadd.f32 v61, v8;
	v24 =	vmul.f32 v43, v43  }
0x619: {  	v12 =	vadd.f32 v35, v12;
	v9 =	vadd.f32 v36, v9;
	v10 =	vld.idx.msk [tilespmem:v10+s26+$0x0], $0xffff;
	v61 =	vmul.f32 v44, v44  }
0x61a: {  	v15 =	vld.idx.msk [tilespmem:v15+s21+$0x0], $0xffff;
	v7 =	vadd.f32 v0, v7;
	v8 =	vadd.f32 v24, v8;
	v0 =	vmul.f32 v45, v45  }
0x61b: {  	v12 =	vadd.f32 v37, v12;
	v9 =	vadd.f32 v38, v9  }
0x61c: {  	v7 =	vadd.f32 v61, v7;
	v8 =	vadd.f32 v0, v8;
	v61 =	vmul.f32 v17, v17  }
0x61d: {  	v13 =	vor.u32 v30, v3;
	v9 =	vadd.f32 v40, v9  }
0x61e: {  	v12 =	vadd.f32 v39, v12;
	v8 =	vadd.f32 v61, v8;
	v61 =	vld [tilespmem:$0x1F6A0]  }
0x61f: {  	v16 =	vadd.s32 v30, v2;
	v9 =	vadd.f32 v42, v9;
	v10 =	vadd.f32 v15, v10;
	_ =	sdelay $0x1  }
0x620: {  	v12 =	vadd.f32 v41, v12;
	v9 =	vadd.f32 v44, v9;
	[tilespmem:$0x1C7C0] =	vst v10  }
0x621: {  	v13 =	vld.idx.msk [tilespmem:v13+s26+$0x0], $0xffff  }
0x622: {  	v12 =	vadd.f32 v43, v12;
	v9 =	vadd.f32 v46, v9;
	v14 =	vor.u32 v61, v3;
	v61 =	vld [tilespmem:$0x1F6A0]  }
0x623: {  	v16 =	vld.idx.msk [tilespmem:v16+s21+$0x0], $0xffff  }
0x624: {  	v12 =	vadd.f32 v45, v12;
	v9 =	vadd.f32 v47, v9  }
0x625: {  	v24 =	vmul.f32 v46, v46  }
0x626: {  	v0 =	vadd.f32 v17, v12;
	v9 =	vadd.f32 v49, v9  }
0x627: {  	v7 =	vadd.f32 v24, v7;
	v24 =	vmul.f32 v47, v47;
	v15 =	vadd.s32 v61, v2  }
0x628: {  	v23 =	vld [tilespmem:$0x1F6B0];
	v0 =	vadd.f32 v48, v0;
	v13 =	vadd.f32 v16, v13  }
0x629: {  	v9 =	vadd.f32 v51, v9;
	v7 =	vadd.f32 v24, v7;
	v24 =	vmul.f32 v48, v48  }
0x62a: {  	v0 =	vadd.f32 v50, v0;
	v16 =	vmul.f32 v49, v49;
	[tilespmem:$0x1C7D0] =	vst v13  }
0x62b: {  	v9 =	vadd.f32 v53, v9;
	v8 =	vadd.f32 v24, v8;
	v24 =	vmul.f32 v50, v50;
	v14 =	vld.idx.msk [tilespmem:v14+s26+$0x0], $0xffff  }
0x62c: {  	v0 =	vadd.f32 v52, v0;
	v7 =	vadd.f32 v16, v7;
	v16 =	vmul.f32 v51, v51;
	v15 =	vld.idx.msk [tilespmem:v15+s21+$0x0], $0xffff  }
0x62d: {  	v3 =	vor.u32 v23, v3;
	v8 =	vadd.f32 v24, v8;
	v61 =	vmul.f32 v52, v52  }
0x62e: {  	v9 =	vadd.f32 v55, v9;
	v7 =	vadd.f32 v16, v7;
	v16 =	vmul.f32 v53, v53  }
0x62f: {  	v24 =	vmul.f32 v54, v54;
	v0 =	vadd.f32 v54, v0;
	v8 =	vadd.f32 v61, v8  }
0x630: {  	v7 =	vadd.f32 v16, v7;
	v52 =	vmul.f32 v55, v55;
	v2 =	vadd.s32 v23, v2  }
0x631: {  	v16 =	vmul.f32 v56, v56;
	v8 =	vadd.f32 v24, v8;
	v12 =	vadd.f32 v15, v14  }
0x632: {  	v0 =	vadd.f32 v56, v0;
	v7 =	vadd.f32 v52, v7;
	v61 =	vmul.f32 v57, v57  }
0x633: {  	v9 =	vadd.f32 v57, v9;
	v8 =	vadd.f32 v16, v8;
	v15 =	vmul.f32 v58, v58;
	[tilespmem:$0x1C7E0] =	vst v12  }
0x634: {  	v0 =	vadd.f32 v58, v0;
	v7 =	vadd.f32 v61, v7;
	v14 =	vmul.f32 v4, v4;
	v3 =	vld.idx.msk [tilespmem:v3+s26+$0x0], $0xffff  }
0x635: {  	v56 =	vmul.f32 v5, v5;
	v4 =	vadd.f32 v4, v9;
	v8 =	vadd.f32 v15, v8;
	v2 =	vld.idx.msk [tilespmem:v2+s21+$0x0], $0xffff  }
0x636: {  	v0 =	vadd.f32 v5, v0;
	v7 =	vadd.f32 v14, v7;
	v14 =	vmul.f32 v6, v6  }
0x637: {  	v4 =	vadd.f32 v6, v4;
	v15 =	vadd.f32 v56, v8;
	v56 =	vmul.f32 v11, v11  }
0x638: {  	v0 =	vadd.f32 v11, v0;
	v14 =	vadd.f32 v14, v7  }
0x639: {  	v4 =	vadd.f32 v10, v4;
	v5 =	vadd.f32 v56, v15;
	v15 =	vmul.f32 v10, v10  }
0x63a: {  	v0 =	vadd.f32 v13, v0;
	v56 =	vmul.f32 v13, v13;
	v9 =	vadd.f32 v2, v3  }
0x63b: {  	v4 =	vadd.f32 v12, v4;
	v13 =	vadd.f32 v15, v14;
	v15 =	vmul.f32 v12, v12  }
0x63c: {  	v14 =	vadd.f32 v56, v5;
	v0 =	vadd.f32 v9, v0;
	v56 =	vmul.f32 v9, v9  }
0x63d: {  	v2 =	vadd.f32 v15, v13  }
0x63e: {  	v3 =	vadd.f32 v56, v14;
	v0 =	vadd.f32 v0, v4;
	_ =	sdelay $0x1  }
0x63f: {  	v2 =	vadd.f32 v3, v2;
	v10 =	vmul.f32 $1.562500000e-02, v0;
	_ =	sdelay $0x1  }
0x640: {  	v11 =	vmul.f32 $1.562500000e-02, v2;
	v12 =	vmul.f32 v10, v10;
	_ =	sdelay $0x1  }
0x641: {  	v0 =	vsub.f32 v11, v12;
	_ =	sdelay $0x1  }
0x642: {  	v0 =	vadd.f32 $9.999999740e-06, v0;
	_ =	sdelay $0x1  }
0x643: {  	v13 =	vshra.s32 v0, $0x1;
	v0 =	vmul.f32 $5.000000000e-01, v0  }
0x644: {  	v2 =	vsub.s32 $0x5F3759DF, v13  }
0x645: {  	v14 =	vmul.f32 v2, v0;
	_ =	sdelay $0x1  }
0x646: {  	v4 =	vmul.f32 v2, v14;
	_ =	sdelay $0x1  }
0x647: {  	v4 =	vsub.f32 $1.500000000e+00, v4;
	_ =	sdelay $0x1  }
0x648: {  	v2 =	vmul.f32 v2, v4;
	_ =	sdelay $0x1  }
0x649: {  	v4 =	vmul.f32 v2, v0;
	_ =	sdelay $0x1  }
0x64a: {  	v4 =	vmul.f32 v4, v2;
	_ =	sdelay $0x1  }
0x64b: {  	v4 =	vsub.f32 $1.500000000e+00, v4;
	_ =	sdelay $0x1  }
0x64c: {  	v4 =	vmul.f32 v4, v2;
	_ =	sdelay $0x1  }
0x64d: {  	v15 =	vld [tilespmem:$0x1F650];
	v0 =	vmul.f32 v4, v0;
	_ =	sdelay $0x1  }
0x64e: {  	v0 =	vmul.f32 v0, v4  }
0x64f: {  	v8 =	vld [tilespmem:$0x1F660]  }
0x650: {  	v0 =	vsub.f32 $1.500000000e+00, v0  }
0x651: {  	v2 =	vmul.u32 $0x48, v15  }
0x652: {  	v1 =	vlaneseq.u32;
	v3 =	vsub.f32 $0.0e+00, v10;
	v0 =	vmul.f32 v0, v4  }
0x653: {  	v56 =	vadd.s32 v1, v2  }
0x654: {  	v3 =	vmul.f32 v0, v3;
	v1 =	vmul.f32 v0, v8;
	_ =	sdelay $0x1  }
0x655: {  	v1 =	vadd.f32 v3, v1  }
0x656: {  	[tilespmem:$0x1C7F0] =	vst v9  }
0x657: {  	v18 =	vld [tilespmem:$0x1FB30];
	[tilespmem:v56+s1+$0x0] =	vst.idx.msk $0xffff, v1  }
0x658: {  	v1 =	vld [tilespmem:$0x1C410];
	_ =	sdelay $0x3  }
0x659: {  	v10 =	vadd.s32 v18, v2  }
0x65a: {  	v1 =	vmul.f32 v0, v1;
	_ =	sdelay $0x1  }
0x65b: {  	v1 =	vadd.f32 v3, v1;
	_ =	sdelay $0x1  }
0x65c: {  	v20 =	vld [tilespmem:$0x1FB40];
	[tilespmem:v10+s1+$0x0] =	vst.idx.msk $0xffff, v1  }
0x65d: {  	v1 =	vld [tilespmem:$0x1C420];
	_ =	sdelay $0x3  }
0x65e: {  	v11 =	vadd.s32 v20, v2  }
0x65f: {  	v1 =	vmul.f32 v0, v1;
	_ =	sdelay $0x1  }
0x660: {  	v1 =	vadd.f32 v3, v1;
	_ =	sdelay $0x1  }
0x661: {  	v22 =	vld [tilespmem:$0x1FB50];
	[tilespmem:v11+s1+$0x0] =	vst.idx.msk $0xffff, v1  }
0x662: {  	v1 =	vld [tilespmem:$0x1C430];
	_ =	sdelay $0x3  }
0x663: {  	v12 =	vadd.s32 v22, v2  }
0x664: {  	v1 =	vmul.f32 v0, v1;
	_ =	sdelay $0x1  }
0x665: {  	v1 =	vadd.f32 v3, v1;
	_ =	sdelay $0x1  }
0x666: {  	v19 =	vld [tilespmem:$0x1FB60];
	[tilespmem:v12+s1+$0x0] =	vst.idx.msk $0xffff, v1  }
0x667: {  	v1 =	vld [tilespmem:$0x1C440];
	_ =	sdelay $0x3  }
0x668: {  	v13 =	vadd.s32 v19, v2  }
0x669: {  	v1 =	vmul.f32 v0, v1;
	_ =	sdelay $0x1  }
0x66a: {  	v1 =	vadd.f32 v3, v1;
	_ =	sdelay $0x1  }
0x66b: {  	v59 =	vld [tilespmem:$0x1FB70];
	[tilespmem:v13+s1+$0x0] =	vst.idx.msk $0xffff, v1  }
0x66c: {  	v1 =	vld [tilespmem:$0x1C450];
	_ =	sdelay $0x3  }
0x66d: {  	v14 =	vadd.s32 v59, v2  }
0x66e: {  	v1 =	vmul.f32 v0, v1;
	_ =	sdelay $0x1  }
0x66f: {  	v1 =	vadd.f32 v3, v1;
	_ =	sdelay $0x1  }
0x670: {  	v25 =	vld [tilespmem:$0x1FB90];
	[tilespmem:v14+s1+$0x0] =	vst.idx.msk $0xffff, v1  }
0x671: {  	v1 =	vld [tilespmem:$0x1C460];
	_ =	sdelay $0x3  }
0x672: {  	v15 =	vadd.s32 v25, v2  }
0x673: {  	v1 =	vmul.f32 v0, v1;
	_ =	sdelay $0x1  }
0x674: {  	v1 =	vadd.f32 v3, v1;
	_ =	sdelay $0x1  }
0x675: {  	v27 =	vld [tilespmem:$0x1FBA0];
	[tilespmem:v15+s1+$0x0] =	vst.idx.msk $0xffff, v1  }
0x676: {  	v1 =	vld [tilespmem:$0x1C470];
	_ =	sdelay $0x3  }
0x677: {  	v56 =	vadd.s32 v27, v2  }
0x678: {  	v1 =	vmul.f32 v0, v1;
	_ =	sdelay $0x1  }
0x679: {  	v1 =	vadd.f32 v3, v1;
	_ =	sdelay $0x1  }
0x67a: {  	v62 =	vld [tilespmem:$0x1FB80];
	[tilespmem:v56+s1+$0x0] =	vst.idx.msk $0xffff, v1  }
0x67b: {  	v1 =	vld [tilespmem:$0x1C480];
	_ =	sdelay $0x3  }
0x67c: {  	v59 =	vadd.s32 v62, v2  }
0x67d: {  	v1 =	vmul.f32 v0, v1;
	_ =	sdelay $0x1  }
0x67e: {  	v1 =	vadd.f32 v3, v1;
	_ =	sdelay $0x1  }
0x67f: {  	v28 =	vld [tilespmem:$0x1FBB0];
	[tilespmem:v59+s1+$0x0] =	vst.idx.msk $0xffff, v1  }
0x680: {  	v1 =	vld [tilespmem:$0x1C490];
	_ =	sdelay $0x3  }
0x681: {  	v62 =	vadd.s32 v28, v2  }
0x682: {  	v1 =	vmul.f32 v0, v1;
	_ =	sdelay $0x1  }
0x683: {  	v1 =	vadd.f32 v3, v1;
	_ =	sdelay $0x1  }
0x684: {  	v29 =	vld [tilespmem:$0x1FBC0];
	[tilespmem:v62+s1+$0x0] =	vst.idx.msk $0xffff, v1  }
0x685: {  	v1 =	vld [tilespmem:$0x1C4A0];
	_ =	sdelay $0x3  }
0x686: {  	v8 =	vadd.s32 v29, v2  }
0x687: {  	v1 =	vmul.f32 v0, v1;
	_ =	sdelay $0x1  }
0x688: {  	v1 =	vadd.f32 v3, v1;
	_ =	sdelay $0x1  }
0x689: {  	v26 =	vld [tilespmem:$0x1FBD0];
	[tilespmem:v8+s1+$0x0] =	vst.idx.msk $0xffff, v1  }
0x68a: {  	v1 =	vld [tilespmem:$0x1C4B0];
	_ =	sdelay $0x3  }
0x68b: {  	v9 =	vadd.s32 v26, v2  }
0x68c: {  	v1 =	vmul.f32 v0, v1;
	_ =	sdelay $0x1  }
0x68d: {  	v1 =	vadd.f32 v3, v1;
	_ =	sdelay $0x1  }
0x68e: {  	v31 =	vld [tilespmem:$0x1FBE0];
	[tilespmem:v9+s1+$0x0] =	vst.idx.msk $0xffff, v1  }
0x68f: {  	v1 =	vld [tilespmem:$0x1C4C0];
	_ =	sdelay $0x3  }
0x690: {  	v10 =	vadd.s32 v31, v2  }
0x691: {  	v1 =	vmul.f32 v1, v0;
	_ =	sdelay $0x1  }
0x692: {  	v1 =	vadd.f32 v1, v3;
	_ =	sdelay $0x1  }
0x693: {  	v32 =	vld [tilespmem:$0x1FBF0];
	[tilespmem:v10+s1+$0x0] =	vst.idx.msk $0xffff, v1  }
0x694: {  	v1 =	vld [tilespmem:$0x1C4D0];
	_ =	sdelay $0x3  }
0x695: {  	v11 =	vadd.s32 v32, v2  }
0x696: {  	v1 =	vmul.f32 v1, v0;
	_ =	sdelay $0x1  }
0x697: {  	v1 =	vadd.f32 v1, v3;
	_ =	sdelay $0x1  }
0x698: {  	v33 =	vld [tilespmem:$0x1FC00];
	[tilespmem:v11+s1+$0x0] =	vst.idx.msk $0xffff, v1  }
0x699: {  	v1 =	vld [tilespmem:$0x1C4E0];
	_ =	sdelay $0x3  }
0x69a: {  	v12 =	vadd.s32 v33, v2  }
0x69b: {  	v1 =	vmul.f32 v1, v0;
	_ =	sdelay $0x1  }
0x69c: {  	v1 =	vadd.f32 v1, v3;
	_ =	sdelay $0x1  }
0x69d: {  	v34 =	vld [tilespmem:$0x1FC10];
	[tilespmem:v12+s1+$0x0] =	vst.idx.msk $0xffff, v1  }
0x69e: {  	v1 =	vld [tilespmem:$0x1C4F0];
	_ =	sdelay $0x3  }
0x69f: {  	v13 =	vadd.s32 v34, v2  }
0x6a0: {  	v1 =	vmul.f32 v1, v0;
	_ =	sdelay $0x1  }
0x6a1: {  	v1 =	vadd.f32 v1, v3;
	_ =	sdelay $0x1  }
0x6a2: {  	v47 =	vld [tilespmem:$0x1FC90];
	[tilespmem:v13+s1+$0x0] =	vst.idx.msk $0xffff, v1  }
0x6a3: {  	v1 =	vld [tilespmem:$0x1C500];
	_ =	sdelay $0x3  }
0x6a4: {  	v14 =	vadd.s32 v47, v2  }
0x6a5: {  	v1 =	vmul.f32 v1, v0;
	_ =	sdelay $0x1  }
0x6a6: {  	v1 =	vadd.f32 v1, v3;
	_ =	sdelay $0x1  }
0x6a7: {  	v52 =	vld [tilespmem:$0x1FCC0];
	[tilespmem:v14+s1+$0x0] =	vst.idx.msk $0xffff, v1  }
0x6a8: {  	v1 =	vld [tilespmem:$0x1C510];
	_ =	sdelay $0x3  }
0x6a9: {  	v15 =	vadd.s32 v52, v2  }
0x6aa: {  	v1 =	vmul.f32 v1, v0;
	_ =	sdelay $0x1  }
0x6ab: {  	v1 =	vadd.f32 v1, v3;
	_ =	sdelay $0x1  }
0x6ac: {  	v27 =	vld [tilespmem:$0x1FFF0];
	[tilespmem:v15+s1+$0x0] =	vst.idx.msk $0xffff, v1  }
0x6ad: {  	v1 =	vld [tilespmem:$0x1C520];
	_ =	sdelay $0x3  }
0x6ae: {  	v4 =	vadd.s32 v27, v2  }
0x6af: {  	v1 =	vmul.f32 v1, v0;
	_ =	sdelay $0x1  }
0x6b0: {  	v1 =	vadd.f32 v1, v3;
	_ =	sdelay $0x1  }
0x6b1: {  	v21 =	vld [tilespmem:$0x1F9C0];
	[tilespmem:v4+s1+$0x0] =	vst.idx.msk $0xffff, v1  }
0x6b2: {  	v1 =	vld [tilespmem:$0x1C530];
	_ =	sdelay $0x3  }
0x6b3: {  	v29 =	vadd.s32 v21, v2  }
0x6b4: {  	v1 =	vmul.f32 v1, v0;
	_ =	sdelay $0x1  }
0x6b5: {  	v1 =	vadd.f32 v1, v3;
	_ =	sdelay $0x1  }
0x6b6: {  	v17 =	vld [tilespmem:$0x1F9D0];
	[tilespmem:v29+s1+$0x0] =	vst.idx.msk $0xffff, v1  }
0x6b7: {  	v1 =	vld [tilespmem:$0x1C540];
	_ =	sdelay $0x3  }
0x6b8: {  	v31 =	vadd.s32 v17, v2  }
0x6b9: {  	v1 =	vmul.f32 v1, v0;
	_ =	sdelay $0x1  }
0x6ba: {  	v1 =	vadd.f32 v1, v3;
	_ =	sdelay $0x1  }
0x6bb: {  	v61 =	vld [tilespmem:$0x1F9E0];
	[tilespmem:v31+s1+$0x0] =	vst.idx.msk $0xffff, v1  }
0x6bc: {  	v1 =	vld [tilespmem:$0x1C550];
	_ =	sdelay $0x3  }
0x6bd: {  	v32 =	vadd.s32 v61, v2  }
0x6be: {  	v1 =	vmul.f32 v1, v0;
	_ =	sdelay $0x1  }
0x6bf: {  	v1 =	vadd.f32 v1, v3;
	_ =	sdelay $0x1  }
0x6c0: {  	v58 =	vld [tilespmem:$0x1FA00];
	[tilespmem:v32+s1+$0x0] =	vst.idx.msk $0xffff, v1  }
0x6c1: {  	v1 =	vld [tilespmem:$0x1C560];
	_ =	sdelay $0x3  }
0x6c2: {  	v33 =	vadd.s32 v58, v2  }
0x6c3: {  	v1 =	vmul.f32 v1, v0;
	_ =	sdelay $0x1  }
0x6c4: {  	v1 =	vadd.f32 v1, v3;
	_ =	sdelay $0x1  }
0x6c5: {  	v57 =	vld [tilespmem:$0x1FA10];
	[tilespmem:v33+s1+$0x0] =	vst.idx.msk $0xffff, v1  }
0x6c6: {  	v1 =	vld [tilespmem:$0x1C570];
	_ =	sdelay $0x3  }
0x6c7: {  	v56 =	vadd.s32 v57, v2  }
0x6c8: {  	v1 =	vmul.f32 v1, v0;
	_ =	sdelay $0x1  }
0x6c9: {  	v1 =	vadd.f32 v1, v3;
	_ =	sdelay $0x1  }
0x6ca: {  	v16 =	vld [tilespmem:$0x1FA20];
	[tilespmem:v56+s1+$0x0] =	vst.idx.msk $0xffff, v1  }
0x6cb: {  	v1 =	vld [tilespmem:$0x1C580];
	_ =	sdelay $0x3  }
0x6cc: {  	v62 =	vmov v57;
	v57 =	vadd.s32 v16, v2  }
0x6cd: {  	v1 =	vmul.f32 v1, v0;
	_ =	sdelay $0x1  }
0x6ce: {  	v1 =	vadd.f32 v1, v3;
	_ =	sdelay $0x1  }
0x6cf: {  	[tilespmem:v57+s1+$0x0] =	vst.idx.msk $0xffff, v1  }
0x6d0: {  	v1 =	vld [tilespmem:$0x1C590];
	_ =	sdelay $0x3  }
0x6d1: {  	v59 =	vadd.s32 v60, v2  }
0x6d2: {  	v1 =	vmul.f32 v1, v0;
	_ =	sdelay $0x1  }
0x6d3: {  	v1 =	vadd.f32 v1, v3;
	_ =	sdelay $0x1  }
0x6d4: {  	v35 =	vld [tilespmem:$0x1F920];
	[tilespmem:v59+s1+$0x0] =	vst.idx.msk $0xffff, v1  }
0x6d5: {  	v1 =	vld [tilespmem:$0x1C5A0];
	_ =	sdelay $0x3  }
0x6d6: {  	v57 =	vmov v60;
	v60 =	vadd.s32 v35, v2  }
0x6d7: {  	v1 =	vmul.f32 v1, v0;
	_ =	sdelay $0x1  }
0x6d8: {  	v1 =	vadd.f32 v1, v3;
	_ =	sdelay $0x1  }
0x6d9: {  	v36 =	vld [tilespmem:$0x1F930];
	[tilespmem:v60+s1+$0x0] =	vst.idx.msk $0xffff, v1  }
0x6da: {  	v1 =	vld [tilespmem:$0x1C5B0];
	_ =	sdelay $0x3  }
0x6db: {  	v8 =	vadd.s32 v36, v2  }
0x6dc: {  	v1 =	vmul.f32 v1, v0;
	_ =	sdelay $0x1  }
0x6dd: {  	v1 =	vadd.f32 v1, v3;
	_ =	sdelay $0x1  }
0x6de: {  	v37 =	vld [tilespmem:$0x1F9A0];
	[tilespmem:v8+s1+$0x0] =	vst.idx.msk $0xffff, v1  }
0x6df: {  	v1 =	vld [tilespmem:$0x1C5C0];
	_ =	sdelay $0x3  }
0x6e0: {  	v9 =	vadd.s32 v37, v2  }
0x6e1: {  	v1 =	vmul.f32 v1, v0;
	_ =	sdelay $0x1  }
0x6e2: {  	v1 =	vadd.f32 v1, v3;
	_ =	sdelay $0x1  }
0x6e3: {  	v38 =	vld [tilespmem:$0x1F9B0];
	[tilespmem:v9+s1+$0x0] =	vst.idx.msk $0xffff, v1  }
0x6e4: {  	v1 =	vld [tilespmem:$0x1C5D0];
	_ =	sdelay $0x3  }
0x6e5: {  	v10 =	vadd.s32 v38, v2  }
0x6e6: {  	v1 =	vmul.f32 v1, v0;
	_ =	sdelay $0x1  }
0x6e7: {  	v1 =	vadd.f32 v1, v3;
	_ =	sdelay $0x1  }
0x6e8: {  	v39 =	vld [tilespmem:$0x1FA50];
	[tilespmem:v10+s1+$0x0] =	vst.idx.msk $0xffff, v1  }
0x6e9: {  	v1 =	vld [tilespmem:$0x1C5E0];
	_ =	sdelay $0x3  }
0x6ea: {  	v11 =	vadd.s32 v39, v2  }
0x6eb: {  	v1 =	vmul.f32 v1, v0;
	_ =	sdelay $0x1  }
0x6ec: {  	v1 =	vadd.f32 v1, v3;
	_ =	sdelay $0x1  }
0x6ed: {  	v40 =	vld [tilespmem:$0x1FA60];
	[tilespmem:v11+s1+$0x0] =	vst.idx.msk $0xffff, v1  }
0x6ee: {  	v1 =	vld [tilespmem:$0x1C5F0];
	_ =	sdelay $0x3  }
0x6ef: {  	v12 =	vadd.s32 v40, v2  }
0x6f0: {  	v1 =	vmul.f32 v1, v0;
	_ =	sdelay $0x1  }
0x6f1: {  	v1 =	vadd.f32 v1, v3;
	_ =	sdelay $0x1  }
0x6f2: {  	v24 =	vld [tilespmem:$0x1FCA0];
	[tilespmem:v12+s1+$0x0] =	vst.idx.msk $0xffff, v1  }
0x6f3: {  	v1 =	vld [tilespmem:$0x1C600];
	_ =	sdelay $0x3  }
0x6f4: {  	v13 =	vadd.s32 v24, v2  }
0x6f5: {  	v1 =	vmul.f32 v1, v0;
	_ =	sdelay $0x1  }
0x6f6: {  	v1 =	vadd.f32 v1, v3;
	_ =	sdelay $0x1  }
0x6f7: {  	v41 =	vld [tilespmem:$0x1FA70];
	[tilespmem:v13+s1+$0x0] =	vst.idx.msk $0xffff, v1  }
0x6f8: {  	v1 =	vld [tilespmem:$0x1C610];
	_ =	sdelay $0x3  }
0x6f9: {  	v14 =	vadd.s32 v41, v2  }
0x6fa: {  	v1 =	vmul.f32 v1, v0;
	_ =	sdelay $0x1  }
0x6fb: {  	v1 =	vadd.f32 v1, v3;
	_ =	sdelay $0x1  }
0x6fc: {  	v42 =	vld [tilespmem:$0x1FA80];
	[tilespmem:v14+s1+$0x0] =	vst.idx.msk $0xffff, v1  }
0x6fd: {  	v1 =	vld [tilespmem:$0x1C620];
	_ =	sdelay $0x3  }
0x6fe: {  	v15 =	vadd.s32 v42, v2  }
0x6ff: {  	v1 =	vmul.f32 v1, v0;
	_ =	sdelay $0x1  }
0x700: {  	v1 =	vadd.f32 v1, v3;
	_ =	sdelay $0x1  }
0x701: {  	v43 =	vld [tilespmem:$0x1FA90];
	[tilespmem:v15+s1+$0x0] =	vst.idx.msk $0xffff, v1  }
0x702: {  	v1 =	vld [tilespmem:$0x1C630];
	_ =	sdelay $0x3  }
0x703: {  	v24 =	vadd.s32 v43, v2  }
0x704: {  	v1 =	vmul.f32 v1, v0;
	_ =	sdelay $0x1  }
0x705: {  	v1 =	vadd.f32 v1, v3;
	_ =	sdelay $0x1  }
0x706: {  	v44 =	vld [tilespmem:$0x1FAA0];
	[tilespmem:v24+s1+$0x0] =	vst.idx.msk $0xffff, v1  }
0x707: {  	v1 =	vld [tilespmem:$0x1C640];
	_ =	sdelay $0x3  }
0x708: {  	v27 =	vadd.s32 v44, v2  }
0x709: {  	v1 =	vmul.f32 v1, v0;
	_ =	sdelay $0x1  }
0x70a: {  	v1 =	vadd.f32 v1, v3;
	_ =	sdelay $0x1  }
0x70b: {  	v45 =	vld [tilespmem:$0x1FAB0];
	[tilespmem:v27+s1+$0x0] =	vst.idx.msk $0xffff, v1  }
0x70c: {  	v1 =	vld [tilespmem:$0x1C650];
	_ =	sdelay $0x3  }
0x70d: {  	v29 =	vadd.s32 v45, v2  }
0x70e: {  	v1 =	vmul.f32 v1, v0;
	_ =	sdelay $0x1  }
0x70f: {  	v1 =	vadd.f32 v1, v3;
	_ =	sdelay $0x1  }
0x710: {  	v46 =	vld [tilespmem:$0x1FAC0];
	[tilespmem:v29+s1+$0x0] =	vst.idx.msk $0xffff, v1  }
0x711: {  	v1 =	vld [tilespmem:$0x1C660];
	_ =	sdelay $0x3  }
0x712: {  	v31 =	vadd.s32 v46, v2  }
0x713: {  	v1 =	vmul.f32 v1, v0;
	_ =	sdelay $0x1  }
0x714: {  	v1 =	vadd.f32 v1, v3;
	_ =	sdelay $0x1  }
0x715: {  	v48 =	vld [tilespmem:$0x1FAD0];
	[tilespmem:v31+s1+$0x0] =	vst.idx.msk $0xffff, v1  }
0x716: {  	v1 =	vld [tilespmem:$0x1C670];
	_ =	sdelay $0x3  }
0x717: {  	v32 =	vadd.s32 v48, v2  }
0x718: {  	v1 =	vmul.f32 v1, v0;
	_ =	sdelay $0x1  }
0x719: {  	v1 =	vadd.f32 v1, v3;
	_ =	sdelay $0x1  }
0x71a: {  	v49 =	vld [tilespmem:$0x1FAE0];
	[tilespmem:v32+s1+$0x0] =	vst.idx.msk $0xffff, v1  }
0x71b: {  	v1 =	vld [tilespmem:$0x1C680];
	_ =	sdelay $0x3  }
0x71c: {  	v33 =	vadd.s32 v49, v2  }
0x71d: {  	v1 =	vmul.f32 v1, v0;
	_ =	sdelay $0x1  }
0x71e: {  	v1 =	vadd.f32 v1, v3;
	_ =	sdelay $0x1  }
0x71f: {  	v50 =	vld [tilespmem:$0x1FAF0];
	[tilespmem:v33+s1+$0x0] =	vst.idx.msk $0xffff, v1  }
0x720: {  	v1 =	vld [tilespmem:$0x1C690];
	_ =	sdelay $0x3  }
0x721: {  	v56 =	vadd.s32 v50, v2  }
0x722: {  	v1 =	vmul.f32 v1, v0;
	_ =	sdelay $0x1  }
0x723: {  	v1 =	vadd.f32 v1, v3;
	_ =	sdelay $0x1  }
0x724: {  	v51 =	vld [tilespmem:$0x1FB00];
	[tilespmem:v56+s1+$0x0] =	vst.idx.msk $0xffff, v1  }
0x725: {  	v1 =	vld [tilespmem:$0x1C6A0];
	_ =	sdelay $0x3  }
0x726: {  	v59 =	vadd.s32 v51, v2  }
0x727: {  	v1 =	vmul.f32 v1, v0;
	_ =	sdelay $0x1  }
0x728: {  	v1 =	vadd.f32 v1, v3;
	_ =	sdelay $0x1  }
0x729: {  	v53 =	vld [tilespmem:$0x1FB10];
	[tilespmem:v59+s1+$0x0] =	vst.idx.msk $0xffff, v1  }
0x72a: {  	v1 =	vld [tilespmem:$0x1C6B0];
	_ =	sdelay $0x3  }
0x72b: {  	v60 =	vadd.s32 v53, v2  }
0x72c: {  	v1 =	vmul.f32 v1, v0;
	_ =	sdelay $0x1  }
0x72d: {  	v1 =	vadd.f32 v1, v3;
	_ =	sdelay $0x1  }
0x72e: {  	v54 =	vld [tilespmem:$0x1FB20];
	[tilespmem:v60+s1+$0x0] =	vst.idx.msk $0xffff, v1  }
0x72f: {  	v1 =	vld [tilespmem:$0x1C6C0];
	_ =	sdelay $0x3  }
0x730: {  	v8 =	vadd.s32 v54, v2  }
0x731: {  	v1 =	vmul.f32 v1, v0;
	_ =	sdelay $0x1  }
0x732: {  	v1 =	vadd.f32 v1, v3;
	_ =	sdelay $0x1  }
0x733: {  	v9 =	vld [tilespmem:$0x1F960];
	[tilespmem:v8+s1+$0x0] =	vst.idx.msk $0xffff, v1  }
0x734: {  	v1 =	vld [tilespmem:$0x1C6D0];
	_ =	sdelay $0x3  }
0x735: {  	v4 =	vadd.s32 v9, v2  }
0x736: {  	v1 =	vmul.f32 v1, v0;
	_ =	sdelay $0x1  }
0x737: {  	v1 =	vadd.f32 v1, v3;
	_ =	sdelay $0x1  }
0x738: {  	v10 =	vld [tilespmem:$0x1FA30];
	[tilespmem:v4+s1+$0x0] =	vst.idx.msk $0xffff, v1  }
0x739: {  	v1 =	vld [tilespmem:$0x1C6E0];
	_ =	sdelay $0x3  }
0x73a: {  	v4 =	vadd.s32 v10, v2  }
0x73b: {  	v1 =	vmul.f32 v1, v0;
	_ =	sdelay $0x1  }
0x73c: {  	v1 =	vadd.f32 v1, v3;
	_ =	sdelay $0x1  }
0x73d: {  	v34 =	vmov v52;
	v52 =	vmov v61;
	v61 =	vld [tilespmem:$0x1F9F0];
	[tilespmem:v4+s1+$0x0] =	vst.idx.msk $0xffff, v1  }
0x73e: {  	v1 =	vld [tilespmem:$0x1C6F0];
	_ =	sdelay $0x3  }
0x73f: {  	v11 =	vadd.s32 v61, v2  }
0x740: {  	v1 =	vmul.f32 v1, v0;
	_ =	sdelay $0x1  }
0x741: {  	v1 =	vadd.f32 v1, v3;
	_ =	sdelay $0x1  }
0x742: {  	v55 =	vld [tilespmem:$0x1FCB0];
	[tilespmem:v11+s1+$0x0] =	vst.idx.msk $0xffff, v1  }
0x743: {  	v1 =	vld [tilespmem:$0x1C700];
	_ =	sdelay $0x3  }
0x744: {  	v12 =	vadd.s32 v55, v2  }
0x745: {  	v1 =	vmul.f32 v1, v0;
	_ =	sdelay $0x1  }
0x746: {  	v1 =	vadd.f32 v1, v3;
	_ =	sdelay $0x1  }
0x747: {  	v13 =	vld [tilespmem:$0x1F940];
	[tilespmem:v12+s1+$0x0] =	vst.idx.msk $0xffff, v1  }
0x748: {  	v1 =	vld [tilespmem:$0x1C710];
	_ =	sdelay $0x3  }
0x749: {  	v4 =	vadd.s32 v13, v2  }
0x74a: {  	v1 =	vmul.f32 v1, v0;
	_ =	sdelay $0x1  }
0x74b: {  	v1 =	vadd.f32 v1, v3;
	_ =	sdelay $0x1  }
0x74c: {  	v14 =	vld [tilespmem:$0x1F950];
	[tilespmem:v4+s1+$0x0] =	vst.idx.msk $0xffff, v1  }
0x74d: {  	v1 =	vld [tilespmem:$0x1C720];
	_ =	sdelay $0x3  }
0x74e: {  	v4 =	vadd.s32 v14, v2  }
0x74f: {  	v1 =	vmul.f32 v1, v0;
	_ =	sdelay $0x1  }
0x750: {  	v1 =	vadd.f32 v1, v3;
	_ =	sdelay $0x1  }
0x751: {  	v15 =	vld [tilespmem:$0x1F990];
	[tilespmem:v4+s1+$0x0] =	vst.idx.msk $0xffff, v1  }
0x752: {  	v1 =	vld [tilespmem:$0x1C730];
	_ =	sdelay $0x3  }
0x753: {  	v4 =	vadd.s32 v15, v2  }
0x754: {  	v1 =	vmul.f32 v1, v0;
	_ =	sdelay $0x1  }
0x755: {  	v1 =	vadd.f32 v1, v3;
	_ =	sdelay $0x1  }
0x756: {  	v24 =	vld [tilespmem:$0x1F720];
	[tilespmem:v4+s1+$0x0] =	vst.idx.msk $0xffff, v1  }
0x757: {  	v1 =	vld [tilespmem:$0x1C740];
	_ =	sdelay $0x3  }
0x758: {  	v4 =	vadd.s32 v24, v2  }
0x759: {  	v1 =	vmul.f32 v1, v0;
	_ =	sdelay $0x1  }
0x75a: {  	v1 =	vadd.f32 v1, v3;
	_ =	sdelay $0x1  }
0x75b: {  	v27 =	vld [tilespmem:$0x1F710];
	[tilespmem:v4+s1+$0x0] =	vst.idx.msk $0xffff, v1  }
0x75c: {  	v1 =	vld [tilespmem:$0x1C750];
	_ =	sdelay $0x3  }
0x75d: {  	v4 =	vadd.s32 v27, v2  }
0x75e: {  	v1 =	vmul.f32 v1, v0;
	_ =	sdelay $0x1  }
0x75f: {  	v1 =	vadd.f32 v1, v3;
	_ =	sdelay $0x1  }
0x760: {  	v29 =	vld [tilespmem:$0x1F700];
	[tilespmem:v4+s1+$0x0] =	vst.idx.msk $0xffff, v1  }
0x761: {  	v1 =	vld [tilespmem:$0x1C760];
	_ =	sdelay $0x3  }
0x762: {  	v4 =	vadd.s32 v29, v2  }
0x763: {  	v1 =	vmul.f32 v1, v0;
	_ =	sdelay $0x1  }
0x764: {  	v1 =	vadd.f32 v1, v3;
	_ =	sdelay $0x1  }
0x765: {  	v31 =	vld [tilespmem:$0x1F6F0];
	[tilespmem:v4+s1+$0x0] =	vst.idx.msk $0xffff, v1  }
0x766: {  	v1 =	vld [tilespmem:$0x1C770];
	_ =	sdelay $0x3  }
0x767: {  	v4 =	vadd.s32 v31, v2  }
0x768: {  	v1 =	vmul.f32 v1, v0;
	_ =	sdelay $0x1  }
0x769: {  	v1 =	vadd.f32 v1, v3;
	_ =	sdelay $0x1  }
0x76a: {  	v32 =	vld [tilespmem:$0x1F6E0];
	[tilespmem:v4+s1+$0x0] =	vst.idx.msk $0xffff, v1  }
0x76b: {  	v1 =	vld [tilespmem:$0x1C780];
	_ =	sdelay $0x3  }
0x76c: {  	v4 =	vadd.s32 v32, v2  }
0x76d: {  	v1 =	vmul.f32 v1, v0;
	_ =	sdelay $0x1  }
0x76e: {  	v1 =	vadd.f32 v1, v3;
	_ =	sdelay $0x1  }
0x76f: {  	v33 =	vld [tilespmem:$0x1F6D0];
	[tilespmem:v4+s1+$0x0] =	vst.idx.msk $0xffff, v1  }
0x770: {  	v1 =	vld [tilespmem:$0x1C790];
	_ =	sdelay $0x3  }
0x771: {  	v4 =	vadd.s32 v33, v2  }
0x772: {  	v1 =	vmul.f32 v1, v0;
	_ =	sdelay $0x1  }
0x773: {  	v1 =	vadd.f32 v1, v3;
	_ =	sdelay $0x1  }
0x774: {  	[tilespmem:v4+s1+$0x0] =	vst.idx.msk $0xffff, v1  }
0x775: {  	v1 =	vld [tilespmem:$0x1C7A0];
	_ =	sdelay $0x3  }
0x776: {  	v55 =	vadd.s32 v63, v2  }
0x777: {  	v1 =	vmul.f32 v1, v0;
	_ =	sdelay $0x1  }
0x778: {  	v1 =	vadd.f32 v1, v3;
	_ =	sdelay $0x1  }
0x779: {  	v28 =	vld [tilespmem:$0x1F670];
	[tilespmem:v55+s1+$0x0] =	vst.idx.msk $0xffff, v1  }
0x77a: {  	v1 =	vld [tilespmem:$0x1C7B0];
	_ =	sdelay $0x3  }
0x77b: {  	v59 =	vadd.s32 v28, v2  }
0x77c: {  	v1 =	vmul.f32 v1, v0;
	_ =	sdelay $0x1  }
0x77d: {  	v1 =	vadd.f32 v1, v3;
	_ =	sdelay $0x1  }
0x77e: {  	v25 =	vld [tilespmem:$0x1F680];
	[tilespmem:v59+s1+$0x0] =	vst.idx.msk $0xffff, v1  }
0x77f: {  	v1 =	vld [tilespmem:$0x1C7C0];
	_ =	sdelay $0x3  }
0x780: {  	v60 =	vadd.s32 v25, v2  }
0x781: {  	v1 =	vmul.f32 v1, v0;
	_ =	sdelay $0x1  }
0x782: {  	v1 =	vadd.f32 v1, v3;
	_ =	sdelay $0x1  }
0x783: {  	[tilespmem:v60+s1+$0x0] =	vst.idx.msk $0xffff, v1  }
0x784: {  	v1 =	vld [tilespmem:$0x1C7D0];
	_ =	sdelay $0x3  }
0x785: {  	v61 =	vadd.s32 v30, v2  }
0x786: {  	v1 =	vmul.f32 v1, v0;
	_ =	sdelay $0x1  }
0x787: {  	v1 =	vadd.f32 v1, v3;
	_ =	sdelay $0x1  }
0x788: {  	v26 =	vld [tilespmem:$0x1F6A0];
	[tilespmem:v61+s1+$0x0] =	vst.idx.msk $0xffff, v1  }
0x789: {  	v1 =	vld [tilespmem:$0x1C7E0];
	_ =	sdelay $0x3  }
0x78a: {  	v63 =	vadd.s32 v26, v2  }
0x78b: {  	v1 =	vmul.f32 v1, v0;
	_ =	sdelay $0x1  }
0x78c: {  	v1 =	vadd.f32 v1, v3;
	_ =	sdelay $0x1  }
0x78d: {  	[tilespmem:v63+s1+$0x0] =	vst.idx.msk $0xffff, v1  }
0x78e: {  	v1 =	vld [tilespmem:$0x1C7F0];
	_ =	sdelay $0x3  }
0x78f: {  	p0 =	sne.s32 s11, $0x70;
	v2 =	vadd.s32 v23, v2  }
.Ltmp5:
0x790: {  	v0 =	vmul.f32 v1, v0;
	(pc) =	sbr.rel @p0 .LBB2_13-.Ltmp5, $3  }
0x791: {  	_ = 	snop  }
0x792: {  	v0 =	vadd.f32 v0, v3;
	_ =	sdelay $0x1  }
0x793: {  	s24 =	sadd.s32 $0x10, s24;
	s25 =	sadd.s32 $0x10, s25;
	s11 =	sadd.s32 $0x10, s11;
	v20 =	vmovc v21;
	v19 =	vmovc v17;
	v21 =	vmov v58;
	v58 =	vmov v16;
	v56 =	vmov v10;
	[tilespmem:v2+s1+$0x0] =	vst.idx.msk $0xffff, v0  }
0x794: {  	v7 =	vld [tilespmem:$0x1C380]  }
0x795: {  	v5 =	vld [tilespmem:$0x1C390]  }
0x796: {  	v3 =	vld [tilespmem:$0x1C3A0]  }
0x797: {  	v1 =	vld [tilespmem:$0x1C3B0]  }
0x798: {  	v6 =	vld [tilespmem:$0x1C3C0]  }
0x799: {  	v4 =	vld [tilespmem:$0x1C3D0];
	s11 =	simm.s32 $0x0  }
0x79a: {  	v8 =	vld [tilespmem:s11+$0x19F00]  }
0x79b: {  	v2 =	vld [tilespmem:$0x1C3E0]  }
0x79c: {  	v0 =	vld [tilespmem:$0x1C3F0]  }
0x79d: {  	v9 =	vld [tilespmem:s11+$0x19F10]  }
0x79e: {  	v11 =	vld [tilespmem:s11+$0x19F30]  }
0x79f: {  	v10 =	vld [tilespmem:s11+$0x19F20];
	v8 =	vmul.f32 v8, v7  }
0x7a0: {  	v12 =	vld [tilespmem:s11+$0x19F48]  }
0x7a1: {  	v13 =	vld [tilespmem:s11+$0x19F58];
	v8 =	vadd.f32 v8, v6  }
0x7a2: {  	v14 =	vld [tilespmem:s11+$0x19F68];
	v9 =	vmul.f32 v9, v5  }
0x7a3: {  	v15 =	vld [tilespmem:s11+$0x19F78];
	[tilespmem:s11+$0x19F00] =	vst v8;
	v8 =	vmul.f32 v11, v1  }
0x7a4: {  	v16 =	vld [tilespmem:s11+$0x19F90];
	v10 =	vmul.f32 v10, v3;
	v9 =	vadd.f32 v9, v4  }
0x7a5: {  	v17 =	vld [tilespmem:s11+$0x19FA0];
	v11 =	vmul.f32 v12, v7;
	v12 =	vadd.f32 v8, v0  }
0x7a6: {  	v13 =	vmul.f32 v13, v5;
	v10 =	vadd.f32 v10, v2;
	[tilespmem:s11+$0x19F10] =	vst v9;
	v9 =	vld [tilespmem:s11+$0x19FB0]  }
0x7a7: {  	v8 =	vld [tilespmem:s11+$0x19FC0];
	v11 =	vadd.f32 v11, v6;
	[tilespmem:s11+$0x19F30] =	vst v12;
	v12 =	vmul.f32 v14, v3  }
0x7a8: {  	v13 =	vadd.f32 v13, v4;
	[tilespmem:s11+$0x19F20] =	vst v10;
	v10 =	vld [tilespmem:s11+$0x19FD8];
	v14 =	vmul.f32 v15, v1  }
0x7a9: {  	v16 =	vmul.f32 v16, v7;
	[tilespmem:s11+$0x19F48] =	vst v11;
	v11 =	vld [tilespmem:s11+$0x19FE8];
	v15 =	vadd.f32 v12, v2  }
0x7aa: {  	s24 =	simm.s32 $0x480;
	[tilespmem:s11+$0x19F58] =	vst v13;
	v13 =	vadd.f32 v14, v0;
	v14 =	vmul.f32 v17, v5;
	v12 =	vld [tilespmem:s11+$0x19FF8]  }
.LBB2_15:
0x7ab: {  	s12 =	sshra.s32 s24, $0x2;
	p0 =	sne.s32 s24, $0x8B80;
	[tilespmem:s11+$0x19F68] =	vst v15;
	v15 =	vadd.f32 v16, v6;
	v9 =	vmul.f32 v9, v3;
	v16 =	vld [tilespmem:s11+$0x1A008]  }
0x7ac: {  	v17 =	vld [tilespmem:s12+$0x19F00];
	[tilespmem:s11+$0x19F78] =	vst v13;
	v13 =	vadd.f32 v14, v4;
	v8 =	vmul.f32 v8, v1  }
0x7ad: {  	v14 =	vld [tilespmem:s12+$0x19F10];
	[tilespmem:s11+$0x19F90] =	vst v15;
	v9 =	vadd.f32 v9, v2;
	v10 =	vmul.f32 v10, v7  }
0x7ae: {  	v15 =	vld [tilespmem:s12+$0x19F20];
	[tilespmem:s11+$0x19FA0] =	vst v13;
	v8 =	vadd.f32 v8, v0;
	v11 =	vmul.f32 v11, v5  }
0x7af: {  	v13 =	vld [tilespmem:s12+$0x19F30];
	[tilespmem:s11+$0x19FB0] =	vst v9;
	v9 =	vadd.f32 v10, v6;
	v10 =	vmul.f32 v12, v3  }
0x7b0: {  	v12 =	vld [tilespmem:s12+$0x19F48];
	[tilespmem:s11+$0x19FC0] =	vst v8;
	v8 =	vadd.f32 v11, v4;
	v11 =	vmul.f32 v16, v1  }
0x7b1: {  	v16 =	vmul.f32 v17, v7;
	v17 =	vld [tilespmem:s12+$0x19F58];
	[tilespmem:s11+$0x19FD8] =	vst v9;
	v9 =	vadd.f32 v10, v2  }
0x7b2: {  	v10 =	vmul.f32 v14, v5;
	v14 =	vld [tilespmem:s12+$0x19F68];
	[tilespmem:s11+$0x19FE8] =	vst v8;
	v8 =	vadd.f32 v11, v0  }
0x7b3: {  	v11 =	vadd.f32 v16, v6;
	v15 =	vmul.f32 v15, v3;
	v16 =	vld [tilespmem:s12+$0x19F78];
	[tilespmem:s11+$0x19FF8] =	vst v9  }
0x7b4: {  	v9 =	vadd.f32 v10, v4;
	v10 =	vmul.f32 v13, v1;
	v13 =	vld [tilespmem:s12+$0x19F90];
	[tilespmem:s11+$0x1A008] =	vst v8;
	s11 =	smov.u32 s12  }
0x7b5: {  	[tilespmem:s11+$0x19F00] =	vst v11;
	v8 =	vadd.f32 v15, v2;
	v11 =	vmul.f32 v12, v7;
	v12 =	vld [tilespmem:s11+$0x19FA0]  }
.Ltmp6:
0x7b6: {  	[tilespmem:s11+$0x19F10] =	vst v9;
	v10 =	vadd.f32 v10, v0;
	v15 =	vmul.f32 v17, v5;
	v9 =	vld [tilespmem:s11+$0x19FB0];
	(pc) =	sbr.rel @p0 .LBB2_15-.Ltmp6, $4  }
0x7b7: {  	[tilespmem:s11+$0x19F20] =	vst v8;
	v11 =	vadd.f32 v11, v6;
	v14 =	vmul.f32 v14, v3;
	v8 =	vld [tilespmem:s11+$0x19FC0]  }
0x7b8: {  	[tilespmem:s11+$0x19F30] =	vst v10;
	v17 =	vadd.f32 v15, v4;
	v18 =	vmul.f32 v16, v1;
	v10 =	vld [tilespmem:s11+$0x19FD8]  }
0x7b9: {  	[tilespmem:s11+$0x19F48] =	vst v11;
	v15 =	vadd.f32 v14, v2;
	v16 =	vmul.f32 v13, v7;
	v11 =	vld [tilespmem:s11+$0x19FE8]  }
0x7ba: {  	s24 =	sadd.s32 $0x480, s24;
	[tilespmem:s11+$0x19F58] =	vst v17;
	v13 =	vadd.f32 v18, v0;
	v14 =	vmul.f32 v12, v5;
	v12 =	vld [tilespmem:s11+$0x19FF8]  }
0x7bb: {  	v56 =	vld [tilespmem:s11+$0x1A008]  }
0x7bc: {  	v41 =	vld [tilespmem:$0x1FE00]  }
0x7bd: {  	v42 =	vld [tilespmem:$0x1FE10]  }
0x7be: {  	[tilespmem:s11+$0x19F68] =	vst v15;
	v55 =	vadd.f32 v16, v6;
	v9 =	vmul.f32 v9, v3;
	v44 =	vld [tilespmem:$0x1FE20]  }
0x7bf: {  	v45 =	vld [tilespmem:$0x1FE30];
	[tilespmem:s11+$0x19F78] =	vst v13;
	v57 =	vadd.f32 v14, v4;
	v8 =	vmul.f32 v8, v1  }
0x7c0: {  	v43 =	vld [tilespmem:$0x1FE40];
	[tilespmem:s11+$0x19F90] =	vst v55;
	v9 =	vadd.f32 v9, v2;
	v7 =	vmul.f32 v10, v7  }
0x7c1: {  	v46 =	vld [tilespmem:$0x1FE50];
	[tilespmem:s11+$0x19FA0] =	vst v57;
	v8 =	vadd.f32 v8, v0;
	v5 =	vmul.f32 v11, v5  }
0x7c2: {  	v51 =	vld [tilespmem:$0x1FE60];
	[tilespmem:s11+$0x19FB0] =	vst v9;
	v58 =	vadd.f32 v7, v6;
	v59 =	vmul.f32 v12, v3  }
0x7c3: {  	s12 =	sshll.u32 s20, $0xD;
	v24 =	vld [tilespmem:$0x1FE70];
	[tilespmem:s11+$0x19FC0] =	vst v8;
	v60 =	vadd.f32 v5, v4;
	v61 =	vmul.f32 v56, v1  }
0x7c4: {  	v48 =	vld [tilespmem:$0x1FE80];
	s12 =	sadd.s32 s15, s12;
	[tilespmem:s11+$0x19FD8] =	vst v58;
	v62 =	vadd.f32 v59, v2  }
0x7c5: {  	v23 =	vld [tilespmem:$0x1FE90];
	s12 =	sshrl.u32 s12, $0x3;
	[tilespmem:s11+$0x19FE8] =	vst v60;
	v63 =	vadd.f32 v61, v0  }
0x7c6: {  	s24 =	simm.s32 $0x19F00;
	v53 =	vld [tilespmem:$0x1FEA0];
	s20 =	sadd.s32 s4, s12;
	[tilespmem:s11+$0x19FF8] =	vst v62  }
0x7c7: {  	v54 =	vld [tilespmem:$0x1FED0];
	s12 =	simm.s32 $0x19F48;
	s13 =	sadd.s32 $0x0, s20;
	[tilespmem:s11+$0x1A008] =	vst v63;
	s11 =	simm.s32 $0x8  }
.LBB2_17:
0x7c8: {  	[hbm4b:s13+s5] =	stream.linear.scatter [tilespmem:s24], [sflag:$0x4], $0x40, $0x38;
	[tilespmem:$0x1C800] =	vst v63  }
0x7c9: {  	s13 =	smov.u32 s11;
	s24 =	smov.u32 s12;
	p0 =	sne.s32 s11, $0x3F8  }
.Ltmp7:
0x7ca: {  	s11 =	sadd.s32 $0x8, s11;
	(pc) =	sbr.rel @p0 .LBB2_17-.Ltmp7, $2  }
0x7cb: {  	_ =	sdelay $0x2  }
0x7cc: {  	s12 =	sadd.s32 $0x48, s12;
	s13 =	sadd.s32 s13, s20  }
0x7cd: {  	s19 =	sadd.s32 $0x1, s19  }
0x7ce: {  	p0 =	sne.s32 s19, $0x19  }
.Ltmp8:
0x7cf: {  	_ = 	snop;
	(pc) =	sbr.rel @p0 .LBB2_6-.Ltmp8, $2  }
0x7d0: {  	_ =	sdelay $0x2  }
0x7d1: {  	[hbm4b:s13+s5] =	stream.linear.scatter [tilespmem:s24], [sflag:$0x4], $0x40, $0x38;
	[tilespmem:$0x1C800] =	vst v63  }
0x7d2: {  	s18 =	sadd.s32 $0x1, s18  }
0x7d3: {  	_ =	swait.ge [sflag:s0], $0x2000;
	p0 =	sne.s32 s18, s16  }
.Ltmp9:
0x7d4: {  	[sflag:s0] =	ssyncset.done $0x0;
	(pc) =	sbr.rel @p0 .LBB2_1-.Ltmp9, $4  }
0x7d5: {  	[sflag:s0] =	ssyncadd.s32 $0xFFFFE000  }
0x7d6: {  	_ =	swait.ge [sflag:s2], $0x2000  }
0x7d7: {  	[sflag:s2] =	ssyncset.done $0x0  }
0x7d8: {  	v47 =	vld [tilespmem:$0x1FF90];
	[sflag:s2] =	ssyncadd.s32 $0xFFFFE000  }
0x7d9: {  	_ =	sfence.sel $0x180000  }
0x7da: {  	[bflag:$0x0] =	sbarrier.arrive $0xFFFF  }
0x7db: {  	_ =	strace $0x90000047  }
0x7dc: {  	s0 =	stileid.u32;
	[bflag:$0x2] =	sbarrier.arrive $0xFFFF  }
0x7dd: {  	p0 =	sne.s32 s0, $0x0;
	s0 =	rddreg [dreg:$0x4]  }
0x7de: {  	s0 =	sadd.s32 @!p0 $0x100000, s0  }
0x7df: {  	[sflag:s0] =	ssyncadd.tile.s32 @!p0 $0x1;
	_ =	shalt  }
.Lfunc_end2:
_tile_overlayer_lowered:
.L_overlay_start_2:
0x7e0: {  	(tag) =	ssettag $0x2  }
0x7e1: {  	s0 =	rddreg [dreg:$0x0];
	s2 =	stileid.u32  }
0x7e2: {  	s1 =	rddreg [dreg:$0x1];
	p0 =	sne.s32 s2, $0x0  }
0x7e3: {  	s3 =	rddreg [dreg:$0x2];
	[bflag:$0x3] =	sbarrier.arrive $0xFFFF;
	s2 =	simm.s32 @!p0 $0x1C05  }
0x7e4: {  	[timem:s3], [sflag:s2] =	dma.local @!p0 [hbm:s0], s1  }
0x7e5: {  	s0 =	simm.s32 @!p0 $0x5  }
0x7e6: {  	_ =	swait.ge @!p0 [sflag:s0], s1  }
0x7e7: {  	s1 =	ssub.s32 @!p0 $0x0, s1;
	[sflag:s0] =	ssyncset.done @!p0 $0x0  }
0x7e8: {  	[sflag:s0] =	ssyncadd.s32 @!p0 s1  }
0x7e9: {  	[bflag:$0x3] =	sbarrier.arrive $0xFFFF  }
0x7ea: {  	_ =	shalt  }

// kernel: sparse-core-data-format-call.cloned.1.call-start
scs
called_computation_lowered:
.L_overlay_start_0:
0x0: {  	s2 =	sld [smem:$0x3FD9]  }
0x1: {  	s3 =	sld [smem:$0x3FFE];
	_ =	sdelay $0x1  }
0x2: {  	s1 =	srdreg.scid  }
0x3: {  	s0 =	sand.u32 $0x1, s1  }
0x4: {  	s18 =	sshll.u32 s0, $0xA;
	s2 =	sadd.s32 s3, s2  }
0x5: {  	s2 =	sadd.s32 s2, s18  }
0x6: {  	[smem:$0x3FC0] =	sst s2  }
0x7: {  	_ = 	snop  }
0x8: {  	s2 =	sld [smem:$0x3FD0];
	(tm) =	ssettm $0x1  }
0x9: {  	s19 =	sld [smem:$0x3FFB];
	_ =	sdelay $0x3  }
0xa: {  	_ =	strace s19  }
0xb: {  	s3 =	sld [smem:$0x3FFC];
	_ =	sdelay $0x3  }
0xc: {  	_ =	strace s3  }
0xd: {  	s3 =	sld [smem:$0x3FFD];
	_ =	sdelay $0x3  }
0xe: {  	_ =	strace s3  }
0xf: {  	_ =	strace $0x8FFFFFFF  }
0x10: {  	s20 =	sld [smem:$0x3FDB];
	_ =	sdelay $0x1  }
0x11: {  	s4 =	simm.s32 $_scs_section_size  }
0x12: {  	s5 =	simm.s32 $_size__tile_overlayer_lowered;
	s6 =	simm.s32 $_tile_overlayer_lowered  }
0x13: {  	s23 =	simm.s32 $0x1BFF;
	s22 =	sshll.u32 s6, $0x1;
	s3 =	sadd.s32 s4, s20  }
0x14: {  	s7 =	simm.s32 $0x0;
	s21 =	sshll.u32 s5, $0x1;
	s5 =	sadd.s32 s22, s3  }
0x15: {  	[timem:s7], [sflag:s23] =	dma.local [hbm:s5], s21  }
0x16: {  	_ =	swait.ge [sflag:s23], s21  }
0x17: {  	s4 =	ssub.s32 $0x0, s21;
	[sflag:s23] =	ssyncset.done $0x0  }
0x18: {  	[sflag:s23] =	ssyncadd.s32 s4;
	_ =	sdelay $0x1  }
0x19: {  	s24 =	simm.s32 $0x1B8B  }
0x1a: {  	_ =	swait.ge [sflag:s24], $0x1  }
0x1b: {  	[sflag:s24] =	ssyncset.done $0x0  }
0x1c: {  	s26 =	simm.s32 $0x1B8E;
	s25 =	sld [smem:$0x3FFE];
	[sflag:s24] =	ssyncadd.s32 $0xFFFFFFFF  }
0x1d: {  	s27 =	simm.s32 $execute0_lowered;
	[smem:$0x3FD2] =	sst s26  }
0x1e: {  	s5 =	sshll.u32 s27, $0x1;
	_ =	strace $0x80000049;
	[dreg:$0x1] =	wrdreg $0xFFFFFFFF  }
0x1f: {  	s28 =	simm.s32 $_size_execute0_lowered;
	s3 =	sadd.s32 s3, s5;
	[dreg:$0x0] =	wrdreg $0x0  }
0x20: {  	s5 =	sshll.u32 s28, $0x1;
	[dreg:$0x2] =	wrdreg s3  }
0x21: {  	[dreg:$0x3] =	wrdreg s5  }
0x22: {  	[dreg:$0x4] =	wrdreg $0xC0  }
0x23: {  	_ =	task [dreg:s7], $0x5FFFF  }
0x24: {  	[dreg:$0x1] =	wrdreg $0xFFFFFFFF  }
0x25: {  	[dreg:$0x0] =	wrdreg $0x60  }
0x26: {  	[dreg:$0x2] =	wrdreg s25  }
0x27: {  	[dreg:$0x3] =	wrdreg s2  }
0x28: {  	[dreg:$0x4] =	wrdreg $0x9  }
0x29: {  	_ =	task.clear_ibuf [dreg:s7], $0x5FFFF;
	_ =	strace $0x90000049  }
0x2a: {  	s29 =	simm.s32 $0x9;
	_ =	strace $0x8000004B  }
0x2b: {  	_ =	swait.ge [sflag:s29], $0x1  }
0x2c: {  	[sflag:s29] =	ssyncadd.s32 $0xFFFFFFFF  }
0x2d: {  	_ =	strace $0x9000004B  }
0x2e: {  	_ =	sfence  }
0x2f: {  	s30 =	sld [smem:$0x0];
	_ =	sdelay $0x2  }
0x30: {  	s31 =	sshll.u32 s1, $0xD;
	s1 =	sshrl.u32 s1, $0x2  }
0x31: {  	s3 =	sand.u32 $0x4000, s31;
	s1 =	sadd.s32 s1, s30  }
0x32: {  	s0 =	sor.u32 s3, s0;
	s1 =	sshll.u32 s1, $0x11  }
0x33: {  	s0 =	sor.u32 s1, s0  }
0x34: {  	s0 =	sadd.s32 $0x8F2B, s0  }
0x35: {  	[sflag:s0] =	ssyncadd.remote.s32 $0x1  }
0x36: {  	_ =	sfence.sel $0xFFFF  }
0x37: {  	[dreg:$0x0] =	wrdreg $0xFFFFFFFF;
	(pc) =	sbr.abs _section_cstart, $3  }
0x38: {  	[dreg:$0x1] =	wrdreg $0xFFFFFFFF  }
0x39: {  	_ =	task.clear_ibuf [dreg:s7], $0x2FFFF;
	_ =	strace $0x9FFFFFFF  }
0x3a: {  	(tm) =	ssettm $0x7FFFFFFF  }
0x3b: {  	_ =	shalt  }
tec
execute0_lowered:
.L_overlay_start_1:
0x0: {  	(tag) =	ssettag $0x1  }
0x1: {  	s0 =	stileid.u32;
	s6 =	rddreg [dreg:$0x0]  }
0x2: {  	s2 =	rddreg [dreg:$0x1];
	s5 =	srdreg.scid  }
0x3: {  	s31 =	simm.s32 $0x2;
	s13 =	simm.s32 $0x0;
	s1 =	sshll.u32 s0, $0x7  }
0x4: {  	s14 =	simm.s32 $0x0;
	s12 =	simm.s32 $0x0;
	s3 =	sand.u32 $0x380, s1  }
0x5: {  	s5 =	sshll.u32 s5, $0x4;
	s6 =	sadd.s32 $0x1200, s6;
	s4 =	ssub.s32 $0x400, s3  }
0x6: {  	s1 =	rddreg [dreg:$0x2];
	_ =	strace $0x8000004A;
	s7 =	sand.u32 $0x380, s4  }
0x7: {  	s5 =	sand.u32 $0x10, s5;
	p0 =	sne.s32 s7, $0x0;
	s7 =	simm.s32 $0x1  }
.Ltmp0:
0x8: {  	s8 =	sshrl.u32 s4, $0xA;
	s7 =	simm.s32 @!p0 $0x0;
	(pc) =	sbr.rel .LBB1_1-.Ltmp0, $4  }
0x9: {  	s9 =	sor.u32 s0, s5;
	s4 =	simm.s32 $0x1;
	s30 =	sadd.s32 s7, s8  }
0xa: {  	s11 =	smov.u32 s3;
	[sflag:s4] =	ssyncpa.u1 $0x0;
	s5 =	smul.u32 $0x32, s30  }
0xb: {  	[sflag:s31] =	ssyncpa.u1 $0x0;
	p0 =	por $0x0, $0x0;
	s7 =	sshrl.u32 s9, $0x3  }
0xc: {  	s9 =	simm.s32 $0x2000;
	s10 =	smov.u32 s7;
	s8 =	sor.u32 $0x1, s5  }
.LBB1_4:
0xd: {  	s17 =	sand.u32 $0x1F80, s14;
	s13 =	sshll.u32 s13, $0xD  }
0xe: {  	[tilespmem:s16+$0x810 ss:$0x81] =	vst.msk $0xffff, v2;
	s18 =	sshrl.u32 s14, $0x3;
	s31 =	sand.u32 $0x7, s14;
	s17 =	sadd.s32 s2, s17  }
0xf: {  	[tilespmem:s16+$0x1020 ss:$0x81] =	vst.msk $0xffff, v0;
	s18 =	sand.u32 $0xF, s18;
	s14 =	sshll.u32 s31, $0x12;
	s13 =	sadd.s32 s13, s17  }
0x10: {  	[tilespmem:s16+$0x0 ss:$0x81] =	vst.msk $0xffff, v1;
	s14 =	sor.u32 $0x400, s14;
	s13 =	sadd.s32 s18, s13  }
0x11: {  	[hbm4b:s13+s14] =	stream.strided.scatter [tilespmem:s15], [sflag:$0x2], $0x2000, s9, s14, $0x20;
	[tilespmem:$0x8080] =	vst v63  }
.LBB1_5:
0x12: {  	s15 =	sadd.s32 $0x4, s10  }
0x13: {  	s13 =	sadd.s32 $0x400, s11;
	s17 =	smov.u32 s11;
	p2 =	sgt.s32 s15, $0xC7  }
0x14: {  	s17 =	smov.u32 @p2 s13  }
0x15: {  	s15 =	smov.u32 @p2 s7;
	p2 =	sgt.s32 s17, $0x3FF  }
0x16: {  	s17 =	smov.u32 @p2 s3;
	p2 =	sne.s32 s12, s8  }
.Ltmp1:
0x17: {  	p1 =	slt.u32 s12, $0x2;
	(pc) =	sbr.rel @!p2 .LBB1_6-.Ltmp1, $4  }
0x18: {  	s16 =	simm.s32 @!p1 $0x2  }
0x19: {  	s14 =	smov.u32 s11;
	p0 =	por !p0, !p0;
	_ =	swait.ge @!p1 [sflag:s16], $0x2000  }
0x1a: {  	s13 =	smov.u32 s10;
	[sflag:s16] =	ssyncset.done @!p1 $0x0;
	s10 =	smov.u32 s15  }
0x1b: {  	s12 =	sadd.s32 $0x1, s12;
	[sflag:s16] =	ssyncadd.s32 @!p1 $0xFFFFE000;
	s11 =	smov.u32 s17  }
.LBB1_1:
0x1c: {  	p1 =	sge.u32 s12, s5  }
0x1d: {  	s15 =	sand.u32 @!p1 $0x1FFFFFF, s10  }
0x1e: {  	s16 =	smulhi.u32 @!p1 $0x147AE15, s15;
	_ =	sdelay $0x1  }
0x1f: {  	s16 =	smul.u32 @!p1 $0xC8, s16  }
0x20: {  	s17 =	sxor.u32 @!p1 $0xFFFFFFFF, s12;
	s18 =	smul.u32 @!p1 $0xC80, s11  }
0x21: {  	s31 =	sadd.s32 $0xFFFFFFFF, s12;
	s17 =	sshll.u32 @!p1 s17, $0xD;
	s15 =	ssub.s32 @!p1 s15, s16  }
0x22: {  	s16 =	sand.u32 @!p1 $0x2000, s17;
	s17 =	sadd.s32 @!p1 s6, s18;
	s15 =	sshll.u32 @!p1 s15, $0x4  }
0x23: {  	s18 =	simm.s32 @!p1 $0x6400;
	s15 =	sadd.s32 @!p1 s15, s17;
	s17 =	simm.s32 @!p1 $0x40  }
0x24: {  	[tilespmem:s16], [sflag:$0x1] =	stream.strided.gather @!p1 [hbm4b:s15+s17], $0x2000, s18, s17, $0x38;
	[tilespmem:$0x8080] =	vst v63  }
0x25: {  	p1 =	sge.u32 s31, s5  }
.Ltmp2:
0x26: {  	_ = 	snop;
	(pc) =	sbr.rel @p1 .LBB1_5-.Ltmp2, $1  }
0x27: {  	_ =	sdelay $0x3  }
0x28: {  	s15 =	simm.s32 $0x1  }
0x29: {  	_ =	swait.ge [sflag:s4], $0x2000;
	s15 =	simm.s32 @!p0 $0x0  }
0x2a: {  	[sflag:s4] =	ssyncset.done $0x0;
	s16 =	sshll.u32 s15, $0xD  }
0x2b: {  	[sflag:s4] =	ssyncadd.s32 $0xFFFFE000;
	s19 =	sor.u32 $0x20, s16  }
0x2c: {  	s15 =	smul.u32 $0x8100, s15;
	v3 =	vld [tilespmem:s19+$0x10]  }
0x2d: {  	s30 =	sand.u32 $0x1, s12;
	v2 =	vld [tilespmem:s19+$0xFFFFFFF0]  }
0x2e: {  	s16 =	smul.u32 $0x8100, s30;
	s15 =	sshrl.u32 s15, $0x2;
	v0 =	vld [tilespmem:s19+$0x0]  }
0x2f: {  	v1 =	vld [tilespmem:s19+$0xFFFFFFE0];
	s17 =	sor.u32 $0x4000, s15  }
0x30: {  	s31 =	sshrl.u32 s16, $0x2;
	s16 =	sadd.s32 $0x0, s17  }
0x31: {  	s18 =	simm.s32 $0x4;
	s19 =	sadd.s32 $0x40, s19;
	s15 =	sor.u32 $0x4000, s31;
	[tilespmem:s16+$0x1830 ss:$0x81] =	vst.msk $0xffff, v3  }
.LBB1_3:
0x32: {  	v3 =	vld [tilespmem:s19+$0x10];
	p1 =	sne.s32 s18, $0x1FC;
	[tilespmem:s16+$0x810 ss:$0x81] =	vst.msk $0xffff, v2;
	s20 =	smov.u32 s18;
	s18 =	sadd.s32 $0x4, s18  }
.Ltmp3:
0x33: {  	v2 =	vld [tilespmem:s19+$0xFFFFFFF0];
	[tilespmem:s16+$0x1020 ss:$0x81] =	vst.msk $0xffff, v0;
	(pc) =	sbr.rel @p1 .LBB1_3-.Ltmp3, $4  }
0x34: {  	v0 =	vld [tilespmem:s19+$0x0];
	[tilespmem:s16+$0x0 ss:$0x81] =	vst.msk $0xffff, v1  }
0x35: {  	s16 =	sshra.s32 s20, $0x2;
	v1 =	vld [tilespmem:s19+$0xFFFFFFE0]  }
0x36: {  	s16 =	sadd.s32 s16, s17  }
0x37: {  	s19 =	sadd.s32 $0x40, s19;
	[tilespmem:s16+$0x1830 ss:$0x81] =	vst.msk $0xffff, v3  }
.Ltmp4:
0x38: {  	_ = 	snop;
	(pc) =	sbr.rel .LBB1_4-.Ltmp4, $1  }
0x39: {  	_ =	sdelay $0x3  }
.LBB1_6:
0x3a: {  	_ =	sfence.sel $0x180000  }
0x3b: {  	s2 =	simm.s32 $0x1;
	[bflag:$0x0] =	sbarrier.arrive $0xFFFF  }
0x3c: {  	s31 =	simm.s32 $0x2;
	[sflag:s2] =	ssyncpa.u1 $0x1  }
0x3d: {  	[sflag:s31] =	ssyncpa.u1 $0x1  }
0x3e: {  	p0 =	sne.s32 s0, $0x0;
	_ =	strace $0x9000004A  }
0x3f: {  	s0 =	sadd.s32 @!p0 $0x100000, s1;
	[bflag:$0x2] =	sbarrier.arrive $0xFFFF  }
0x40: {  	[sflag:s0] =	ssyncadd.tile.s32 @!p0 $0x1;
	_ =	shalt  }
.Lfunc_end1:
_tile_overlayer_lowered:
.L_overlay_start_2:
0x41: {  	(tag) =	ssettag $0x2  }
0x42: {  	s0 =	rddreg [dreg:$0x0];
	s2 =	stileid.u32  }
0x43: {  	s1 =	rddreg [dreg:$0x1];
	p0 =	sne.s32 s2, $0x0  }
0x44: {  	s3 =	rddreg [dreg:$0x2];
	[bflag:$0x3] =	sbarrier.arrive $0xFFFF;
	s2 =	simm.s32 @!p0 $0x1C01  }
0x45: {  	[timem:s3], [sflag:s2] =	dma.local @!p0 [hbm:s0], s1  }
0x46: {  	s0 =	simm.s32 @!p0 $0x1  }
0x47: {  	_ =	swait.ge @!p0 [sflag:s0], s1  }
0x48: {  	s1 =	ssub.s32 @!p0 $0x0, s1;
	[sflag:s0] =	ssyncset.done @!p0 $0x0  }
0x49: {  	[sflag:s0] =	ssyncadd.s32 @!p0 s1  }
0x4a: {  	[bflag:$0x3] =	sbarrier.arrive $0xFFFF  }
0x4b: {  	_ =	shalt  }

</sc_bundles>
